<compile_context>
chip_gen: v7x
topology: tpu7x:2x2x1
jax: 0.10.2.dev20260603
libtpu: 0.0.44.dev20260713+nightly
codegen_flags: <defaults>
</compile_context>

<pallas_src>
import jax
import jax.numpy as jnp
from jax import lax
from jax.experimental import pallas as pl
from jax.experimental.pallas import tpu as pltpu
from jax.experimental.pallas import tpu_sc as plsc

N = 10000
E = 320000
B = 64

NTILES = 16
NCORES = 2
K = 128
NCHUNK = 160
GRP = 8
NGRP = NCHUNK // GRP
EPAD = NTILES * NCHUNK * K
ACC_ROWS = 10240
ROWS_PT = ACC_ROWS // NTILES

_sc_mesh = plsc.VectorSubcoreMesh(core_axis_name="c", subcore_axis_name="s")


_J_SPLIT = NCHUNK // 2


def _deg_body(dst_hbm, out_hbm, dstv, zbuf, onesb, acc):
    c = lax.axis_index("c")
    s = lax.axis_index("s")
    zeros = jnp.zeros((16,), jnp.float32)
    ones = jnp.ones((16,), jnp.float32)

    @pl.loop(0, K * 128 // 16)
    def _fill(i):
        zbuf[i // 8, pl.ds((i % 8) * 16, 16)] = zeros
        onesb[i // 8, pl.ds((i % 8) * 16, 16)] = ones

    @pl.loop(0, ROWS_PT // K)
    def _zero(j):
        pltpu.sync_copy(zbuf, acc.at[pl.ds(s * ROWS_PT + j * K, K)])

    plsc.subcore_barrier()

    jlo = _J_SPLIT * c
    jhi = _J_SPLIT + (NCHUNK - _J_SPLIT) * c

    @pl.loop(jlo, jhi)
    def _chunk(j):
        base = (s * NCHUNK + j) * K
        pltpu.sync_copy(dst_hbm.at[pl.ds(base, K)], dstv.at[0])
        pltpu.sync_copy(onesb, acc.at[dstv.at[0]], add=True)

    plsc.subcore_barrier()

    @pl.when(s < NTILES - 1)
    def _dump_full():
        pltpu.sync_copy(acc.at[pl.ds(s * ROWS_PT, ROWS_PT)],
                        out_hbm.at[c].at[pl.ds(s * ROWS_PT, ROWS_PT)])

    @pl.when(s == NTILES - 1)
    def _dump_tail():
        nlast = N - (NTILES - 1) * ROWS_PT
        pltpu.sync_copy(acc.at[pl.ds((NTILES - 1) * ROWS_PT, nlast)],
                        out_hbm.at[c].at[pl.ds((NTILES - 1) * ROWS_PT, nlast)])


_deg = pl.kernel(
    _deg_body,
    out_type=jax.ShapeDtypeStruct((NCORES, N, 128), jnp.float32),
    mesh=_sc_mesh,
    scratch_types=[
        pltpu.VMEM((1, K), jnp.int32),
        pltpu.VMEM((K, 128), jnp.float32),
        pltpu.VMEM((K, 128), jnp.float32),
        pltpu.VMEM_SHARED((ACC_ROWS, 128), jnp.float32),
    ],
)


def _make_mp(nparts):
    ppc = nparts // NCORES

    def body(idx_hbm, tab_hbm, out_hbm, idxg, r0, r1, acc, g0, g1):
        c = lax.axis_index("c")
        s = lax.axis_index("s")
        bufs = (r0, r1)
        sems = (g0, g1)
        zeros = jnp.zeros((16,), jnp.float32)

        def zero_r0():
            @pl.loop(0, K * 128 // 16)
            def _zf(i):
                r0[i // 8, pl.ds((i % 8) * 16, 16)] = zeros

        def zero_acc_slice():
            @pl.loop(0, ROWS_PT // K)
            def _za(j):
                pltpu.sync_copy(r0, acc.at[pl.ds(s * ROWS_PT + j * K, K)])

        zero_r0()
        zero_acc_slice()
        plsc.subcore_barrier()

        for p_local in range(ppc):
            part = c * ppc + p_local
            tab = tab_hbm.at[part]
            out = out_hbm.at[part]

            def fire(g, b):
                pltpu.async_copy(tab.at[idxg.at[2 * g]], bufs[b], sems[b])

            def drain_scatter(g, b):
                pltpu.make_async_copy(tab.at[idxg.at[2 * g]], bufs[b],
                                      sems[b]).wait()
                pltpu.sync_copy(bufs[b], acc.at[idxg.at[2 * g + 1]], add=True)

            @pl.loop(0, NGRP)
            def _grp(t):
                pltpu.sync_copy(
                    idx_hbm.at[pl.ds((s * NCHUNK + t * GRP) * 2, 2 * GRP)],
                    idxg)
                fire(0, 0)
                for g in range(GRP):
                    if g + 1 < GRP:
                        fire(g + 1, (g + 1) % 2)
                    drain_scatter(g, g % 2)

            plsc.subcore_barrier()

            @pl.when(s < NTILES - 1)
            def _dump_full():
                pltpu.sync_copy(
                    acc.at[pl.ds(s * ROWS_PT, ROWS_PT)],
                    out.at[pl.ds(s * ROWS_PT, ROWS_PT)],
                )

            @pl.when(s == NTILES - 1)
            def _dump_tail():
                nlast = N - (NTILES - 1) * ROWS_PT
                pltpu.sync_copy(
                    acc.at[pl.ds((NTILES - 1) * ROWS_PT, nlast)],
                    out.at[pl.ds((NTILES - 1) * ROWS_PT, nlast)],
                )

            if p_local + 1 < ppc:
                zero_r0()
                zero_acc_slice()
                plsc.subcore_barrier()

    return pl.kernel(
        body,
        out_type=jax.ShapeDtypeStruct((nparts, N, 128), jnp.float32),
        mesh=_sc_mesh,
        scratch_types=[
            pltpu.VMEM((2 * GRP, K), jnp.int32),
            pltpu.VMEM((K, 128), jnp.float32),
            pltpu.VMEM((K, 128), jnp.float32),
            pltpu.VMEM_SHARED((ACC_ROWS, 128), jnp.float32),
            pltpu.SemaphoreType.DMA,
            pltpu.SemaphoreType.DMA,
        ],
    )


_mp2 = _make_mp(2)
_mp4 = _make_mp(4)


RB = 400
NRB = N // RB


def _dinv_body(h_ref, o_ref):
    h = h_ref[...]
    o_ref[...] = lax.rsqrt(1.0 + h[0, :, :1] + h[1, :, :1])


_dinv_call = pl.pallas_call(
    _dinv_body,
    grid=(NRB,),
    in_specs=[pl.BlockSpec((NCORES, RB, 128), lambda r: (0, r, 0))],
    out_specs=pl.BlockSpec((RB, 1), lambda r: (r, 0)),
    out_shape=jax.ShapeDtypeStruct((N, 1), jnp.float32),
)


def _mm1_body(x_ref, w_ref, dinv_ref, o_ref):
    h = jnp.dot(x_ref[...], w_ref[...], preferred_element_type=jnp.float32)
    o_ref[0] = dinv_ref[...] * h


_mm1_call = pl.pallas_call(
    _mm1_body,
    grid=(2, NRB),
    in_specs=[
        pl.BlockSpec((RB, 128), lambda p, r: (r, 0)),
        pl.BlockSpec((128, 128), lambda p, r: (0, p)),
        pl.BlockSpec((RB, 1), lambda p, r: (r, 0)),
    ],
    out_specs=pl.BlockSpec((1, RB, 128), lambda p, r: (p, r, 0)),
    out_shape=jax.ShapeDtypeStruct((2, N, 128), jnp.float32),
)


def _mm2_body(agg_ref, hs_ref, dinv_ref, b1_ref, w2_ref, o_ref):
    dinv = dinv_ref[...]
    h1 = (agg_ref[...] + hs_ref[...]) * dinv[None] + b1_ref[...]
    h1 = jnp.maximum(h1, 0.0)
    acc = jnp.dot(h1[0], w2_ref[0], preferred_element_type=jnp.float32)
    acc += jnp.dot(h1[1], w2_ref[1], preferred_element_type=jnp.float32)
    o_ref[0] = dinv * acc


_mm2_call = pl.pallas_call(
    _mm2_body,
    grid=(4, NRB),
    in_specs=[
        pl.BlockSpec((2, RB, 128), lambda p, r: (0, r, 0)),
        pl.BlockSpec((2, RB, 128), lambda p, r: (0, r, 0)),
        pl.BlockSpec((RB, 1), lambda p, r: (r, 0)),
        pl.BlockSpec((2, 1, 128), lambda p, r: (0, 0, 0)),
        pl.BlockSpec((2, 128, 128), lambda p, r: (0, 0, p)),
    ],
    out_specs=pl.BlockSpec((1, RB, 128), lambda p, r: (p, r, 0)),
    out_shape=jax.ShapeDtypeStruct((4, N, 128), jnp.float32),
)


def _pool_body(agg_ref, hs_ref, dinv_ref, b2_ref, batch_ref,
               gmax_ref, gsum_ref, cnt_ref):
    r = pl.program_id(0)

    @pl.when(r == 0)
    def _init():
        gmax_ref[...] = jnp.full(gmax_ref.shape, -jnp.inf, jnp.float32)
        gsum_ref[...] = jnp.zeros(gsum_ref.shape, jnp.float32)
        cnt_ref[...] = jnp.zeros(cnt_ref.shape, jnp.float32)

    dinv = dinv_ref[...]
    h = (agg_ref[...] + hs_ref[...]) * dinv[None] + b2_ref[...]
    seg = batch_ref[...]
    mask = seg == lax.broadcasted_iota(jnp.int32, (RB, B), 1)
    maskf = mask.astype(jnp.float32)
    cnt_ref[...] += jnp.sum(maskf, axis=0)[:, None]
    for p in range(4):
        gsum_ref[:, p] += lax.dot_general(
            maskf, h[p], (((0,), (0,)), ((), ())),
            precision=lax.Precision.HIGHEST,
            preferred_element_type=jnp.float32)

    def body(b, _):
        mb = seg == b
        for p in range(4):
            masked = jnp.where(mb, h[p], -jnp.inf)
            m = jnp.max(masked, axis=0, keepdims=True)
            cur = gmax_ref[pl.ds(b, 1), p]
            gmax_ref[pl.ds(b, 1), p] = jnp.maximum(cur, m)
        return 0

    lax.fori_loop(0, B, body, 0)


_pool_call = pl.pallas_call(
    _pool_body,
    grid=(NRB,),
    in_specs=[
        pl.BlockSpec((4, RB, 128), lambda r: (0, r, 0)),
        pl.BlockSpec((4, RB, 128), lambda r: (0, r, 0)),
        pl.BlockSpec((RB, 1), lambda r: (r, 0)),
        pl.BlockSpec((4, 1, 128), lambda r: (0, 0, 0)),
        pl.BlockSpec((RB, 1), lambda r: (r, 0)),
    ],
    out_specs=[
        pl.BlockSpec((B, 4, 128), lambda r: (0, 0, 0)),
        pl.BlockSpec((B, 4, 128), lambda r: (0, 0, 0)),
        pl.BlockSpec((B, 1), lambda r: (0, 0)),
    ],
    out_shape=[
        jax.ShapeDtypeStruct((B, 4, 128), jnp.float32),
        jax.ShapeDtypeStruct((B, 4, 128), jnp.float32),
        jax.ShapeDtypeStruct((B, 1), jnp.float32),
    ],
)


def _mlp_body(gmax_ref, gsum_ref, cnt_ref, w1a_ref, w1b_ref, b1_ref,
              w2_ref, b2_ref, w3_ref, b3_ref, o_ref):
    gmean = gsum_ref[...] / jnp.maximum(cnt_ref[...], 1.0)
    x1 = (jnp.dot(gmax_ref[...], w1a_ref[...], preferred_element_type=jnp.float32)
          + jnp.dot(gmean, w1b_ref[...], preferred_element_type=jnp.float32)
          + b1_ref[...])
    x2 = jnp.dot(x1, w2_ref[...], preferred_element_type=jnp.float32) + b2_ref[...]
    o_ref[...] = jnp.dot(x2, w3_ref[...], preferred_element_type=jnp.float32) + b3_ref[...]


_mlp_call = pl.pallas_call(
    _mlp_body,
    out_shape=jax.ShapeDtypeStruct((B, 1), jnp.float32),
)


def kernel(x, edge_attr, edge_index, batch_index,
           W1, b1, W2, b2, Wl1, bl1, Wl2, bl2, Wl3, bl3):
    del edge_attr
    src = edge_index[0]
    dst = edge_index[1]

    npad = EPAD - E
    src_p = jnp.concatenate([src, jnp.zeros((npad,), src.dtype)])
    pad_dst = N + (jnp.arange(npad, dtype=dst.dtype) % (ACC_ROWS - N))
    dst_p = jnp.concatenate([dst, pad_dst])
    idx_all = jnp.stack(
        [src_p.reshape(NTILES * NCHUNK, K), dst_p.reshape(NTILES * NCHUNK, K)],
        axis=1).reshape(2 * NTILES * NCHUNK, K)

    hists = _deg(dst_p)
    dinv = _dinv_call(hists)

    hs1 = _mm1_call(x, W1, dinv)
    agg1 = _mp2(idx_all, hs1)
    hs2 = _mm2_call(agg1, hs1, dinv, b1.reshape(2, 1, 128),
                    W2.reshape(2, 128, 512))
    agg2 = _mp4(idx_all, hs2)
    gmax, gsum, cnt = _pool_call(agg2, hs2, dinv, b2.reshape(4, 1, 128),
                                 batch_index.reshape(N, 1))
    out = _mlp_call(gmax.reshape(B, 512), gsum.reshape(B, 512), cnt,
                    Wl1[:512], Wl1[512:], bl1.reshape(1, 512),
                    Wl2, bl2.reshape(1, 256), Wl3, bl3.reshape(1, 1))
    return out

# --- scband reference (transcript-rebuilt; emitter-appended) ---
"""Pipeline reference for scband-gcn-74792560492765 (READ-ONLY COPY).

The authoritative reference and input builder live on the scoring server;
editing this copy changes nothing except your own understanding.
"""

import jax, jax.numpy as jnp
import numpy as np

N = 10000
E = 320000
F_IN = 128
EMB = 256
DENSE = 512
B = 64


def setup_inputs(seed: int = 0) -> dict:
    key = jax.random.key(seed)
    ks = jax.random.split(key, 16)
    x = jax.random.normal(ks[0], (N, F_IN), dtype=jnp.float32)
    edge_attr = jax.random.normal(ks[1], (E, 4), dtype=jnp.float32)
    edge_index = jax.random.randint(ks[2], (2, E), 0, N)
    batch_index = jnp.sort(jax.random.randint(ks[3], (N,), 0, B))
    # GCNConv params (lin weight has no bias in PyG; bias added after aggregation)
    W1 = jax.random.normal(ks[4], (F_IN, EMB), dtype=jnp.float32) * (1.0 / np.sqrt(F_IN))
    b1 = jnp.zeros((EMB,), dtype=jnp.float32)
    W2 = jax.random.normal(ks[5], (EMB, EMB * 2), dtype=jnp.float32) * (1.0 / np.sqrt(EMB))
    b2 = jnp.zeros((EMB * 2,), dtype=jnp.float32)
    # Dense head
    Wl1 = jax.random.normal(ks[6], (EMB * 4, DENSE), dtype=jnp.float32) * (1.0 / np.sqrt(EMB * 4))
    bl1 = jnp.zeros((DENSE,), dtype=jnp.float32)
    Wl2 = jax.random.normal(ks[7], (DENSE, DENSE // 2), dtype=jnp.float32) * (1.0 / np.sqrt(DENSE))
    bl2 = jnp.zeros((DENSE // 2,), dtype=jnp.float32)
    Wl3 = jax.random.normal(ks[8], (DENSE // 2, 1), dtype=jnp.float32) * (1.0 / np.sqrt(DENSE // 2))
    bl3 = jnp.zeros((1,), dtype=jnp.float32)
    return {
        "x": x, "edge_attr": edge_attr, "edge_index": edge_index,
        "batch_index": batch_index,
        "W1": W1, "b1": b1, "W2": W2, "b2": b2,
        "Wl1": Wl1, "bl1": bl1, "Wl2": Wl2, "bl2": bl2,
        "Wl3": Wl3, "bl3": bl3,
    }


def _gcn_conv(x, edge_index, W, b):
    # PyG GCNConv: x' = D^{-1/2} (A + I) D^{-1/2} (x W) + b
    h = x @ W
    loop = jnp.arange(N, dtype=edge_index.dtype)
    src = jnp.concatenate([edge_index[0], loop])
    dst = jnp.concatenate([edge_index[1], loop])
    ones = jnp.ones((src.shape[0],), dtype=h.dtype)
    deg = jax.ops.segment_sum(ones, dst, num_segments=N)
    dinv = jnp.where(deg > 0, jax.lax.rsqrt(jnp.maximum(deg, 1e-12)), 0.0)
    norm = dinv[src] * dinv[dst]
    msg = h[src] * norm[:, None]
    out = jax.ops.segment_sum(msg, dst, num_segments=N)
    return out + b


def reference(x, edge_attr, edge_index, batch_index,
              W1, b1, W2, b2, Wl1, bl1, Wl2, bl2, Wl3, bl3):
    h = _gcn_conv(x, edge_index, W1, b1)
    h = jax.nn.relu(h)
    h = _gcn_conv(h, edge_index, W2, b2)
    # global max pool + global mean pool over batch_index
    gmax = jax.ops.segment_max(h, batch_index, num_segments=B, indices_are_sorted=True)
    counts = jax.ops.segment_sum(jnp.ones((N,), h.dtype), batch_index, num_segments=B, indices_are_sorted=True)
    gsum = jax.ops.segment_sum(h, batch_index, num_segments=B, indices_are_sorted=True)
    gmean = gsum / jnp.maximum(counts, 1.0)[:, None]
    g = jnp.concatenate([gmax, gmean], axis=1)
    g = g @ Wl1 + bl1
    g = g @ Wl2 + bl2
    g = g @ Wl3 + bl3
    return g

if __name__ == "__main__":
    import jax
    _d = setup_inputs()
    print(jax.jit(kernel)(*tuple(_d.values())))

</pallas_src>

<mosaic_0001>
#map = affine_map<(d0, d1) -> (0)>
#map1 = affine_map<(d0, d1) -> (0, 0, 0)>
module attributes {stable_mosaic.version = 14 : i64} {
  func.func @_deg_body(%arg0: i32, %arg1: i32, %arg2: memref<327680xi32, #tpu.memory_space<hbm>>, %arg3: memref<2x10000x128xf32, #tpu.memory_space<hbm>>, %arg4: memref<1x128xi32, #tpu.memory_space<vmem>>, %arg5: memref<128x128xf32, #tpu.memory_space<vmem>>, %arg6: memref<128x128xf32, #tpu.memory_space<vmem>>, %arg7: memref<10240x128xf32, #tpu.memory_space<vmem_shared>>) attributes {dimension_semantics = [#tpu.dimension_semantics<core_parallel>, #tpu.dimension_semantics<subcore_parallel>], iteration_bounds = array<i64: 2, 16>, scalar_prefetch = 0 : i64, scratch_operands = 4 : i64, tpu.core_type = #tpu.core_type<sc_vector_subcore>, window_params = [{transform_indices = #map}, {transform_indices = #map1}]} {
    %broadcast_in_dim3A = arith.constant 0.000000e+00 : f32
    %broadcast_in_dim3A_0 = vector.broadcast %broadcast_in_dim3A : f32 to vector<16xf32>
    %broadcast_in_dim3A_1 = arith.constant 1.000000e+00 : f32
    %broadcast_in_dim3A_2 = vector.broadcast %broadcast_in_dim3A_1 : f32 to vector<16xf32>
    %scan3A = arith.constant 0 : i32
    %scan3A_3 = arith.constant 1024 : i32
    %scan3A_4 = arith.addi %scan3A, %scan3A_3 : i32
    %scan3A_5 = arith.constant 1 : i32
    scf.for %scan3A_37 = %scan3A to %scan3A_4 step %scan3A_5  : i32 {
      %mul3A_38 = arith.constant 1 : i32
      %mul3A_39 = arith.muli %scan3A_37, %mul3A_38 : i32
      %add3A_40 = arith.constant 0 : i32
      %add3A_41 = arith.addi %add3A_40, %mul3A_39 : i32
      %jit3A = arith.constant 8 : i32
      %div3A_42 = arith.divsi %add3A_41, %jit3A : i32
      %sign3A = arith.constant 0 : i32
      %sign3A_43 = arith.cmpi sgt, %add3A_41, %sign3A : i32
      %sign3A_44 = arith.extui %sign3A_43 : i1 to i32
      %sign3A_45 = arith.constant 0 : i32
      %sign3A_46 = arith.cmpi slt, %add3A_41, %sign3A_45 : i32
      %sign3A_47 = arith.extui %sign3A_46 : i1 to i32
      %sign3A_48 = arith.subi %sign3A_44, %sign3A_47 : i32
      %sign3A_49 = arith.constant 0 : i32
      %sign3A_50 = arith.cmpi sgt, %jit3A, %sign3A_49 : i32
      %sign3A_51 = arith.extui %sign3A_50 : i1 to i32
      %sign3A_52 = arith.constant 0 : i32
      %sign3A_53 = arith.cmpi slt, %jit3A, %sign3A_52 : i32
      %sign3A_54 = arith.extui %sign3A_53 : i1 to i32
      %sign3A_55 = arith.subi %sign3A_51, %sign3A_54 : i32
      %ne3A = arith.cmpi ne, %sign3A_48, %sign3A_55 : i32
      %rem3A = arith.remsi %add3A_41, %jit3A : i32
      %ne3A_56 = arith.constant 0 : i32
      %ne3A_57 = arith.cmpi ne, %rem3A, %ne3A_56 : i32
      %and3A = arith.andi %ne3A, %ne3A_57 : i1
      %sub3A_58 = arith.constant 1 : i32
      %sub3A_59 = arith.subi %div3A_42, %sub3A_58 : i32
      %select_n3A = arith.select %and3A, %sub3A_59, %div3A_42 : i32
      %jit3A_60 = arith.constant 8 : i32
      %eq3A_61 = arith.constant 0 : i32
      %eq3A_62 = arith.cmpi eq, %jit3A_60, %eq3A_61 : i32
      %jit3A_63 = arith.constant 1 : i32
      %select_n3A_64 = arith.select %eq3A_62, %jit3A_63, %jit3A_60 : i32
      %rem3A_65 = arith.remsi %add3A_41, %select_n3A_64 : i32
      %ne3A_66 = arith.constant 0 : i32
      %ne3A_67 = arith.cmpi ne, %rem3A_65, %ne3A_66 : i32
      %lt3A_68 = arith.constant 0 : i32
      %lt3A_69 = arith.cmpi slt, %rem3A_65, %lt3A_68 : i32
      %lt3A_70 = arith.constant 0 : i32
      %lt3A_71 = arith.cmpi slt, %select_n3A_64, %lt3A_70 : i32
      %ne3A_72 = arith.xori %lt3A_69, %lt3A_71 : i1
      %and3A_73 = arith.andi %ne3A_72, %ne3A_67 : i1
      %add3A_74 = arith.addi %rem3A_65, %select_n3A_64 : i32
      %select_n3A_75 = arith.select %and3A_73, %add3A_74, %rem3A_65 : i32
      %mul3A_76 = arith.constant 16 : i32
      %mul3A_77 = arith.muli %select_n3A_75, %mul3A_76 : i32
      %swap3A = arith.index_cast %select_n3A : i32 to index
      %swap3A_78 = arith.index_cast %mul3A_77 : i32 to index
      %swap3A_79 = tpu.vector_load %arg5[%swap3A, %swap3A_78] {strides = array<i32>} : memref<128x128xf32, #tpu.memory_space<vmem>>, vector<1x16xf32>,
      %swap3A_80 = vector.shape_cast %swap3A_79 : vector<1x16xf32> to vector<16xf32>
      %swap3A_81 = vector.shape_cast %broadcast_in_dim3A_0 : vector<16xf32> to vector<1x16xf32>
      tpu.vector_store %arg5[%swap3A, %swap3A_78], %swap3A_81 {strides = array<i32>} : memref<128x128xf32, #tpu.memory_space<vmem>>, vector<1x16xf32>,
      %jit3A_82 = arith.constant 8 : i32
      %div3A_83 = arith.divsi %add3A_41, %jit3A_82 : i32
      %sign3A_84 = arith.constant 0 : i32
      %sign3A_85 = arith.cmpi sgt, %add3A_41, %sign3A_84 : i32
      %sign3A_86 = arith.extui %sign3A_85 : i1 to i32
      %sign3A_87 = arith.constant 0 : i32
      %sign3A_88 = arith.cmpi slt, %add3A_41, %sign3A_87 : i32
      %sign3A_89 = arith.extui %sign3A_88 : i1 to i32
      %sign3A_90 = arith.subi %sign3A_86, %sign3A_89 : i32
      %sign3A_91 = arith.constant 0 : i32
      %sign3A_92 = arith.cmpi sgt, %jit3A_82, %sign3A_91 : i32
      %sign3A_93 = arith.extui %sign3A_92 : i1 to i32
      %sign3A_94 = arith.constant 0 : i32
      %sign3A_95 = arith.cmpi slt, %jit3A_82, %sign3A_94 : i32
      %sign3A_96 = arith.extui %sign3A_95 : i1 to i32
      %sign3A_97 = arith.subi %sign3A_93, %sign3A_96 : i32
      %ne3A_98 = arith.cmpi ne, %sign3A_90, %sign3A_97 : i32
      %rem3A_99 = arith.remsi %add3A_41, %jit3A_82 : i32
      %ne3A_100 = arith.constant 0 : i32
      %ne3A_101 = arith.cmpi ne, %rem3A_99, %ne3A_100 : i32
      %and3A_102 = arith.andi %ne3A_98, %ne3A_101 : i1
      %sub3A_103 = arith.constant 1 : i32
      %sub3A_104 = arith.subi %div3A_83, %sub3A_103 : i32
      %select_n3A_105 = arith.select %and3A_102, %sub3A_104, %div3A_83 : i32
      %jit3A_106 = arith.constant 8 : i32
      %eq3A_107 = arith.constant 0 : i32
      %eq3A_108 = arith.cmpi eq, %jit3A_106, %eq3A_107 : i32
      %jit3A_109 = arith.constant 1 : i32
      %select_n3A_110 = arith.select %eq3A_108, %jit3A_109, %jit3A_106 : i32
      %rem3A_111 = arith.remsi %add3A_41, %select_n3A_110 : i32
      %ne3A_112 = arith.constant 0 : i32
      %ne3A_113 = arith.cmpi ne, %rem3A_111, %ne3A_112 : i32
      %lt3A_114 = arith.constant 0 : i32
      %lt3A_115 = arith.cmpi slt, %rem3A_111, %lt3A_114 : i32
      %lt3A_116 = arith.constant 0 : i32
      %lt3A_117 = arith.cmpi slt, %select_n3A_110, %lt3A_116 : i32
      %ne3A_118 = arith.xori %lt3A_115, %lt3A_117 : i1
      %and3A_119 = arith.andi %ne3A_118, %ne3A_113 : i1
      %add3A_120 = arith.addi %rem3A_111, %select_n3A_110 : i32
      %select_n3A_121 = arith.select %and3A_119, %add3A_120, %rem3A_111 : i32
      %mul3A_122 = arith.constant 16 : i32
      %mul3A_123 = arith.muli %select_n3A_121, %mul3A_122 : i32
      %swap3A_124 = arith.index_cast %select_n3A_105 : i32 to index
      %swap3A_125 = arith.index_cast %mul3A_123 : i32 to index
      %swap3A_126 = tpu.vector_load %arg6[%swap3A_124, %swap3A_125] {strides = array<i32>} : memref<128x128xf32, #tpu.memory_space<vmem>>, vector<1x16xf32>,
      %swap3A_127 = vector.shape_cast %swap3A_126 : vector<1x16xf32> to vector<16xf32>
      %swap3A_128 = vector.shape_cast %broadcast_in_dim3A_2 : vector<16xf32> to vector<1x16xf32>
      tpu.vector_store %arg6[%swap3A_124, %swap3A_125], %swap3A_128 {strides = array<i32>} : memref<128x128xf32, #tpu.memory_space<vmem>>, vector<1x16xf32>,
    }
    %scan3A_6 = arith.constant 1024 : i32
    %scan3A_7 = arith.constant 0 : i32
    %scan3A_8 = arith.constant 5 : i32
    %scan3A_9 = arith.addi %scan3A_7, %scan3A_8 : i32
    %scan3A_10 = arith.constant 1 : i32
    scf.for %scan3A_37 = %scan3A_7 to %scan3A_9 step %scan3A_10  : i32 {
      %mul3A_38 = arith.constant 1 : i32
      %mul3A_39 = arith.muli %scan3A_37, %mul3A_38 : i32
      %add3A_40 = arith.constant 0 : i32
      %add3A_41 = arith.addi %add3A_40, %mul3A_39 : i32
      %mul3A_42 = arith.constant 640 : i32
      %mul3A_43 = arith.muli %arg1, %mul3A_42 : i32
      %mul3A_44 = arith.constant 128 : i32
      %mul3A_45 = arith.muli %add3A_41, %mul3A_44 : i32
      %add3A_46 = arith.addi %mul3A_43, %mul3A_45 : i32
      "tpu.region"() ({
        %run_scoped3A = tpu.sem_alloc : memref<!tpu.dma_semaphore, #tpu.memory_space<semaphore_mem>>
        %dma_start3A = arith.constant 0 : i32
        %dma_start3A_47 = tpu.memref_slice %arg7[%add3A_46, %dma_start3A] : memref<10240x128xf32, #tpu.memory_space<vmem_shared>> -> memref<128x128xf32, #tpu.memory_space<vmem_shared>>
        %dma_start3A_48 = arith.constant 0 : i32
        %dma_start3A_49 = tpu.memref_slice %arg7[%add3A_46, %dma_start3A_48] : memref<10240x128xf32, #tpu.memory_space<vmem_shared>> -> memref<128x128xf32, #tpu.memory_space<vmem_shared>>
        tpu.enqueue_dma source(%arg5 : memref<128x128xf32, #tpu.memory_space<vmem>>) target(%dma_start3A_49 : memref<128x128xf32, #tpu.memory_space<vmem_shared>>) target_semaphore(%run_scoped3A : memref<!tpu.dma_semaphore, #tpu.memory_space<semaphore_mem>>)
        %dma_wait3A = arith.constant 0 : i32
        %dma_wait3A_50 = tpu.memref_slice %arg7[%add3A_46, %dma_wait3A] : memref<10240x128xf32, #tpu.memory_space<vmem_shared>> -> memref<128x128xf32, #tpu.memory_space<vmem_shared>>
        %dma_wait3A_51 = arith.constant 0 : i32
        %dma_wait3A_52 = tpu.memref_slice %arg7[%add3A_46, %dma_wait3A_51] : memref<10240x128xf32, #tpu.memory_space<vmem_shared>> -> memref<128x128xf32, #tpu.memory_space<vmem_shared>>
        tpu.wait_dma2 semaphore(%run_scoped3A : memref<!tpu.dma_semaphore, #tpu.memory_space<semaphore_mem>>) src(%arg5 : memref<128x128xf32, #tpu.memory_space<vmem>>) dst(%dma_wait3A_52 : memref<128x128xf32, #tpu.memory_space<vmem_shared>>)
        tpu.yield
      }) : () -> ()
    }
    %scan3A_11 = arith.constant 5 : i32
    %barrier3A = arith.constant 0 : index
    tpu.barrier barrier_id(%barrier3A)
    %mul3A = arith.constant 80 : i32
    %mul3A_12 = arith.muli %mul3A, %arg0 : i32
    %mul3A_13 = arith.constant 80 : i32
    %mul3A_14 = arith.muli %mul3A_13, %arg0 : i32
    %add3A = arith.constant 80 : i32
    %add3A_15 = arith.addi %add3A, %mul3A_14 : i32
    %sub3A = arith.subi %add3A_15, %mul3A_12 : i32
    %sub3A_16 = arith.constant 1 : i32
    %sub3A_17 = arith.constant 1 : i32
    %sub3A_18 = arith.subi %sub3A_16, %sub3A_17 : i32
    %add3A_19 = arith.addi %sub3A, %sub3A_18 : i32
    %div3A = arith.constant 1 : i32
    %div3A_20 = arith.divsi %add3A_19, %div3A : i32
    %while3A = arith.constant 1 : i32
    %while3A_21 = arith.constant 0 : i32
    %while3A_22 = arith.subi %div3A_20, %while3A_21 : i32
    %while3A_23 = arith.addi %while3A_21, %while3A_22 : i32
    %while3A_24 = arith.constant 1 : i32
    %while3A_25 = arith.divsi %while3A_22, %while3A_24 : i32
    %while3A_26 = arith.muli %while3A_25, %while3A_24 : i32
    %while3A_27 = arith.addi %while3A_21, %while3A_26 : i32
    %while3A_28 = arith.constant 1 : i32
    scf.for %while3A_37 = %while3A_21 to %while3A_27 step %while3A_28  : i32 {
      %mul3A_38 = arith.muli %while3A_37, %while3A : i32
      %add3A_39 = arith.addi %mul3A_12, %mul3A_38 : i32
      %mul3A_40 = arith.constant 160 : i32
      %mul3A_41 = arith.muli %arg1, %mul3A_40 : i32
      %add3A_42 = arith.addi %mul3A_41, %add3A_39 : i32
      %mul3A_43 = arith.constant 128 : i32
      %mul3A_44 = arith.muli %add3A_42, %mul3A_43 : i32
      %run_scoped3A = arith.constant 0 : i32
      "tpu.region"() ({
        %run_scoped3A_46 = tpu.sem_alloc : memref<!tpu.dma_semaphore, #tpu.memory_space<semaphore_mem>>
        %dma_start3A = arith.constant 0 : i32
        %dma_start3A_47 = tpu.memref_slice %arg4[%run_scoped3A, %dma_start3A] : memref<1x128xi32, #tpu.memory_space<vmem>> -> memref<1x128xi32, #tpu.memory_space<vmem>>
        %dma_start3A_48 = tpu.memref_squeeze %dma_start3A_47 : memref<1x128xi32, #tpu.memory_space<vmem>> -> memref<128xi32, #tpu.memory_space<vmem>>
        %dma_start3A_49 = tpu.memref_slice %arg2[%mul3A_44] : memref<327680xi32, #tpu.memory_space<hbm>> -> memref<128xi32, #tpu.memory_space<hbm>>
        %dma_start3A_50 = arith.constant 0 : i32
        %dma_start3A_51 = tpu.memref_slice %arg4[%run_scoped3A, %dma_start3A_50] : memref<1x128xi32, #tpu.memory_space<vmem>> -> memref<1x128xi32, #tpu.memory_space<vmem>>
        %dma_start3A_52 = tpu.memref_squeeze %dma_start3A_51 : memref<1x128xi32, #tpu.memory_space<vmem>> -> memref<128xi32, #tpu.memory_space<vmem>>
        %dma_start3A_53 = tpu.memref_slice %arg2[%mul3A_44] : memref<327680xi32, #tpu.memory_space<hbm>> -> memref<128xi32, #tpu.memory_space<hbm>>
        tpu.enqueue_dma source(%dma_start3A_53 : memref<128xi32, #tpu.memory_space<hbm>>) target(%dma_start3A_52 : memref<128xi32, #tpu.memory_space<vmem>>) target_semaphore(%run_scoped3A_46 : memref<!tpu.dma_semaphore, #tpu.memory_space<semaphore_mem>>)
        %dma_wait3A = arith.constant 0 : i32
        %dma_wait3A_54 = tpu.memref_slice %arg4[%run_scoped3A, %dma_wait3A] : memref<1x128xi32, #tpu.memory_space<vmem>> -> memref<1x128xi32, #tpu.memory_space<vmem>>
        %dma_wait3A_55 = tpu.memref_squeeze %dma_wait3A_54 : memref<1x128xi32, #tpu.memory_space<vmem>> -> memref<128xi32, #tpu.memory_space<vmem>>
        %dma_wait3A_56 = tpu.memref_slice %arg2[%mul3A_44] : memref<327680xi32, #tpu.memory_space<hbm>> -> memref<128xi32, #tpu.memory_space<hbm>>
        %dma_wait3A_57 = arith.constant 0 : i32
        %dma_wait3A_58 = tpu.memref_slice %arg4[%run_scoped3A, %dma_wait3A_57] : memref<1x128xi32, #tpu.memory_space<vmem>> -> memref<1x128xi32, #tpu.memory_space<vmem>>
        %dma_wait3A_59 = tpu.memref_squeeze %dma_wait3A_58 : memref<1x128xi32, #tpu.memory_space<vmem>> -> memref<128xi32, #tpu.memory_space<vmem>>
        %dma_wait3A_60 = tpu.memref_slice %arg2[%mul3A_44] : memref<327680xi32, #tpu.memory_space<hbm>> -> memref<128xi32, #tpu.memory_space<hbm>>
        tpu.wait_dma2 semaphore(%run_scoped3A_46 : memref<!tpu.dma_semaphore, #tpu.memory_space<semaphore_mem>>) src(%dma_wait3A_60 : memref<128xi32, #tpu.memory_space<hbm>>) dst(%dma_wait3A_59 : memref<128xi32, #tpu.memory_space<vmem>>)
        tpu.yield
      }) : () -> ()
      %run_scoped3A_45 = arith.constant 0 : i32
      "tpu.region"() ({
        %run_scoped3A_46 = tpu.sem_alloc : memref<!tpu.dma_semaphore, #tpu.memory_space<semaphore_mem>>
        %dma_start3A = arith.constant 0 : i32
        %dma_start3A_47 = tpu.memref_slice %arg4[%run_scoped3A_45, %dma_start3A] : memref<1x128xi32, #tpu.memory_space<vmem>> -> memref<1x128xi32, #tpu.memory_space<vmem>>
        %dma_start3A_48 = tpu.memref_squeeze %dma_start3A_47 : memref<1x128xi32, #tpu.memory_space<vmem>> -> memref<128xi32, #tpu.memory_space<vmem>>
        %dma_start3A_49 = arith.constant 0 : i32
        %dma_start3A_50 = arith.constant 0 : i32
        %dma_start3A_51 = tpu.memref_slice %arg7[%dma_start3A_49, %dma_start3A_50] : memref<10240x128xf32, #tpu.memory_space<vmem_shared>> -> memref<10240x128xf32, #tpu.memory_space<vmem_shared>>
        tpu.enqueue_indirect_dma source(%arg6 : memref<128x128xf32, #tpu.memory_space<vmem>>) target(%dma_start3A_51 : memref<10240x128xf32, #tpu.memory_space<vmem_shared>>) offsets(%dma_start3A_48 : memref<128xi32, #tpu.memory_space<vmem>>) semaphore(%run_scoped3A_46 : memref<!tpu.dma_semaphore, #tpu.memory_space<semaphore_mem>>) {add = true}
        %dma_wait3A = arith.constant 0 : i32
        %dma_wait3A_52 = tpu.memref_slice %arg4[%run_scoped3A_45, %dma_wait3A] : memref<1x128xi32, #tpu.memory_space<vmem>> -> memref<1x128xi32, #tpu.memory_space<vmem>>
        %dma_wait3A_53 = tpu.memref_squeeze %dma_wait3A_52 : memref<1x128xi32, #tpu.memory_space<vmem>> -> memref<128xi32, #tpu.memory_space<vmem>>
        %dma_wait3A_54 = arith.constant 0 : i32
        %dma_wait3A_55 = arith.constant 0 : i32
        %dma_wait3A_56 = tpu.memref_slice %arg7[%dma_wait3A_54, %dma_wait3A_55] : memref<10240x128xf32, #tpu.memory_space<vmem_shared>> -> memref<10240x128xf32, #tpu.memory_space<vmem_shared>>
        tpu.wait_indirect_dma semaphore(%run_scoped3A_46 : memref<!tpu.dma_semaphore, #tpu.memory_space<semaphore_mem>>) src(%arg6 : memref<128x128xf32, #tpu.memory_space<vmem>>) dst(%dma_wait3A_56 : memref<10240x128xf32, #tpu.memory_space<vmem_shared>>)
        tpu.yield
      }) : () -> ()
    }
    %while3A_29 = arith.constant 1 : i32
    scf.for %while3A_37 = %while3A_27 to %while3A_23 step %while3A_29  : i32 {
      %mul3A_38 = arith.muli %while3A_37, %while3A : i32
      %add3A_39 = arith.addi %mul3A_12, %mul3A_38 : i32
      %mul3A_40 = arith.constant 160 : i32
      %mul3A_41 = arith.muli %arg1, %mul3A_40 : i32
      %add3A_42 = arith.addi %mul3A_41, %add3A_39 : i32
      %mul3A_43 = arith.constant 128 : i32
      %mul3A_44 = arith.muli %add3A_42, %mul3A_43 : i32
      %run_scoped3A = arith.constant 0 : i32
      "tpu.region"() ({
        %run_scoped3A_46 = tpu.sem_alloc : memref<!tpu.dma_semaphore, #tpu.memory_space<semaphore_mem>>
        %dma_start3A = arith.constant 0 : i32
        %dma_start3A_47 = tpu.memref_slice %arg4[%run_scoped3A, %dma_start3A] : memref<1x128xi32, #tpu.memory_space<vmem>> -> memref<1x128xi32, #tpu.memory_space<vmem>>
        %dma_start3A_48 = tpu.memref_squeeze %dma_start3A_47 : memref<1x128xi32, #tpu.memory_space<vmem>> -> memref<128xi32, #tpu.memory_space<vmem>>
        %dma_start3A_49 = tpu.memref_slice %arg2[%mul3A_44] : memref<327680xi32, #tpu.memory_space<hbm>> -> memref<128xi32, #tpu.memory_space<hbm>>
        %dma_start3A_50 = arith.constant 0 : i32
        %dma_start3A_51 = tpu.memref_slice %arg4[%run_scoped3A, %dma_start3A_50] : memref<1x128xi32, #tpu.memory_space<vmem>> -> memref<1x128xi32, #tpu.memory_space<vmem>>
        %dma_start3A_52 = tpu.memref_squeeze %dma_start3A_51 : memref<1x128xi32, #tpu.memory_space<vmem>> -> memref<128xi32, #tpu.memory_space<vmem>>
        %dma_start3A_53 = tpu.memref_slice %arg2[%mul3A_44] : memref<327680xi32, #tpu.memory_space<hbm>> -> memref<128xi32, #tpu.memory_space<hbm>>
        tpu.enqueue_dma source(%dma_start3A_53 : memref<128xi32, #tpu.memory_space<hbm>>) target(%dma_start3A_52 : memref<128xi32, #tpu.memory_space<vmem>>) target_semaphore(%run_scoped3A_46 : memref<!tpu.dma_semaphore, #tpu.memory_space<semaphore_mem>>)
        %dma_wait3A = arith.constant 0 : i32
        %dma_wait3A_54 = tpu.memref_slice %arg4[%run_scoped3A, %dma_wait3A] : memref<1x128xi32, #tpu.memory_space<vmem>> -> memref<1x128xi32, #tpu.memory_space<vmem>>
        %dma_wait3A_55 = tpu.memref_squeeze %dma_wait3A_54 : memref<1x128xi32, #tpu.memory_space<vmem>> -> memref<128xi32, #tpu.memory_space<vmem>>
        %dma_wait3A_56 = tpu.memref_slice %arg2[%mul3A_44] : memref<327680xi32, #tpu.memory_space<hbm>> -> memref<128xi32, #tpu.memory_space<hbm>>
        %dma_wait3A_57 = arith.constant 0 : i32
        %dma_wait3A_58 = tpu.memref_slice %arg4[%run_scoped3A, %dma_wait3A_57] : memref<1x128xi32, #tpu.memory_space<vmem>> -> memref<1x128xi32, #tpu.memory_space<vmem>>
        %dma_wait3A_59 = tpu.memref_squeeze %dma_wait3A_58 : memref<1x128xi32, #tpu.memory_space<vmem>> -> memref<128xi32, #tpu.memory_space<vmem>>
        %dma_wait3A_60 = tpu.memref_slice %arg2[%mul3A_44] : memref<327680xi32, #tpu.memory_space<hbm>> -> memref<128xi32, #tpu.memory_space<hbm>>
        tpu.wait_dma2 semaphore(%run_scoped3A_46 : memref<!tpu.dma_semaphore, #tpu.memory_space<semaphore_mem>>) src(%dma_wait3A_60 : memref<128xi32, #tpu.memory_space<hbm>>) dst(%dma_wait3A_59 : memref<128xi32, #tpu.memory_space<vmem>>)
        tpu.yield
      }) : () -> ()
      %run_scoped3A_45 = arith.constant 0 : i32
      "tpu.region"() ({
        %run_scoped3A_46 = tpu.sem_alloc : memref<!tpu.dma_semaphore, #tpu.memory_space<semaphore_mem>>
        %dma_start3A = arith.constant 0 : i32
        %dma_start3A_47 = tpu.memref_slice %arg4[%run_scoped3A_45, %dma_start3A] : memref<1x128xi32, #tpu.memory_space<vmem>> -> memref<1x128xi32, #tpu.memory_space<vmem>>
        %dma_start3A_48 = tpu.memref_squeeze %dma_start3A_47 : memref<1x128xi32, #tpu.memory_space<vmem>> -> memref<128xi32, #tpu.memory_space<vmem>>
        %dma_start3A_49 = arith.constant 0 : i32
        %dma_start3A_50 = arith.constant 0 : i32
        %dma_start3A_51 = tpu.memref_slice %arg7[%dma_start3A_49, %dma_start3A_50] : memref<10240x128xf32, #tpu.memory_space<vmem_shared>> -> memref<10240x128xf32, #tpu.memory_space<vmem_shared>>
        tpu.enqueue_indirect_dma source(%arg6 : memref<128x128xf32, #tpu.memory_space<vmem>>) target(%dma_start3A_51 : memref<10240x128xf32, #tpu.memory_space<vmem_shared>>) offsets(%dma_start3A_48 : memref<128xi32, #tpu.memory_space<vmem>>) semaphore(%run_scoped3A_46 : memref<!tpu.dma_semaphore, #tpu.memory_space<semaphore_mem>>) {add = true}
        %dma_wait3A = arith.constant 0 : i32
        %dma_wait3A_52 = tpu.memref_slice %arg4[%run_scoped3A_45, %dma_wait3A] : memref<1x128xi32, #tpu.memory_space<vmem>> -> memref<1x128xi32, #tpu.memory_space<vmem>>
        %dma_wait3A_53 = tpu.memref_squeeze %dma_wait3A_52 : memref<1x128xi32, #tpu.memory_space<vmem>> -> memref<128xi32, #tpu.memory_space<vmem>>
        %dma_wait3A_54 = arith.constant 0 : i32
        %dma_wait3A_55 = arith.constant 0 : i32
        %dma_wait3A_56 = tpu.memref_slice %arg7[%dma_wait3A_54, %dma_wait3A_55] : memref<10240x128xf32, #tpu.memory_space<vmem_shared>> -> memref<10240x128xf32, #tpu.memory_space<vmem_shared>>
        tpu.wait_indirect_dma semaphore(%run_scoped3A_46 : memref<!tpu.dma_semaphore, #tpu.memory_space<semaphore_mem>>) src(%arg6 : memref<128x128xf32, #tpu.memory_space<vmem>>) dst(%dma_wait3A_56 : memref<10240x128xf32, #tpu.memory_space<vmem_shared>>)
        tpu.yield
      }) : () -> ()
    }
    %barrier3A_30 = arith.constant 0 : index
    tpu.barrier barrier_id(%barrier3A_30)
    %lt3A = arith.constant 15 : i32
    %lt3A_31 = arith.cmpi slt, %arg1, %lt3A : i32
    %convert_element_type3A = arith.extui %lt3A_31 : i1 to i32
    %cond3A = arith.constant 0 : i32
    %cond3A_32 = arith.cmpi ne, %convert_element_type3A, %cond3A : i32
    scf.if %cond3A_32 {
      %mul3A_37 = arith.constant 640 : i32
      %mul3A_38 = arith.muli %arg1, %mul3A_37 : i32
      %mul3A_39 = arith.constant 640 : i32
      %mul3A_40 = arith.muli %arg1, %mul3A_39 : i32
      "tpu.region"() ({
        %run_scoped3A = tpu.sem_alloc : memref<!tpu.dma_semaphore, #tpu.memory_space<semaphore_mem>>
        %dma_start3A = arith.constant 0 : i32
        %dma_start3A_41 = arith.constant 0 : i32
        %dma_start3A_42 = tpu.memref_slice %arg3[%arg0, %dma_start3A, %dma_start3A_41] : memref<2x10000x128xf32, #tpu.memory_space<hbm>> -> memref<1x10000x128xf32, #tpu.memory_space<hbm>>
        %dma_start3A_43 = tpu.memref_squeeze %dma_start3A_42 : memref<1x10000x128xf32, #tpu.memory_space<hbm>> -> memref<10000x128xf32, #tpu.memory_space<hbm>>
        %dma_start3A_44 = arith.constant 0 : i32
        %dma_start3A_45 = tpu.memref_slice %dma_start3A_43[%mul3A_40, %dma_start3A_44] : memref<10000x128xf32, #tpu.memory_space<hbm>> -> memref<640x128xf32, #tpu.memory_space<hbm>>
        %dma_start3A_46 = arith.constant 0 : i32
        %dma_start3A_47 = tpu.memref_slice %arg7[%mul3A_38, %dma_start3A_46] : memref<10240x128xf32, #tpu.memory_space<vmem_shared>> -> memref<640x128xf32, #tpu.memory_space<vmem_shared>>
        tpu.enqueue_dma source(%dma_start3A_47 : memref<640x128xf32, #tpu.memory_space<vmem_shared>>) target(%dma_start3A_45 : memref<640x128xf32, #tpu.memory_space<hbm>>) target_semaphore(%run_scoped3A : memref<!tpu.dma_semaphore, #tpu.memory_space<semaphore_mem>>)
        %dma_wait3A = arith.constant 0 : i32
        %dma_wait3A_48 = arith.constant 0 : i32
        %dma_wait3A_49 = tpu.memref_slice %arg3[%arg0, %dma_wait3A, %dma_wait3A_48] : memref<2x10000x128xf32, #tpu.memory_space<hbm>> -> memref<1x10000x128xf32, #tpu.memory_space<hbm>>
        %dma_wait3A_50 = tpu.memref_squeeze %dma_wait3A_49 : memref<1x10000x128xf32, #tpu.memory_space<hbm>> -> memref<10000x128xf32, #tpu.memory_space<hbm>>
        %dma_wait3A_51 = arith.constant 0 : i32
        %dma_wait3A_52 = tpu.memref_slice %dma_wait3A_50[%mul3A_40, %dma_wait3A_51] : memref<10000x128xf32, #tpu.memory_space<hbm>> -> memref<640x128xf32, #tpu.memory_space<hbm>>
        %dma_wait3A_53 = arith.constant 0 : i32
        %dma_wait3A_54 = tpu.memref_slice %arg7[%mul3A_38, %dma_wait3A_53] : memref<10240x128xf32, #tpu.memory_space<vmem_shared>> -> memref<640x128xf32, #tpu.memory_space<vmem_shared>>
        tpu.wait_dma2 semaphore(%run_scoped3A : memref<!tpu.dma_semaphore, #tpu.memory_space<semaphore_mem>>) src(%dma_wait3A_54 : memref<640x128xf32, #tpu.memory_space<vmem_shared>>) dst(%dma_wait3A_52 : memref<640x128xf32, #tpu.memory_space<hbm>>)
        tpu.yield
      }) : () -> ()
    } else {
    }
    %eq3A = arith.constant 15 : i32
    %eq3A_33 = arith.cmpi eq, %arg1, %eq3A : i32
    %convert_element_type3A_34 = arith.extui %eq3A_33 : i1 to i32
    %cond3A_35 = arith.constant 0 : i32
    %cond3A_36 = arith.cmpi ne, %convert_element_type3A_34, %cond3A_35 : i32
    scf.if %cond3A_36 {
      "tpu.region"() ({
        %run_scoped3A = tpu.sem_alloc : memref<!tpu.dma_semaphore, #tpu.memory_space<semaphore_mem>>
        %dma_start3A = arith.constant 0 : i32
        %dma_start3A_37 = arith.constant 0 : i32
        %dma_start3A_38 = tpu.memref_slice %arg3[%arg0, %dma_start3A, %dma_start3A_37] : memref<2x10000x128xf32, #tpu.memory_space<hbm>> -> memref<1x10000x128xf32, #tpu.memory_space<hbm>>
        %dma_start3A_39 = tpu.memref_squeeze %dma_start3A_38 : memref<1x10000x128xf32, #tpu.memory_space<hbm>> -> memref<10000x128xf32, #tpu.memory_space<hbm>>
        %dma_start3A_40 = arith.constant 9600 : i32
        %dma_start3A_41 = arith.constant 0 : i32
        %dma_start3A_42 = tpu.memref_slice %dma_start3A_39[%dma_start3A_40, %dma_start3A_41] : memref<10000x128xf32, #tpu.memory_space<hbm>> -> memref<400x128xf32, #tpu.memory_space<hbm>>
        %dma_start3A_43 = arith.constant 9600 : i32
        %dma_start3A_44 = arith.constant 0 : i32
        %dma_start3A_45 = tpu.memref_slice %arg7[%dma_start3A_43, %dma_start3A_44] : memref<10240x128xf32, #tpu.memory_space<vmem_shared>> -> memref<400x128xf32, #tpu.memory_space<vmem_shared>>
        tpu.enqueue_dma source(%dma_start3A_45 : memref<400x128xf32, #tpu.memory_space<vmem_shared>>) target(%dma_start3A_42 : memref<400x128xf32, #tpu.memory_space<hbm>>) target_semaphore(%run_scoped3A : memref<!tpu.dma_semaphore, #tpu.memory_space<semaphore_mem>>)
        %dma_wait3A = arith.constant 0 : i32
        %dma_wait3A_46 = arith.constant 0 : i32
        %dma_wait3A_47 = tpu.memref_slice %arg3[%arg0, %dma_wait3A, %dma_wait3A_46] : memref<2x10000x128xf32, #tpu.memory_space<hbm>> -> memref<1x10000x128xf32, #tpu.memory_space<hbm>>
        %dma_wait3A_48 = tpu.memref_squeeze %dma_wait3A_47 : memref<1x10000x128xf32, #tpu.memory_space<hbm>> -> memref<10000x128xf32, #tpu.memory_space<hbm>>
        %dma_wait3A_49 = arith.constant 9600 : i32
        %dma_wait3A_50 = arith.constant 0 : i32
        %dma_wait3A_51 = tpu.memref_slice %dma_wait3A_48[%dma_wait3A_49, %dma_wait3A_50] : memref<10000x128xf32, #tpu.memory_space<hbm>> -> memref<400x128xf32, #tpu.memory_space<hbm>>
        %dma_wait3A_52 = arith.constant 9600 : i32
        %dma_wait3A_53 = arith.constant 0 : i32
        %dma_wait3A_54 = tpu.memref_slice %arg7[%dma_wait3A_52, %dma_wait3A_53] : memref<10240x128xf32, #tpu.memory_space<vmem_shared>> -> memref<400x128xf32, #tpu.memory_space<vmem_shared>>
        tpu.wait_dma2 semaphore(%run_scoped3A : memref<!tpu.dma_semaphore, #tpu.memory_space<semaphore_mem>>) src(%dma_wait3A_54 : memref<400x128xf32, #tpu.memory_space<vmem_shared>>) dst(%dma_wait3A_51 : memref<400x128xf32, #tpu.memory_space<hbm>>)
        tpu.yield
      }) : () -> ()
    } else {
    }
    return
  }
}

#map = affine_map<(d0, d1) -> (0, 0)>
#map1 = affine_map<(d0, d1) -> (0, 0, 0)>
module attributes {stable_mosaic.version = 14 : i64} {
  func.func @body(%arg0: i32, %arg1: i32, %arg2: memref<5120x128xi32, #tpu.memory_space<hbm>>, %arg3: memref<4x10000x128xf32, #tpu.memory_space<hbm>>, %arg4: memref<4x10000x128xf32, #tpu.memory_space<hbm>>, %arg5: memref<16x128xi32, #tpu.memory_space<vmem>>, %arg6: memref<128x128xf32, #tpu.memory_space<vmem>>, %arg7: memref<128x128xf32, #tpu.memory_space<vmem>>, %arg8: memref<10240x128xf32, #tpu.memory_space<vmem_shared>>, %arg9: memref<!tpu.dma_semaphore, #tpu.memory_space<semaphore_mem>>, %arg10: memref<!tpu.dma_semaphore, #tpu.memory_space<semaphore_mem>>) attributes {dimension_semantics = [#tpu.dimension_semantics<core_parallel>, #tpu.dimension_semantics<subcore_parallel>], iteration_bounds = array<i64: 2, 16>, scalar_prefetch = 0 : i64, scratch_operands = 6 : i64, tpu.core_type = #tpu.core_type<sc_vector_subcore>, window_params = [{transform_indices = #map}, {transform_indices = #map1}, {transform_indices = #map1}]} {
    %broadcast_in_dim3A = arith.constant 0.000000e+00 : f32
    %broadcast_in_dim3A_0 = vector.broadcast %broadcast_in_dim3A : f32 to vector<16xf32>
    %scan3A = arith.constant 0 : i32
    %scan3A_1 = arith.constant 1024 : i32
    %scan3A_2 = arith.addi %scan3A, %scan3A_1 : i32
    %scan3A_3 = arith.constant 1 : i32
    scf.for %scan3A_55 = %scan3A to %scan3A_2 step %scan3A_3  : i32 {
      %mul3A_56 = arith.constant 1 : i32
      %mul3A_57 = arith.muli %scan3A_55, %mul3A_56 : i32
      %add3A_58 = arith.constant 0 : i32
      %add3A_59 = arith.addi %add3A_58, %mul3A_57 : i32
      %jit3A = arith.constant 8 : i32
      %div3A = arith.divsi %add3A_59, %jit3A : i32
      %sign3A = arith.constant 0 : i32
      %sign3A_60 = arith.cmpi sgt, %add3A_59, %sign3A : i32
      %sign3A_61 = arith.extui %sign3A_60 : i1 to i32
      %sign3A_62 = arith.constant 0 : i32
      %sign3A_63 = arith.cmpi slt, %add3A_59, %sign3A_62 : i32
      %sign3A_64 = arith.extui %sign3A_63 : i1 to i32
      %sign3A_65 = arith.subi %sign3A_61, %sign3A_64 : i32
      %sign3A_66 = arith.constant 0 : i32
      %sign3A_67 = arith.cmpi sgt, %jit3A, %sign3A_66 : i32
      %sign3A_68 = arith.extui %sign3A_67 : i1 to i32
      %sign3A_69 = arith.constant 0 : i32
      %sign3A_70 = arith.cmpi slt, %jit3A, %sign3A_69 : i32
      %sign3A_71 = arith.extui %sign3A_70 : i1 to i32
      %sign3A_72 = arith.subi %sign3A_68, %sign3A_71 : i32
      %ne3A = arith.cmpi ne, %sign3A_65, %sign3A_72 : i32
      %rem3A = arith.remsi %add3A_59, %jit3A : i32
      %ne3A_73 = arith.constant 0 : i32
      %ne3A_74 = arith.cmpi ne, %rem3A, %ne3A_73 : i32
      %and3A = arith.andi %ne3A, %ne3A_74 : i1
      %sub3A = arith.constant 1 : i32
      %sub3A_75 = arith.subi %div3A, %sub3A : i32
      %select_n3A = arith.select %and3A, %sub3A_75, %div3A : i32
      %jit3A_76 = arith.constant 8 : i32
      %eq3A_77 = arith.constant 0 : i32
      %eq3A_78 = arith.cmpi eq, %jit3A_76, %eq3A_77 : i32
      %jit3A_79 = arith.constant 1 : i32
      %select_n3A_80 = arith.select %eq3A_78, %jit3A_79, %jit3A_76 : i32
      %rem3A_81 = arith.remsi %add3A_59, %select_n3A_80 : i32
      %ne3A_82 = arith.constant 0 : i32
      %ne3A_83 = arith.cmpi ne, %rem3A_81, %ne3A_82 : i32
      %lt3A_84 = arith.constant 0 : i32
      %lt3A_85 = arith.cmpi slt, %rem3A_81, %lt3A_84 : i32
      %lt3A_86 = arith.constant 0 : i32
      %lt3A_87 = arith.cmpi slt, %select_n3A_80, %lt3A_86 : i32
      %ne3A_88 = arith.xori %lt3A_85, %lt3A_87 : i1
      %and3A_89 = arith.andi %ne3A_88, %ne3A_83 : i1
      %add3A_90 = arith.addi %rem3A_81, %select_n3A_80 : i32
      %select_n3A_91 = arith.select %and3A_89, %add3A_90, %rem3A_81 : i32
      %mul3A_92 = arith.constant 16 : i32
      %mul3A_93 = arith.muli %select_n3A_91, %mul3A_92 : i32
      %swap3A = arith.index_cast %select_n3A : i32 to index
      %swap3A_94 = arith.index_cast %mul3A_93 : i32 to index
      %swap3A_95 = tpu.vector_load %arg6[%swap3A, %swap3A_94] {strides = array<i32>} : memref<128x128xf32, #tpu.memory_space<vmem>>, vector<1x16xf32>,
      %swap3A_96 = vector.shape_cast %swap3A_95 : vector<1x16xf32> to vector<16xf32>
      %swap3A_97 = vector.shape_cast %broadcast_in_dim3A_0 : vector<16xf32> to vector<1x16xf32>
      tpu.vector_store %arg6[%swap3A, %swap3A_94], %swap3A_97 {strides = array<i32>} : memref<128x128xf32, #tpu.memory_space<vmem>>, vector<1x16xf32>,
    }
    %scan3A_4 = arith.constant 1024 : i32
    %scan3A_5 = arith.constant 0 : i32
    %scan3A_6 = arith.constant 5 : i32
    %scan3A_7 = arith.addi %scan3A_5, %scan3A_6 : i32
    %scan3A_8 = arith.constant 1 : i32
    scf.for %scan3A_55 = %scan3A_5 to %scan3A_7 step %scan3A_8  : i32 {
      %mul3A_56 = arith.constant 1 : i32
      %mul3A_57 = arith.muli %scan3A_55, %mul3A_56 : i32
      %add3A_58 = arith.constant 0 : i32
      %add3A_59 = arith.addi %add3A_58, %mul3A_57 : i32
      %mul3A_60 = arith.constant 640 : i32
      %mul3A_61 = arith.muli %arg1, %mul3A_60 : i32
      %mul3A_62 = arith.constant 128 : i32
      %mul3A_63 = arith.muli %add3A_59, %mul3A_62 : i32
      %add3A_64 = arith.addi %mul3A_61, %mul3A_63 : i32
      "tpu.region"() ({
        %run_scoped3A = tpu.sem_alloc : memref<!tpu.dma_semaphore, #tpu.memory_space<semaphore_mem>>
        %dma_start3A = arith.constant 0 : i32
        %dma_start3A_65 = tpu.memref_slice %arg8[%add3A_64, %dma_start3A] : memref<10240x128xf32, #tpu.memory_space<vmem_shared>> -> memref<128x128xf32, #tpu.memory_space<vmem_shared>>
        %dma_start3A_66 = arith.constant 0 : i32
        %dma_start3A_67 = tpu.memref_slice %arg8[%add3A_64, %dma_start3A_66] : memref<10240x128xf32, #tpu.memory_space<vmem_shared>> -> memref<128x128xf32, #tpu.memory_space<vmem_shared>>
        tpu.enqueue_dma source(%arg6 : memref<128x128xf32, #tpu.memory_space<vmem>>) target(%dma_start3A_67 : memref<128x128xf32, #tpu.memory_space<vmem_shared>>) target_semaphore(%run_scoped3A : memref<!tpu.dma_semaphore, #tpu.memory_space<semaphore_mem>>)
        %dma_wait3A = arith.constant 0 : i32
        %dma_wait3A_68 = tpu.memref_slice %arg8[%add3A_64, %dma_wait3A] : memref<10240x128xf32, #tpu.memory_space<vmem_shared>> -> memref<128x128xf32, #tpu.memory_space<vmem_shared>>
        %dma_wait3A_69 = arith.constant 0 : i32
        %dma_wait3A_70 = tpu.memref_slice %arg8[%add3A_64, %dma_wait3A_69] : memref<10240x128xf32, #tpu.memory_space<vmem_shared>> -> memref<128x128xf32, #tpu.memory_space<vmem_shared>>
        tpu.wait_dma2 semaphore(%run_scoped3A : memref<!tpu.dma_semaphore, #tpu.memory_space<semaphore_mem>>) src(%arg6 : memref<128x128xf32, #tpu.memory_space<vmem>>) dst(%dma_wait3A_70 : memref<128x128xf32, #tpu.memory_space<vmem_shared>>)
        tpu.yield
      }) : () -> ()
    }
    %scan3A_9 = arith.constant 5 : i32
    %barrier3A = arith.constant 0 : index
    tpu.barrier barrier_id(%barrier3A)
    %mul3A = arith.constant 2 : i32
    %mul3A_10 = arith.muli %arg0, %mul3A : i32
    %add3A = arith.constant 0 : i32
    %add3A_11 = arith.addi %mul3A_10, %add3A : i32
    %scan3A_12 = arith.constant 0 : i32
    %scan3A_13 = arith.constant 20 : i32
    %scan3A_14 = arith.addi %scan3A_12, %scan3A_13 : i32
    %scan3A_15 = arith.constant 1 : i32
    scf.for %scan3A_55 = %scan3A_12 to %scan3A_14 step %scan3A_15  : i32 {
      %mul3A_56 = arith.constant 1 : i32
      %mul3A_57 = arith.muli %scan3A_55, %mul3A_56 : i32
      %add3A_58 = arith.constant 0 : i32
      %add3A_59 = arith.addi %add3A_58, %mul3A_57 : i32
      %mul3A_60 = arith.constant 160 : i32
      %mul3A_61 = arith.muli %arg1, %mul3A_60 : i32
      %mul3A_62 = arith.constant 8 : i32
      %mul3A_63 = arith.muli %add3A_59, %mul3A_62 : i32
      %add3A_64 = arith.addi %mul3A_61, %mul3A_63 : i32
      %mul3A_65 = arith.constant 2 : i32
      %mul3A_66 = arith.muli %add3A_64, %mul3A_65 : i32
      "tpu.region"() ({
        %run_scoped3A_248 = tpu.sem_alloc : memref<!tpu.dma_semaphore, #tpu.memory_space<semaphore_mem>>
        %dma_start3A_249 = arith.constant 0 : i32
        %dma_start3A_250 = tpu.memref_slice %arg2[%mul3A_66, %dma_start3A_249] : memref<5120x128xi32, #tpu.memory_space<hbm>> -> memref<16x128xi32, #tpu.memory_space<hbm>>
        %dma_start3A_251 = arith.constant 0 : i32
        %dma_start3A_252 = tpu.memref_slice %arg2[%mul3A_66, %dma_start3A_251] : memref<5120x128xi32, #tpu.memory_space<hbm>> -> memref<16x128xi32, #tpu.memory_space<hbm>>
        tpu.enqueue_dma source(%dma_start3A_252 : memref<16x128xi32, #tpu.memory_space<hbm>>) target(%arg5 : memref<16x128xi32, #tpu.memory_space<vmem>>) target_semaphore(%run_scoped3A_248 : memref<!tpu.dma_semaphore, #tpu.memory_space<semaphore_mem>>)
        %dma_wait3A_253 = arith.constant 0 : i32
        %dma_wait3A_254 = tpu.memref_slice %arg2[%mul3A_66, %dma_wait3A_253] : memref<5120x128xi32, #tpu.memory_space<hbm>> -> memref<16x128xi32, #tpu.memory_space<hbm>>
        %dma_wait3A_255 = arith.constant 0 : i32
        %dma_wait3A_256 = tpu.memref_slice %arg2[%mul3A_66, %dma_wait3A_255] : memref<5120x128xi32, #tpu.memory_space<hbm>> -> memref<16x128xi32, #tpu.memory_space<hbm>>
        tpu.wait_dma2 semaphore(%run_scoped3A_248 : memref<!tpu.dma_semaphore, #tpu.memory_space<semaphore_mem>>) src(%dma_wait3A_256 : memref<16x128xi32, #tpu.memory_space<hbm>>) dst(%arg5 : memref<16x128xi32, #tpu.memory_space<vmem>>)
        tpu.yield
      }) : () -> ()
      %dma_start3A = arith.constant 0 : i32
      %dma_start3A_67 = arith.constant 0 : i32
      %dma_start3A_68 = tpu.memref_slice %arg5[%dma_start3A, %dma_start3A_67] : memref<16x128xi32, #tpu.memory_space<vmem>> -> memref<1x128xi32, #tpu.memory_space<vmem>>
      %dma_start3A_69 = tpu.memref_squeeze %dma_start3A_68 : memref<1x128xi32, #tpu.memory_space<vmem>> -> memref<128xi32, #tpu.memory_space<vmem>>
      %dma_start3A_70 = arith.constant 0 : i32
      %dma_start3A_71 = arith.constant 0 : i32
      %dma_start3A_72 = tpu.memref_slice %arg3[%add3A_11, %dma_start3A_70, %dma_start3A_71] : memref<4x10000x128xf32, #tpu.memory_space<hbm>> -> memref<1x10000x128xf32, #tpu.memory_space<hbm>>
      %dma_start3A_73 = tpu.memref_squeeze %dma_start3A_72 : memref<1x10000x128xf32, #tpu.memory_space<hbm>> -> memref<10000x128xf32, #tpu.memory_space<hbm>>
      %dma_start3A_74 = arith.constant 0 : i32
      %dma_start3A_75 = arith.constant 0 : i32
      %dma_start3A_76 = tpu.memref_slice %dma_start3A_73[%dma_start3A_74, %dma_start3A_75] : memref<10000x128xf32, #tpu.memory_space<hbm>> -> memref<10000x128xf32, #tpu.memory_space<hbm>>
      tpu.enqueue_indirect_dma source(%dma_start3A_76 : memref<10000x128xf32, #tpu.memory_space<hbm>>) target(%arg6 : memref<128x128xf32, #tpu.memory_space<vmem>>) offsets(%dma_start3A_69 : memref<128xi32, #tpu.memory_space<vmem>>) semaphore(%arg9 : memref<!tpu.dma_semaphore, #tpu.memory_space<semaphore_mem>>)
      %dma_start3A_77 = arith.constant 2 : i32
      %dma_start3A_78 = arith.constant 0 : i32
      %dma_start3A_79 = tpu.memref_slice %arg5[%dma_start3A_77, %dma_start3A_78] : memref<16x128xi32, #tpu.memory_space<vmem>> -> memref<1x128xi32, #tpu.memory_space<vmem>>
      %dma_start3A_80 = tpu.memref_squeeze %dma_start3A_79 : memref<1x128xi32, #tpu.memory_space<vmem>> -> memref<128xi32, #tpu.memory_space<vmem>>
      %dma_start3A_81 = arith.constant 0 : i32
      %dma_start3A_82 = arith.constant 0 : i32
      %dma_start3A_83 = tpu.memref_slice %arg3[%add3A_11, %dma_start3A_81, %dma_start3A_82] : memref<4x10000x128xf32, #tpu.memory_space<hbm>> -> memref<1x10000x128xf32, #tpu.memory_space<hbm>>
      %dma_start3A_84 = tpu.memref_squeeze %dma_start3A_83 : memref<1x10000x128xf32, #tpu.memory_space<hbm>> -> memref<10000x128xf32, #tpu.memory_space<hbm>>
      %dma_start3A_85 = arith.constant 0 : i32
      %dma_start3A_86 = arith.constant 0 : i32
      %dma_start3A_87 = tpu.memref_slice %dma_start3A_84[%dma_start3A_85, %dma_start3A_86] : memref<10000x128xf32, #tpu.memory_space<hbm>> -> memref<10000x128xf32, #tpu.memory_space<hbm>>
      tpu.enqueue_indirect_dma source(%dma_start3A_87 : memref<10000x128xf32, #tpu.memory_space<hbm>>) target(%arg7 : memref<128x128xf32, #tpu.memory_space<vmem>>) offsets(%dma_start3A_80 : memref<128xi32, #tpu.memory_space<vmem>>) semaphore(%arg10 : memref<!tpu.dma_semaphore, #tpu.memory_space<semaphore_mem>>)
      %dma_wait3A = arith.constant 0 : i32
      %dma_wait3A_88 = arith.constant 0 : i32
      %dma_wait3A_89 = tpu.memref_slice %arg5[%dma_wait3A, %dma_wait3A_88] : memref<16x128xi32, #tpu.memory_space<vmem>> -> memref<1x128xi32, #tpu.memory_space<vmem>>
      %dma_wait3A_90 = tpu.memref_squeeze %dma_wait3A_89 : memref<1x128xi32, #tpu.memory_space<vmem>> -> memref<128xi32, #tpu.memory_space<vmem>>
      %dma_wait3A_91 = arith.constant 0 : i32
      %dma_wait3A_92 = arith.constant 0 : i32
      %dma_wait3A_93 = tpu.memref_slice %arg3[%add3A_11, %dma_wait3A_91, %dma_wait3A_92] : memref<4x10000x128xf32, #tpu.memory_space<hbm>> -> memref<1x10000x128xf32, #tpu.memory_space<hbm>>
      %dma_wait3A_94 = tpu.memref_squeeze %dma_wait3A_93 : memref<1x10000x128xf32, #tpu.memory_space<hbm>> -> memref<10000x128xf32, #tpu.memory_space<hbm>>
      %dma_wait3A_95 = arith.constant 0 : i32
      %dma_wait3A_96 = arith.constant 0 : i32
      %dma_wait3A_97 = tpu.memref_slice %dma_wait3A_94[%dma_wait3A_95, %dma_wait3A_96] : memref<10000x128xf32, #tpu.memory_space<hbm>> -> memref<10000x128xf32, #tpu.memory_space<hbm>>
      tpu.wait_indirect_dma semaphore(%arg9 : memref<!tpu.dma_semaphore, #tpu.memory_space<semaphore_mem>>) src(%dma_wait3A_97 : memref<10000x128xf32, #tpu.memory_space<hbm>>) dst(%arg6 : memref<128x128xf32, #tpu.memory_space<vmem>>)
      %run_scoped3A = arith.constant 1 : i32
      "tpu.region"() ({
        %run_scoped3A_248 = tpu.sem_alloc : memref<!tpu.dma_semaphore, #tpu.memory_space<semaphore_mem>>
        %dma_start3A_249 = arith.constant 0 : i32
        %dma_start3A_250 = tpu.memref_slice %arg5[%run_scoped3A, %dma_start3A_249] : memref<16x128xi32, #tpu.memory_space<vmem>> -> memref<1x128xi32, #tpu.memory_space<vmem>>
        %dma_start3A_251 = tpu.memref_squeeze %dma_start3A_250 : memref<1x128xi32, #tpu.memory_space<vmem>> -> memref<128xi32, #tpu.memory_space<vmem>>
        %dma_start3A_252 = arith.constant 0 : i32
        %dma_start3A_253 = arith.constant 0 : i32
        %dma_start3A_254 = tpu.memref_slice %arg8[%dma_start3A_252, %dma_start3A_253] : memref<10240x128xf32, #tpu.memory_space<vmem_shared>> -> memref<10240x128xf32, #tpu.memory_space<vmem_shared>>
        tpu.enqueue_indirect_dma source(%arg6 : memref<128x128xf32, #tpu.memory_space<vmem>>) target(%dma_start3A_254 : memref<10240x128xf32, #tpu.memory_space<vmem_shared>>) offsets(%dma_start3A_251 : memref<128xi32, #tpu.memory_space<vmem>>) semaphore(%run_scoped3A_248 : memref<!tpu.dma_semaphore, #tpu.memory_space<semaphore_mem>>) {add = true}
        %dma_wait3A_255 = arith.constant 0 : i32
        %dma_wait3A_256 = tpu.memref_slice %arg5[%run_scoped3A, %dma_wait3A_255] : memref<16x128xi32, #tpu.memory_space<vmem>> -> memref<1x128xi32, #tpu.memory_space<vmem>>
        %dma_wait3A_257 = tpu.memref_squeeze %dma_wait3A_256 : memref<1x128xi32, #tpu.memory_space<vmem>> -> memref<128xi32, #tpu.memory_space<vmem>>
        %dma_wait3A_258 = arith.constant 0 : i32
        %dma_wait3A_259 = arith.constant 0 : i32
        %dma_wait3A_260 = tpu.memref_slice %arg8[%dma_wait3A_258, %dma_wait3A_259] : memref<10240x128xf32, #tpu.memory_space<vmem_shared>> -> memref<10240x128xf32, #tpu.memory_space<vmem_shared>>
        tpu.wait_indirect_dma semaphore(%run_scoped3A_248 : memref<!tpu.dma_semaphore, #tpu.memory_space<semaphore_mem>>) src(%arg6 : memref<128x128xf32, #tpu.memory_space<vmem>>) dst(%dma_wait3A_260 : memref<10240x128xf32, #tpu.memory_space<vmem_shared>>)
        tpu.yield
      }) : () -> ()
      %dma_start3A_98 = arith.constant 4 : i32
      %dma_start3A_99 = arith.constant 0 : i32
      %dma_start3A_100 = tpu.memref_slice %arg5[%dma_start3A_98, %dma_start3A_99] : memref<16x128xi32, #tpu.memory_space<vmem>> -> memref<1x128xi32, #tpu.memory_space<vmem>>
      %dma_start3A_101 = tpu.memref_squeeze %dma_start3A_100 : memref<1x128xi32, #tpu.memory_space<vmem>> -> memref<128xi32, #tpu.memory_space<vmem>>
      %dma_start3A_102 = arith.constant 0 : i32
      %dma_start3A_103 = arith.constant 0 : i32
      %dma_start3A_104 = tpu.memref_slice %arg3[%add3A_11, %dma_start3A_102, %dma_start3A_103] : memref<4x10000x128xf32, #tpu.memory_space<hbm>> -> memref<1x10000x128xf32, #tpu.memory_space<hbm>>
      %dma_start3A_105 = tpu.memref_squeeze %dma_start3A_104 : memref<1x10000x128xf32, #tpu.memory_space<hbm>> -> memref<10000x128xf32, #tpu.memory_space<hbm>>
      %dma_start3A_106 = arith.constant 0 : i32
      %dma_start3A_107 = arith.constant 0 : i32
      %dma_start3A_108 = tpu.memref_slice %dma_start3A_105[%dma_start3A_106, %dma_start3A_107] : memref<10000x128xf32, #tpu.memory_space<hbm>> -> memref<10000x128xf32, #tpu.memory_space<hbm>>
      tpu.enqueue_indirect_dma source(%dma_start3A_108 : memref<10000x128xf32, #tpu.memory_space<hbm>>) target(%arg6 : memref<128x128xf32, #tpu.memory_space<vmem>>) offsets(%dma_start3A_101 : memref<128xi32, #tpu.memory_space<vmem>>) semaphore(%arg9 : memref<!tpu.dma_semaphore, #tpu.memory_space<semaphore_mem>>)
      %dma_wait3A_109 = arith.constant 2 : i32
      %dma_wait3A_110 = arith.constant 0 : i32
      %dma_wait3A_111 = tpu.memref_slice %arg5[%dma_wait3A_109, %dma_wait3A_110] : memref<16x128xi32, #tpu.memory_space<vmem>> -> memref<1x128xi32, #tpu.memory_space<vmem>>
      %dma_wait3A_112 = tpu.memref_squeeze %dma_wait3A_111 : memref<1x128xi32, #tpu.memory_space<vmem>> -> memref<128xi32, #tpu.memory_space<vmem>>
      %dma_wait3A_113 = arith.constant 0 : i32
      %dma_wait3A_114 = arith.constant 0 : i32
      %dma_wait3A_115 = tpu.memref_slice %arg3[%add3A_11, %dma_wait3A_113, %dma_wait3A_114] : memref<4x10000x128xf32, #tpu.memory_space<hbm>> -> memref<1x10000x128xf32, #tpu.memory_space<hbm>>
      %dma_wait3A_116 = tpu.memref_squeeze %dma_wait3A_115 : memref<1x10000x128xf32, #tpu.memory_space<hbm>> -> memref<10000x128xf32, #tpu.memory_space<hbm>>
      %dma_wait3A_117 = arith.constant 0 : i32
      %dma_wait3A_118 = arith.constant 0 : i32
      %dma_wait3A_119 = tpu.memref_slice %dma_wait3A_116[%dma_wait3A_117, %dma_wait3A_118] : memref<10000x128xf32, #tpu.memory_space<hbm>> -> memref<10000x128xf32, #tpu.memory_space<hbm>>
      tpu.wait_indirect_dma semaphore(%arg10 : memref<!tpu.dma_semaphore, #tpu.memory_space<semaphore_mem>>) src(%dma_wait3A_119 : memref<10000x128xf32, #tpu.memory_space<hbm>>) dst(%arg7 : memref<128x128xf32, #tpu.memory_space<vmem>>)
      %run_scoped3A_120 = arith.constant 3 : i32
      "tpu.region"() ({
        %run_scoped3A_248 = tpu.sem_alloc : memref<!tpu.dma_semaphore, #tpu.memory_space<semaphore_mem>>
        %dma_start3A_249 = arith.constant 0 : i32
        %dma_start3A_250 = tpu.memref_slice %arg5[%run_scoped3A_120, %dma_start3A_249] : memref<16x128xi32, #tpu.memory_space<vmem>> -> memref<1x128xi32, #tpu.memory_space<vmem>>
        %dma_start3A_251 = tpu.memref_squeeze %dma_start3A_250 : memref<1x128xi32, #tpu.memory_space<vmem>> -> memref<128xi32, #tpu.memory_space<vmem>>
        %dma_start3A_252 = arith.constant 0 : i32
        %dma_start3A_253 = arith.constant 0 : i32
        %dma_start3A_254 = tpu.memref_slice %arg8[%dma_start3A_252, %dma_start3A_253] : memref<10240x128xf32, #tpu.memory_space<vmem_shared>> -> memref<10240x128xf32, #tpu.memory_space<vmem_shared>>
        tpu.enqueue_indirect_dma source(%arg7 : memref<128x128xf32, #tpu.memory_space<vmem>>) target(%dma_start3A_254 : memref<10240x128xf32, #tpu.memory_space<vmem_shared>>) offsets(%dma_start3A_251 : memref<128xi32, #tpu.memory_space<vmem>>) semaphore(%run_scoped3A_248 : memref<!tpu.dma_semaphore, #tpu.memory_space<semaphore_mem>>) {add = true}
        %dma_wait3A_255 = arith.constant 0 : i32
        %dma_wait3A_256 = tpu.memref_slice %arg5[%run_scoped3A_120, %dma_wait3A_255] : memref<16x128xi32, #tpu.memory_space<vmem>> -> memref<1x128xi32, #tpu.memory_space<vmem>>
        %dma_wait3A_257 = tpu.memref_squeeze %dma_wait3A_256 : memref<1x128xi32, #tpu.memory_space<vmem>> -> memref<128xi32, #tpu.memory_space<vmem>>
        %dma_wait3A_258 = arith.constant 0 : i32
        %dma_wait3A_259 = arith.constant 0 : i32
        %dma_wait3A_260 = tpu.memref_slice %arg8[%dma_wait3A_258, %dma_wait3A_259] : memref<10240x128xf32, #tpu.memory_space<vmem_shared>> -> memref<10240x128xf32, #tpu.memory_space<vmem_shared>>
        tpu.wait_indirect_dma semaphore(%run_scoped3A_248 : memref<!tpu.dma_semaphore, #tpu.memory_space<semaphore_mem>>) src(%arg7 : memref<128x128xf32, #tpu.memory_space<vmem>>) dst(%dma_wait3A_260 : memref<10240x128xf32, #tpu.memory_space<vmem_shared>>)
        tpu.yield
      }) : () -> ()
      %dma_start3A_121 = arith.constant 6 : i32
      %dma_start3A_122 = arith.constant 0 : i32
      %dma_start3A_123 = tpu.memref_slice %arg5[%dma_start3A_121, %dma_start3A_122] : memref<16x128xi32, #tpu.memory_space<vmem>> -> memref<1x128xi32, #tpu.memory_space<vmem>>
      %dma_start3A_124 = tpu.memref_squeeze %dma_start3A_123 : memref<1x128xi32, #tpu.memory_space<vmem>> -> memref<128xi32, #tpu.memory_space<vmem>>
      %dma_start3A_125 = arith.constant 0 : i32
      %dma_start3A_126 = arith.constant 0 : i32
      %dma_start3A_127 = tpu.memref_slice %arg3[%add3A_11, %dma_start3A_125, %dma_start3A_126] : memref<4x10000x128xf32, #tpu.memory_space<hbm>> -> memref<1x10000x128xf32, #tpu.memory_space<hbm>>
      %dma_start3A_128 = tpu.memref_squeeze %dma_start3A_127 : memref<1x10000x128xf32, #tpu.memory_space<hbm>> -> memref<10000x128xf32, #tpu.memory_space<hbm>>
      %dma_start3A_129 = arith.constant 0 : i32
      %dma_start3A_130 = arith.constant 0 : i32
      %dma_start3A_131 = tpu.memref_slice %dma_start3A_128[%dma_start3A_129, %dma_start3A_130] : memref<10000x128xf32, #tpu.memory_space<hbm>> -> memref<10000x128xf32, #tpu.memory_space<hbm>>
      tpu.enqueue_indirect_dma source(%dma_start3A_131 : memref<10000x128xf32, #tpu.memory_space<hbm>>) target(%arg7 : memref<128x128xf32, #tpu.memory_space<vmem>>) offsets(%dma_start3A_124 : memref<128xi32, #tpu.memory_space<vmem>>) semaphore(%arg10 : memref<!tpu.dma_semaphore, #tpu.memory_space<semaphore_mem>>)
      %dma_wait3A_132 = arith.constant 4 : i32
      %dma_wait3A_133 = arith.constant 0 : i32
      %dma_wait3A_134 = tpu.memref_slice %arg5[%dma_wait3A_132, %dma_wait3A_133] : memref<16x128xi32, #tpu.memory_space<vmem>> -> memref<1x128xi32, #tpu.memory_space<vmem>>
      %dma_wait3A_135 = tpu.memref_squeeze %dma_wait3A_134 : memref<1x128xi32, #tpu.memory_space<vmem>> -> memref<128xi32, #tpu.memory_space<vmem>>
      %dma_wait3A_136 = arith.constant 0 : i32
      %dma_wait3A_137 = arith.constant 0 : i32
      %dma_wait3A_138 = tpu.memref_slice %arg3[%add3A_11, %dma_wait3A_136, %dma_wait3A_137] : memref<4x10000x128xf32, #tpu.memory_space<hbm>> -> memref<1x10000x128xf32, #tpu.memory_space<hbm>>
      %dma_wait3A_139 = tpu.memref_squeeze %dma_wait3A_138 : memref<1x10000x128xf32, #tpu.memory_space<hbm>> -> memref<10000x128xf32, #tpu.memory_space<hbm>>
      %dma_wait3A_140 = arith.constant 0 : i32
      %dma_wait3A_141 = arith.constant 0 : i32
      %dma_wait3A_142 = tpu.memref_slice %dma_wait3A_139[%dma_wait3A_140, %dma_wait3A_141] : memref<10000x128xf32, #tpu.memory_space<hbm>> -> memref<10000x128xf32, #tpu.memory_space<hbm>>
      tpu.wait_indirect_dma semaphore(%arg9 : memref<!tpu.dma_semaphore, #tpu.memory_space<semaphore_mem>>) src(%dma_wait3A_142 : memref<10000x128xf32, #tpu.memory_space<hbm>>) dst(%arg6 : memref<128x128xf32, #tpu.memory_space<vmem>>)
      %run_scoped3A_143 = arith.constant 5 : i32
      "tpu.region"() ({
        %run_scoped3A_248 = tpu.sem_alloc : memref<!tpu.dma_semaphore, #tpu.memory_space<semaphore_mem>>
        %dma_start3A_249 = arith.constant 0 : i32
        %dma_start3A_250 = tpu.memref_slice %arg5[%run_scoped3A_143, %dma_start3A_249] : memref<16x128xi32, #tpu.memory_space<vmem>> -> memref<1x128xi32, #tpu.memory_space<vmem>>
        %dma_start3A_251 = tpu.memref_squeeze %dma_start3A_250 : memref<1x128xi32, #tpu.memory_space<vmem>> -> memref<128xi32, #tpu.memory_space<vmem>>
        %dma_start3A_252 = arith.constant 0 : i32
        %dma_start3A_253 = arith.constant 0 : i32
        %dma_start3A_254 = tpu.memref_slice %arg8[%dma_start3A_252, %dma_start3A_253] : memref<10240x128xf32, #tpu.memory_space<vmem_shared>> -> memref<10240x128xf32, #tpu.memory_space<vmem_shared>>
        tpu.enqueue_indirect_dma source(%arg6 : memref<128x128xf32, #tpu.memory_space<vmem>>) target(%dma_start3A_254 : memref<10240x128xf32, #tpu.memory_space<vmem_shared>>) offsets(%dma_start3A_251 : memref<128xi32, #tpu.memory_space<vmem>>) semaphore(%run_scoped3A_248 : memref<!tpu.dma_semaphore, #tpu.memory_space<semaphore_mem>>) {add = true}
        %dma_wait3A_255 = arith.constant 0 : i32
        %dma_wait3A_256 = tpu.memref_slice %arg5[%run_scoped3A_143, %dma_wait3A_255] : memref<16x128xi32, #tpu.memory_space<vmem>> -> memref<1x128xi32, #tpu.memory_space<vmem>>
        %dma_wait3A_257 = tpu.memref_squeeze %dma_wait3A_256 : memref<1x128xi32, #tpu.memory_space<vmem>> -> memref<128xi32, #tpu.memory_space<vmem>>
        %dma_wait3A_258 = arith.constant 0 : i32
        %dma_wait3A_259 = arith.constant 0 : i32
        %dma_wait3A_260 = tpu.memref_slice %arg8[%dma_wait3A_258, %dma_wait3A_259] : memref<10240x128xf32, #tpu.memory_space<vmem_shared>> -> memref<10240x128xf32, #tpu.memory_space<vmem_shared>>
        tpu.wait_indirect_dma semaphore(%run_scoped3A_248 : memref<!tpu.dma_semaphore, #tpu.memory_space<semaphore_mem>>) src(%arg6 : memref<128x128xf32, #tpu.memory_space<vmem>>) dst(%dma_wait3A_260 : memref<10240x128xf32, #tpu.memory_space<vmem_shared>>)
        tpu.yield
      }) : () -> ()
      %dma_start3A_144 = arith.constant 8 : i32
      %dma_start3A_145 = arith.constant 0 : i32
      %dma_start3A_146 = tpu.memref_slice %arg5[%dma_start3A_144, %dma_start3A_145] : memref<16x128xi32, #tpu.memory_space<vmem>> -> memref<1x128xi32, #tpu.memory_space<vmem>>
      %dma_start3A_147 = tpu.memref_squeeze %dma_start3A_146 : memref<1x128xi32, #tpu.memory_space<vmem>> -> memref<128xi32, #tpu.memory_space<vmem>>
      %dma_start3A_148 = arith.constant 0 : i32
      %dma_start3A_149 = arith.constant 0 : i32
      %dma_start3A_150 = tpu.memref_slice %arg3[%add3A_11, %dma_start3A_148, %dma_start3A_149] : memref<4x10000x128xf32, #tpu.memory_space<hbm>> -> memref<1x10000x128xf32, #tpu.memory_space<hbm>>
      %dma_start3A_151 = tpu.memref_squeeze %dma_start3A_150 : memref<1x10000x128xf32, #tpu.memory_space<hbm>> -> memref<10000x128xf32, #tpu.memory_space<hbm>>
      %dma_start3A_152 = arith.constant 0 : i32
      %dma_start3A_153 = arith.constant 0 : i32
      %dma_start3A_154 = tpu.memref_slice %dma_start3A_151[%dma_start3A_152, %dma_start3A_153] : memref<10000x128xf32, #tpu.memory_space<hbm>> -> memref<10000x128xf32, #tpu.memory_space<hbm>>
      tpu.enqueue_indirect_dma source(%dma_start3A_154 : memref<10000x128xf32, #tpu.memory_space<hbm>>) target(%arg6 : memref<128x128xf32, #tpu.memory_space<vmem>>) offsets(%dma_start3A_147 : memref<128xi32, #tpu.memory_space<vmem>>) semaphore(%arg9 : memref<!tpu.dma_semaphore, #tpu.memory_space<semaphore_mem>>)
      %dma_wait3A_155 = arith.constant 6 : i32
      %dma_wait3A_156 = arith.constant 0 : i32
      %dma_wait3A_157 = tpu.memref_slice %arg5[%dma_wait3A_155, %dma_wait3A_156] : memref<16x128xi32, #tpu.memory_space<vmem>> -> memref<1x128xi32, #tpu.memory_space<vmem>>
      %dma_wait3A_158 = tpu.memref_squeeze %dma_wait3A_157 : memref<1x128xi32, #tpu.memory_space<vmem>> -> memref<128xi32, #tpu.memory_space<vmem>>
      %dma_wait3A_159 = arith.constant 0 : i32
      %dma_wait3A_160 = arith.constant 0 : i32
      %dma_wait3A_161 = tpu.memref_slice %arg3[%add3A_11, %dma_wait3A_159, %dma_wait3A_160] : memref<4x10000x128xf32, #tpu.memory_space<hbm>> -> memref<1x10000x128xf32, #tpu.memory_space<hbm>>
      %dma_wait3A_162 = tpu.memref_squeeze %dma_wait3A_161 : memref<1x10000x128xf32, #tpu.memory_space<hbm>> -> memref<10000x128xf32, #tpu.memory_space<hbm>>
      %dma_wait3A_163 = arith.constant 0 : i32
      %dma_wait3A_164 = arith.constant 0 : i32
      %dma_wait3A_165 = tpu.memref_slice %dma_wait3A_162[%dma_wait3A_163, %dma_wait3A_164] : memref<10000x128xf32, #tpu.memory_space<hbm>> -> memref<10000x128xf32, #tpu.memory_space<hbm>>
      tpu.wait_indirect_dma semaphore(%arg10 : memref<!tpu.dma_semaphore, #tpu.memory_space<semaphore_mem>>) src(%dma_wait3A_165 : memref<10000x128xf32, #tpu.memory_space<hbm>>) dst(%arg7 : memref<128x128xf32, #tpu.memory_space<vmem>>)
      %run_scoped3A_166 = arith.constant 7 : i32
      "tpu.region"() ({
        %run_scoped3A_248 = tpu.sem_alloc : memref<!tpu.dma_semaphore, #tpu.memory_space<semaphore_mem>>
        %dma_start3A_249 = arith.constant 0 : i32
        %dma_start3A_250 = tpu.memref_slice %arg5[%run_scoped3A_166, %dma_start3A_249] : memref<16x128xi32, #tpu.memory_space<vmem>> -> memref<1x128xi32, #tpu.memory_space<vmem>>
        %dma_start3A_251 = tpu.memref_squeeze %dma_start3A_250 : memref<1x128xi32, #tpu.memory_space<vmem>> -> memref<128xi32, #tpu.memory_space<vmem>>
        %dma_start3A_252 = arith.constant 0 : i32
        %dma_start3A_253 = arith.constant 0 : i32
        %dma_start3A_254 = tpu.memref_slice %arg8[%dma_start3A_252, %dma_start3A_253] : memref<10240x128xf32, #tpu.memory_space<vmem_shared>> -> memref<10240x128xf32, #tpu.memory_space<vmem_shared>>
        tpu.enqueue_indirect_dma source(%arg7 : memref<128x128xf32, #tpu.memory_space<vmem>>) target(%dma_start3A_254 : memref<10240x128xf32, #tpu.memory_space<vmem_shared>>) offsets(%dma_start3A_251 : memref<128xi32, #tpu.memory_space<vmem>>) semaphore(%run_scoped3A_248 : memref<!tpu.dma_semaphore, #tpu.memory_space<semaphore_mem>>) {add = true}
        %dma_wait3A_255 = arith.constant 0 : i32
        %dma_wait3A_256 = tpu.memref_slice %arg5[%run_scoped3A_166, %dma_wait3A_255] : memref<16x128xi32, #tpu.memory_space<vmem>> -> memref<1x128xi32, #tpu.memory_space<vmem>>
        %dma_wait3A_257 = tpu.memref_squeeze %dma_wait3A_256 : memref<1x128xi32, #tpu.memory_space<vmem>> -> memref<128xi32, #tpu.memory_space<vmem>>
        %dma_wait3A_258 = arith.constant 0 : i32
        %dma_wait3A_259 = arith.constant 0 : i32
        %dma_wait3A_260 = tpu.memref_slice %arg8[%dma_wait3A_258, %dma_wait3A_259] : memref<10240x128xf32, #tpu.memory_space<vmem_shared>> -> memref<10240x128xf32, #tpu.memory_space<vmem_shared>>
        tpu.wait_indirect_dma semaphore(%run_scoped3A_248 : memref<!tpu.dma_semaphore, #tpu.memory_space<semaphore_mem>>) src(%arg7 : memref<128x128xf32, #tpu.memory_space<vmem>>) dst(%dma_wait3A_260 : memref<10240x128xf32, #tpu.memory_space<vmem_shared>>)
        tpu.yield
      }) : () -> ()
      %dma_start3A_167 = arith.constant 10 : i32
      %dma_start3A_168 = arith.constant 0 : i32
      %dma_start3A_169 = tpu.memref_slice %arg5[%dma_start3A_167, %dma_start3A_168] : memref<16x128xi32, #tpu.memory_space<vmem>> -> memref<1x128xi32, #tpu.memory_space<vmem>>
      %dma_start3A_170 = tpu.memref_squeeze %dma_start3A_169 : memref<1x128xi32, #tpu.memory_space<vmem>> -> memref<128xi32, #tpu.memory_space<vmem>>
      %dma_start3A_171 = arith.constant 0 : i32
      %dma_start3A_172 = arith.constant 0 : i32
      %dma_start3A_173 = tpu.memref_slice %arg3[%add3A_11, %dma_start3A_171, %dma_start3A_172] : memref<4x10000x128xf32, #tpu.memory_space<hbm>> -> memref<1x10000x128xf32, #tpu.memory_space<hbm>>
      %dma_start3A_174 = tpu.memref_squeeze %dma_start3A_173 : memref<1x10000x128xf32, #tpu.memory_space<hbm>> -> memref<10000x128xf32, #tpu.memory_space<hbm>>
      %dma_start3A_175 = arith.constant 0 : i32
      %dma_start3A_176 = arith.constant 0 : i32
      %dma_start3A_177 = tpu.memref_slice %dma_start3A_174[%dma_start3A_175, %dma_start3A_176] : memref<10000x128xf32, #tpu.memory_space<hbm>> -> memref<10000x128xf32, #tpu.memory_space<hbm>>
      tpu.enqueue_indirect_dma source(%dma_start3A_177 : memref<10000x128xf32, #tpu.memory_space<hbm>>) target(%arg7 : memref<128x128xf32, #tpu.memory_space<vmem>>) offsets(%dma_start3A_170 : memref<128xi32, #tpu.memory_space<vmem>>) semaphore(%arg10 : memref<!tpu.dma_semaphore, #tpu.memory_space<semaphore_mem>>)
      %dma_wait3A_178 = arith.constant 8 : i32
      %dma_wait3A_179 = arith.constant 0 : i32
      %dma_wait3A_180 = tpu.memref_slice %arg5[%dma_wait3A_178, %dma_wait3A_179] : memref<16x128xi32, #tpu.memory_space<vmem>> -> memref<1x128xi32, #tpu.memory_space<vmem>>
      %dma_wait3A_181 = tpu.memref_squeeze %dma_wait3A_180 : memref<1x128xi32, #tpu.memory_space<vmem>> -> memref<128xi32, #tpu.memory_space<vmem>>
      %dma_wait3A_182 = arith.constant 0 : i32
      %dma_wait3A_183 = arith.constant 0 : i32
      %dma_wait3A_184 = tpu.memref_slice %arg3[%add3A_11, %dma_wait3A_182, %dma_wait3A_183] : memref<4x10000x128xf32, #tpu.memory_space<hbm>> -> memref<1x10000x128xf32, #tpu.memory_space<hbm>>
      %dma_wait3A_185 = tpu.memref_squeeze %dma_wait3A_184 : memref<1x10000x128xf32, #tpu.memory_space<hbm>> -> memref<10000x128xf32, #tpu.memory_space<hbm>>
      %dma_wait3A_186 = arith.constant 0 : i32
      %dma_wait3A_187 = arith.constant 0 : i32
      %dma_wait3A_188 = tpu.memref_slice %dma_wait3A_185[%dma_wait3A_186, %dma_wait3A_187] : memref<10000x128xf32, #tpu.memory_space<hbm>> -> memref<10000x128xf32, #tpu.memory_space<hbm>>
      tpu.wait_indirect_dma semaphore(%arg9 : memref<!tpu.dma_semaphore, #tpu.memory_space<semaphore_mem>>) src(%dma_wait3A_188 : memref<10000x128xf32, #tpu.memory_space<hbm>>) dst(%arg6 : memref<128x128xf32, #tpu.memory_space<vmem>>)
      %run_scoped3A_189 = arith.constant 9 : i32
      "tpu.region"() ({
        %run_scoped3A_248 = tpu.sem_alloc : memref<!tpu.dma_semaphore, #tpu.memory_space<semaphore_mem>>
        %dma_start3A_249 = arith.constant 0 : i32
        %dma_start3A_250 = tpu.memref_slice %arg5[%run_scoped3A_189, %dma_start3A_249] : memref<16x128xi32, #tpu.memory_space<vmem>> -> memref<1x128xi32, #tpu.memory_space<vmem>>
        %dma_start3A_251 = tpu.memref_squeeze %dma_start3A_250 : memref<1x128xi32, #tpu.memory_space<vmem>> -> memref<128xi32, #tpu.memory_space<vmem>>
        %dma_start3A_252 = arith.constant 0 : i32
        %dma_start3A_253 = arith.constant 0 : i32
        %dma_start3A_254 = tpu.memref_slice %arg8[%dma_start3A_252, %dma_start3A_253] : memref<10240x128xf32, #tpu.memory_space<vmem_shared>> -> memref<10240x128xf32, #tpu.memory_space<vmem_shared>>
        tpu.enqueue_indirect_dma source(%arg6 : memref<128x128xf32, #tpu.memory_space<vmem>>) target(%dma_start3A_254 : memref<10240x128xf32, #tpu.memory_space<vmem_shared>>) offsets(%dma_start3A_251 : memref<128xi32, #tpu.memory_space<vmem>>) semaphore(%run_scoped3A_248 : memref<!tpu.dma_semaphore, #tpu.memory_space<semaphore_mem>>) {add = true}
        %dma_wait3A_255 = arith.constant 0 : i32
        %dma_wait3A_256 = tpu.memref_slice %arg5[%run_scoped3A_189, %dma_wait3A_255] : memref<16x128xi32, #tpu.memory_space<vmem>> -> memref<1x128xi32, #tpu.memory_space<vmem>>
        %dma_wait3A_257 = tpu.memref_squeeze %dma_wait3A_256 : memref<1x128xi32, #tpu.memory_space<vmem>> -> memref<128xi32, #tpu.memory_space<vmem>>
        %dma_wait3A_258 = arith.constant 0 : i32
        %dma_wait3A_259 = arith.constant 0 : i32
        %dma_wait3A_260 = tpu.memref_slice %arg8[%dma_wait3A_258, %dma_wait3A_259] : memref<10240x128xf32, #tpu.memory_space<vmem_shared>> -> memref<10240x128xf32, #tpu.memory_space<vmem_shared>>
        tpu.wait_indirect_dma semaphore(%run_scoped3A_248 : memref<!tpu.dma_semaphore, #tpu.memory_space<semaphore_mem>>) src(%arg6 : memref<128x128xf32, #tpu.memory_space<vmem>>) dst(%dma_wait3A_260 : memref<10240x128xf32, #tpu.memory_space<vmem_shared>>)
        tpu.yield
      }) : () -> ()
      %dma_start3A_190 = arith.constant 12 : i32
      %dma_start3A_191 = arith.constant 0 : i32
      %dma_start3A_192 = tpu.memref_slice %arg5[%dma_start3A_190, %dma_start3A_191] : memref<16x128xi32, #tpu.memory_space<vmem>> -> memref<1x128xi32, #tpu.memory_space<vmem>>
      %dma_start3A_193 = tpu.memref_squeeze %dma_start3A_192 : memref<1x128xi32, #tpu.memory_space<vmem>> -> memref<128xi32, #tpu.memory_space<vmem>>
      %dma_start3A_194 = arith.constant 0 : i32
      %dma_start3A_195 = arith.constant 0 : i32
      %dma_start3A_196 = tpu.memref_slice %arg3[%add3A_11, %dma_start3A_194, %dma_start3A_195] : memref<4x10000x128xf32, #tpu.memory_space<hbm>> -> memref<1x10000x128xf32, #tpu.memory_space<hbm>>
      %dma_start3A_197 = tpu.memref_squeeze %dma_start3A_196 : memref<1x10000x128xf32, #tpu.memory_space<hbm>> -> memref<10000x128xf32, #tpu.memory_space<hbm>>
      %dma_start3A_198 = arith.constant 0 : i32
      %dma_start3A_199 = arith.constant 0 : i32
      %dma_start3A_200 = tpu.memref_slice %dma_start3A_197[%dma_start3A_198, %dma_start3A_199] : memref<10000x128xf32, #tpu.memory_space<hbm>> -> memref<10000x128xf32, #tpu.memory_space<hbm>>
      tpu.enqueue_indirect_dma source(%dma_start3A_200 : memref<10000x128xf32, #tpu.memory_space<hbm>>) target(%arg6 : memref<128x128xf32, #tpu.memory_space<vmem>>) offsets(%dma_start3A_193 : memref<128xi32, #tpu.memory_space<vmem>>) semaphore(%arg9 : memref<!tpu.dma_semaphore, #tpu.memory_space<semaphore_mem>>)
      %dma_wait3A_201 = arith.constant 10 : i32
      %dma_wait3A_202 = arith.constant 0 : i32
      %dma_wait3A_203 = tpu.memref_slice %arg5[%dma_wait3A_201, %dma_wait3A_202] : memref<16x128xi32, #tpu.memory_space<vmem>> -> memref<1x128xi32, #tpu.memory_space<vmem>>
      %dma_wait3A_204 = tpu.memref_squeeze %dma_wait3A_203 : memref<1x128xi32, #tpu.memory_space<vmem>> -> memref<128xi32, #tpu.memory_space<vmem>>
      %dma_wait3A_205 = arith.constant 0 : i32
      %dma_wait3A_206 = arith.constant 0 : i32
      %dma_wait3A_207 = tpu.memref_slice %arg3[%add3A_11, %dma_wait3A_205, %dma_wait3A_206] : memref<4x10000x128xf32, #tpu.memory_space<hbm>> -> memref<1x10000x128xf32, #tpu.memory_space<hbm>>
      %dma_wait3A_208 = tpu.memref_squeeze %dma_wait3A_207 : memref<1x10000x128xf32, #tpu.memory_space<hbm>> -> memref<10000x128xf32, #tpu.memory_space<hbm>>
      %dma_wait3A_209 = arith.constant 0 : i32
      %dma_wait3A_210 = arith.constant 0 : i32
      %dma_wait3A_211 = tpu.memref_slice %dma_wait3A_208[%dma_wait3A_209, %dma_wait3A_210] : memref<10000x128xf32, #tpu.memory_space<hbm>> -> memref<10000x128xf32, #tpu.memory_space<hbm>>
      tpu.wait_indirect_dma semaphore(%arg10 : memref<!tpu.dma_semaphore, #tpu.memory_space<semaphore_mem>>) src(%dma_wait3A_211 : memref<10000x128xf32, #tpu.memory_space<hbm>>) dst(%arg7 : memref<128x128xf32, #tpu.memory_space<vmem>>)
      %run_scoped3A_212 = arith.constant 11 : i32
      "tpu.region"() ({
        %run_scoped3A_248 = tpu.sem_alloc : memref<!tpu.dma_semaphore, #tpu.memory_space<semaphore_mem>>
        %dma_start3A_249 = arith.constant 0 : i32
        %dma_start3A_250 = tpu.memref_slice %arg5[%run_scoped3A_212, %dma_start3A_249] : memref<16x128xi32, #tpu.memory_space<vmem>> -> memref<1x128xi32, #tpu.memory_space<vmem>>
        %dma_start3A_251 = tpu.memref_squeeze %dma_start3A_250 : memref<1x128xi32, #tpu.memory_space<vmem>> -> memref<128xi32, #tpu.memory_space<vmem>>
        %dma_start3A_252 = arith.constant 0 : i32
        %dma_start3A_253 = arith.constant 0 : i32
        %dma_start3A_254 = tpu.memref_slice %arg8[%dma_start3A_252, %dma_start3A_253] : memref<10240x128xf32, #tpu.memory_space<vmem_shared>> -> memref<10240x128xf32, #tpu.memory_space<vmem_shared>>
        tpu.enqueue_indirect_dma source(%arg7 : memref<128x128xf32, #tpu.memory_space<vmem>>) target(%dma_start3A_254 : memref<10240x128xf32, #tpu.memory_space<vmem_shared>>) offsets(%dma_start3A_251 : memref<128xi32, #tpu.memory_space<vmem>>) semaphore(%run_scoped3A_248 : memref<!tpu.dma_semaphore, #tpu.memory_space<semaphore_mem>>) {add = true}
        %dma_wait3A_255 = arith.constant 0 : i32
        %dma_wait3A_256 = tpu.memref_slice %arg5[%run_scoped3A_212, %dma_wait3A_255] : memref<16x128xi32, #tpu.memory_space<vmem>> -> memref<1x128xi32, #tpu.memory_space<vmem>>
        %dma_wait3A_257 = tpu.memref_squeeze %dma_wait3A_256 : memref<1x128xi32, #tpu.memory_space<vmem>> -> memref<128xi32, #tpu.memory_space<vmem>>
        %dma_wait3A_258 = arith.constant 0 : i32
        %dma_wait3A_259 = arith.constant 0 : i32
        %dma_wait3A_260 = tpu.memref_slice %arg8[%dma_wait3A_258, %dma_wait3A_259] : memref<10240x128xf32, #tpu.memory_space<vmem_shared>> -> memref<10240x128xf32, #tpu.memory_space<vmem_shared>>
        tpu.wait_indirect_dma semaphore(%run_scoped3A_248 : memref<!tpu.dma_semaphore, #tpu.memory_space<semaphore_mem>>) src(%arg7 : memref<128x128xf32, #tpu.memory_space<vmem>>) dst(%dma_wait3A_260 : memref<10240x128xf32, #tpu.memory_space<vmem_shared>>)
        tpu.yield
      }) : () -> ()
      %dma_start3A_213 = arith.constant 14 : i32
      %dma_start3A_214 = arith.constant 0 : i32
      %dma_start3A_215 = tpu.memref_slice %arg5[%dma_start3A_213, %dma_start3A_214] : memref<16x128xi32, #tpu.memory_space<vmem>> -> memref<1x128xi32, #tpu.memory_space<vmem>>
      %dma_start3A_216 = tpu.memref_squeeze %dma_start3A_215 : memref<1x128xi32, #tpu.memory_space<vmem>> -> memref<128xi32, #tpu.memory_space<vmem>>
      %dma_start3A_217 = arith.constant 0 : i32
      %dma_start3A_218 = arith.constant 0 : i32
      %dma_start3A_219 = tpu.memref_slice %arg3[%add3A_11, %dma_start3A_217, %dma_start3A_218] : memref<4x10000x128xf32, #tpu.memory_space<hbm>> -> memref<1x10000x128xf32, #tpu.memory_space<hbm>>
      %dma_start3A_220 = tpu.memref_squeeze %dma_start3A_219 : memref<1x10000x128xf32, #tpu.memory_space<hbm>> -> memref<10000x128xf32, #tpu.memory_space<hbm>>
      %dma_start3A_221 = arith.constant 0 : i32
      %dma_start3A_222 = arith.constant 0 : i32
      %dma_start3A_223 = tpu.memref_slice %dma_start3A_220[%dma_start3A_221, %dma_start3A_222] : memref<10000x128xf32, #tpu.memory_space<hbm>> -> memref<10000x128xf32, #tpu.memory_space<hbm>>
      tpu.enqueue_indirect_dma source(%dma_start3A_223 : memref<10000x128xf32, #tpu.memory_space<hbm>>) target(%arg7 : memref<128x128xf32, #tpu.memory_space<vmem>>) offsets(%dma_start3A_216 : memref<128xi32, #tpu.memory_space<vmem>>) semaphore(%arg10 : memref<!tpu.dma_semaphore, #tpu.memory_space<semaphore_mem>>)
      %dma_wait3A_224 = arith.constant 12 : i32
      %dma_wait3A_225 = arith.constant 0 : i32
      %dma_wait3A_226 = tpu.memref_slice %arg5[%dma_wait3A_224, %dma_wait3A_225] : memref<16x128xi32, #tpu.memory_space<vmem>> -> memref<1x128xi32, #tpu.memory_space<vmem>>
      %dma_wait3A_227 = tpu.memref_squeeze %dma_wait3A_226 : memref<1x128xi32, #tpu.memory_space<vmem>> -> memref<128xi32, #tpu.memory_space<vmem>>
      %dma_wait3A_228 = arith.constant 0 : i32
      %dma_wait3A_229 = arith.constant 0 : i32
      %dma_wait3A_230 = tpu.memref_slice %arg3[%add3A_11, %dma_wait3A_228, %dma_wait3A_229] : memref<4x10000x128xf32, #tpu.memory_space<hbm>> -> memref<1x10000x128xf32, #tpu.memory_space<hbm>>
      %dma_wait3A_231 = tpu.memref_squeeze %dma_wait3A_230 : memref<1x10000x128xf32, #tpu.memory_space<hbm>> -> memref<10000x128xf32, #tpu.memory_space<hbm>>
      %dma_wait3A_232 = arith.constant 0 : i32
      %dma_wait3A_233 = arith.constant 0 : i32
      %dma_wait3A_234 = tpu.memref_slice %dma_wait3A_231[%dma_wait3A_232, %dma_wait3A_233] : memref<10000x128xf32, #tpu.memory_space<hbm>> -> memref<10000x128xf32, #tpu.memory_space<hbm>>
      tpu.wait_indirect_dma semaphore(%arg9 : memref<!tpu.dma_semaphore, #tpu.memory_space<semaphore_mem>>) src(%dma_wait3A_234 : memref<10000x128xf32, #tpu.memory_space<hbm>>) dst(%arg6 : memref<128x128xf32, #tpu.memory_space<vmem>>)
      %run_scoped3A_235 = arith.constant 13 : i32
      "tpu.region"() ({
        %run_scoped3A_248 = tpu.sem_alloc : memref<!tpu.dma_semaphore, #tpu.memory_space<semaphore_mem>>
        %dma_start3A_249 = arith.constant 0 : i32
        %dma_start3A_250 = tpu.memref_slice %arg5[%run_scoped3A_235, %dma_start3A_249] : memref<16x128xi32, #tpu.memory_space<vmem>> -> memref<1x128xi32, #tpu.memory_space<vmem>>
        %dma_start3A_251 = tpu.memref_squeeze %dma_start3A_250 : memref<1x128xi32, #tpu.memory_space<vmem>> -> memref<128xi32, #tpu.memory_space<vmem>>
        %dma_start3A_252 = arith.constant 0 : i32
        %dma_start3A_253 = arith.constant 0 : i32
        %dma_start3A_254 = tpu.memref_slice %arg8[%dma_start3A_252, %dma_start3A_253] : memref<10240x128xf32, #tpu.memory_space<vmem_shared>> -> memref<10240x128xf32, #tpu.memory_space<vmem_shared>>
        tpu.enqueue_indirect_dma source(%arg6 : memref<128x128xf32, #tpu.memory_space<vmem>>) target(%dma_start3A_254 : memref<10240x128xf32, #tpu.memory_space<vmem_shared>>) offsets(%dma_start3A_251 : memref<128xi32, #tpu.memory_space<vmem>>) semaphore(%run_scoped3A_248 : memref<!tpu.dma_semaphore, #tpu.memory_space<semaphore_mem>>) {add = true}
        %dma_wait3A_255 = arith.constant 0 : i32
        %dma_wait3A_256 = tpu.memref_slice %arg5[%run_scoped3A_235, %dma_wait3A_255] : memref<16x128xi32, #tpu.memory_space<vmem>> -> memref<1x128xi32, #tpu.memory_space<vmem>>
        %dma_wait3A_257 = tpu.memref_squeeze %dma_wait3A_256 : memref<1x128xi32, #tpu.memory_space<vmem>> -> memref<128xi32, #tpu.memory_space<vmem>>
        %dma_wait3A_258 = arith.constant 0 : i32
        %dma_wait3A_259 = arith.constant 0 : i32
        %dma_wait3A_260 = tpu.memref_slice %arg8[%dma_wait3A_258, %dma_wait3A_259] : memref<10240x128xf32, #tpu.memory_space<vmem_shared>> -> memref<10240x128xf32, #tpu.memory_space<vmem_shared>>
        tpu.wait_indirect_dma semaphore(%run_scoped3A_248 : memref<!tpu.dma_semaphore, #tpu.memory_space<semaphore_mem>>) src(%arg6 : memref<128x128xf32, #tpu.memory_space<vmem>>) dst(%dma_wait3A_260 : memref<10240x128xf32, #tpu.memory_space<vmem_shared>>)
        tpu.yield
      }) : () -> ()
      %dma_wait3A_236 = arith.constant 14 : i32
      %dma_wait3A_237 = arith.constant 0 : i32
      %dma_wait3A_238 = tpu.memref_slice %arg5[%dma_wait3A_236, %dma_wait3A_237] : memref<16x128xi32, #tpu.memory_space<vmem>> -> memref<1x128xi32, #tpu.memory_space<vmem>>
      %dma_wait3A_239 = tpu.memref_squeeze %dma_wait3A_238 : memref<1x128xi32, #tpu.memory_space<vmem>> -> memref<128xi32, #tpu.memory_space<vmem>>
      %dma_wait3A_240 = arith.constant 0 : i32
      %dma_wait3A_241 = arith.constant 0 : i32
      %dma_wait3A_242 = tpu.memref_slice %arg3[%add3A_11, %dma_wait3A_240, %dma_wait3A_241] : memref<4x10000x128xf32, #tpu.memory_space<hbm>> -> memref<1x10000x128xf32, #tpu.memory_space<hbm>>
      %dma_wait3A_243 = tpu.memref_squeeze %dma_wait3A_242 : memref<1x10000x128xf32, #tpu.memory_space<hbm>> -> memref<10000x128xf32, #tpu.memory_space<hbm>>
      %dma_wait3A_244 = arith.constant 0 : i32
      %dma_wait3A_245 = arith.constant 0 : i32
      %dma_wait3A_246 = tpu.memref_slice %dma_wait3A_243[%dma_wait3A_244, %dma_wait3A_245] : memref<10000x128xf32, #tpu.memory_space<hbm>> -> memref<10000x128xf32, #tpu.memory_space<hbm>>
      tpu.wait_indirect_dma semaphore(%arg10 : memref<!tpu.dma_semaphore, #tpu.memory_space<semaphore_mem>>) src(%dma_wait3A_246 : memref<10000x128xf32, #tpu.memory_space<hbm>>) dst(%arg7 : memref<128x128xf32, #tpu.memory_space<vmem>>)
      %run_scoped3A_247 = arith.constant 15 : i32
      "tpu.region"() ({
        %run_scoped3A_248 = tpu.sem_alloc : memref<!tpu.dma_semaphore, #tpu.memory_space<semaphore_mem>>
        %dma_start3A_249 = arith.constant 0 : i32
        %dma_start3A_250 = tpu.memref_slice %arg5[%run_scoped3A_247, %dma_start3A_249] : memref<16x128xi32, #tpu.memory_space<vmem>> -> memref<1x128xi32, #tpu.memory_space<vmem>>
        %dma_start3A_251 = tpu.memref_squeeze %dma_start3A_250 : memref<1x128xi32, #tpu.memory_space<vmem>> -> memref<128xi32, #tpu.memory_space<vmem>>
        %dma_start3A_252 = arith.constant 0 : i32
        %dma_start3A_253 = arith.constant 0 : i32
        %dma_start3A_254 = tpu.memref_slice %arg8[%dma_start3A_252, %dma_start3A_253] : memref<10240x128xf32, #tpu.memory_space<vmem_shared>> -> memref<10240x128xf32, #tpu.memory_space<vmem_shared>>
        tpu.enqueue_indirect_dma source(%arg7 : memref<128x128xf32, #tpu.memory_space<vmem>>) target(%dma_start3A_254 : memref<10240x128xf32, #tpu.memory_space<vmem_shared>>) offsets(%dma_start3A_251 : memref<128xi32, #tpu.memory_space<vmem>>) semaphore(%run_scoped3A_248 : memref<!tpu.dma_semaphore, #tpu.memory_space<semaphore_mem>>) {add = true}
        %dma_wait3A_255 = arith.constant 0 : i32
        %dma_wait3A_256 = tpu.memref_slice %arg5[%run_scoped3A_247, %dma_wait3A_255] : memref<16x128xi32, #tpu.memory_space<vmem>> -> memref<1x128xi32, #tpu.memory_space<vmem>>
        %dma_wait3A_257 = tpu.memref_squeeze %dma_wait3A_256 : memref<1x128xi32, #tpu.memory_space<vmem>> -> memref<128xi32, #tpu.memory_space<vmem>>
        %dma_wait3A_258 = arith.constant 0 : i32
        %dma_wait3A_259 = arith.constant 0 : i32
        %dma_wait3A_260 = tpu.memref_slice %arg8[%dma_wait3A_258, %dma_wait3A_259] : memref<10240x128xf32, #tpu.memory_space<vmem_shared>> -> memref<10240x128xf32, #tpu.memory_space<vmem_shared>>
        tpu.wait_indirect_dma semaphore(%run_scoped3A_248 : memref<!tpu.dma_semaphore, #tpu.memory_space<semaphore_mem>>) src(%arg7 : memref<128x128xf32, #tpu.memory_space<vmem>>) dst(%dma_wait3A_260 : memref<10240x128xf32, #tpu.memory_space<vmem_shared>>)
        tpu.yield
      }) : () -> ()
    }
    %scan3A_16 = arith.constant 20 : i32
    %barrier3A_17 = arith.constant 0 : index
    tpu.barrier barrier_id(%barrier3A_17)
    %lt3A = arith.constant 15 : i32
    %lt3A_18 = arith.cmpi slt, %arg1, %lt3A : i32
    %convert_element_type3A = arith.extui %lt3A_18 : i1 to i32
    %cond3A = arith.constant 0 : i32
    %cond3A_19 = arith.cmpi ne, %convert_element_type3A, %cond3A : i32
    scf.if %cond3A_19 {
      %mul3A_55 = arith.constant 640 : i32
      %mul3A_56 = arith.muli %arg1, %mul3A_55 : i32
      %mul3A_57 = arith.constant 640 : i32
      %mul3A_58 = arith.muli %arg1, %mul3A_57 : i32
      "tpu.region"() ({
        %run_scoped3A = tpu.sem_alloc : memref<!tpu.dma_semaphore, #tpu.memory_space<semaphore_mem>>
        %dma_start3A = arith.constant 0 : i32
        %dma_start3A_59 = arith.constant 0 : i32
        %dma_start3A_60 = tpu.memref_slice %arg4[%add3A_11, %dma_start3A, %dma_start3A_59] : memref<4x10000x128xf32, #tpu.memory_space<hbm>> -> memref<1x10000x128xf32, #tpu.memory_space<hbm>>
        %dma_start3A_61 = tpu.memref_squeeze %dma_start3A_60 : memref<1x10000x128xf32, #tpu.memory_space<hbm>> -> memref<10000x128xf32, #tpu.memory_space<hbm>>
        %dma_start3A_62 = arith.constant 0 : i32
        %dma_start3A_63 = tpu.memref_slice %dma_start3A_61[%mul3A_58, %dma_start3A_62] : memref<10000x128xf32, #tpu.memory_space<hbm>> -> memref<640x128xf32, #tpu.memory_space<hbm>>
        %dma_start3A_64 = arith.constant 0 : i32
        %dma_start3A_65 = tpu.memref_slice %arg8[%mul3A_56, %dma_start3A_64] : memref<10240x128xf32, #tpu.memory_space<vmem_shared>> -> memref<640x128xf32, #tpu.memory_space<vmem_shared>>
        tpu.enqueue_dma source(%dma_start3A_65 : memref<640x128xf32, #tpu.memory_space<vmem_shared>>) target(%dma_start3A_63 : memref<640x128xf32, #tpu.memory_space<hbm>>) target_semaphore(%run_scoped3A : memref<!tpu.dma_semaphore, #tpu.memory_space<semaphore_mem>>)
        %dma_wait3A = arith.constant 0 : i32
        %dma_wait3A_66 = arith.constant 0 : i32
        %dma_wait3A_67 = tpu.memref_slice %arg4[%add3A_11, %dma_wait3A, %dma_wait3A_66] : memref<4x10000x128xf32, #tpu.memory_space<hbm>> -> memref<1x10000x128xf32, #tpu.memory_space<hbm>>
        %dma_wait3A_68 = tpu.memref_squeeze %dma_wait3A_67 : memref<1x10000x128xf32, #tpu.memory_space<hbm>> -> memref<10000x128xf32, #tpu.memory_space<hbm>>
        %dma_wait3A_69 = arith.constant 0 : i32
        %dma_wait3A_70 = tpu.memref_slice %dma_wait3A_68[%mul3A_58, %dma_wait3A_69] : memref<10000x128xf32, #tpu.memory_space<hbm>> -> memref<640x128xf32, #tpu.memory_space<hbm>>
        %dma_wait3A_71 = arith.constant 0 : i32
        %dma_wait3A_72 = tpu.memref_slice %arg8[%mul3A_56, %dma_wait3A_71] : memref<10240x128xf32, #tpu.memory_space<vmem_shared>> -> memref<640x128xf32, #tpu.memory_space<vmem_shared>>
        tpu.wait_dma2 semaphore(%run_scoped3A : memref<!tpu.dma_semaphore, #tpu.memory_space<semaphore_mem>>) src(%dma_wait3A_72 : memref<640x128xf32, #tpu.memory_space<vmem_shared>>) dst(%dma_wait3A_70 : memref<640x128xf32, #tpu.memory_space<hbm>>)
        tpu.yield
      }) : () -> ()
    } else {
    }
    %eq3A = arith.constant 15 : i32
    %eq3A_20 = arith.cmpi eq, %arg1, %eq3A : i32
    %convert_element_type3A_21 = arith.extui %eq3A_20 : i1 to i32
    %cond3A_22 = arith.constant 0 : i32
    %cond3A_23 = arith.cmpi ne, %convert_element_type3A_21, %cond3A_22 : i32
    scf.if %cond3A_23 {
      "tpu.region"() ({
        %run_scoped3A = tpu.sem_alloc : memref<!tpu.dma_semaphore, #tpu.memory_space<semaphore_mem>>
        %dma_start3A = arith.constant 0 : i32
        %dma_start3A_55 = arith.constant 0 : i32
        %dma_start3A_56 = tpu.memref_slice %arg4[%add3A_11, %dma_start3A, %dma_start3A_55] : memref<4x10000x128xf32, #tpu.memory_space<hbm>> -> memref<1x10000x128xf32, #tpu.memory_space<hbm>>
        %dma_start3A_57 = tpu.memref_squeeze %dma_start3A_56 : memref<1x10000x128xf32, #tpu.memory_space<hbm>> -> memref<10000x128xf32, #tpu.memory_space<hbm>>
        %dma_start3A_58 = arith.constant 9600 : i32
        %dma_start3A_59 = arith.constant 0 : i32
        %dma_start3A_60 = tpu.memref_slice %dma_start3A_57[%dma_start3A_58, %dma_start3A_59] : memref<10000x128xf32, #tpu.memory_space<hbm>> -> memref<400x128xf32, #tpu.memory_space<hbm>>
        %dma_start3A_61 = arith.constant 9600 : i32
        %dma_start3A_62 = arith.constant 0 : i32
        %dma_start3A_63 = tpu.memref_slice %arg8[%dma_start3A_61, %dma_start3A_62] : memref<10240x128xf32, #tpu.memory_space<vmem_shared>> -> memref<400x128xf32, #tpu.memory_space<vmem_shared>>
        tpu.enqueue_dma source(%dma_start3A_63 : memref<400x128xf32, #tpu.memory_space<vmem_shared>>) target(%dma_start3A_60 : memref<400x128xf32, #tpu.memory_space<hbm>>) target_semaphore(%run_scoped3A : memref<!tpu.dma_semaphore, #tpu.memory_space<semaphore_mem>>)
        %dma_wait3A = arith.constant 0 : i32
        %dma_wait3A_64 = arith.constant 0 : i32
        %dma_wait3A_65 = tpu.memref_slice %arg4[%add3A_11, %dma_wait3A, %dma_wait3A_64] : memref<4x10000x128xf32, #tpu.memory_space<hbm>> -> memref<1x10000x128xf32, #tpu.memory_space<hbm>>
        %dma_wait3A_66 = tpu.memref_squeeze %dma_wait3A_65 : memref<1x10000x128xf32, #tpu.memory_space<hbm>> -> memref<10000x128xf32, #tpu.memory_space<hbm>>
        %dma_wait3A_67 = arith.constant 9600 : i32
        %dma_wait3A_68 = arith.constant 0 : i32
        %dma_wait3A_69 = tpu.memref_slice %dma_wait3A_66[%dma_wait3A_67, %dma_wait3A_68] : memref<10000x128xf32, #tpu.memory_space<hbm>> -> memref<400x128xf32, #tpu.memory_space<hbm>>
        %dma_wait3A_70 = arith.constant 9600 : i32
        %dma_wait3A_71 = arith.constant 0 : i32
        %dma_wait3A_72 = tpu.memref_slice %arg8[%dma_wait3A_70, %dma_wait3A_71] : memref<10240x128xf32, #tpu.memory_space<vmem_shared>> -> memref<400x128xf32, #tpu.memory_space<vmem_shared>>
        tpu.wait_dma2 semaphore(%run_scoped3A : memref<!tpu.dma_semaphore, #tpu.memory_space<semaphore_mem>>) src(%dma_wait3A_72 : memref<400x128xf32, #tpu.memory_space<vmem_shared>>) dst(%dma_wait3A_69 : memref<400x128xf32, #tpu.memory_space<hbm>>)
        tpu.yield
      }) : () -> ()
    } else {
    }
    %scan3A_24 = arith.constant 0 : i32
    %scan3A_25 = arith.constant 1024 : i32
    %scan3A_26 = arith.addi %scan3A_24, %scan3A_25 : i32
    %scan3A_27 = arith.constant 1 : i32
    scf.for %scan3A_55 = %scan3A_24 to %scan3A_26 step %scan3A_27  : i32 {
      %mul3A_56 = arith.constant 1 : i32
      %mul3A_57 = arith.muli %scan3A_55, %mul3A_56 : i32
      %add3A_58 = arith.constant 0 : i32
      %add3A_59 = arith.addi %add3A_58, %mul3A_57 : i32
      %jit3A = arith.constant 8 : i32
      %div3A = arith.divsi %add3A_59, %jit3A : i32
      %sign3A = arith.constant 0 : i32
      %sign3A_60 = arith.cmpi sgt, %add3A_59, %sign3A : i32
      %sign3A_61 = arith.extui %sign3A_60 : i1 to i32
      %sign3A_62 = arith.constant 0 : i32
      %sign3A_63 = arith.cmpi slt, %add3A_59, %sign3A_62 : i32
      %sign3A_64 = arith.extui %sign3A_63 : i1 to i32
      %sign3A_65 = arith.subi %sign3A_61, %sign3A_64 : i32
      %sign3A_66 = arith.constant 0 : i32
      %sign3A_67 = arith.cmpi sgt, %jit3A, %sign3A_66 : i32
      %sign3A_68 = arith.extui %sign3A_67 : i1 to i32
      %sign3A_69 = arith.constant 0 : i32
      %sign3A_70 = arith.cmpi slt, %jit3A, %sign3A_69 : i32
      %sign3A_71 = arith.extui %sign3A_70 : i1 to i32
      %sign3A_72 = arith.subi %sign3A_68, %sign3A_71 : i32
      %ne3A = arith.cmpi ne, %sign3A_65, %sign3A_72 : i32
      %rem3A = arith.remsi %add3A_59, %jit3A : i32
      %ne3A_73 = arith.constant 0 : i32
      %ne3A_74 = arith.cmpi ne, %rem3A, %ne3A_73 : i32
      %and3A = arith.andi %ne3A, %ne3A_74 : i1
      %sub3A = arith.constant 1 : i32
      %sub3A_75 = arith.subi %div3A, %sub3A : i32
      %select_n3A = arith.select %and3A, %sub3A_75, %div3A : i32
      %jit3A_76 = arith.constant 8 : i32
      %eq3A_77 = arith.constant 0 : i32
      %eq3A_78 = arith.cmpi eq, %jit3A_76, %eq3A_77 : i32
      %jit3A_79 = arith.constant 1 : i32
      %select_n3A_80 = arith.select %eq3A_78, %jit3A_79, %jit3A_76 : i32
      %rem3A_81 = arith.remsi %add3A_59, %select_n3A_80 : i32
      %ne3A_82 = arith.constant 0 : i32
      %ne3A_83 = arith.cmpi ne, %rem3A_81, %ne3A_82 : i32
      %lt3A_84 = arith.constant 0 : i32
      %lt3A_85 = arith.cmpi slt, %rem3A_81, %lt3A_84 : i32
      %lt3A_86 = arith.constant 0 : i32
      %lt3A_87 = arith.cmpi slt, %select_n3A_80, %lt3A_86 : i32
      %ne3A_88 = arith.xori %lt3A_85, %lt3A_87 : i1
      %and3A_89 = arith.andi %ne3A_88, %ne3A_83 : i1
      %add3A_90 = arith.addi %rem3A_81, %select_n3A_80 : i32
      %select_n3A_91 = arith.select %and3A_89, %add3A_90, %rem3A_81 : i32
      %mul3A_92 = arith.constant 16 : i32
      %mul3A_93 = arith.muli %select_n3A_91, %mul3A_92 : i32
      %swap3A = arith.index_cast %select_n3A : i32 to index
      %swap3A_94 = arith.index_cast %mul3A_93 : i32 to index
      %swap3A_95 = tpu.vector_load %arg6[%swap3A, %swap3A_94] {strides = array<i32>} : memref<128x128xf32, #tpu.memory_space<vmem>>, vector<1x16xf32>,
      %swap3A_96 = vector.shape_cast %swap3A_95 : vector<1x16xf32> to vector<16xf32>
      %swap3A_97 = vector.shape_cast %broadcast_in_dim3A_0 : vector<16xf32> to vector<1x16xf32>
      tpu.vector_store %arg6[%swap3A, %swap3A_94], %swap3A_97 {strides = array<i32>} : memref<128x128xf32, #tpu.memory_space<vmem>>, vector<1x16xf32>,
    }
    %scan3A_28 = arith.constant 1024 : i32
    %scan3A_29 = arith.constant 0 : i32
    %scan3A_30 = arith.constant 5 : i32
    %scan3A_31 = arith.addi %scan3A_29, %scan3A_30 : i32
    %scan3A_32 = arith.constant 1 : i32
    scf.for %scan3A_55 = %scan3A_29 to %scan3A_31 step %scan3A_32  : i32 {
      %mul3A_56 = arith.constant 1 : i32
      %mul3A_57 = arith.muli %scan3A_55, %mul3A_56 : i32
      %add3A_58 = arith.constant 0 : i32
      %add3A_59 = arith.addi %add3A_58, %mul3A_57 : i32
      %mul3A_60 = arith.constant 640 : i32
      %mul3A_61 = arith.muli %arg1, %mul3A_60 : i32
      %mul3A_62 = arith.constant 128 : i32
      %mul3A_63 = arith.muli %add3A_59, %mul3A_62 : i32
      %add3A_64 = arith.addi %mul3A_61, %mul3A_63 : i32
      "tpu.region"() ({
        %run_scoped3A = tpu.sem_alloc : memref<!tpu.dma_semaphore, #tpu.memory_space<semaphore_mem>>
        %dma_start3A = arith.constant 0 : i32
        %dma_start3A_65 = tpu.memref_slice %arg8[%add3A_64, %dma_start3A] : memref<10240x128xf32, #tpu.memory_space<vmem_shared>> -> memref<128x128xf32, #tpu.memory_space<vmem_shared>>
        %dma_start3A_66 = arith.constant 0 : i32
        %dma_start3A_67 = tpu.memref_slice %arg8[%add3A_64, %dma_start3A_66] : memref<10240x128xf32, #tpu.memory_space<vmem_shared>> -> memref<128x128xf32, #tpu.memory_space<vmem_shared>>
        tpu.enqueue_dma source(%arg6 : memref<128x128xf32, #tpu.memory_space<vmem>>) target(%dma_start3A_67 : memref<128x128xf32, #tpu.memory_space<vmem_shared>>) target_semaphore(%run_scoped3A : memref<!tpu.dma_semaphore, #tpu.memory_space<semaphore_mem>>)
        %dma_wait3A = arith.constant 0 : i32
        %dma_wait3A_68 = tpu.memref_slice %arg8[%add3A_64, %dma_wait3A] : memref<10240x128xf32, #tpu.memory_space<vmem_shared>> -> memref<128x128xf32, #tpu.memory_space<vmem_shared>>
        %dma_wait3A_69 = arith.constant 0 : i32
        %dma_wait3A_70 = tpu.memref_slice %arg8[%add3A_64, %dma_wait3A_69] : memref<10240x128xf32, #tpu.memory_space<vmem_shared>> -> memref<128x128xf32, #tpu.memory_space<vmem_shared>>
        tpu.wait_dma2 semaphore(%run_scoped3A : memref<!tpu.dma_semaphore, #tpu.memory_space<semaphore_mem>>) src(%arg6 : memref<128x128xf32, #tpu.memory_space<vmem>>) dst(%dma_wait3A_70 : memref<128x128xf32, #tpu.memory_space<vmem_shared>>)
        tpu.yield
      }) : () -> ()
    }
    %scan3A_33 = arith.constant 5 : i32
    %barrier3A_34 = arith.constant 0 : index
    tpu.barrier barrier_id(%barrier3A_34)
    %mul3A_35 = arith.constant 2 : i32
    %mul3A_36 = arith.muli %arg0, %mul3A_35 : i32
    %add3A_37 = arith.constant 1 : i32
    %add3A_38 = arith.addi %mul3A_36, %add3A_37 : i32
    %scan3A_39 = arith.constant 0 : i32
    %scan3A_40 = arith.constant 20 : i32
    %scan3A_41 = arith.addi %scan3A_39, %scan3A_40 : i32
    %scan3A_42 = arith.constant 1 : i32
    scf.for %scan3A_55 = %scan3A_39 to %scan3A_41 step %scan3A_42  : i32 {
      %mul3A_56 = arith.constant 1 : i32
      %mul3A_57 = arith.muli %scan3A_55, %mul3A_56 : i32
      %add3A_58 = arith.constant 0 : i32
      %add3A_59 = arith.addi %add3A_58, %mul3A_57 : i32
      %mul3A_60 = arith.constant 160 : i32
      %mul3A_61 = arith.muli %arg1, %mul3A_60 : i32
      %mul3A_62 = arith.constant 8 : i32
      %mul3A_63 = arith.muli %add3A_59, %mul3A_62 : i32
      %add3A_64 = arith.addi %mul3A_61, %mul3A_63 : i32
      %mul3A_65 = arith.constant 2 : i32
      %mul3A_66 = arith.muli %add3A_64, %mul3A_65 : i32
      "tpu.region"() ({
        %run_scoped3A_248 = tpu.sem_alloc : memref<!tpu.dma_semaphore, #tpu.memory_space<semaphore_mem>>
        %dma_start3A_249 = arith.constant 0 : i32
        %dma_start3A_250 = tpu.memref_slice %arg2[%mul3A_66, %dma_start3A_249] : memref<5120x128xi32, #tpu.memory_space<hbm>> -> memref<16x128xi32, #tpu.memory_space<hbm>>
        %dma_start3A_251 = arith.constant 0 : i32
        %dma_start3A_252 = tpu.memref_slice %arg2[%mul3A_66, %dma_start3A_251] : memref<5120x128xi32, #tpu.memory_space<hbm>> -> memref<16x128xi32, #tpu.memory_space<hbm>>
        tpu.enqueue_dma source(%dma_start3A_252 : memref<16x128xi32, #tpu.memory_space<hbm>>) target(%arg5 : memref<16x128xi32, #tpu.memory_space<vmem>>) target_semaphore(%run_scoped3A_248 : memref<!tpu.dma_semaphore, #tpu.memory_space<semaphore_mem>>)
        %dma_wait3A_253 = arith.constant 0 : i32
        %dma_wait3A_254 = tpu.memref_slice %arg2[%mul3A_66, %dma_wait3A_253] : memref<5120x128xi32, #tpu.memory_space<hbm>> -> memref<16x128xi32, #tpu.memory_space<hbm>>
        %dma_wait3A_255 = arith.constant 0 : i32
        %dma_wait3A_256 = tpu.memref_slice %arg2[%mul3A_66, %dma_wait3A_255] : memref<5120x128xi32, #tpu.memory_space<hbm>> -> memref<16x128xi32, #tpu.memory_space<hbm>>
        tpu.wait_dma2 semaphore(%run_scoped3A_248 : memref<!tpu.dma_semaphore, #tpu.memory_space<semaphore_mem>>) src(%dma_wait3A_256 : memref<16x128xi32, #tpu.memory_space<hbm>>) dst(%arg5 : memref<16x128xi32, #tpu.memory_space<vmem>>)
        tpu.yield
      }) : () -> ()
      %dma_start3A = arith.constant 0 : i32
      %dma_start3A_67 = arith.constant 0 : i32
      %dma_start3A_68 = tpu.memref_slice %arg5[%dma_start3A, %dma_start3A_67] : memref<16x128xi32, #tpu.memory_space<vmem>> -> memref<1x128xi32, #tpu.memory_space<vmem>>
      %dma_start3A_69 = tpu.memref_squeeze %dma_start3A_68 : memref<1x128xi32, #tpu.memory_space<vmem>> -> memref<128xi32, #tpu.memory_space<vmem>>
      %dma_start3A_70 = arith.constant 0 : i32
      %dma_start3A_71 = arith.constant 0 : i32
      %dma_start3A_72 = tpu.memref_slice %arg3[%add3A_38, %dma_start3A_70, %dma_start3A_71] : memref<4x10000x128xf32, #tpu.memory_space<hbm>> -> memref<1x10000x128xf32, #tpu.memory_space<hbm>>
      %dma_start3A_73 = tpu.memref_squeeze %dma_start3A_72 : memref<1x10000x128xf32, #tpu.memory_space<hbm>> -> memref<10000x128xf32, #tpu.memory_space<hbm>>
      %dma_start3A_74 = arith.constant 0 : i32
      %dma_start3A_75 = arith.constant 0 : i32
      %dma_start3A_76 = tpu.memref_slice %dma_start3A_73[%dma_start3A_74, %dma_start3A_75] : memref<10000x128xf32, #tpu.memory_space<hbm>> -> memref<10000x128xf32, #tpu.memory_space<hbm>>
      tpu.enqueue_indirect_dma source(%dma_start3A_76 : memref<10000x128xf32, #tpu.memory_space<hbm>>) target(%arg6 : memref<128x128xf32, #tpu.memory_space<vmem>>) offsets(%dma_start3A_69 : memref<128xi32, #tpu.memory_space<vmem>>) semaphore(%arg9 : memref<!tpu.dma_semaphore, #tpu.memory_space<semaphore_mem>>)
      %dma_start3A_77 = arith.constant 2 : i32
      %dma_start3A_78 = arith.constant 0 : i32
      %dma_start3A_79 = tpu.memref_slice %arg5[%dma_start3A_77, %dma_start3A_78] : memref<16x128xi32, #tpu.memory_space<vmem>> -> memref<1x128xi32, #tpu.memory_space<vmem>>
      %dma_start3A_80 = tpu.memref_squeeze %dma_start3A_79 : memref<1x128xi32, #tpu.memory_space<vmem>> -> memref<128xi32, #tpu.memory_space<vmem>>
      %dma_start3A_81 = arith.constant 0 : i32
      %dma_start3A_82 = arith.constant 0 : i32
      %dma_start3A_83 = tpu.memref_slice %arg3[%add3A_38, %dma_start3A_81, %dma_start3A_82] : memref<4x10000x128xf32, #tpu.memory_space<hbm>> -> memref<1x10000x128xf32, #tpu.memory_space<hbm>>
      %dma_start3A_84 = tpu.memref_squeeze %dma_start3A_83 : memref<1x10000x128xf32, #tpu.memory_space<hbm>> -> memref<10000x128xf32, #tpu.memory_space<hbm>>
      %dma_start3A_85 = arith.constant 0 : i32
      %dma_start3A_86 = arith.constant 0 : i32
      %dma_start3A_87 = tpu.memref_slice %dma_start3A_84[%dma_start3A_85, %dma_start3A_86] : memref<10000x128xf32, #tpu.memory_space<hbm>> -> memref<10000x128xf32, #tpu.memory_space<hbm>>
      tpu.enqueue_indirect_dma source(%dma_start3A_87 : memref<10000x128xf32, #tpu.memory_space<hbm>>) target(%arg7 : memref<128x128xf32, #tpu.memory_space<vmem>>) offsets(%dma_start3A_80 : memref<128xi32, #tpu.memory_space<vmem>>) semaphore(%arg10 : memref<!tpu.dma_semaphore, #tpu.memory_space<semaphore_mem>>)
      %dma_wait3A = arith.constant 0 : i32
      %dma_wait3A_88 = arith.constant 0 : i32
      %dma_wait3A_89 = tpu.memref_slice %arg5[%dma_wait3A, %dma_wait3A_88] : memref<16x128xi32, #tpu.memory_space<vmem>> -> memref<1x128xi32, #tpu.memory_space<vmem>>
      %dma_wait3A_90 = tpu.memref_squeeze %dma_wait3A_89 : memref<1x128xi32, #tpu.memory_space<vmem>> -> memref<128xi32, #tpu.memory_space<vmem>>
      %dma_wait3A_91 = arith.constant 0 : i32
      %dma_wait3A_92 = arith.constant 0 : i32
      %dma_wait3A_93 = tpu.memref_slice %arg3[%add3A_38, %dma_wait3A_91, %dma_wait3A_92] : memref<4x10000x128xf32, #tpu.memory_space<hbm>> -> memref<1x10000x128xf32, #tpu.memory_space<hbm>>
      %dma_wait3A_94 = tpu.memref_squeeze %dma_wait3A_93 : memref<1x10000x128xf32, #tpu.memory_space<hbm>> -> memref<10000x128xf32, #tpu.memory_space<hbm>>
      %dma_wait3A_95 = arith.constant 0 : i32
      %dma_wait3A_96 = arith.constant 0 : i32
      %dma_wait3A_97 = tpu.memref_slice %dma_wait3A_94[%dma_wait3A_95, %dma_wait3A_96] : memref<10000x128xf32, #tpu.memory_space<hbm>> -> memref<10000x128xf32, #tpu.memory_space<hbm>>
      tpu.wait_indirect_dma semaphore(%arg9 : memref<!tpu.dma_semaphore, #tpu.memory_space<semaphore_mem>>) src(%dma_wait3A_97 : memref<10000x128xf32, #tpu.memory_space<hbm>>) dst(%arg6 : memref<128x128xf32, #tpu.memory_space<vmem>>)
      %run_scoped3A = arith.constant 1 : i32
      "tpu.region"() ({
        %run_scoped3A_248 = tpu.sem_alloc : memref<!tpu.dma_semaphore, #tpu.memory_space<semaphore_mem>>
        %dma_start3A_249 = arith.constant 0 : i32
        %dma_start3A_250 = tpu.memref_slice %arg5[%run_scoped3A, %dma_start3A_249] : memref<16x128xi32, #tpu.memory_space<vmem>> -> memref<1x128xi32, #tpu.memory_space<vmem>>
        %dma_start3A_251 = tpu.memref_squeeze %dma_start3A_250 : memref<1x128xi32, #tpu.memory_space<vmem>> -> memref<128xi32, #tpu.memory_space<vmem>>
        %dma_start3A_252 = arith.constant 0 : i32
        %dma_start3A_253 = arith.constant 0 : i32
        %dma_start3A_254 = tpu.memref_slice %arg8[%dma_start3A_252, %dma_start3A_253] : memref<10240x128xf32, #tpu.memory_space<vmem_shared>> -> memref<10240x128xf32, #tpu.memory_space<vmem_shared>>
        tpu.enqueue_indirect_dma source(%arg6 : memref<128x128xf32, #tpu.memory_space<vmem>>) target(%dma_start3A_254 : memref<10240x128xf32, #tpu.memory_space<vmem_shared>>) offsets(%dma_start3A_251 : memref<128xi32, #tpu.memory_space<vmem>>) semaphore(%run_scoped3A_248 : memref<!tpu.dma_semaphore, #tpu.memory_space<semaphore_mem>>) {add = true}
        %dma_wait3A_255 = arith.constant 0 : i32
        %dma_wait3A_256 = tpu.memref_slice %arg5[%run_scoped3A, %dma_wait3A_255] : memref<16x128xi32, #tpu.memory_space<vmem>> -> memref<1x128xi32, #tpu.memory_space<vmem>>
        %dma_wait3A_257 = tpu.memref_squeeze %dma_wait3A_256 : memref<1x128xi32, #tpu.memory_space<vmem>> -> memref<128xi32, #tpu.memory_space<vmem>>
        %dma_wait3A_258 = arith.constant 0 : i32
        %dma_wait3A_259 = arith.constant 0 : i32
        %dma_wait3A_260 = tpu.memref_slice %arg8[%dma_wait3A_258, %dma_wait3A_259] : memref<10240x128xf32, #tpu.memory_space<vmem_shared>> -> memref<10240x128xf32, #tpu.memory_space<vmem_shared>>
        tpu.wait_indirect_dma semaphore(%run_scoped3A_248 : memref<!tpu.dma_semaphore, #tpu.memory_space<semaphore_mem>>) src(%arg6 : memref<128x128xf32, #tpu.memory_space<vmem>>) dst(%dma_wait3A_260 : memref<10240x128xf32, #tpu.memory_space<vmem_shared>>)
        tpu.yield
      }) : () -> ()
      %dma_start3A_98 = arith.constant 4 : i32
      %dma_start3A_99 = arith.constant 0 : i32
      %dma_start3A_100 = tpu.memref_slice %arg5[%dma_start3A_98, %dma_start3A_99] : memref<16x128xi32, #tpu.memory_space<vmem>> -> memref<1x128xi32, #tpu.memory_space<vmem>>
      %dma_start3A_101 = tpu.memref_squeeze %dma_start3A_100 : memref<1x128xi32, #tpu.memory_space<vmem>> -> memref<128xi32, #tpu.memory_space<vmem>>
      %dma_start3A_102 = arith.constant 0 : i32
      %dma_start3A_103 = arith.constant 0 : i32
      %dma_start3A_104 = tpu.memref_slice %arg3[%add3A_38, %dma_start3A_102, %dma_start3A_103] : memref<4x10000x128xf32, #tpu.memory_space<hbm>> -> memref<1x10000x128xf32, #tpu.memory_space<hbm>>
      %dma_start3A_105 = tpu.memref_squeeze %dma_start3A_104 : memref<1x10000x128xf32, #tpu.memory_space<hbm>> -> memref<10000x128xf32, #tpu.memory_space<hbm>>
      %dma_start3A_106 = arith.constant 0 : i32
      %dma_start3A_107 = arith.constant 0 : i32
      %dma_start3A_108 = tpu.memref_slice %dma_start3A_105[%dma_start3A_106, %dma_start3A_107] : memref<10000x128xf32, #tpu.memory_space<hbm>> -> memref<10000x128xf32, #tpu.memory_space<hbm>>
      tpu.enqueue_indirect_dma source(%dma_start3A_108 : memref<10000x128xf32, #tpu.memory_space<hbm>>) target(%arg6 : memref<128x128xf32, #tpu.memory_space<vmem>>) offsets(%dma_start3A_101 : memref<128xi32, #tpu.memory_space<vmem>>) semaphore(%arg9 : memref<!tpu.dma_semaphore, #tpu.memory_space<semaphore_mem>>)
      %dma_wait3A_109 = arith.constant 2 : i32
      %dma_wait3A_110 = arith.constant 0 : i32
      %dma_wait3A_111 = tpu.memref_slice %arg5[%dma_wait3A_109, %dma_wait3A_110] : memref<16x128xi32, #tpu.memory_space<vmem>> -> memref<1x128xi32, #tpu.memory_space<vmem>>
      %dma_wait3A_112 = tpu.memref_squeeze %dma_wait3A_111 : memref<1x128xi32, #tpu.memory_space<vmem>> -> memref<128xi32, #tpu.memory_space<vmem>>
      %dma_wait3A_113 = arith.constant 0 : i32
      %dma_wait3A_114 = arith.constant 0 : i32
      %dma_wait3A_115 = tpu.memref_slice %arg3[%add3A_38, %dma_wait3A_113, %dma_wait3A_114] : memref<4x10000x128xf32, #tpu.memory_space<hbm>> -> memref<1x10000x128xf32, #tpu.memory_space<hbm>>
      %dma_wait3A_116 = tpu.memref_squeeze %dma_wait3A_115 : memref<1x10000x128xf32, #tpu.memory_space<hbm>> -> memref<10000x128xf32, #tpu.memory_space<hbm>>
      %dma_wait3A_117 = arith.constant 0 : i32
      %dma_wait3A_118 = arith.constant 0 : i32
      %dma_wait3A_119 = tpu.memref_slice %dma_wait3A_116[%dma_wait3A_117, %dma_wait3A_118] : memref<10000x128xf32, #tpu.memory_space<hbm>> -> memref<10000x128xf32, #tpu.memory_space<hbm>>
      tpu.wait_indirect_dma semaphore(%arg10 : memref<!tpu.dma_semaphore, #tpu.memory_space<semaphore_mem>>) src(%dma_wait3A_119 : memref<10000x128xf32, #tpu.memory_space<hbm>>) dst(%arg7 : memref<128x128xf32, #tpu.memory_space<vmem>>)
      %run_scoped3A_120 = arith.constant 3 : i32
      "tpu.region"() ({
        %run_scoped3A_248 = tpu.sem_alloc : memref<!tpu.dma_semaphore, #tpu.memory_space<semaphore_mem>>
        %dma_start3A_249 = arith.constant 0 : i32
        %dma_start3A_250 = tpu.memref_slice %arg5[%run_scoped3A_120, %dma_start3A_249] : memref<16x128xi32, #tpu.memory_space<vmem>> -> memref<1x128xi32, #tpu.memory_space<vmem>>
        %dma_start3A_251 = tpu.memref_squeeze %dma_start3A_250 : memref<1x128xi32, #tpu.memory_space<vmem>> -> memref<128xi32, #tpu.memory_space<vmem>>
        %dma_start3A_252 = arith.constant 0 : i32
        %dma_start3A_253 = arith.constant 0 : i32
        %dma_start3A_254 = tpu.memref_slice %arg8[%dma_start3A_252, %dma_start3A_253] : memref<10240x128xf32, #tpu.memory_space<vmem_shared>> -> memref<10240x128xf32, #tpu.memory_space<vmem_shared>>
        tpu.enqueue_indirect_dma source(%arg7 : memref<128x128xf32, #tpu.memory_space<vmem>>) target(%dma_start3A_254 : memref<10240x128xf32, #tpu.memory_space<vmem_shared>>) offsets(%dma_start3A_251 : memref<128xi32, #tpu.memory_space<vmem>>) semaphore(%run_scoped3A_248 : memref<!tpu.dma_semaphore, #tpu.memory_space<semaphore_mem>>) {add = true}
        %dma_wait3A_255 = arith.constant 0 : i32
        %dma_wait3A_256 = tpu.memref_slice %arg5[%run_scoped3A_120, %dma_wait3A_255] : memref<16x128xi32, #tpu.memory_space<vmem>> -> memref<1x128xi32, #tpu.memory_space<vmem>>
        %dma_wait3A_257 = tpu.memref_squeeze %dma_wait3A_256 : memref<1x128xi32, #tpu.memory_space<vmem>> -> memref<128xi32, #tpu.memory_space<vmem>>
        %dma_wait3A_258 = arith.constant 0 : i32
        %dma_wait3A_259 = arith.constant 0 : i32
        %dma_wait3A_260 = tpu.memref_slice %arg8[%dma_wait3A_258, %dma_wait3A_259] : memref<10240x128xf32, #tpu.memory_space<vmem_shared>> -> memref<10240x128xf32, #tpu.memory_space<vmem_shared>>
        tpu.wait_indirect_dma semaphore(%run_scoped3A_248 : memref<!tpu.dma_semaphore, #tpu.memory_space<semaphore_mem>>) src(%arg7 : memref<128x128xf32, #tpu.memory_space<vmem>>) dst(%dma_wait3A_260 : memref<10240x128xf32, #tpu.memory_space<vmem_shared>>)
        tpu.yield
      }) : () -> ()
      %dma_start3A_121 = arith.constant 6 : i32
      %dma_start3A_122 = arith.constant 0 : i32
      %dma_start3A_123 = tpu.memref_slice %arg5[%dma_start3A_121, %dma_start3A_122] : memref<16x128xi32, #tpu.memory_space<vmem>> -> memref<1x128xi32, #tpu.memory_space<vmem>>
      %dma_start3A_124 = tpu.memref_squeeze %dma_start3A_123 : memref<1x128xi32, #tpu.memory_space<vmem>> -> memref<128xi32, #tpu.memory_space<vmem>>
      %dma_start3A_125 = arith.constant 0 : i32
      %dma_start3A_126 = arith.constant 0 : i32
      %dma_start3A_127 = tpu.memref_slice %arg3[%add3A_38, %dma_start3A_125, %dma_start3A_126] : memref<4x10000x128xf32, #tpu.memory_space<hbm>> -> memref<1x10000x128xf32, #tpu.memory_space<hbm>>
      %dma_start3A_128 = tpu.memref_squeeze %dma_start3A_127 : memref<1x10000x128xf32, #tpu.memory_space<hbm>> -> memref<10000x128xf32, #tpu.memory_space<hbm>>
      %dma_start3A_129 = arith.constant 0 : i32
      %dma_start3A_130 = arith.constant 0 : i32
      %dma_start3A_131 = tpu.memref_slice %dma_start3A_128[%dma_start3A_129, %dma_start3A_130] : memref<10000x128xf32, #tpu.memory_space<hbm>> -> memref<10000x128xf32, #tpu.memory_space<hbm>>
      tpu.enqueue_indirect_dma source(%dma_start3A_131 : memref<10000x128xf32, #tpu.memory_space<hbm>>) target(%arg7 : memref<128x128xf32, #tpu.memory_space<vmem>>) offsets(%dma_start3A_124 : memref<128xi32, #tpu.memory_space<vmem>>) semaphore(%arg10 : memref<!tpu.dma_semaphore, #tpu.memory_space<semaphore_mem>>)
      %dma_wait3A_132 = arith.constant 4 : i32
      %dma_wait3A_133 = arith.constant 0 : i32
      %dma_wait3A_134 = tpu.memref_slice %arg5[%dma_wait3A_132, %dma_wait3A_133] : memref<16x128xi32, #tpu.memory_space<vmem>> -> memref<1x128xi32, #tpu.memory_space<vmem>>
      %dma_wait3A_135 = tpu.memref_squeeze %dma_wait3A_134 : memref<1x128xi32, #tpu.memory_space<vmem>> -> memref<128xi32, #tpu.memory_space<vmem>>
      %dma_wait3A_136 = arith.constant 0 : i32
      %dma_wait3A_137 = arith.constant 0 : i32
      %dma_wait3A_138 = tpu.memref_slice %arg3[%add3A_38, %dma_wait3A_136, %dma_wait3A_137] : memref<4x10000x128xf32, #tpu.memory_space<hbm>> -> memref<1x10000x128xf32, #tpu.memory_space<hbm>>
      %dma_wait3A_139 = tpu.memref_squeeze %dma_wait3A_138 : memref<1x10000x128xf32, #tpu.memory_space<hbm>> -> memref<10000x128xf32, #tpu.memory_space<hbm>>
      %dma_wait3A_140 = arith.constant 0 : i32
      %dma_wait3A_141 = arith.constant 0 : i32
      %dma_wait3A_142 = tpu.memref_slice %dma_wait3A_139[%dma_wait3A_140, %dma_wait3A_141] : memref<10000x128xf32, #tpu.memory_space<hbm>> -> memref<10000x128xf32, #tpu.memory_space<hbm>>
      tpu.wait_indirect_dma semaphore(%arg9 : memref<!tpu.dma_semaphore, #tpu.memory_space<semaphore_mem>>) src(%dma_wait3A_142 : memref<10000x128xf32, #tpu.memory_space<hbm>>) dst(%arg6 : memref<128x128xf32, #tpu.memory_space<vmem>>)
      %run_scoped3A_143 = arith.constant 5 : i32
      "tpu.region"() ({
        %run_scoped3A_248 = tpu.sem_alloc : memref<!tpu.dma_semaphore, #tpu.memory_space<semaphore_mem>>
        %dma_start3A_249 = arith.constant 0 : i32
        %dma_start3A_250 = tpu.memref_slice %arg5[%run_scoped3A_143, %dma_start3A_249] : memref<16x128xi32, #tpu.memory_space<vmem>> -> memref<1x128xi32, #tpu.memory_space<vmem>>
        %dma_start3A_251 = tpu.memref_squeeze %dma_start3A_250 : memref<1x128xi32, #tpu.memory_space<vmem>> -> memref<128xi32, #tpu.memory_space<vmem>>
        %dma_start3A_252 = arith.constant 0 : i32
        %dma_start3A_253 = arith.constant 0 : i32
        %dma_start3A_254 = tpu.memref_slice %arg8[%dma_start3A_252, %dma_start3A_253] : memref<10240x128xf32, #tpu.memory_space<vmem_shared>> -> memref<10240x128xf32, #tpu.memory_space<vmem_shared>>
        tpu.enqueue_indirect_dma source(%arg6 : memref<128x128xf32, #tpu.memory_space<vmem>>) target(%dma_start3A_254 : memref<10240x128xf32, #tpu.memory_space<vmem_shared>>) offsets(%dma_start3A_251 : memref<128xi32, #tpu.memory_space<vmem>>) semaphore(%run_scoped3A_248 : memref<!tpu.dma_semaphore, #tpu.memory_space<semaphore_mem>>) {add = true}
        %dma_wait3A_255 = arith.constant 0 : i32
        %dma_wait3A_256 = tpu.memref_slice %arg5[%run_scoped3A_143, %dma_wait3A_255] : memref<16x128xi32, #tpu.memory_space<vmem>> -> memref<1x128xi32, #tpu.memory_space<vmem>>
        %dma_wait3A_257 = tpu.memref_squeeze %dma_wait3A_256 : memref<1x128xi32, #tpu.memory_space<vmem>> -> memref<128xi32, #tpu.memory_space<vmem>>
        %dma_wait3A_258 = arith.constant 0 : i32
        %dma_wait3A_259 = arith.constant 0 : i32
        %dma_wait3A_260 = tpu.memref_slice %arg8[%dma_wait3A_258, %dma_wait3A_259] : memref<10240x128xf32, #tpu.memory_space<vmem_shared>> -> memref<10240x128xf32, #tpu.memory_space<vmem_shared>>
        tpu.wait_indirect_dma semaphore(%run_scoped3A_248 : memref<!tpu.dma_semaphore, #tpu.memory_space<semaphore_mem>>) src(%arg6 : memref<128x128xf32, #tpu.memory_space<vmem>>) dst(%dma_wait3A_260 : memref<10240x128xf32, #tpu.memory_space<vmem_shared>>)
        tpu.yield
      }) : () -> ()
      %dma_start3A_144 = arith.constant 8 : i32
      %dma_start3A_145 = arith.constant 0 : i32
      %dma_start3A_146 = tpu.memref_slice %arg5[%dma_start3A_144, %dma_start3A_145] : memref<16x128xi32, #tpu.memory_space<vmem>> -> memref<1x128xi32, #tpu.memory_space<vmem>>
      %dma_start3A_147 = tpu.memref_squeeze %dma_start3A_146 : memref<1x128xi32, #tpu.memory_space<vmem>> -> memref<128xi32, #tpu.memory_space<vmem>>
      %dma_start3A_148 = arith.constant 0 : i32
      %dma_start3A_149 = arith.constant 0 : i32
      %dma_start3A_150 = tpu.memref_slice %arg3[%add3A_38, %dma_start3A_148, %dma_start3A_149] : memref<4x10000x128xf32, #tpu.memory_space<hbm>> -> memref<1x10000x128xf32, #tpu.memory_space<hbm>>
      %dma_start3A_151 = tpu.memref_squeeze %dma_start3A_150 : memref<1x10000x128xf32, #tpu.memory_space<hbm>> -> memref<10000x128xf32, #tpu.memory_space<hbm>>
      %dma_start3A_152 = arith.constant 0 : i32
      %dma_start3A_153 = arith.constant 0 : i32
      %dma_start3A_154 = tpu.memref_slice %dma_start3A_151[%dma_start3A_152, %dma_start3A_153] : memref<10000x128xf32, #tpu.memory_space<hbm>> -> memref<10000x128xf32, #tpu.memory_space<hbm>>
      tpu.enqueue_indirect_dma source(%dma_start3A_154 : memref<10000x128xf32, #tpu.memory_space<hbm>>) target(%arg6 : memref<128x128xf32, #tpu.memory_space<vmem>>) offsets(%dma_start3A_147 : memref<128xi32, #tpu.memory_space<vmem>>) semaphore(%arg9 : memref<!tpu.dma_semaphore, #tpu.memory_space<semaphore_mem>>)
      %dma_wait3A_155 = arith.constant 6 : i32
      %dma_wait3A_156 = arith.constant 0 : i32
      %dma_wait3A_157 = tpu.memref_slice %arg5[%dma_wait3A_155, %dma_wait3A_156] : memref<16x128xi32, #tpu.memory_space<vmem>> -> memref<1x128xi32, #tpu.memory_space<vmem>>
      %dma_wait3A_158 = tpu.memref_squeeze %dma_wait3A_157 : memref<1x128xi32, #tpu.memory_space<vmem>> -> memref<128xi32, #tpu.memory_space<vmem>>
      %dma_wait3A_159 = arith.constant 0 : i32
      %dma_wait3A_160 = arith.constant 0 : i32
      %dma_wait3A_161 = tpu.memref_slice %arg3[%add3A_38, %dma_wait3A_159, %dma_wait3A_160] : memref<4x10000x128xf32, #tpu.memory_space<hbm>> -> memref<1x10000x128xf32, #tpu.memory_space<hbm>>
      %dma_wait3A_162 = tpu.memref_squeeze %dma_wait3A_161 : memref<1x10000x128xf32, #tpu.memory_space<hbm>> -> memref<10000x128xf32, #tpu.memory_space<hbm>>
      %dma_wait3A_163 = arith.constant 0 : i32
      %dma_wait3A_164 = arith.constant 0 : i32
      %dma_wait3A_165 = tpu.memref_slice %dma_wait3A_162[%dma_wait3A_163, %dma_wait3A_164] : memref<10000x128xf32, #tpu.memory_space<hbm>> -> memref<10000x128xf32, #tpu.memory_space<hbm>>
      tpu.wait_indirect_dma semaphore(%arg10 : memref<!tpu.dma_semaphore, #tpu.memory_space<semaphore_mem>>) src(%dma_wait3A_165 : memref<10000x128xf32, #tpu.memory_space<hbm>>) dst(%arg7 : memref<128x128xf32, #tpu.memory_space<vmem>>)
      %run_scoped3A_166 = arith.constant 7 : i32
      "tpu.region"() ({
        %run_scoped3A_248 = tpu.sem_alloc : memref<!tpu.dma_semaphore, #tpu.memory_space<semaphore_mem>>
        %dma_start3A_249 = arith.constant 0 : i32
        %dma_start3A_250 = tpu.memref_slice %arg5[%run_scoped3A_166, %dma_start3A_249] : memref<16x128xi32, #tpu.memory_space<vmem>> -> memref<1x128xi32, #tpu.memory_space<vmem>>
        %dma_start3A_251 = tpu.memref_squeeze %dma_start3A_250 : memref<1x128xi32, #tpu.memory_space<vmem>> -> memref<128xi32, #tpu.memory_space<vmem>>
        %dma_start3A_252 = arith.constant 0 : i32
        %dma_start3A_253 = arith.constant 0 : i32
        %dma_start3A_254 = tpu.memref_slice %arg8[%dma_start3A_252, %dma_start3A_253] : memref<10240x128xf32, #tpu.memory_space<vmem_shared>> -> memref<10240x128xf32, #tpu.memory_space<vmem_shared>>
        tpu.enqueue_indirect_dma source(%arg7 : memref<128x128xf32, #tpu.memory_space<vmem>>) target(%dma_start3A_254 : memref<10240x128xf32, #tpu.memory_space<vmem_shared>>) offsets(%dma_start3A_251 : memref<128xi32, #tpu.memory_space<vmem>>) semaphore(%run_scoped3A_248 : memref<!tpu.dma_semaphore, #tpu.memory_space<semaphore_mem>>) {add = true}
        %dma_wait3A_255 = arith.constant 0 : i32
        %dma_wait3A_256 = tpu.memref_slice %arg5[%run_scoped3A_166, %dma_wait3A_255] : memref<16x128xi32, #tpu.memory_space<vmem>> -> memref<1x128xi32, #tpu.memory_space<vmem>>
        %dma_wait3A_257 = tpu.memref_squeeze %dma_wait3A_256 : memref<1x128xi32, #tpu.memory_space<vmem>> -> memref<128xi32, #tpu.memory_space<vmem>>
        %dma_wait3A_258 = arith.constant 0 : i32
        %dma_wait3A_259 = arith.constant 0 : i32
        %dma_wait3A_260 = tpu.memref_slice %arg8[%dma_wait3A_258, %dma_wait3A_259] : memref<10240x128xf32, #tpu.memory_space<vmem_shared>> -> memref<10240x128xf32, #tpu.memory_space<vmem_shared>>
        tpu.wait_indirect_dma semaphore(%run_scoped3A_248 : memref<!tpu.dma_semaphore, #tpu.memory_space<semaphore_mem>>) src(%arg7 : memref<128x128xf32, #tpu.memory_space<vmem>>) dst(%dma_wait3A_260 : memref<10240x128xf32, #tpu.memory_space<vmem_shared>>)
        tpu.yield
      }) : () -> ()
      %dma_start3A_167 = arith.constant 10 : i32
      %dma_start3A_168 = arith.constant 0 : i32
      %dma_start3A_169 = tpu.memref_slice %arg5[%dma_start3A_167, %dma_start3A_168] : memref<16x128xi32, #tpu.memory_space<vmem>> -> memref<1x128xi32, #tpu.memory_space<vmem>>
      %dma_start3A_170 = tpu.memref_squeeze %dma_start3A_169 : memref<1x128xi32, #tpu.memory_space<vmem>> -> memref<128xi32, #tpu.memory_space<vmem>>
      %dma_start3A_171 = arith.constant 0 : i32
      %dma_start3A_172 = arith.constant 0 : i32
      %dma_start3A_173 = tpu.memref_slice %arg3[%add3A_38, %dma_start3A_171, %dma_start3A_172] : memref<4x10000x128xf32, #tpu.memory_space<hbm>> -> memref<1x10000x128xf32, #tpu.memory_space<hbm>>
      %dma_start3A_174 = tpu.memref_squeeze %dma_start3A_173 : memref<1x10000x128xf32, #tpu.memory_space<hbm>> -> memref<10000x128xf32, #tpu.memory_space<hbm>>
      %dma_start3A_175 = arith.constant 0 : i32
      %dma_start3A_176 = arith.constant 0 : i32
      %dma_start3A_177 = tpu.memref_slice %dma_start3A_174[%dma_start3A_175, %dma_start3A_176] : memref<10000x128xf32, #tpu.memory_space<hbm>> -> memref<10000x128xf32, #tpu.memory_space<hbm>>
      tpu.enqueue_indirect_dma source(%dma_start3A_177 : memref<10000x128xf32, #tpu.memory_space<hbm>>) target(%arg7 : memref<128x128xf32, #tpu.memory_space<vmem>>) offsets(%dma_start3A_170 : memref<128xi32, #tpu.memory_space<vmem>>) semaphore(%arg10 : memref<!tpu.dma_semaphore, #tpu.memory_space<semaphore_mem>>)
      %dma_wait3A_178 = arith.constant 8 : i32
      %dma_wait3A_179 = arith.constant 0 : i32
      %dma_wait3A_180 = tpu.memref_slice %arg5[%dma_wait3A_178, %dma_wait3A_179] : memref<16x128xi32, #tpu.memory_space<vmem>> -> memref<1x128xi32, #tpu.memory_space<vmem>>
      %dma_wait3A_181 = tpu.memref_squeeze %dma_wait3A_180 : memref<1x128xi32, #tpu.memory_space<vmem>> -> memref<128xi32, #tpu.memory_space<vmem>>
      %dma_wait3A_182 = arith.constant 0 : i32
      %dma_wait3A_183 = arith.constant 0 : i32
      %dma_wait3A_184 = tpu.memref_slice %arg3[%add3A_38, %dma_wait3A_182, %dma_wait3A_183] : memref<4x10000x128xf32, #tpu.memory_space<hbm>> -> memref<1x10000x128xf32, #tpu.memory_space<hbm>>
      %dma_wait3A_185 = tpu.memref_squeeze %dma_wait3A_184 : memref<1x10000x128xf32, #tpu.memory_space<hbm>> -> memref<10000x128xf32, #tpu.memory_space<hbm>>
      %dma_wait3A_186 = arith.constant 0 : i32
      %dma_wait3A_187 = arith.constant 0 : i32
      %dma_wait3A_188 = tpu.memref_slice %dma_wait3A_185[%dma_wait3A_186, %dma_wait3A_187] : memref<10000x128xf32, #tpu.memory_space<hbm>> -> memref<10000x128xf32, #tpu.memory_space<hbm>>
      tpu.wait_indirect_dma semaphore(%arg9 : memref<!tpu.dma_semaphore, #tpu.memory_space<semaphore_mem>>) src(%dma_wait3A_188 : memref<10000x128xf32, #tpu.memory_space<hbm>>) dst(%arg6 : memref<128x128xf32, #tpu.memory_space<vmem>>)
      %run_scoped3A_189 = arith.constant 9 : i32
      "tpu.region"() ({
        %run_scoped3A_248 = tpu.sem_alloc : memref<!tpu.dma_semaphore, #tpu.memory_space<semaphore_mem>>
        %dma_start3A_249 = arith.constant 0 : i32
        %dma_start3A_250 = tpu.memref_slice %arg5[%run_scoped3A_189, %dma_start3A_249] : memref<16x128xi32, #tpu.memory_space<vmem>> -> memref<1x128xi32, #tpu.memory_space<vmem>>
        %dma_start3A_251 = tpu.memref_squeeze %dma_start3A_250 : memref<1x128xi32, #tpu.memory_space<vmem>> -> memref<128xi32, #tpu.memory_space<vmem>>
        %dma_start3A_252 = arith.constant 0 : i32
        %dma_start3A_253 = arith.constant 0 : i32
        %dma_start3A_254 = tpu.memref_slice %arg8[%dma_start3A_252, %dma_start3A_253] : memref<10240x128xf32, #tpu.memory_space<vmem_shared>> -> memref<10240x128xf32, #tpu.memory_space<vmem_shared>>
        tpu.enqueue_indirect_dma source(%arg6 : memref<128x128xf32, #tpu.memory_space<vmem>>) target(%dma_start3A_254 : memref<10240x128xf32, #tpu.memory_space<vmem_shared>>) offsets(%dma_start3A_251 : memref<128xi32, #tpu.memory_space<vmem>>) semaphore(%run_scoped3A_248 : memref<!tpu.dma_semaphore, #tpu.memory_space<semaphore_mem>>) {add = true}
        %dma_wait3A_255 = arith.constant 0 : i32
        %dma_wait3A_256 = tpu.memref_slice %arg5[%run_scoped3A_189, %dma_wait3A_255] : memref<16x128xi32, #tpu.memory_space<vmem>> -> memref<1x128xi32, #tpu.memory_space<vmem>>
        %dma_wait3A_257 = tpu.memref_squeeze %dma_wait3A_256 : memref<1x128xi32, #tpu.memory_space<vmem>> -> memref<128xi32, #tpu.memory_space<vmem>>
        %dma_wait3A_258 = arith.constant 0 : i32
        %dma_wait3A_259 = arith.constant 0 : i32
        %dma_wait3A_260 = tpu.memref_slice %arg8[%dma_wait3A_258, %dma_wait3A_259] : memref<10240x128xf32, #tpu.memory_space<vmem_shared>> -> memref<10240x128xf32, #tpu.memory_space<vmem_shared>>
        tpu.wait_indirect_dma semaphore(%run_scoped3A_248 : memref<!tpu.dma_semaphore, #tpu.memory_space<semaphore_mem>>) src(%arg6 : memref<128x128xf32, #tpu.memory_space<vmem>>) dst(%dma_wait3A_260 : memref<10240x128xf32, #tpu.memory_space<vmem_shared>>)
        tpu.yield
      }) : () -> ()
      %dma_start3A_190 = arith.constant 12 : i32
      %dma_start3A_191 = arith.constant 0 : i32
      %dma_start3A_192 = tpu.memref_slice %arg5[%dma_start3A_190, %dma_start3A_191] : memref<16x128xi32, #tpu.memory_space<vmem>> -> memref<1x128xi32, #tpu.memory_space<vmem>>
      %dma_start3A_193 = tpu.memref_squeeze %dma_start3A_192 : memref<1x128xi32, #tpu.memory_space<vmem>> -> memref<128xi32, #tpu.memory_space<vmem>>
      %dma_start3A_194 = arith.constant 0 : i32
      %dma_start3A_195 = arith.constant 0 : i32
      %dma_start3A_196 = tpu.memref_slice %arg3[%add3A_38, %dma_start3A_194, %dma_start3A_195] : memref<4x10000x128xf32, #tpu.memory_space<hbm>> -> memref<1x10000x128xf32, #tpu.memory_space<hbm>>
      %dma_start3A_197 = tpu.memref_squeeze %dma_start3A_196 : memref<1x10000x128xf32, #tpu.memory_space<hbm>> -> memref<10000x128xf32, #tpu.memory_space<hbm>>
      %dma_start3A_198 = arith.constant 0 : i32
      %dma_start3A_199 = arith.constant 0 : i32
      %dma_start3A_200 = tpu.memref_slice %dma_start3A_197[%dma_start3A_198, %dma_start3A_199] : memref<10000x128xf32, #tpu.memory_space<hbm>> -> memref<10000x128xf32, #tpu.memory_space<hbm>>
      tpu.enqueue_indirect_dma source(%dma_start3A_200 : memref<10000x128xf32, #tpu.memory_space<hbm>>) target(%arg6 : memref<128x128xf32, #tpu.memory_space<vmem>>) offsets(%dma_start3A_193 : memref<128xi32, #tpu.memory_space<vmem>>) semaphore(%arg9 : memref<!tpu.dma_semaphore, #tpu.memory_space<semaphore_mem>>)
      %dma_wait3A_201 = arith.constant 10 : i32
      %dma_wait3A_202 = arith.constant 0 : i32
      %dma_wait3A_203 = tpu.memref_slice %arg5[%dma_wait3A_201, %dma_wait3A_202] : memref<16x128xi32, #tpu.memory_space<vmem>> -> memref<1x128xi32, #tpu.memory_space<vmem>>
      %dma_wait3A_204 = tpu.memref_squeeze %dma_wait3A_203 : memref<1x128xi32, #tpu.memory_space<vmem>> -> memref<128xi32, #tpu.memory_space<vmem>>
      %dma_wait3A_205 = arith.constant 0 : i32
      %dma_wait3A_206 = arith.constant 0 : i32
      %dma_wait3A_207 = tpu.memref_slice %arg3[%add3A_38, %dma_wait3A_205, %dma_wait3A_206] : memref<4x10000x128xf32, #tpu.memory_space<hbm>> -> memref<1x10000x128xf32, #tpu.memory_space<hbm>>
      %dma_wait3A_208 = tpu.memref_squeeze %dma_wait3A_207 : memref<1x10000x128xf32, #tpu.memory_space<hbm>> -> memref<10000x128xf32, #tpu.memory_space<hbm>>
      %dma_wait3A_209 = arith.constant 0 : i32
      %dma_wait3A_210 = arith.constant 0 : i32
      %dma_wait3A_211 = tpu.memref_slice %dma_wait3A_208[%dma_wait3A_209, %dma_wait3A_210] : memref<10000x128xf32, #tpu.memory_space<hbm>> -> memref<10000x128xf32, #tpu.memory_space<hbm>>
      tpu.wait_indirect_dma semaphore(%arg10 : memref<!tpu.dma_semaphore, #tpu.memory_space<semaphore_mem>>) src(%dma_wait3A_211 : memref<10000x128xf32, #tpu.memory_space<hbm>>) dst(%arg7 : memref<128x128xf32, #tpu.memory_space<vmem>>)
      %run_scoped3A_212 = arith.constant 11 : i32
      "tpu.region"() ({
        %run_scoped3A_248 = tpu.sem_alloc : memref<!tpu.dma_semaphore, #tpu.memory_space<semaphore_mem>>
        %dma_start3A_249 = arith.constant 0 : i32
        %dma_start3A_250 = tpu.memref_slice %arg5[%run_scoped3A_212, %dma_start3A_249] : memref<16x128xi32, #tpu.memory_space<vmem>> -> memref<1x128xi32, #tpu.memory_space<vmem>>
        %dma_start3A_251 = tpu.memref_squeeze %dma_start3A_250 : memref<1x128xi32, #tpu.memory_space<vmem>> -> memref<128xi32, #tpu.memory_space<vmem>>
        %dma_start3A_252 = arith.constant 0 : i32
        %dma_start3A_253 = arith.constant 0 : i32
        %dma_start3A_254 = tpu.memref_slice %arg8[%dma_start3A_252, %dma_start3A_253] : memref<10240x128xf32, #tpu.memory_space<vmem_shared>> -> memref<10240x128xf32, #tpu.memory_space<vmem_shared>>
        tpu.enqueue_indirect_dma source(%arg7 : memref<128x128xf32, #tpu.memory_space<vmem>>) target(%dma_start3A_254 : memref<10240x128xf32, #tpu.memory_space<vmem_shared>>) offsets(%dma_start3A_251 : memref<128xi32, #tpu.memory_space<vmem>>) semaphore(%run_scoped3A_248 : memref<!tpu.dma_semaphore, #tpu.memory_space<semaphore_mem>>) {add = true}
        %dma_wait3A_255 = arith.constant 0 : i32
        %dma_wait3A_256 = tpu.memref_slice %arg5[%run_scoped3A_212, %dma_wait3A_255] : memref<16x128xi32, #tpu.memory_space<vmem>> -> memref<1x128xi32, #tpu.memory_space<vmem>>
        %dma_wait3A_257 = tpu.memref_squeeze %dma_wait3A_256 : memref<1x128xi32, #tpu.memory_space<vmem>> -> memref<128xi32, #tpu.memory_space<vmem>>
        %dma_wait3A_258 = arith.constant 0 : i32
        %dma_wait3A_259 = arith.constant 0 : i32
        %dma_wait3A_260 = tpu.memref_slice %arg8[%dma_wait3A_258, %dma_wait3A_259] : memref<10240x128xf32, #tpu.memory_space<vmem_shared>> -> memref<10240x128xf32, #tpu.memory_space<vmem_shared>>
        tpu.wait_indirect_dma semaphore(%run_scoped3A_248 : memref<!tpu.dma_semaphore, #tpu.memory_space<semaphore_mem>>) src(%arg7 : memref<128x128xf32, #tpu.memory_space<vmem>>) dst(%dma_wait3A_260 : memref<10240x128xf32, #tpu.memory_space<vmem_shared>>)
        tpu.yield
      }) : () -> ()
      %dma_start3A_213 = arith.constant 14 : i32
      %dma_start3A_214 = arith.constant 0 : i32
      %dma_start3A_215 = tpu.memref_slice %arg5[%dma_start3A_213, %dma_start3A_214] : memref<16x128xi32, #tpu.memory_space<vmem>> -> memref<1x128xi32, #tpu.memory_space<vmem>>
      %dma_start3A_216 = tpu.memref_squeeze %dma_start3A_215 : memref<1x128xi32, #tpu.memory_space<vmem>> -> memref<128xi32, #tpu.memory_space<vmem>>
      %dma_start3A_217 = arith.constant 0 : i32
      %dma_start3A_218 = arith.constant 0 : i32
      %dma_start3A_219 = tpu.memref_slice %arg3[%add3A_38, %dma_start3A_217, %dma_start3A_218] : memref<4x10000x128xf32, #tpu.memory_space<hbm>> -> memref<1x10000x128xf32, #tpu.memory_space<hbm>>
      %dma_start3A_220 = tpu.memref_squeeze %dma_start3A_219 : memref<1x10000x128xf32, #tpu.memory_space<hbm>> -> memref<10000x128xf32, #tpu.memory_space<hbm>>
      %dma_start3A_221 = arith.constant 0 : i32
      %dma_start3A_222 = arith.constant 0 : i32
      %dma_start3A_223 = tpu.memref_slice %dma_start3A_220[%dma_start3A_221, %dma_start3A_222] : memref<10000x128xf32, #tpu.memory_space<hbm>> -> memref<10000x128xf32, #tpu.memory_space<hbm>>
      tpu.enqueue_indirect_dma source(%dma_start3A_223 : memref<10000x128xf32, #tpu.memory_space<hbm>>) target(%arg7 : memref<128x128xf32, #tpu.memory_space<vmem>>) offsets(%dma_start3A_216 : memref<128xi32, #tpu.memory_space<vmem>>) semaphore(%arg10 : memref<!tpu.dma_semaphore, #tpu.memory_space<semaphore_mem>>)
      %dma_wait3A_224 = arith.constant 12 : i32
      %dma_wait3A_225 = arith.constant 0 : i32
      %dma_wait3A_226 = tpu.memref_slice %arg5[%dma_wait3A_224, %dma_wait3A_225] : memref<16x128xi32, #tpu.memory_space<vmem>> -> memref<1x128xi32, #tpu.memory_space<vmem>>
      %dma_wait3A_227 = tpu.memref_squeeze %dma_wait3A_226 : memref<1x128xi32, #tpu.memory_space<vmem>> -> memref<128xi32, #tpu.memory_space<vmem>>
      %dma_wait3A_228 = arith.constant 0 : i32
      %dma_wait3A_229 = arith.constant 0 : i32
      %dma_wait3A_230 = tpu.memref_slice %arg3[%add3A_38, %dma_wait3A_228, %dma_wait3A_229] : memref<4x10000x128xf32, #tpu.memory_space<hbm>> -> memref<1x10000x128xf32, #tpu.memory_space<hbm>>
      %dma_wait3A_231 = tpu.memref_squeeze %dma_wait3A_230 : memref<1x10000x128xf32, #tpu.memory_space<hbm>> -> memref<10000x128xf32, #tpu.memory_space<hbm>>
      %dma_wait3A_232 = arith.constant 0 : i32
      %dma_wait3A_233 = arith.constant 0 : i32
      %dma_wait3A_234 = tpu.memref_slice %dma_wait3A_231[%dma_wait3A_232, %dma_wait3A_233] : memref<10000x128xf32, #tpu.memory_space<hbm>> -> memref<10000x128xf32, #tpu.memory_space<hbm>>
      tpu.wait_indirect_dma semaphore(%arg9 : memref<!tpu.dma_semaphore, #tpu.memory_space<semaphore_mem>>) src(%dma_wait3A_234 : memref<10000x128xf32, #tpu.memory_space<hbm>>) dst(%arg6 : memref<128x128xf32, #tpu.memory_space<vmem>>)
      %run_scoped3A_235 = arith.constant 13 : i32
      "tpu.region"() ({
        %run_scoped3A_248 = tpu.sem_alloc : memref<!tpu.dma_semaphore, #tpu.memory_space<semaphore_mem>>
        %dma_start3A_249 = arith.constant 0 : i32
        %dma_start3A_250 = tpu.memref_slice %arg5[%run_scoped3A_235, %dma_start3A_249] : memref<16x128xi32, #tpu.memory_space<vmem>> -> memref<1x128xi32, #tpu.memory_space<vmem>>
        %dma_start3A_251 = tpu.memref_squeeze %dma_start3A_250 : memref<1x128xi32, #tpu.memory_space<vmem>> -> memref<128xi32, #tpu.memory_space<vmem>>
        %dma_start3A_252 = arith.constant 0 : i32
        %dma_start3A_253 = arith.constant 0 : i32
        %dma_start3A_254 = tpu.memref_slice %arg8[%dma_start3A_252, %dma_start3A_253] : memref<10240x128xf32, #tpu.memory_space<vmem_shared>> -> memref<10240x128xf32, #tpu.memory_space<vmem_shared>>
        tpu.enqueue_indirect_dma source(%arg6 : memref<128x128xf32, #tpu.memory_space<vmem>>) target(%dma_start3A_254 : memref<10240x128xf32, #tpu.memory_space<vmem_shared>>) offsets(%dma_start3A_251 : memref<128xi32, #tpu.memory_space<vmem>>) semaphore(%run_scoped3A_248 : memref<!tpu.dma_semaphore, #tpu.memory_space<semaphore_mem>>) {add = true}
        %dma_wait3A_255 = arith.constant 0 : i32
        %dma_wait3A_256 = tpu.memref_slice %arg5[%run_scoped3A_235, %dma_wait3A_255] : memref<16x128xi32, #tpu.memory_space<vmem>> -> memref<1x128xi32, #tpu.memory_space<vmem>>
        %dma_wait3A_257 = tpu.memref_squeeze %dma_wait3A_256 : memref<1x128xi32, #tpu.memory_space<vmem>> -> memref<128xi32, #tpu.memory_space<vmem>>
        %dma_wait3A_258 = arith.constant 0 : i32
        %dma_wait3A_259 = arith.constant 0 : i32
        %dma_wait3A_260 = tpu.memref_slice %arg8[%dma_wait3A_258, %dma_wait3A_259] : memref<10240x128xf32, #tpu.memory_space<vmem_shared>> -> memref<10240x128xf32, #tpu.memory_space<vmem_shared>>
        tpu.wait_indirect_dma semaphore(%run_scoped3A_248 : memref<!tpu.dma_semaphore, #tpu.memory_space<semaphore_mem>>) src(%arg6 : memref<128x128xf32, #tpu.memory_space<vmem>>) dst(%dma_wait3A_260 : memref<10240x128xf32, #tpu.memory_space<vmem_shared>>)
        tpu.yield
      }) : () -> ()
      %dma_wait3A_236 = arith.constant 14 : i32
      %dma_wait3A_237 = arith.constant 0 : i32
      %dma_wait3A_238 = tpu.memref_slice %arg5[%dma_wait3A_236, %dma_wait3A_237] : memref<16x128xi32, #tpu.memory_space<vmem>> -> memref<1x128xi32, #tpu.memory_space<vmem>>
      %dma_wait3A_239 = tpu.memref_squeeze %dma_wait3A_238 : memref<1x128xi32, #tpu.memory_space<vmem>> -> memref<128xi32, #tpu.memory_space<vmem>>
      %dma_wait3A_240 = arith.constant 0 : i32
      %dma_wait3A_241 = arith.constant 0 : i32
      %dma_wait3A_242 = tpu.memref_slice %arg3[%add3A_38, %dma_wait3A_240, %dma_wait3A_241] : memref<4x10000x128xf32, #tpu.memory_space<hbm>> -> memref<1x10000x128xf32, #tpu.memory_space<hbm>>
      %dma_wait3A_243 = tpu.memref_squeeze %dma_wait3A_242 : memref<1x10000x128xf32, #tpu.memory_space<hbm>> -> memref<10000x128xf32, #tpu.memory_space<hbm>>
      %dma_wait3A_244 = arith.constant 0 : i32
      %dma_wait3A_245 = arith.constant 0 : i32
      %dma_wait3A_246 = tpu.memref_slice %dma_wait3A_243[%dma_wait3A_244, %dma_wait3A_245] : memref<10000x128xf32, #tpu.memory_space<hbm>> -> memref<10000x128xf32, #tpu.memory_space<hbm>>
      tpu.wait_indirect_dma semaphore(%arg10 : memref<!tpu.dma_semaphore, #tpu.memory_space<semaphore_mem>>) src(%dma_wait3A_246 : memref<10000x128xf32, #tpu.memory_space<hbm>>) dst(%arg7 : memref<128x128xf32, #tpu.memory_space<vmem>>)
      %run_scoped3A_247 = arith.constant 15 : i32
      "tpu.region"() ({
        %run_scoped3A_248 = tpu.sem_alloc : memref<!tpu.dma_semaphore, #tpu.memory_space<semaphore_mem>>
        %dma_start3A_249 = arith.constant 0 : i32
        %dma_start3A_250 = tpu.memref_slice %arg5[%run_scoped3A_247, %dma_start3A_249] : memref<16x128xi32, #tpu.memory_space<vmem>> -> memref<1x128xi32, #tpu.memory_space<vmem>>
        %dma_start3A_251 = tpu.memref_squeeze %dma_start3A_250 : memref<1x128xi32, #tpu.memory_space<vmem>> -> memref<128xi32, #tpu.memory_space<vmem>>
        %dma_start3A_252 = arith.constant 0 : i32
        %dma_start3A_253 = arith.constant 0 : i32
        %dma_start3A_254 = tpu.memref_slice %arg8[%dma_start3A_252, %dma_start3A_253] : memref<10240x128xf32, #tpu.memory_space<vmem_shared>> -> memref<10240x128xf32, #tpu.memory_space<vmem_shared>>
        tpu.enqueue_indirect_dma source(%arg7 : memref<128x128xf32, #tpu.memory_space<vmem>>) target(%dma_start3A_254 : memref<10240x128xf32, #tpu.memory_space<vmem_shared>>) offsets(%dma_start3A_251 : memref<128xi32, #tpu.memory_space<vmem>>) semaphore(%run_scoped3A_248 : memref<!tpu.dma_semaphore, #tpu.memory_space<semaphore_mem>>) {add = true}
        %dma_wait3A_255 = arith.constant 0 : i32
        %dma_wait3A_256 = tpu.memref_slice %arg5[%run_scoped3A_247, %dma_wait3A_255] : memref<16x128xi32, #tpu.memory_space<vmem>> -> memref<1x128xi32, #tpu.memory_space<vmem>>
        %dma_wait3A_257 = tpu.memref_squeeze %dma_wait3A_256 : memref<1x128xi32, #tpu.memory_space<vmem>> -> memref<128xi32, #tpu.memory_space<vmem>>
        %dma_wait3A_258 = arith.constant 0 : i32
        %dma_wait3A_259 = arith.constant 0 : i32
        %dma_wait3A_260 = tpu.memref_slice %arg8[%dma_wait3A_258, %dma_wait3A_259] : memref<10240x128xf32, #tpu.memory_space<vmem_shared>> -> memref<10240x128xf32, #tpu.memory_space<vmem_shared>>
        tpu.wait_indirect_dma semaphore(%run_scoped3A_248 : memref<!tpu.dma_semaphore, #tpu.memory_space<semaphore_mem>>) src(%arg7 : memref<128x128xf32, #tpu.memory_space<vmem>>) dst(%dma_wait3A_260 : memref<10240x128xf32, #tpu.memory_space<vmem_shared>>)
        tpu.yield
      }) : () -> ()
    }
    %scan3A_43 = arith.constant 20 : i32
    %barrier3A_44 = arith.constant 0 : index
    tpu.barrier barrier_id(%barrier3A_44)
    %lt3A_45 = arith.constant 15 : i32
    %lt3A_46 = arith.cmpi slt, %arg1, %lt3A_45 : i32
    %convert_element_type3A_47 = arith.extui %lt3A_46 : i1 to i32
    %cond3A_48 = arith.constant 0 : i32
    %cond3A_49 = arith.cmpi ne, %convert_element_type3A_47, %cond3A_48 : i32
    scf.if %cond3A_49 {
      %mul3A_55 = arith.constant 640 : i32
      %mul3A_56 = arith.muli %arg1, %mul3A_55 : i32
      %mul3A_57 = arith.constant 640 : i32
      %mul3A_58 = arith.muli %arg1, %mul3A_57 : i32
      "tpu.region"() ({
        %run_scoped3A = tpu.sem_alloc : memref<!tpu.dma_semaphore, #tpu.memory_space<semaphore_mem>>
        %dma_start3A = arith.constant 0 : i32
        %dma_start3A_59 = arith.constant 0 : i32
        %dma_start3A_60 = tpu.memref_slice %arg4[%add3A_38, %dma_start3A, %dma_start3A_59] : memref<4x10000x128xf32, #tpu.memory_space<hbm>> -> memref<1x10000x128xf32, #tpu.memory_space<hbm>>
        %dma_start3A_61 = tpu.memref_squeeze %dma_start3A_60 : memref<1x10000x128xf32, #tpu.memory_space<hbm>> -> memref<10000x128xf32, #tpu.memory_space<hbm>>
        %dma_start3A_62 = arith.constant 0 : i32
        %dma_start3A_63 = tpu.memref_slice %dma_start3A_61[%mul3A_58, %dma_start3A_62] : memref<10000x128xf32, #tpu.memory_space<hbm>> -> memref<640x128xf32, #tpu.memory_space<hbm>>
        %dma_start3A_64 = arith.constant 0 : i32
        %dma_start3A_65 = tpu.memref_slice %arg8[%mul3A_56, %dma_start3A_64] : memref<10240x128xf32, #tpu.memory_space<vmem_shared>> -> memref<640x128xf32, #tpu.memory_space<vmem_shared>>
        tpu.enqueue_dma source(%dma_start3A_65 : memref<640x128xf32, #tpu.memory_space<vmem_shared>>) target(%dma_start3A_63 : memref<640x128xf32, #tpu.memory_space<hbm>>) target_semaphore(%run_scoped3A : memref<!tpu.dma_semaphore, #tpu.memory_space<semaphore_mem>>)
        %dma_wait3A = arith.constant 0 : i32
        %dma_wait3A_66 = arith.constant 0 : i32
        %dma_wait3A_67 = tpu.memref_slice %arg4[%add3A_38, %dma_wait3A, %dma_wait3A_66] : memref<4x10000x128xf32, #tpu.memory_space<hbm>> -> memref<1x10000x128xf32, #tpu.memory_space<hbm>>
        %dma_wait3A_68 = tpu.memref_squeeze %dma_wait3A_67 : memref<1x10000x128xf32, #tpu.memory_space<hbm>> -> memref<10000x128xf32, #tpu.memory_space<hbm>>
        %dma_wait3A_69 = arith.constant 0 : i32
        %dma_wait3A_70 = tpu.memref_slice %dma_wait3A_68[%mul3A_58, %dma_wait3A_69] : memref<10000x128xf32, #tpu.memory_space<hbm>> -> memref<640x128xf32, #tpu.memory_space<hbm>>
        %dma_wait3A_71 = arith.constant 0 : i32
        %dma_wait3A_72 = tpu.memref_slice %arg8[%mul3A_56, %dma_wait3A_71] : memref<10240x128xf32, #tpu.memory_space<vmem_shared>> -> memref<640x128xf32, #tpu.memory_space<vmem_shared>>
        tpu.wait_dma2 semaphore(%run_scoped3A : memref<!tpu.dma_semaphore, #tpu.memory_space<semaphore_mem>>) src(%dma_wait3A_72 : memref<640x128xf32, #tpu.memory_space<vmem_shared>>) dst(%dma_wait3A_70 : memref<640x128xf32, #tpu.memory_space<hbm>>)
        tpu.yield
      }) : () -> ()
    } else {
    }
    %eq3A_50 = arith.constant 15 : i32
    %eq3A_51 = arith.cmpi eq, %arg1, %eq3A_50 : i32
    %convert_element_type3A_52 = arith.extui %eq3A_51 : i1 to i32
    %cond3A_53 = arith.constant 0 : i32
    %cond3A_54 = arith.cmpi ne, %convert_element_type3A_52, %cond3A_53 : i32
    scf.if %cond3A_54 {
      "tpu.region"() ({
        %run_scoped3A = tpu.sem_alloc : memref<!tpu.dma_semaphore, #tpu.memory_space<semaphore_mem>>
        %dma_start3A = arith.constant 0 : i32
        %dma_start3A_55 = arith.constant 0 : i32
        %dma_start3A_56 = tpu.memref_slice %arg4[%add3A_38, %dma_start3A, %dma_start3A_55] : memref<4x10000x128xf32, #tpu.memory_space<hbm>> -> memref<1x10000x128xf32, #tpu.memory_space<hbm>>
        %dma_start3A_57 = tpu.memref_squeeze %dma_start3A_56 : memref<1x10000x128xf32, #tpu.memory_space<hbm>> -> memref<10000x128xf32, #tpu.memory_space<hbm>>
        %dma_start3A_58 = arith.constant 9600 : i32
        %dma_start3A_59 = arith.constant 0 : i32
        %dma_start3A_60 = tpu.memref_slice %dma_start3A_57[%dma_start3A_58, %dma_start3A_59] : memref<10000x128xf32, #tpu.memory_space<hbm>> -> memref<400x128xf32, #tpu.memory_space<hbm>>
        %dma_start3A_61 = arith.constant 9600 : i32
        %dma_start3A_62 = arith.constant 0 : i32
        %dma_start3A_63 = tpu.memref_slice %arg8[%dma_start3A_61, %dma_start3A_62] : memref<10240x128xf32, #tpu.memory_space<vmem_shared>> -> memref<400x128xf32, #tpu.memory_space<vmem_shared>>
        tpu.enqueue_dma source(%dma_start3A_63 : memref<400x128xf32, #tpu.memory_space<vmem_shared>>) target(%dma_start3A_60 : memref<400x128xf32, #tpu.memory_space<hbm>>) target_semaphore(%run_scoped3A : memref<!tpu.dma_semaphore, #tpu.memory_space<semaphore_mem>>)
        %dma_wait3A = arith.constant 0 : i32
        %dma_wait3A_64 = arith.constant 0 : i32
        %dma_wait3A_65 = tpu.memref_slice %arg4[%add3A_38, %dma_wait3A, %dma_wait3A_64] : memref<4x10000x128xf32, #tpu.memory_space<hbm>> -> memref<1x10000x128xf32, #tpu.memory_space<hbm>>
        %dma_wait3A_66 = tpu.memref_squeeze %dma_wait3A_65 : memref<1x10000x128xf32, #tpu.memory_space<hbm>> -> memref<10000x128xf32, #tpu.memory_space<hbm>>
        %dma_wait3A_67 = arith.constant 9600 : i32
        %dma_wait3A_68 = arith.constant 0 : i32
        %dma_wait3A_69 = tpu.memref_slice %dma_wait3A_66[%dma_wait3A_67, %dma_wait3A_68] : memref<10000x128xf32, #tpu.memory_space<hbm>> -> memref<400x128xf32, #tpu.memory_space<hbm>>
        %dma_wait3A_70 = arith.constant 9600 : i32
        %dma_wait3A_71 = arith.constant 0 : i32
        %dma_wait3A_72 = tpu.memref_slice %arg8[%dma_wait3A_70, %dma_wait3A_71] : memref<10240x128xf32, #tpu.memory_space<vmem_shared>> -> memref<400x128xf32, #tpu.memory_space<vmem_shared>>
        tpu.wait_dma2 semaphore(%run_scoped3A : memref<!tpu.dma_semaphore, #tpu.memory_space<semaphore_mem>>) src(%dma_wait3A_72 : memref<400x128xf32, #tpu.memory_space<vmem_shared>>) dst(%dma_wait3A_69 : memref<400x128xf32, #tpu.memory_space<hbm>>)
        tpu.yield
      }) : () -> ()
    } else {
    }
    return
  }
}

#map = affine_map<(d0, d1) -> (0, 0)>
#map1 = affine_map<(d0, d1) -> (0, 0, 0)>
module attributes {stable_mosaic.version = 14 : i64} {
  func.func @body(%arg0: i32, %arg1: i32, %arg2: memref<5120x128xi32, #tpu.memory_space<hbm>>, %arg3: memref<2x10000x128xf32, #tpu.memory_space<hbm>>, %arg4: memref<2x10000x128xf32, #tpu.memory_space<hbm>>, %arg5: memref<16x128xi32, #tpu.memory_space<vmem>>, %arg6: memref<128x128xf32, #tpu.memory_space<vmem>>, %arg7: memref<128x128xf32, #tpu.memory_space<vmem>>, %arg8: memref<10240x128xf32, #tpu.memory_space<vmem_shared>>, %arg9: memref<!tpu.dma_semaphore, #tpu.memory_space<semaphore_mem>>, %arg10: memref<!tpu.dma_semaphore, #tpu.memory_space<semaphore_mem>>) attributes {dimension_semantics = [#tpu.dimension_semantics<core_parallel>, #tpu.dimension_semantics<subcore_parallel>], iteration_bounds = array<i64: 2, 16>, scalar_prefetch = 0 : i64, scratch_operands = 6 : i64, tpu.core_type = #tpu.core_type<sc_vector_subcore>, window_params = [{transform_indices = #map}, {transform_indices = #map1}, {transform_indices = #map1}]} {
    %broadcast_in_dim3A = arith.constant 0.000000e+00 : f32
    %broadcast_in_dim3A_0 = vector.broadcast %broadcast_in_dim3A : f32 to vector<16xf32>
    %scan3A = arith.constant 0 : i32
    %scan3A_1 = arith.constant 1024 : i32
    %scan3A_2 = arith.addi %scan3A, %scan3A_1 : i32
    %scan3A_3 = arith.constant 1 : i32
    scf.for %scan3A_24 = %scan3A to %scan3A_2 step %scan3A_3  : i32 {
      %mul3A_25 = arith.constant 1 : i32
      %mul3A_26 = arith.muli %scan3A_24, %mul3A_25 : i32
      %add3A_27 = arith.constant 0 : i32
      %add3A_28 = arith.addi %add3A_27, %mul3A_26 : i32
      %jit3A = arith.constant 8 : i32
      %div3A = arith.divsi %add3A_28, %jit3A : i32
      %sign3A = arith.constant 0 : i32
      %sign3A_29 = arith.cmpi sgt, %add3A_28, %sign3A : i32
      %sign3A_30 = arith.extui %sign3A_29 : i1 to i32
      %sign3A_31 = arith.constant 0 : i32
      %sign3A_32 = arith.cmpi slt, %add3A_28, %sign3A_31 : i32
      %sign3A_33 = arith.extui %sign3A_32 : i1 to i32
      %sign3A_34 = arith.subi %sign3A_30, %sign3A_33 : i32
      %sign3A_35 = arith.constant 0 : i32
      %sign3A_36 = arith.cmpi sgt, %jit3A, %sign3A_35 : i32
      %sign3A_37 = arith.extui %sign3A_36 : i1 to i32
      %sign3A_38 = arith.constant 0 : i32
      %sign3A_39 = arith.cmpi slt, %jit3A, %sign3A_38 : i32
      %sign3A_40 = arith.extui %sign3A_39 : i1 to i32
      %sign3A_41 = arith.subi %sign3A_37, %sign3A_40 : i32
      %ne3A = arith.cmpi ne, %sign3A_34, %sign3A_41 : i32
      %rem3A = arith.remsi %add3A_28, %jit3A : i32
      %ne3A_42 = arith.constant 0 : i32
      %ne3A_43 = arith.cmpi ne, %rem3A, %ne3A_42 : i32
      %and3A = arith.andi %ne3A, %ne3A_43 : i1
      %sub3A = arith.constant 1 : i32
      %sub3A_44 = arith.subi %div3A, %sub3A : i32
      %select_n3A = arith.select %and3A, %sub3A_44, %div3A : i32
      %jit3A_45 = arith.constant 8 : i32
      %eq3A_46 = arith.constant 0 : i32
      %eq3A_47 = arith.cmpi eq, %jit3A_45, %eq3A_46 : i32
      %jit3A_48 = arith.constant 1 : i32
      %select_n3A_49 = arith.select %eq3A_47, %jit3A_48, %jit3A_45 : i32
      %rem3A_50 = arith.remsi %add3A_28, %select_n3A_49 : i32
      %ne3A_51 = arith.constant 0 : i32
      %ne3A_52 = arith.cmpi ne, %rem3A_50, %ne3A_51 : i32
      %lt3A_53 = arith.constant 0 : i32
      %lt3A_54 = arith.cmpi slt, %rem3A_50, %lt3A_53 : i32
      %lt3A_55 = arith.constant 0 : i32
      %lt3A_56 = arith.cmpi slt, %select_n3A_49, %lt3A_55 : i32
      %ne3A_57 = arith.xori %lt3A_54, %lt3A_56 : i1
      %and3A_58 = arith.andi %ne3A_57, %ne3A_52 : i1
      %add3A_59 = arith.addi %rem3A_50, %select_n3A_49 : i32
      %select_n3A_60 = arith.select %and3A_58, %add3A_59, %rem3A_50 : i32
      %mul3A_61 = arith.constant 16 : i32
      %mul3A_62 = arith.muli %select_n3A_60, %mul3A_61 : i32
      %swap3A = arith.index_cast %select_n3A : i32 to index
      %swap3A_63 = arith.index_cast %mul3A_62 : i32 to index
      %swap3A_64 = tpu.vector_load %arg6[%swap3A, %swap3A_63] {strides = array<i32>} : memref<128x128xf32, #tpu.memory_space<vmem>>, vector<1x16xf32>,
      %swap3A_65 = vector.shape_cast %swap3A_64 : vector<1x16xf32> to vector<16xf32>
      %swap3A_66 = vector.shape_cast %broadcast_in_dim3A_0 : vector<16xf32> to vector<1x16xf32>
      tpu.vector_store %arg6[%swap3A, %swap3A_63], %swap3A_66 {strides = array<i32>} : memref<128x128xf32, #tpu.memory_space<vmem>>, vector<1x16xf32>,
    }
    %scan3A_4 = arith.constant 1024 : i32
    %scan3A_5 = arith.constant 0 : i32
    %scan3A_6 = arith.constant 5 : i32
    %scan3A_7 = arith.addi %scan3A_5, %scan3A_6 : i32
    %scan3A_8 = arith.constant 1 : i32
    scf.for %scan3A_24 = %scan3A_5 to %scan3A_7 step %scan3A_8  : i32 {
      %mul3A_25 = arith.constant 1 : i32
      %mul3A_26 = arith.muli %scan3A_24, %mul3A_25 : i32
      %add3A_27 = arith.constant 0 : i32
      %add3A_28 = arith.addi %add3A_27, %mul3A_26 : i32
      %mul3A_29 = arith.constant 640 : i32
      %mul3A_30 = arith.muli %arg1, %mul3A_29 : i32
      %mul3A_31 = arith.constant 128 : i32
      %mul3A_32 = arith.muli %add3A_28, %mul3A_31 : i32
      %add3A_33 = arith.addi %mul3A_30, %mul3A_32 : i32
      "tpu.region"() ({
        %run_scoped3A = tpu.sem_alloc : memref<!tpu.dma_semaphore, #tpu.memory_space<semaphore_mem>>
        %dma_start3A = arith.constant 0 : i32
        %dma_start3A_34 = tpu.memref_slice %arg8[%add3A_33, %dma_start3A] : memref<10240x128xf32, #tpu.memory_space<vmem_shared>> -> memref<128x128xf32, #tpu.memory_space<vmem_shared>>
        %dma_start3A_35 = arith.constant 0 : i32
        %dma_start3A_36 = tpu.memref_slice %arg8[%add3A_33, %dma_start3A_35] : memref<10240x128xf32, #tpu.memory_space<vmem_shared>> -> memref<128x128xf32, #tpu.memory_space<vmem_shared>>
        tpu.enqueue_dma source(%arg6 : memref<128x128xf32, #tpu.memory_space<vmem>>) target(%dma_start3A_36 : memref<128x128xf32, #tpu.memory_space<vmem_shared>>) target_semaphore(%run_scoped3A : memref<!tpu.dma_semaphore, #tpu.memory_space<semaphore_mem>>)
        %dma_wait3A = arith.constant 0 : i32
        %dma_wait3A_37 = tpu.memref_slice %arg8[%add3A_33, %dma_wait3A] : memref<10240x128xf32, #tpu.memory_space<vmem_shared>> -> memref<128x128xf32, #tpu.memory_space<vmem_shared>>
        %dma_wait3A_38 = arith.constant 0 : i32
        %dma_wait3A_39 = tpu.memref_slice %arg8[%add3A_33, %dma_wait3A_38] : memref<10240x128xf32, #tpu.memory_space<vmem_shared>> -> memref<128x128xf32, #tpu.memory_space<vmem_shared>>
        tpu.wait_dma2 semaphore(%run_scoped3A : memref<!tpu.dma_semaphore, #tpu.memory_space<semaphore_mem>>) src(%arg6 : memref<128x128xf32, #tpu.memory_space<vmem>>) dst(%dma_wait3A_39 : memref<128x128xf32, #tpu.memory_space<vmem_shared>>)
        tpu.yield
      }) : () -> ()
    }
    %scan3A_9 = arith.constant 5 : i32
    %barrier3A = arith.constant 0 : index
    tpu.barrier barrier_id(%barrier3A)
    %mul3A = arith.constant 1 : i32
    %mul3A_10 = arith.muli %arg0, %mul3A : i32
    %add3A = arith.constant 0 : i32
    %add3A_11 = arith.addi %mul3A_10, %add3A : i32
    %scan3A_12 = arith.constant 0 : i32
    %scan3A_13 = arith.constant 20 : i32
    %scan3A_14 = arith.addi %scan3A_12, %scan3A_13 : i32
    %scan3A_15 = arith.constant 1 : i32
    scf.for %scan3A_24 = %scan3A_12 to %scan3A_14 step %scan3A_15  : i32 {
      %mul3A_25 = arith.constant 1 : i32
      %mul3A_26 = arith.muli %scan3A_24, %mul3A_25 : i32
      %add3A_27 = arith.constant 0 : i32
      %add3A_28 = arith.addi %add3A_27, %mul3A_26 : i32
      %mul3A_29 = arith.constant 160 : i32
      %mul3A_30 = arith.muli %arg1, %mul3A_29 : i32
      %mul3A_31 = arith.constant 8 : i32
      %mul3A_32 = arith.muli %add3A_28, %mul3A_31 : i32
      %add3A_33 = arith.addi %mul3A_30, %mul3A_32 : i32
      %mul3A_34 = arith.constant 2 : i32
      %mul3A_35 = arith.muli %add3A_33, %mul3A_34 : i32
      "tpu.region"() ({
        %run_scoped3A_217 = tpu.sem_alloc : memref<!tpu.dma_semaphore, #tpu.memory_space<semaphore_mem>>
        %dma_start3A_218 = arith.constant 0 : i32
        %dma_start3A_219 = tpu.memref_slice %arg2[%mul3A_35, %dma_start3A_218] : memref<5120x128xi32, #tpu.memory_space<hbm>> -> memref<16x128xi32, #tpu.memory_space<hbm>>
        %dma_start3A_220 = arith.constant 0 : i32
        %dma_start3A_221 = tpu.memref_slice %arg2[%mul3A_35, %dma_start3A_220] : memref<5120x128xi32, #tpu.memory_space<hbm>> -> memref<16x128xi32, #tpu.memory_space<hbm>>
        tpu.enqueue_dma source(%dma_start3A_221 : memref<16x128xi32, #tpu.memory_space<hbm>>) target(%arg5 : memref<16x128xi32, #tpu.memory_space<vmem>>) target_semaphore(%run_scoped3A_217 : memref<!tpu.dma_semaphore, #tpu.memory_space<semaphore_mem>>)
        %dma_wait3A_222 = arith.constant 0 : i32
        %dma_wait3A_223 = tpu.memref_slice %arg2[%mul3A_35, %dma_wait3A_222] : memref<5120x128xi32, #tpu.memory_space<hbm>> -> memref<16x128xi32, #tpu.memory_space<hbm>>
        %dma_wait3A_224 = arith.constant 0 : i32
        %dma_wait3A_225 = tpu.memref_slice %arg2[%mul3A_35, %dma_wait3A_224] : memref<5120x128xi32, #tpu.memory_space<hbm>> -> memref<16x128xi32, #tpu.memory_space<hbm>>
        tpu.wait_dma2 semaphore(%run_scoped3A_217 : memref<!tpu.dma_semaphore, #tpu.memory_space<semaphore_mem>>) src(%dma_wait3A_225 : memref<16x128xi32, #tpu.memory_space<hbm>>) dst(%arg5 : memref<16x128xi32, #tpu.memory_space<vmem>>)
        tpu.yield
      }) : () -> ()
      %dma_start3A = arith.constant 0 : i32
      %dma_start3A_36 = arith.constant 0 : i32
      %dma_start3A_37 = tpu.memref_slice %arg5[%dma_start3A, %dma_start3A_36] : memref<16x128xi32, #tpu.memory_space<vmem>> -> memref<1x128xi32, #tpu.memory_space<vmem>>
      %dma_start3A_38 = tpu.memref_squeeze %dma_start3A_37 : memref<1x128xi32, #tpu.memory_space<vmem>> -> memref<128xi32, #tpu.memory_space<vmem>>
      %dma_start3A_39 = arith.constant 0 : i32
      %dma_start3A_40 = arith.constant 0 : i32
      %dma_start3A_41 = tpu.memref_slice %arg3[%add3A_11, %dma_start3A_39, %dma_start3A_40] : memref<2x10000x128xf32, #tpu.memory_space<hbm>> -> memref<1x10000x128xf32, #tpu.memory_space<hbm>>
      %dma_start3A_42 = tpu.memref_squeeze %dma_start3A_41 : memref<1x10000x128xf32, #tpu.memory_space<hbm>> -> memref<10000x128xf32, #tpu.memory_space<hbm>>
      %dma_start3A_43 = arith.constant 0 : i32
      %dma_start3A_44 = arith.constant 0 : i32
      %dma_start3A_45 = tpu.memref_slice %dma_start3A_42[%dma_start3A_43, %dma_start3A_44] : memref<10000x128xf32, #tpu.memory_space<hbm>> -> memref<10000x128xf32, #tpu.memory_space<hbm>>
      tpu.enqueue_indirect_dma source(%dma_start3A_45 : memref<10000x128xf32, #tpu.memory_space<hbm>>) target(%arg6 : memref<128x128xf32, #tpu.memory_space<vmem>>) offsets(%dma_start3A_38 : memref<128xi32, #tpu.memory_space<vmem>>) semaphore(%arg9 : memref<!tpu.dma_semaphore, #tpu.memory_space<semaphore_mem>>)
      %dma_start3A_46 = arith.constant 2 : i32
      %dma_start3A_47 = arith.constant 0 : i32
      %dma_start3A_48 = tpu.memref_slice %arg5[%dma_start3A_46, %dma_start3A_47] : memref<16x128xi32, #tpu.memory_space<vmem>> -> memref<1x128xi32, #tpu.memory_space<vmem>>
      %dma_start3A_49 = tpu.memref_squeeze %dma_start3A_48 : memref<1x128xi32, #tpu.memory_space<vmem>> -> memref<128xi32, #tpu.memory_space<vmem>>
      %dma_start3A_50 = arith.constant 0 : i32
      %dma_start3A_51 = arith.constant 0 : i32
      %dma_start3A_52 = tpu.memref_slice %arg3[%add3A_11, %dma_start3A_50, %dma_start3A_51] : memref<2x10000x128xf32, #tpu.memory_space<hbm>> -> memref<1x10000x128xf32, #tpu.memory_space<hbm>>
      %dma_start3A_53 = tpu.memref_squeeze %dma_start3A_52 : memref<1x10000x128xf32, #tpu.memory_space<hbm>> -> memref<10000x128xf32, #tpu.memory_space<hbm>>
      %dma_start3A_54 = arith.constant 0 : i32
      %dma_start3A_55 = arith.constant 0 : i32
      %dma_start3A_56 = tpu.memref_slice %dma_start3A_53[%dma_start3A_54, %dma_start3A_55] : memref<10000x128xf32, #tpu.memory_space<hbm>> -> memref<10000x128xf32, #tpu.memory_space<hbm>>
      tpu.enqueue_indirect_dma source(%dma_start3A_56 : memref<10000x128xf32, #tpu.memory_space<hbm>>) target(%arg7 : memref<128x128xf32, #tpu.memory_space<vmem>>) offsets(%dma_start3A_49 : memref<128xi32, #tpu.memory_space<vmem>>) semaphore(%arg10 : memref<!tpu.dma_semaphore, #tpu.memory_space<semaphore_mem>>)
      %dma_wait3A = arith.constant 0 : i32
      %dma_wait3A_57 = arith.constant 0 : i32
      %dma_wait3A_58 = tpu.memref_slice %arg5[%dma_wait3A, %dma_wait3A_57] : memref<16x128xi32, #tpu.memory_space<vmem>> -> memref<1x128xi32, #tpu.memory_space<vmem>>
      %dma_wait3A_59 = tpu.memref_squeeze %dma_wait3A_58 : memref<1x128xi32, #tpu.memory_space<vmem>> -> memref<128xi32, #tpu.memory_space<vmem>>
      %dma_wait3A_60 = arith.constant 0 : i32
      %dma_wait3A_61 = arith.constant 0 : i32
      %dma_wait3A_62 = tpu.memref_slice %arg3[%add3A_11, %dma_wait3A_60, %dma_wait3A_61] : memref<2x10000x128xf32, #tpu.memory_space<hbm>> -> memref<1x10000x128xf32, #tpu.memory_space<hbm>>
      %dma_wait3A_63 = tpu.memref_squeeze %dma_wait3A_62 : memref<1x10000x128xf32, #tpu.memory_space<hbm>> -> memref<10000x128xf32, #tpu.memory_space<hbm>>
      %dma_wait3A_64 = arith.constant 0 : i32
      %dma_wait3A_65 = arith.constant 0 : i32
      %dma_wait3A_66 = tpu.memref_slice %dma_wait3A_63[%dma_wait3A_64, %dma_wait3A_65] : memref<10000x128xf32, #tpu.memory_space<hbm>> -> memref<10000x128xf32, #tpu.memory_space<hbm>>
      tpu.wait_indirect_dma semaphore(%arg9 : memref<!tpu.dma_semaphore, #tpu.memory_space<semaphore_mem>>) src(%dma_wait3A_66 : memref<10000x128xf32, #tpu.memory_space<hbm>>) dst(%arg6 : memref<128x128xf32, #tpu.memory_space<vmem>>)
      %run_scoped3A = arith.constant 1 : i32
      "tpu.region"() ({
        %run_scoped3A_217 = tpu.sem_alloc : memref<!tpu.dma_semaphore, #tpu.memory_space<semaphore_mem>>
        %dma_start3A_218 = arith.constant 0 : i32
        %dma_start3A_219 = tpu.memref_slice %arg5[%run_scoped3A, %dma_start3A_218] : memref<16x128xi32, #tpu.memory_space<vmem>> -> memref<1x128xi32, #tpu.memory_space<vmem>>
        %dma_start3A_220 = tpu.memref_squeeze %dma_start3A_219 : memref<1x128xi32, #tpu.memory_space<vmem>> -> memref<128xi32, #tpu.memory_space<vmem>>
        %dma_start3A_221 = arith.constant 0 : i32
        %dma_start3A_222 = arith.constant 0 : i32
        %dma_start3A_223 = tpu.memref_slice %arg8[%dma_start3A_221, %dma_start3A_222] : memref<10240x128xf32, #tpu.memory_space<vmem_shared>> -> memref<10240x128xf32, #tpu.memory_space<vmem_shared>>
        tpu.enqueue_indirect_dma source(%arg6 : memref<128x128xf32, #tpu.memory_space<vmem>>) target(%dma_start3A_223 : memref<10240x128xf32, #tpu.memory_space<vmem_shared>>) offsets(%dma_start3A_220 : memref<128xi32, #tpu.memory_space<vmem>>) semaphore(%run_scoped3A_217 : memref<!tpu.dma_semaphore, #tpu.memory_space<semaphore_mem>>) {add = true}
        %dma_wait3A_224 = arith.constant 0 : i32
        %dma_wait3A_225 = tpu.memref_slice %arg5[%run_scoped3A, %dma_wait3A_224] : memref<16x128xi32, #tpu.memory_space<vmem>> -> memref<1x128xi32, #tpu.memory_space<vmem>>
        %dma_wait3A_226 = tpu.memref_squeeze %dma_wait3A_225 : memref<1x128xi32, #tpu.memory_space<vmem>> -> memref<128xi32, #tpu.memory_space<vmem>>
        %dma_wait3A_227 = arith.constant 0 : i32
        %dma_wait3A_228 = arith.constant 0 : i32
        %dma_wait3A_229 = tpu.memref_slice %arg8[%dma_wait3A_227, %dma_wait3A_228] : memref<10240x128xf32, #tpu.memory_space<vmem_shared>> -> memref<10240x128xf32, #tpu.memory_space<vmem_shared>>
        tpu.wait_indirect_dma semaphore(%run_scoped3A_217 : memref<!tpu.dma_semaphore, #tpu.memory_space<semaphore_mem>>) src(%arg6 : memref<128x128xf32, #tpu.memory_space<vmem>>) dst(%dma_wait3A_229 : memref<10240x128xf32, #tpu.memory_space<vmem_shared>>)
        tpu.yield
      }) : () -> ()
      %dma_start3A_67 = arith.constant 4 : i32
      %dma_start3A_68 = arith.constant 0 : i32
      %dma_start3A_69 = tpu.memref_slice %arg5[%dma_start3A_67, %dma_start3A_68] : memref<16x128xi32, #tpu.memory_space<vmem>> -> memref<1x128xi32, #tpu.memory_space<vmem>>
      %dma_start3A_70 = tpu.memref_squeeze %dma_start3A_69 : memref<1x128xi32, #tpu.memory_space<vmem>> -> memref<128xi32, #tpu.memory_space<vmem>>
      %dma_start3A_71 = arith.constant 0 : i32
      %dma_start3A_72 = arith.constant 0 : i32
      %dma_start3A_73 = tpu.memref_slice %arg3[%add3A_11, %dma_start3A_71, %dma_start3A_72] : memref<2x10000x128xf32, #tpu.memory_space<hbm>> -> memref<1x10000x128xf32, #tpu.memory_space<hbm>>
      %dma_start3A_74 = tpu.memref_squeeze %dma_start3A_73 : memref<1x10000x128xf32, #tpu.memory_space<hbm>> -> memref<10000x128xf32, #tpu.memory_space<hbm>>
      %dma_start3A_75 = arith.constant 0 : i32
      %dma_start3A_76 = arith.constant 0 : i32
      %dma_start3A_77 = tpu.memref_slice %dma_start3A_74[%dma_start3A_75, %dma_start3A_76] : memref<10000x128xf32, #tpu.memory_space<hbm>> -> memref<10000x128xf32, #tpu.memory_space<hbm>>
      tpu.enqueue_indirect_dma source(%dma_start3A_77 : memref<10000x128xf32, #tpu.memory_space<hbm>>) target(%arg6 : memref<128x128xf32, #tpu.memory_space<vmem>>) offsets(%dma_start3A_70 : memref<128xi32, #tpu.memory_space<vmem>>) semaphore(%arg9 : memref<!tpu.dma_semaphore, #tpu.memory_space<semaphore_mem>>)
      %dma_wait3A_78 = arith.constant 2 : i32
      %dma_wait3A_79 = arith.constant 0 : i32
      %dma_wait3A_80 = tpu.memref_slice %arg5[%dma_wait3A_78, %dma_wait3A_79] : memref<16x128xi32, #tpu.memory_space<vmem>> -> memref<1x128xi32, #tpu.memory_space<vmem>>
      %dma_wait3A_81 = tpu.memref_squeeze %dma_wait3A_80 : memref<1x128xi32, #tpu.memory_space<vmem>> -> memref<128xi32, #tpu.memory_space<vmem>>
      %dma_wait3A_82 = arith.constant 0 : i32
      %dma_wait3A_83 = arith.constant 0 : i32
      %dma_wait3A_84 = tpu.memref_slice %arg3[%add3A_11, %dma_wait3A_82, %dma_wait3A_83] : memref<2x10000x128xf32, #tpu.memory_space<hbm>> -> memref<1x10000x128xf32, #tpu.memory_space<hbm>>
      %dma_wait3A_85 = tpu.memref_squeeze %dma_wait3A_84 : memref<1x10000x128xf32, #tpu.memory_space<hbm>> -> memref<10000x128xf32, #tpu.memory_space<hbm>>
      %dma_wait3A_86 = arith.constant 0 : i32
      %dma_wait3A_87 = arith.constant 0 : i32
      %dma_wait3A_88 = tpu.memref_slice %dma_wait3A_85[%dma_wait3A_86, %dma_wait3A_87] : memref<10000x128xf32, #tpu.memory_space<hbm>> -> memref<10000x128xf32, #tpu.memory_space<hbm>>
      tpu.wait_indirect_dma semaphore(%arg10 : memref<!tpu.dma_semaphore, #tpu.memory_space<semaphore_mem>>) src(%dma_wait3A_88 : memref<10000x128xf32, #tpu.memory_space<hbm>>) dst(%arg7 : memref<128x128xf32, #tpu.memory_space<vmem>>)
      %run_scoped3A_89 = arith.constant 3 : i32
      "tpu.region"() ({
        %run_scoped3A_217 = tpu.sem_alloc : memref<!tpu.dma_semaphore, #tpu.memory_space<semaphore_mem>>
        %dma_start3A_218 = arith.constant 0 : i32
        %dma_start3A_219 = tpu.memref_slice %arg5[%run_scoped3A_89, %dma_start3A_218] : memref<16x128xi32, #tpu.memory_space<vmem>> -> memref<1x128xi32, #tpu.memory_space<vmem>>
        %dma_start3A_220 = tpu.memref_squeeze %dma_start3A_219 : memref<1x128xi32, #tpu.memory_space<vmem>> -> memref<128xi32, #tpu.memory_space<vmem>>
        %dma_start3A_221 = arith.constant 0 : i32
        %dma_start3A_222 = arith.constant 0 : i32
        %dma_start3A_223 = tpu.memref_slice %arg8[%dma_start3A_221, %dma_start3A_222] : memref<10240x128xf32, #tpu.memory_space<vmem_shared>> -> memref<10240x128xf32, #tpu.memory_space<vmem_shared>>
        tpu.enqueue_indirect_dma source(%arg7 : memref<128x128xf32, #tpu.memory_space<vmem>>) target(%dma_start3A_223 : memref<10240x128xf32, #tpu.memory_space<vmem_shared>>) offsets(%dma_start3A_220 : memref<128xi32, #tpu.memory_space<vmem>>) semaphore(%run_scoped3A_217 : memref<!tpu.dma_semaphore, #tpu.memory_space<semaphore_mem>>) {add = true}
        %dma_wait3A_224 = arith.constant 0 : i32
        %dma_wait3A_225 = tpu.memref_slice %arg5[%run_scoped3A_89, %dma_wait3A_224] : memref<16x128xi32, #tpu.memory_space<vmem>> -> memref<1x128xi32, #tpu.memory_space<vmem>>
        %dma_wait3A_226 = tpu.memref_squeeze %dma_wait3A_225 : memref<1x128xi32, #tpu.memory_space<vmem>> -> memref<128xi32, #tpu.memory_space<vmem>>
        %dma_wait3A_227 = arith.constant 0 : i32
        %dma_wait3A_228 = arith.constant 0 : i32
        %dma_wait3A_229 = tpu.memref_slice %arg8[%dma_wait3A_227, %dma_wait3A_228] : memref<10240x128xf32, #tpu.memory_space<vmem_shared>> -> memref<10240x128xf32, #tpu.memory_space<vmem_shared>>
        tpu.wait_indirect_dma semaphore(%run_scoped3A_217 : memref<!tpu.dma_semaphore, #tpu.memory_space<semaphore_mem>>) src(%arg7 : memref<128x128xf32, #tpu.memory_space<vmem>>) dst(%dma_wait3A_229 : memref<10240x128xf32, #tpu.memory_space<vmem_shared>>)
        tpu.yield
      }) : () -> ()
      %dma_start3A_90 = arith.constant 6 : i32
      %dma_start3A_91 = arith.constant 0 : i32
      %dma_start3A_92 = tpu.memref_slice %arg5[%dma_start3A_90, %dma_start3A_91] : memref<16x128xi32, #tpu.memory_space<vmem>> -> memref<1x128xi32, #tpu.memory_space<vmem>>
      %dma_start3A_93 = tpu.memref_squeeze %dma_start3A_92 : memref<1x128xi32, #tpu.memory_space<vmem>> -> memref<128xi32, #tpu.memory_space<vmem>>
      %dma_start3A_94 = arith.constant 0 : i32
      %dma_start3A_95 = arith.constant 0 : i32
      %dma_start3A_96 = tpu.memref_slice %arg3[%add3A_11, %dma_start3A_94, %dma_start3A_95] : memref<2x10000x128xf32, #tpu.memory_space<hbm>> -> memref<1x10000x128xf32, #tpu.memory_space<hbm>>
      %dma_start3A_97 = tpu.memref_squeeze %dma_start3A_96 : memref<1x10000x128xf32, #tpu.memory_space<hbm>> -> memref<10000x128xf32, #tpu.memory_space<hbm>>
      %dma_start3A_98 = arith.constant 0 : i32
      %dma_start3A_99 = arith.constant 0 : i32
      %dma_start3A_100 = tpu.memref_slice %dma_start3A_97[%dma_start3A_98, %dma_start3A_99] : memref<10000x128xf32, #tpu.memory_space<hbm>> -> memref<10000x128xf32, #tpu.memory_space<hbm>>
      tpu.enqueue_indirect_dma source(%dma_start3A_100 : memref<10000x128xf32, #tpu.memory_space<hbm>>) target(%arg7 : memref<128x128xf32, #tpu.memory_space<vmem>>) offsets(%dma_start3A_93 : memref<128xi32, #tpu.memory_space<vmem>>) semaphore(%arg10 : memref<!tpu.dma_semaphore, #tpu.memory_space<semaphore_mem>>)
      %dma_wait3A_101 = arith.constant 4 : i32
      %dma_wait3A_102 = arith.constant 0 : i32
      %dma_wait3A_103 = tpu.memref_slice %arg5[%dma_wait3A_101, %dma_wait3A_102] : memref<16x128xi32, #tpu.memory_space<vmem>> -> memref<1x128xi32, #tpu.memory_space<vmem>>
      %dma_wait3A_104 = tpu.memref_squeeze %dma_wait3A_103 : memref<1x128xi32, #tpu.memory_space<vmem>> -> memref<128xi32, #tpu.memory_space<vmem>>
      %dma_wait3A_105 = arith.constant 0 : i32
      %dma_wait3A_106 = arith.constant 0 : i32
      %dma_wait3A_107 = tpu.memref_slice %arg3[%add3A_11, %dma_wait3A_105, %dma_wait3A_106] : memref<2x10000x128xf32, #tpu.memory_space<hbm>> -> memref<1x10000x128xf32, #tpu.memory_space<hbm>>
      %dma_wait3A_108 = tpu.memref_squeeze %dma_wait3A_107 : memref<1x10000x128xf32, #tpu.memory_space<hbm>> -> memref<10000x128xf32, #tpu.memory_space<hbm>>
      %dma_wait3A_109 = arith.constant 0 : i32
      %dma_wait3A_110 = arith.constant 0 : i32
      %dma_wait3A_111 = tpu.memref_slice %dma_wait3A_108[%dma_wait3A_109, %dma_wait3A_110] : memref<10000x128xf32, #tpu.memory_space<hbm>> -> memref<10000x128xf32, #tpu.memory_space<hbm>>
      tpu.wait_indirect_dma semaphore(%arg9 : memref<!tpu.dma_semaphore, #tpu.memory_space<semaphore_mem>>) src(%dma_wait3A_111 : memref<10000x128xf32, #tpu.memory_space<hbm>>) dst(%arg6 : memref<128x128xf32, #tpu.memory_space<vmem>>)
      %run_scoped3A_112 = arith.constant 5 : i32
      "tpu.region"() ({
        %run_scoped3A_217 = tpu.sem_alloc : memref<!tpu.dma_semaphore, #tpu.memory_space<semaphore_mem>>
        %dma_start3A_218 = arith.constant 0 : i32
        %dma_start3A_219 = tpu.memref_slice %arg5[%run_scoped3A_112, %dma_start3A_218] : memref<16x128xi32, #tpu.memory_space<vmem>> -> memref<1x128xi32, #tpu.memory_space<vmem>>
        %dma_start3A_220 = tpu.memref_squeeze %dma_start3A_219 : memref<1x128xi32, #tpu.memory_space<vmem>> -> memref<128xi32, #tpu.memory_space<vmem>>
        %dma_start3A_221 = arith.constant 0 : i32
        %dma_start3A_222 = arith.constant 0 : i32
        %dma_start3A_223 = tpu.memref_slice %arg8[%dma_start3A_221, %dma_start3A_222] : memref<10240x128xf32, #tpu.memory_space<vmem_shared>> -> memref<10240x128xf32, #tpu.memory_space<vmem_shared>>
        tpu.enqueue_indirect_dma source(%arg6 : memref<128x128xf32, #tpu.memory_space<vmem>>) target(%dma_start3A_223 : memref<10240x128xf32, #tpu.memory_space<vmem_shared>>) offsets(%dma_start3A_220 : memref<128xi32, #tpu.memory_space<vmem>>) semaphore(%run_scoped3A_217 : memref<!tpu.dma_semaphore, #tpu.memory_space<semaphore_mem>>) {add = true}
        %dma_wait3A_224 = arith.constant 0 : i32
        %dma_wait3A_225 = tpu.memref_slice %arg5[%run_scoped3A_112, %dma_wait3A_224] : memref<16x128xi32, #tpu.memory_space<vmem>> -> memref<1x128xi32, #tpu.memory_space<vmem>>
        %dma_wait3A_226 = tpu.memref_squeeze %dma_wait3A_225 : memref<1x128xi32, #tpu.memory_space<vmem>> -> memref<128xi32, #tpu.memory_space<vmem>>
        %dma_wait3A_227 = arith.constant 0 : i32
        %dma_wait3A_228 = arith.constant 0 : i32
        %dma_wait3A_229 = tpu.memref_slice %arg8[%dma_wait3A_227, %dma_wait3A_228] : memref<10240x128xf32, #tpu.memory_space<vmem_shared>> -> memref<10240x128xf32, #tpu.memory_space<vmem_shared>>
        tpu.wait_indirect_dma semaphore(%run_scoped3A_217 : memref<!tpu.dma_semaphore, #tpu.memory_space<semaphore_mem>>) src(%arg6 : memref<128x128xf32, #tpu.memory_space<vmem>>) dst(%dma_wait3A_229 : memref<10240x128xf32, #tpu.memory_space<vmem_shared>>)
        tpu.yield
      }) : () -> ()
      %dma_start3A_113 = arith.constant 8 : i32
      %dma_start3A_114 = arith.constant 0 : i32
      %dma_start3A_115 = tpu.memref_slice %arg5[%dma_start3A_113, %dma_start3A_114] : memref<16x128xi32, #tpu.memory_space<vmem>> -> memref<1x128xi32, #tpu.memory_space<vmem>>
      %dma_start3A_116 = tpu.memref_squeeze %dma_start3A_115 : memref<1x128xi32, #tpu.memory_space<vmem>> -> memref<128xi32, #tpu.memory_space<vmem>>
      %dma_start3A_117 = arith.constant 0 : i32
      %dma_start3A_118 = arith.constant 0 : i32
      %dma_start3A_119 = tpu.memref_slice %arg3[%add3A_11, %dma_start3A_117, %dma_start3A_118] : memref<2x10000x128xf32, #tpu.memory_space<hbm>> -> memref<1x10000x128xf32, #tpu.memory_space<hbm>>
      %dma_start3A_120 = tpu.memref_squeeze %dma_start3A_119 : memref<1x10000x128xf32, #tpu.memory_space<hbm>> -> memref<10000x128xf32, #tpu.memory_space<hbm>>
      %dma_start3A_121 = arith.constant 0 : i32
      %dma_start3A_122 = arith.constant 0 : i32
      %dma_start3A_123 = tpu.memref_slice %dma_start3A_120[%dma_start3A_121, %dma_start3A_122] : memref<10000x128xf32, #tpu.memory_space<hbm>> -> memref<10000x128xf32, #tpu.memory_space<hbm>>
      tpu.enqueue_indirect_dma source(%dma_start3A_123 : memref<10000x128xf32, #tpu.memory_space<hbm>>) target(%arg6 : memref<128x128xf32, #tpu.memory_space<vmem>>) offsets(%dma_start3A_116 : memref<128xi32, #tpu.memory_space<vmem>>) semaphore(%arg9 : memref<!tpu.dma_semaphore, #tpu.memory_space<semaphore_mem>>)
      %dma_wait3A_124 = arith.constant 6 : i32
      %dma_wait3A_125 = arith.constant 0 : i32
      %dma_wait3A_126 = tpu.memref_slice %arg5[%dma_wait3A_124, %dma_wait3A_125] : memref<16x128xi32, #tpu.memory_space<vmem>> -> memref<1x128xi32, #tpu.memory_space<vmem>>
      %dma_wait3A_127 = tpu.memref_squeeze %dma_wait3A_126 : memref<1x128xi32, #tpu.memory_space<vmem>> -> memref<128xi32, #tpu.memory_space<vmem>>
      %dma_wait3A_128 = arith.constant 0 : i32
      %dma_wait3A_129 = arith.constant 0 : i32
      %dma_wait3A_130 = tpu.memref_slice %arg3[%add3A_11, %dma_wait3A_128, %dma_wait3A_129] : memref<2x10000x128xf32, #tpu.memory_space<hbm>> -> memref<1x10000x128xf32, #tpu.memory_space<hbm>>
      %dma_wait3A_131 = tpu.memref_squeeze %dma_wait3A_130 : memref<1x10000x128xf32, #tpu.memory_space<hbm>> -> memref<10000x128xf32, #tpu.memory_space<hbm>>
      %dma_wait3A_132 = arith.constant 0 : i32
      %dma_wait3A_133 = arith.constant 0 : i32
      %dma_wait3A_134 = tpu.memref_slice %dma_wait3A_131[%dma_wait3A_132, %dma_wait3A_133] : memref<10000x128xf32, #tpu.memory_space<hbm>> -> memref<10000x128xf32, #tpu.memory_space<hbm>>
      tpu.wait_indirect_dma semaphore(%arg10 : memref<!tpu.dma_semaphore, #tpu.memory_space<semaphore_mem>>) src(%dma_wait3A_134 : memref<10000x128xf32, #tpu.memory_space<hbm>>) dst(%arg7 : memref<128x128xf32, #tpu.memory_space<vmem>>)
      %run_scoped3A_135 = arith.constant 7 : i32
      "tpu.region"() ({
        %run_scoped3A_217 = tpu.sem_alloc : memref<!tpu.dma_semaphore, #tpu.memory_space<semaphore_mem>>
        %dma_start3A_218 = arith.constant 0 : i32
        %dma_start3A_219 = tpu.memref_slice %arg5[%run_scoped3A_135, %dma_start3A_218] : memref<16x128xi32, #tpu.memory_space<vmem>> -> memref<1x128xi32, #tpu.memory_space<vmem>>
        %dma_start3A_220 = tpu.memref_squeeze %dma_start3A_219 : memref<1x128xi32, #tpu.memory_space<vmem>> -> memref<128xi32, #tpu.memory_space<vmem>>
        %dma_start3A_221 = arith.constant 0 : i32
        %dma_start3A_222 = arith.constant 0 : i32
        %dma_start3A_223 = tpu.memref_slice %arg8[%dma_start3A_221, %dma_start3A_222] : memref<10240x128xf32, #tpu.memory_space<vmem_shared>> -> memref<10240x128xf32, #tpu.memory_space<vmem_shared>>
        tpu.enqueue_indirect_dma source(%arg7 : memref<128x128xf32, #tpu.memory_space<vmem>>) target(%dma_start3A_223 : memref<10240x128xf32, #tpu.memory_space<vmem_shared>>) offsets(%dma_start3A_220 : memref<128xi32, #tpu.memory_space<vmem>>) semaphore(%run_scoped3A_217 : memref<!tpu.dma_semaphore, #tpu.memory_space<semaphore_mem>>) {add = true}
        %dma_wait3A_224 = arith.constant 0 : i32
        %dma_wait3A_225 = tpu.memref_slice %arg5[%run_scoped3A_135, %dma_wait3A_224] : memref<16x128xi32, #tpu.memory_space<vmem>> -> memref<1x128xi32, #tpu.memory_space<vmem>>
        %dma_wait3A_226 = tpu.memref_squeeze %dma_wait3A_225 : memref<1x128xi32, #tpu.memory_space<vmem>> -> memref<128xi32, #tpu.memory_space<vmem>>
        %dma_wait3A_227 = arith.constant 0 : i32
        %dma_wait3A_228 = arith.constant 0 : i32
        %dma_wait3A_229 = tpu.memref_slice %arg8[%dma_wait3A_227, %dma_wait3A_228] : memref<10240x128xf32, #tpu.memory_space<vmem_shared>> -> memref<10240x128xf32, #tpu.memory_space<vmem_shared>>
        tpu.wait_indirect_dma semaphore(%run_scoped3A_217 : memref<!tpu.dma_semaphore, #tpu.memory_space<semaphore_mem>>) src(%arg7 : memref<128x128xf32, #tpu.memory_space<vmem>>) dst(%dma_wait3A_229 : memref<10240x128xf32, #tpu.memory_space<vmem_shared>>)
        tpu.yield
      }) : () -> ()
      %dma_start3A_136 = arith.constant 10 : i32
      %dma_start3A_137 = arith.constant 0 : i32
      %dma_start3A_138 = tpu.memref_slice %arg5[%dma_start3A_136, %dma_start3A_137] : memref<16x128xi32, #tpu.memory_space<vmem>> -> memref<1x128xi32, #tpu.memory_space<vmem>>
      %dma_start3A_139 = tpu.memref_squeeze %dma_start3A_138 : memref<1x128xi32, #tpu.memory_space<vmem>> -> memref<128xi32, #tpu.memory_space<vmem>>
      %dma_start3A_140 = arith.constant 0 : i32
      %dma_start3A_141 = arith.constant 0 : i32
      %dma_start3A_142 = tpu.memref_slice %arg3[%add3A_11, %dma_start3A_140, %dma_start3A_141] : memref<2x10000x128xf32, #tpu.memory_space<hbm>> -> memref<1x10000x128xf32, #tpu.memory_space<hbm>>
      %dma_start3A_143 = tpu.memref_squeeze %dma_start3A_142 : memref<1x10000x128xf32, #tpu.memory_space<hbm>> -> memref<10000x128xf32, #tpu.memory_space<hbm>>
      %dma_start3A_144 = arith.constant 0 : i32
      %dma_start3A_145 = arith.constant 0 : i32
      %dma_start3A_146 = tpu.memref_slice %dma_start3A_143[%dma_start3A_144, %dma_start3A_145] : memref<10000x128xf32, #tpu.memory_space<hbm>> -> memref<10000x128xf32, #tpu.memory_space<hbm>>
      tpu.enqueue_indirect_dma source(%dma_start3A_146 : memref<10000x128xf32, #tpu.memory_space<hbm>>) target(%arg7 : memref<128x128xf32, #tpu.memory_space<vmem>>) offsets(%dma_start3A_139 : memref<128xi32, #tpu.memory_space<vmem>>) semaphore(%arg10 : memref<!tpu.dma_semaphore, #tpu.memory_space<semaphore_mem>>)
      %dma_wait3A_147 = arith.constant 8 : i32
      %dma_wait3A_148 = arith.constant 0 : i32
      %dma_wait3A_149 = tpu.memref_slice %arg5[%dma_wait3A_147, %dma_wait3A_148] : memref<16x128xi32, #tpu.memory_space<vmem>> -> memref<1x128xi32, #tpu.memory_space<vmem>>
      %dma_wait3A_150 = tpu.memref_squeeze %dma_wait3A_149 : memref<1x128xi32, #tpu.memory_space<vmem>> -> memref<128xi32, #tpu.memory_space<vmem>>
      %dma_wait3A_151 = arith.constant 0 : i32
      %dma_wait3A_152 = arith.constant 0 : i32
      %dma_wait3A_153 = tpu.memref_slice %arg3[%add3A_11, %dma_wait3A_151, %dma_wait3A_152] : memref<2x10000x128xf32, #tpu.memory_space<hbm>> -> memref<1x10000x128xf32, #tpu.memory_space<hbm>>
      %dma_wait3A_154 = tpu.memref_squeeze %dma_wait3A_153 : memref<1x10000x128xf32, #tpu.memory_space<hbm>> -> memref<10000x128xf32, #tpu.memory_space<hbm>>
      %dma_wait3A_155 = arith.constant 0 : i32
      %dma_wait3A_156 = arith.constant 0 : i32
      %dma_wait3A_157 = tpu.memref_slice %dma_wait3A_154[%dma_wait3A_155, %dma_wait3A_156] : memref<10000x128xf32, #tpu.memory_space<hbm>> -> memref<10000x128xf32, #tpu.memory_space<hbm>>
      tpu.wait_indirect_dma semaphore(%arg9 : memref<!tpu.dma_semaphore, #tpu.memory_space<semaphore_mem>>) src(%dma_wait3A_157 : memref<10000x128xf32, #tpu.memory_space<hbm>>) dst(%arg6 : memref<128x128xf32, #tpu.memory_space<vmem>>)
      %run_scoped3A_158 = arith.constant 9 : i32
      "tpu.region"() ({
        %run_scoped3A_217 = tpu.sem_alloc : memref<!tpu.dma_semaphore, #tpu.memory_space<semaphore_mem>>
        %dma_start3A_218 = arith.constant 0 : i32
        %dma_start3A_219 = tpu.memref_slice %arg5[%run_scoped3A_158, %dma_start3A_218] : memref<16x128xi32, #tpu.memory_space<vmem>> -> memref<1x128xi32, #tpu.memory_space<vmem>>
        %dma_start3A_220 = tpu.memref_squeeze %dma_start3A_219 : memref<1x128xi32, #tpu.memory_space<vmem>> -> memref<128xi32, #tpu.memory_space<vmem>>
        %dma_start3A_221 = arith.constant 0 : i32
        %dma_start3A_222 = arith.constant 0 : i32
        %dma_start3A_223 = tpu.memref_slice %arg8[%dma_start3A_221, %dma_start3A_222] : memref<10240x128xf32, #tpu.memory_space<vmem_shared>> -> memref<10240x128xf32, #tpu.memory_space<vmem_shared>>
        tpu.enqueue_indirect_dma source(%arg6 : memref<128x128xf32, #tpu.memory_space<vmem>>) target(%dma_start3A_223 : memref<10240x128xf32, #tpu.memory_space<vmem_shared>>) offsets(%dma_start3A_220 : memref<128xi32, #tpu.memory_space<vmem>>) semaphore(%run_scoped3A_217 : memref<!tpu.dma_semaphore, #tpu.memory_space<semaphore_mem>>) {add = true}
        %dma_wait3A_224 = arith.constant 0 : i32
        %dma_wait3A_225 = tpu.memref_slice %arg5[%run_scoped3A_158, %dma_wait3A_224] : memref<16x128xi32, #tpu.memory_space<vmem>> -> memref<1x128xi32, #tpu.memory_space<vmem>>
        %dma_wait3A_226 = tpu.memref_squeeze %dma_wait3A_225 : memref<1x128xi32, #tpu.memory_space<vmem>> -> memref<128xi32, #tpu.memory_space<vmem>>
        %dma_wait3A_227 = arith.constant 0 : i32
        %dma_wait3A_228 = arith.constant 0 : i32
        %dma_wait3A_229 = tpu.memref_slice %arg8[%dma_wait3A_227, %dma_wait3A_228] : memref<10240x128xf32, #tpu.memory_space<vmem_shared>> -> memref<10240x128xf32, #tpu.memory_space<vmem_shared>>
        tpu.wait_indirect_dma semaphore(%run_scoped3A_217 : memref<!tpu.dma_semaphore, #tpu.memory_space<semaphore_mem>>) src(%arg6 : memref<128x128xf32, #tpu.memory_space<vmem>>) dst(%dma_wait3A_229 : memref<10240x128xf32, #tpu.memory_space<vmem_shared>>)
        tpu.yield
      }) : () -> ()
      %dma_start3A_159 = arith.constant 12 : i32
      %dma_start3A_160 = arith.constant 0 : i32
      %dma_start3A_161 = tpu.memref_slice %arg5[%dma_start3A_159, %dma_start3A_160] : memref<16x128xi32, #tpu.memory_space<vmem>> -> memref<1x128xi32, #tpu.memory_space<vmem>>
      %dma_start3A_162 = tpu.memref_squeeze %dma_start3A_161 : memref<1x128xi32, #tpu.memory_space<vmem>> -> memref<128xi32, #tpu.memory_space<vmem>>
      %dma_start3A_163 = arith.constant 0 : i32
      %dma_start3A_164 = arith.constant 0 : i32
      %dma_start3A_165 = tpu.memref_slice %arg3[%add3A_11, %dma_start3A_163, %dma_start3A_164] : memref<2x10000x128xf32, #tpu.memory_space<hbm>> -> memref<1x10000x128xf32, #tpu.memory_space<hbm>>
      %dma_start3A_166 = tpu.memref_squeeze %dma_start3A_165 : memref<1x10000x128xf32, #tpu.memory_space<hbm>> -> memref<10000x128xf32, #tpu.memory_space<hbm>>
      %dma_start3A_167 = arith.constant 0 : i32
      %dma_start3A_168 = arith.constant 0 : i32
      %dma_start3A_169 = tpu.memref_slice %dma_start3A_166[%dma_start3A_167, %dma_start3A_168] : memref<10000x128xf32, #tpu.memory_space<hbm>> -> memref<10000x128xf32, #tpu.memory_space<hbm>>
      tpu.enqueue_indirect_dma source(%dma_start3A_169 : memref<10000x128xf32, #tpu.memory_space<hbm>>) target(%arg6 : memref<128x128xf32, #tpu.memory_space<vmem>>) offsets(%dma_start3A_162 : memref<128xi32, #tpu.memory_space<vmem>>) semaphore(%arg9 : memref<!tpu.dma_semaphore, #tpu.memory_space<semaphore_mem>>)
      %dma_wait3A_170 = arith.constant 10 : i32
      %dma_wait3A_171 = arith.constant 0 : i32
      %dma_wait3A_172 = tpu.memref_slice %arg5[%dma_wait3A_170, %dma_wait3A_171] : memref<16x128xi32, #tpu.memory_space<vmem>> -> memref<1x128xi32, #tpu.memory_space<vmem>>
      %dma_wait3A_173 = tpu.memref_squeeze %dma_wait3A_172 : memref<1x128xi32, #tpu.memory_space<vmem>> -> memref<128xi32, #tpu.memory_space<vmem>>
      %dma_wait3A_174 = arith.constant 0 : i32
      %dma_wait3A_175 = arith.constant 0 : i32
      %dma_wait3A_176 = tpu.memref_slice %arg3[%add3A_11, %dma_wait3A_174, %dma_wait3A_175] : memref<2x10000x128xf32, #tpu.memory_space<hbm>> -> memref<1x10000x128xf32, #tpu.memory_space<hbm>>
      %dma_wait3A_177 = tpu.memref_squeeze %dma_wait3A_176 : memref<1x10000x128xf32, #tpu.memory_space<hbm>> -> memref<10000x128xf32, #tpu.memory_space<hbm>>
      %dma_wait3A_178 = arith.constant 0 : i32
      %dma_wait3A_179 = arith.constant 0 : i32
      %dma_wait3A_180 = tpu.memref_slice %dma_wait3A_177[%dma_wait3A_178, %dma_wait3A_179] : memref<10000x128xf32, #tpu.memory_space<hbm>> -> memref<10000x128xf32, #tpu.memory_space<hbm>>
      tpu.wait_indirect_dma semaphore(%arg10 : memref<!tpu.dma_semaphore, #tpu.memory_space<semaphore_mem>>) src(%dma_wait3A_180 : memref<10000x128xf32, #tpu.memory_space<hbm>>) dst(%arg7 : memref<128x128xf32, #tpu.memory_space<vmem>>)
      %run_scoped3A_181 = arith.constant 11 : i32
      "tpu.region"() ({
        %run_scoped3A_217 = tpu.sem_alloc : memref<!tpu.dma_semaphore, #tpu.memory_space<semaphore_mem>>
        %dma_start3A_218 = arith.constant 0 : i32
        %dma_start3A_219 = tpu.memref_slice %arg5[%run_scoped3A_181, %dma_start3A_218] : memref<16x128xi32, #tpu.memory_space<vmem>> -> memref<1x128xi32, #tpu.memory_space<vmem>>
        %dma_start3A_220 = tpu.memref_squeeze %dma_start3A_219 : memref<1x128xi32, #tpu.memory_space<vmem>> -> memref<128xi32, #tpu.memory_space<vmem>>
        %dma_start3A_221 = arith.constant 0 : i32
        %dma_start3A_222 = arith.constant 0 : i32
        %dma_start3A_223 = tpu.memref_slice %arg8[%dma_start3A_221, %dma_start3A_222] : memref<10240x128xf32, #tpu.memory_space<vmem_shared>> -> memref<10240x128xf32, #tpu.memory_space<vmem_shared>>
        tpu.enqueue_indirect_dma source(%arg7 : memref<128x128xf32, #tpu.memory_space<vmem>>) target(%dma_start3A_223 : memref<10240x128xf32, #tpu.memory_space<vmem_shared>>) offsets(%dma_start3A_220 : memref<128xi32, #tpu.memory_space<vmem>>) semaphore(%run_scoped3A_217 : memref<!tpu.dma_semaphore, #tpu.memory_space<semaphore_mem>>) {add = true}
        %dma_wait3A_224 = arith.constant 0 : i32
        %dma_wait3A_225 = tpu.memref_slice %arg5[%run_scoped3A_181, %dma_wait3A_224] : memref<16x128xi32, #tpu.memory_space<vmem>> -> memref<1x128xi32, #tpu.memory_space<vmem>>
        %dma_wait3A_226 = tpu.memref_squeeze %dma_wait3A_225 : memref<1x128xi32, #tpu.memory_space<vmem>> -> memref<128xi32, #tpu.memory_space<vmem>>
        %dma_wait3A_227 = arith.constant 0 : i32
        %dma_wait3A_228 = arith.constant 0 : i32
        %dma_wait3A_229 = tpu.memref_slice %arg8[%dma_wait3A_227, %dma_wait3A_228] : memref<10240x128xf32, #tpu.memory_space<vmem_shared>> -> memref<10240x128xf32, #tpu.memory_space<vmem_shared>>
        tpu.wait_indirect_dma semaphore(%run_scoped3A_217 : memref<!tpu.dma_semaphore, #tpu.memory_space<semaphore_mem>>) src(%arg7 : memref<128x128xf32, #tpu.memory_space<vmem>>) dst(%dma_wait3A_229 : memref<10240x128xf32, #tpu.memory_space<vmem_shared>>)
        tpu.yield
      }) : () -> ()
      %dma_start3A_182 = arith.constant 14 : i32
      %dma_start3A_183 = arith.constant 0 : i32
      %dma_start3A_184 = tpu.memref_slice %arg5[%dma_start3A_182, %dma_start3A_183] : memref<16x128xi32, #tpu.memory_space<vmem>> -> memref<1x128xi32, #tpu.memory_space<vmem>>
      %dma_start3A_185 = tpu.memref_squeeze %dma_start3A_184 : memref<1x128xi32, #tpu.memory_space<vmem>> -> memref<128xi32, #tpu.memory_space<vmem>>
      %dma_start3A_186 = arith.constant 0 : i32
      %dma_start3A_187 = arith.constant 0 : i32
      %dma_start3A_188 = tpu.memref_slice %arg3[%add3A_11, %dma_start3A_186, %dma_start3A_187] : memref<2x10000x128xf32, #tpu.memory_space<hbm>> -> memref<1x10000x128xf32, #tpu.memory_space<hbm>>
      %dma_start3A_189 = tpu.memref_squeeze %dma_start3A_188 : memref<1x10000x128xf32, #tpu.memory_space<hbm>> -> memref<10000x128xf32, #tpu.memory_space<hbm>>
      %dma_start3A_190 = arith.constant 0 : i32
      %dma_start3A_191 = arith.constant 0 : i32
      %dma_start3A_192 = tpu.memref_slice %dma_start3A_189[%dma_start3A_190, %dma_start3A_191] : memref<10000x128xf32, #tpu.memory_space<hbm>> -> memref<10000x128xf32, #tpu.memory_space<hbm>>
      tpu.enqueue_indirect_dma source(%dma_start3A_192 : memref<10000x128xf32, #tpu.memory_space<hbm>>) target(%arg7 : memref<128x128xf32, #tpu.memory_space<vmem>>) offsets(%dma_start3A_185 : memref<128xi32, #tpu.memory_space<vmem>>) semaphore(%arg10 : memref<!tpu.dma_semaphore, #tpu.memory_space<semaphore_mem>>)
      %dma_wait3A_193 = arith.constant 12 : i32
      %dma_wait3A_194 = arith.constant 0 : i32
      %dma_wait3A_195 = tpu.memref_slice %arg5[%dma_wait3A_193, %dma_wait3A_194] : memref<16x128xi32, #tpu.memory_space<vmem>> -> memref<1x128xi32, #tpu.memory_space<vmem>>
      %dma_wait3A_196 = tpu.memref_squeeze %dma_wait3A_195 : memref<1x128xi32, #tpu.memory_space<vmem>> -> memref<128xi32, #tpu.memory_space<vmem>>
      %dma_wait3A_197 = arith.constant 0 : i32
      %dma_wait3A_198 = arith.constant 0 : i32
      %dma_wait3A_199 = tpu.memref_slice %arg3[%add3A_11, %dma_wait3A_197, %dma_wait3A_198] : memref<2x10000x128xf32, #tpu.memory_space<hbm>> -> memref<1x10000x128xf32, #tpu.memory_space<hbm>>
      %dma_wait3A_200 = tpu.memref_squeeze %dma_wait3A_199 : memref<1x10000x128xf32, #tpu.memory_space<hbm>> -> memref<10000x128xf32, #tpu.memory_space<hbm>>
      %dma_wait3A_201 = arith.constant 0 : i32
      %dma_wait3A_202 = arith.constant 0 : i32
      %dma_wait3A_203 = tpu.memref_slice %dma_wait3A_200[%dma_wait3A_201, %dma_wait3A_202] : memref<10000x128xf32, #tpu.memory_space<hbm>> -> memref<10000x128xf32, #tpu.memory_space<hbm>>
      tpu.wait_indirect_dma semaphore(%arg9 : memref<!tpu.dma_semaphore, #tpu.memory_space<semaphore_mem>>) src(%dma_wait3A_203 : memref<10000x128xf32, #tpu.memory_space<hbm>>) dst(%arg6 : memref<128x128xf32, #tpu.memory_space<vmem>>)
      %run_scoped3A_204 = arith.constant 13 : i32
      "tpu.region"() ({
        %run_scoped3A_217 = tpu.sem_alloc : memref<!tpu.dma_semaphore, #tpu.memory_space<semaphore_mem>>
        %dma_start3A_218 = arith.constant 0 : i32
        %dma_start3A_219 = tpu.memref_slice %arg5[%run_scoped3A_204, %dma_start3A_218] : memref<16x128xi32, #tpu.memory_space<vmem>> -> memref<1x128xi32, #tpu.memory_space<vmem>>
        %dma_start3A_220 = tpu.memref_squeeze %dma_start3A_219 : memref<1x128xi32, #tpu.memory_space<vmem>> -> memref<128xi32, #tpu.memory_space<vmem>>
        %dma_start3A_221 = arith.constant 0 : i32
        %dma_start3A_222 = arith.constant 0 : i32
        %dma_start3A_223 = tpu.memref_slice %arg8[%dma_start3A_221, %dma_start3A_222] : memref<10240x128xf32, #tpu.memory_space<vmem_shared>> -> memref<10240x128xf32, #tpu.memory_space<vmem_shared>>
        tpu.enqueue_indirect_dma source(%arg6 : memref<128x128xf32, #tpu.memory_space<vmem>>) target(%dma_start3A_223 : memref<10240x128xf32, #tpu.memory_space<vmem_shared>>) offsets(%dma_start3A_220 : memref<128xi32, #tpu.memory_space<vmem>>) semaphore(%run_scoped3A_217 : memref<!tpu.dma_semaphore, #tpu.memory_space<semaphore_mem>>) {add = true}
        %dma_wait3A_224 = arith.constant 0 : i32
        %dma_wait3A_225 = tpu.memref_slice %arg5[%run_scoped3A_204, %dma_wait3A_224] : memref<16x128xi32, #tpu.memory_space<vmem>> -> memref<1x128xi32, #tpu.memory_space<vmem>>
        %dma_wait3A_226 = tpu.memref_squeeze %dma_wait3A_225 : memref<1x128xi32, #tpu.memory_space<vmem>> -> memref<128xi32, #tpu.memory_space<vmem>>
        %dma_wait3A_227 = arith.constant 0 : i32
        %dma_wait3A_228 = arith.constant 0 : i32
        %dma_wait3A_229 = tpu.memref_slice %arg8[%dma_wait3A_227, %dma_wait3A_228] : memref<10240x128xf32, #tpu.memory_space<vmem_shared>> -> memref<10240x128xf32, #tpu.memory_space<vmem_shared>>
        tpu.wait_indirect_dma semaphore(%run_scoped3A_217 : memref<!tpu.dma_semaphore, #tpu.memory_space<semaphore_mem>>) src(%arg6 : memref<128x128xf32, #tpu.memory_space<vmem>>) dst(%dma_wait3A_229 : memref<10240x128xf32, #tpu.memory_space<vmem_shared>>)
        tpu.yield
      }) : () -> ()
      %dma_wait3A_205 = arith.constant 14 : i32
      %dma_wait3A_206 = arith.constant 0 : i32
      %dma_wait3A_207 = tpu.memref_slice %arg5[%dma_wait3A_205, %dma_wait3A_206] : memref<16x128xi32, #tpu.memory_space<vmem>> -> memref<1x128xi32, #tpu.memory_space<vmem>>
      %dma_wait3A_208 = tpu.memref_squeeze %dma_wait3A_207 : memref<1x128xi32, #tpu.memory_space<vmem>> -> memref<128xi32, #tpu.memory_space<vmem>>
      %dma_wait3A_209 = arith.constant 0 : i32
      %dma_wait3A_210 = arith.constant 0 : i32
      %dma_wait3A_211 = tpu.memref_slice %arg3[%add3A_11, %dma_wait3A_209, %dma_wait3A_210] : memref<2x10000x128xf32, #tpu.memory_space<hbm>> -> memref<1x10000x128xf32, #tpu.memory_space<hbm>>
      %dma_wait3A_212 = tpu.memref_squeeze %dma_wait3A_211 : memref<1x10000x128xf32, #tpu.memory_space<hbm>> -> memref<10000x128xf32, #tpu.memory_space<hbm>>
      %dma_wait3A_213 = arith.constant 0 : i32
      %dma_wait3A_214 = arith.constant 0 : i32
      %dma_wait3A_215 = tpu.memref_slice %dma_wait3A_212[%dma_wait3A_213, %dma_wait3A_214] : memref<10000x128xf32, #tpu.memory_space<hbm>> -> memref<10000x128xf32, #tpu.memory_space<hbm>>
      tpu.wait_indirect_dma semaphore(%arg10 : memref<!tpu.dma_semaphore, #tpu.memory_space<semaphore_mem>>) src(%dma_wait3A_215 : memref<10000x128xf32, #tpu.memory_space<hbm>>) dst(%arg7 : memref<128x128xf32, #tpu.memory_space<vmem>>)
      %run_scoped3A_216 = arith.constant 15 : i32
      "tpu.region"() ({
        %run_scoped3A_217 = tpu.sem_alloc : memref<!tpu.dma_semaphore, #tpu.memory_space<semaphore_mem>>
        %dma_start3A_218 = arith.constant 0 : i32
        %dma_start3A_219 = tpu.memref_slice %arg5[%run_scoped3A_216, %dma_start3A_218] : memref<16x128xi32, #tpu.memory_space<vmem>> -> memref<1x128xi32, #tpu.memory_space<vmem>>
        %dma_start3A_220 = tpu.memref_squeeze %dma_start3A_219 : memref<1x128xi32, #tpu.memory_space<vmem>> -> memref<128xi32, #tpu.memory_space<vmem>>
        %dma_start3A_221 = arith.constant 0 : i32
        %dma_start3A_222 = arith.constant 0 : i32
        %dma_start3A_223 = tpu.memref_slice %arg8[%dma_start3A_221, %dma_start3A_222] : memref<10240x128xf32, #tpu.memory_space<vmem_shared>> -> memref<10240x128xf32, #tpu.memory_space<vmem_shared>>
        tpu.enqueue_indirect_dma source(%arg7 : memref<128x128xf32, #tpu.memory_space<vmem>>) target(%dma_start3A_223 : memref<10240x128xf32, #tpu.memory_space<vmem_shared>>) offsets(%dma_start3A_220 : memref<128xi32, #tpu.memory_space<vmem>>) semaphore(%run_scoped3A_217 : memref<!tpu.dma_semaphore, #tpu.memory_space<semaphore_mem>>) {add = true}
        %dma_wait3A_224 = arith.constant 0 : i32
        %dma_wait3A_225 = tpu.memref_slice %arg5[%run_scoped3A_216, %dma_wait3A_224] : memref<16x128xi32, #tpu.memory_space<vmem>> -> memref<1x128xi32, #tpu.memory_space<vmem>>
        %dma_wait3A_226 = tpu.memref_squeeze %dma_wait3A_225 : memref<1x128xi32, #tpu.memory_space<vmem>> -> memref<128xi32, #tpu.memory_space<vmem>>
        %dma_wait3A_227 = arith.constant 0 : i32
        %dma_wait3A_228 = arith.constant 0 : i32
        %dma_wait3A_229 = tpu.memref_slice %arg8[%dma_wait3A_227, %dma_wait3A_228] : memref<10240x128xf32, #tpu.memory_space<vmem_shared>> -> memref<10240x128xf32, #tpu.memory_space<vmem_shared>>
        tpu.wait_indirect_dma semaphore(%run_scoped3A_217 : memref<!tpu.dma_semaphore, #tpu.memory_space<semaphore_mem>>) src(%arg7 : memref<128x128xf32, #tpu.memory_space<vmem>>) dst(%dma_wait3A_229 : memref<10240x128xf32, #tpu.memory_space<vmem_shared>>)
        tpu.yield
      }) : () -> ()
    }
    %scan3A_16 = arith.constant 20 : i32
    %barrier3A_17 = arith.constant 0 : index
    tpu.barrier barrier_id(%barrier3A_17)
    %lt3A = arith.constant 15 : i32
    %lt3A_18 = arith.cmpi slt, %arg1, %lt3A : i32
    %convert_element_type3A = arith.extui %lt3A_18 : i1 to i32
    %cond3A = arith.constant 0 : i32
    %cond3A_19 = arith.cmpi ne, %convert_element_type3A, %cond3A : i32
    scf.if %cond3A_19 {
      %mul3A_24 = arith.constant 640 : i32
      %mul3A_25 = arith.muli %arg1, %mul3A_24 : i32
      %mul3A_26 = arith.constant 640 : i32
      %mul3A_27 = arith.muli %arg1, %mul3A_26 : i32
      "tpu.region"() ({
        %run_scoped3A = tpu.sem_alloc : memref<!tpu.dma_semaphore, #tpu.memory_space<semaphore_mem>>
        %dma_start3A = arith.constant 0 : i32
        %dma_start3A_28 = arith.constant 0 : i32
        %dma_start3A_29 = tpu.memref_slice %arg4[%add3A_11, %dma_start3A, %dma_start3A_28] : memref<2x10000x128xf32, #tpu.memory_space<hbm>> -> memref<1x10000x128xf32, #tpu.memory_space<hbm>>
        %dma_start3A_30 = tpu.memref_squeeze %dma_start3A_29 : memref<1x10000x128xf32, #tpu.memory_space<hbm>> -> memref<10000x128xf32, #tpu.memory_space<hbm>>
        %dma_start3A_31 = arith.constant 0 : i32
        %dma_start3A_32 = tpu.memref_slice %dma_start3A_30[%mul3A_27, %dma_start3A_31] : memref<10000x128xf32, #tpu.memory_space<hbm>> -> memref<640x128xf32, #tpu.memory_space<hbm>>
        %dma_start3A_33 = arith.constant 0 : i32
        %dma_start3A_34 = tpu.memref_slice %arg8[%mul3A_25, %dma_start3A_33] : memref<10240x128xf32, #tpu.memory_space<vmem_shared>> -> memref<640x128xf32, #tpu.memory_space<vmem_shared>>
        tpu.enqueue_dma source(%dma_start3A_34 : memref<640x128xf32, #tpu.memory_space<vmem_shared>>) target(%dma_start3A_32 : memref<640x128xf32, #tpu.memory_space<hbm>>) target_semaphore(%run_scoped3A : memref<!tpu.dma_semaphore, #tpu.memory_space<semaphore_mem>>)
        %dma_wait3A = arith.constant 0 : i32
        %dma_wait3A_35 = arith.constant 0 : i32
        %dma_wait3A_36 = tpu.memref_slice %arg4[%add3A_11, %dma_wait3A, %dma_wait3A_35] : memref<2x10000x128xf32, #tpu.memory_space<hbm>> -> memref<1x10000x128xf32, #tpu.memory_space<hbm>>
        %dma_wait3A_37 = tpu.memref_squeeze %dma_wait3A_36 : memref<1x10000x128xf32, #tpu.memory_space<hbm>> -> memref<10000x128xf32, #tpu.memory_space<hbm>>
        %dma_wait3A_38 = arith.constant 0 : i32
        %dma_wait3A_39 = tpu.memref_slice %dma_wait3A_37[%mul3A_27, %dma_wait3A_38] : memref<10000x128xf32, #tpu.memory_space<hbm>> -> memref<640x128xf32, #tpu.memory_space<hbm>>
        %dma_wait3A_40 = arith.constant 0 : i32
        %dma_wait3A_41 = tpu.memref_slice %arg8[%mul3A_25, %dma_wait3A_40] : memref<10240x128xf32, #tpu.memory_space<vmem_shared>> -> memref<640x128xf32, #tpu.memory_space<vmem_shared>>
        tpu.wait_dma2 semaphore(%run_scoped3A : memref<!tpu.dma_semaphore, #tpu.memory_space<semaphore_mem>>) src(%dma_wait3A_41 : memref<640x128xf32, #tpu.memory_space<vmem_shared>>) dst(%dma_wait3A_39 : memref<640x128xf32, #tpu.memory_space<hbm>>)
        tpu.yield
      }) : () -> ()
    } else {
    }
    %eq3A = arith.constant 15 : i32
    %eq3A_20 = arith.cmpi eq, %arg1, %eq3A : i32
    %convert_element_type3A_21 = arith.extui %eq3A_20 : i1 to i32
    %cond3A_22 = arith.constant 0 : i32
    %cond3A_23 = arith.cmpi ne, %convert_element_type3A_21, %cond3A_22 : i32
    scf.if %cond3A_23 {
      "tpu.region"() ({
        %run_scoped3A = tpu.sem_alloc : memref<!tpu.dma_semaphore, #tpu.memory_space<semaphore_mem>>
        %dma_start3A = arith.constant 0 : i32
        %dma_start3A_24 = arith.constant 0 : i32
        %dma_start3A_25 = tpu.memref_slice %arg4[%add3A_11, %dma_start3A, %dma_start3A_24] : memref<2x10000x128xf32, #tpu.memory_space<hbm>> -> memref<1x10000x128xf32, #tpu.memory_space<hbm>>
        %dma_start3A_26 = tpu.memref_squeeze %dma_start3A_25 : memref<1x10000x128xf32, #tpu.memory_space<hbm>> -> memref<10000x128xf32, #tpu.memory_space<hbm>>
        %dma_start3A_27 = arith.constant 9600 : i32
        %dma_start3A_28 = arith.constant 0 : i32
        %dma_start3A_29 = tpu.memref_slice %dma_start3A_26[%dma_start3A_27, %dma_start3A_28] : memref<10000x128xf32, #tpu.memory_space<hbm>> -> memref<400x128xf32, #tpu.memory_space<hbm>>
        %dma_start3A_30 = arith.constant 9600 : i32
        %dma_start3A_31 = arith.constant 0 : i32
        %dma_start3A_32 = tpu.memref_slice %arg8[%dma_start3A_30, %dma_start3A_31] : memref<10240x128xf32, #tpu.memory_space<vmem_shared>> -> memref<400x128xf32, #tpu.memory_space<vmem_shared>>
        tpu.enqueue_dma source(%dma_start3A_32 : memref<400x128xf32, #tpu.memory_space<vmem_shared>>) target(%dma_start3A_29 : memref<400x128xf32, #tpu.memory_space<hbm>>) target_semaphore(%run_scoped3A : memref<!tpu.dma_semaphore, #tpu.memory_space<semaphore_mem>>)
        %dma_wait3A = arith.constant 0 : i32
        %dma_wait3A_33 = arith.constant 0 : i32
        %dma_wait3A_34 = tpu.memref_slice %arg4[%add3A_11, %dma_wait3A, %dma_wait3A_33] : memref<2x10000x128xf32, #tpu.memory_space<hbm>> -> memref<1x10000x128xf32, #tpu.memory_space<hbm>>
        %dma_wait3A_35 = tpu.memref_squeeze %dma_wait3A_34 : memref<1x10000x128xf32, #tpu.memory_space<hbm>> -> memref<10000x128xf32, #tpu.memory_space<hbm>>
        %dma_wait3A_36 = arith.constant 9600 : i32
        %dma_wait3A_37 = arith.constant 0 : i32
        %dma_wait3A_38 = tpu.memref_slice %dma_wait3A_35[%dma_wait3A_36, %dma_wait3A_37] : memref<10000x128xf32, #tpu.memory_space<hbm>> -> memref<400x128xf32, #tpu.memory_space<hbm>>
        %dma_wait3A_39 = arith.constant 9600 : i32
        %dma_wait3A_40 = arith.constant 0 : i32
        %dma_wait3A_41 = tpu.memref_slice %arg8[%dma_wait3A_39, %dma_wait3A_40] : memref<10240x128xf32, #tpu.memory_space<vmem_shared>> -> memref<400x128xf32, #tpu.memory_space<vmem_shared>>
        tpu.wait_dma2 semaphore(%run_scoped3A : memref<!tpu.dma_semaphore, #tpu.memory_space<semaphore_mem>>) src(%dma_wait3A_41 : memref<400x128xf32, #tpu.memory_space<vmem_shared>>) dst(%dma_wait3A_38 : memref<400x128xf32, #tpu.memory_space<hbm>>)
        tpu.yield
      }) : () -> ()
    } else {
    }
    return
  }
}

module attributes {stable_mosaic.version = 14 : i64} {
  func.func @_dinv_body(%arg0: i32, %arg1: memref<2x400x128xf32, #tpu.memory_space<vmem>>, %arg2: memref<400x1xf32, #tpu.memory_space<vmem>>) attributes {dimension_semantics = [#tpu.dimension_semantics<arbitrary>], iteration_bounds = array<i64: 25>, scalar_prefetch = 0 : i64, scratch_operands = 0 : i64, tpu.core_type = #tpu.core_type<tc>, window_params = [{transform_indices = @transform_0, window_bounds = array<i64: 2, 400, 128>}, {transform_indices = @transform_1, window_bounds = array<i64: 400, 1>}]} {
    %get3A = arith.constant 0 : index
    %get3A_0 = arith.constant 0 : index
    %get3A_1 = arith.constant 0 : index
    %get3A_2 = vector.load %arg1[%get3A, %get3A_0, %get3A_1] : memref<2x400x128xf32, #tpu.memory_space<vmem>>, vector<2x400x128xf32>
    %slice3A = vector.extract_strided_slice %get3A_2 {offsets = [0, 0, 0], sizes = [1, 400, 1], strides = [1, 1, 1]} : vector<2x400x128xf32> to vector<1x400x1xf32>
    %squeeze3A = vector.shape_cast %slice3A : vector<1x400x1xf32> to vector<400x1xf32>
    %add3A = arith.constant 1.000000e+00 : f32
    %add3A_3 = vector.broadcast %add3A : f32 to vector<400x1xf32>
    %add3A_4 = arith.addf %add3A_3, %squeeze3A : vector<400x1xf32>
    %slice3A_5 = vector.extract_strided_slice %get3A_2 {offsets = [1, 0, 0], sizes = [1, 400, 1], strides = [1, 1, 1]} : vector<2x400x128xf32> to vector<1x400x1xf32>
    %squeeze3A_6 = vector.shape_cast %slice3A_5 : vector<1x400x1xf32> to vector<400x1xf32>
    %add3A_7 = arith.addf %add3A_4, %squeeze3A_6 : vector<400x1xf32>
    %rsqrt3A = math.rsqrt %add3A_7 : vector<400x1xf32>
    %swap3A = arith.constant 0 : index
    %swap3A_8 = arith.constant 0 : index
    %swap3A_9 = vector.load %arg2[%swap3A, %swap3A_8] : memref<400x1xf32, #tpu.memory_space<vmem>>, vector<400x1xf32>
    tpu.vector_store %arg2[%swap3A, %swap3A_8], %rsqrt3A {strides = array<i32>} : memref<400x1xf32, #tpu.memory_space<vmem>>, vector<400x1xf32>,
    return
  }
  func.func @transform_0(%arg0: i32) -> (i32, i32, i32) {
    %c0_i32 = arith.constant 0 : i32
    %c0_i32_0 = arith.constant 0 : i32
    %c0_i32_1 = arith.constant 0 : i32
    return %c0_i32, %arg0, %c0_i32_0 : i32, i32, i32
  }
  func.func @transform_1(%arg0: i32) -> (i32, i32) {
    %c0_i32 = arith.constant 0 : i32
    %c0_i32_0 = arith.constant 0 : i32
    return %arg0, %c0_i32 : i32, i32
  }
}

module attributes {stable_mosaic.version = 14 : i64} {
  func.func @_mm1_body(%arg0: i32, %arg1: i32, %arg2: memref<400x128xf32, #tpu.memory_space<vmem>>, %arg3: memref<128x128xf32, #tpu.memory_space<vmem>>, %arg4: memref<400x1xf32, #tpu.memory_space<vmem>>, %arg5: memref<1x400x128xf32, #tpu.memory_space<vmem>>) attributes {dimension_semantics = [#tpu.dimension_semantics<arbitrary>, #tpu.dimension_semantics<arbitrary>], iteration_bounds = array<i64: 2, 25>, scalar_prefetch = 0 : i64, scratch_operands = 0 : i64, tpu.core_type = #tpu.core_type<tc>, window_params = [{transform_indices = @transform_0, window_bounds = array<i64: 400, 128>}, {transform_indices = @transform_1, window_bounds = array<i64: 128, 128>}, {transform_indices = @transform_2, window_bounds = array<i64: 400, 1>}, {transform_indices = @transform_3, window_bounds = array<i64: 1, 400, 128>}]} {
    %get3A = arith.constant 0 : index
    %get3A_0 = arith.constant 0 : index
    %get3A_1 = vector.load %arg2[%get3A, %get3A_0] : memref<400x128xf32, #tpu.memory_space<vmem>>, vector<400x128xf32>
    %get3A_2 = arith.constant 0 : index
    %get3A_3 = arith.constant 0 : index
    %get3A_4 = vector.load %arg3[%get3A_2, %get3A_3] : memref<128x128xf32, #tpu.memory_space<vmem>>, vector<128x128xf32>
    %dot_general3A = arith.constant dense<0.000000e+00> : vector<400x128xf32>
    %dot_general3A_5 = tpu.matmul %get3A_1, %get3A_4, %dot_general3A {dimension_numbers = #tpu.dot_dimension_numbers<[1], [0], [0], [1], [0, 0, 1, 1], [], []>, transpose_lhs_hint = false} : vector<400x128xf32>, vector<128x128xf32>, vector<400x128xf32> -> vector<400x128xf32>
    %get3A_6 = arith.constant 0 : index
    %get3A_7 = arith.constant 0 : index
    %get3A_8 = vector.load %arg4[%get3A_6, %get3A_7] : memref<400x1xf32, #tpu.memory_space<vmem>>, vector<400x1xf32>
    %mul3A = vector.broadcast %get3A_8 : vector<400x1xf32> to vector<400x128xf32>
    %mul3A_9 = arith.mulf %mul3A, %dot_general3A_5 : vector<400x128xf32>
    %swap3A = arith.constant 0 : index
    %swap3A_10 = arith.constant 0 : index
    %swap3A_11 = arith.constant 0 : index
    %swap3A_12 = vector.load %arg5[%swap3A, %swap3A_10, %swap3A_11] : memref<1x400x128xf32, #tpu.memory_space<vmem>>, vector<1x400x128xf32>
    %swap3A_13 = vector.shape_cast %swap3A_12 : vector<1x400x128xf32> to vector<400x128xf32>
    %swap3A_14 = vector.shape_cast %mul3A_9 : vector<400x128xf32> to vector<1x400x128xf32>
    tpu.vector_store %arg5[%swap3A, %swap3A_10, %swap3A_11], %swap3A_14 {strides = array<i32>} : memref<1x400x128xf32, #tpu.memory_space<vmem>>, vector<1x400x128xf32>,
    return
  }
  func.func @transform_0(%arg0: i32, %arg1: i32) -> (i32, i32) {
    %c0_i32 = arith.constant 0 : i32
    %c0_i32_0 = arith.constant 0 : i32
    return %arg1, %c0_i32 : i32, i32
  }
  func.func @transform_1(%arg0: i32, %arg1: i32) -> (i32, i32) {
    %c0_i32 = arith.constant 0 : i32
    %c0_i32_0 = arith.constant 0 : i32
    return %c0_i32, %arg0 : i32, i32
  }
  func.func @transform_2(%arg0: i32, %arg1: i32) -> (i32, i32) {
    %c0_i32 = arith.constant 0 : i32
    %c0_i32_0 = arith.constant 0 : i32
    return %arg1, %c0_i32 : i32, i32
  }
  func.func @transform_3(%arg0: i32, %arg1: i32) -> (i32, i32, i32) {
    %c0_i32 = arith.constant 0 : i32
    %c0_i32_0 = arith.constant 0 : i32
    return %arg0, %arg1, %c0_i32 : i32, i32, i32
  }
}

module attributes {stable_mosaic.version = 14 : i64} {
  func.func @_mm2_body(%arg0: i32, %arg1: i32, %arg2: memref<2x400x128xf32, #tpu.memory_space<vmem>>, %arg3: memref<2x400x128xf32, #tpu.memory_space<vmem>>, %arg4: memref<400x1xf32, #tpu.memory_space<vmem>>, %arg5: memref<2x1x128xf32, #tpu.memory_space<vmem>>, %arg6: memref<2x128x128xf32, #tpu.memory_space<vmem>>, %arg7: memref<1x400x128xf32, #tpu.memory_space<vmem>>) attributes {dimension_semantics = [#tpu.dimension_semantics<arbitrary>, #tpu.dimension_semantics<arbitrary>], iteration_bounds = array<i64: 4, 25>, scalar_prefetch = 0 : i64, scratch_operands = 0 : i64, tpu.core_type = #tpu.core_type<tc>, window_params = [{transform_indices = @transform_0, window_bounds = array<i64: 2, 400, 128>}, {transform_indices = @transform_1, window_bounds = array<i64: 2, 400, 128>}, {transform_indices = @transform_2, window_bounds = array<i64: 400, 1>}, {pipeline_mode = #tpu.pipeline_mode<synchronous>, transform_indices = @transform_3, window_bounds = array<i64: 2, 1, 128>}, {transform_indices = @transform_4, window_bounds = array<i64: 2, 128, 128>}, {transform_indices = @transform_5, window_bounds = array<i64: 1, 400, 128>}]} {
    %get3A = arith.constant 0 : index
    %get3A_0 = arith.constant 0 : index
    %get3A_1 = vector.load %arg4[%get3A, %get3A_0] : memref<400x1xf32, #tpu.memory_space<vmem>>, vector<400x1xf32>
    %get3A_2 = arith.constant 0 : index
    %get3A_3 = arith.constant 0 : index
    %get3A_4 = arith.constant 0 : index
    %get3A_5 = vector.load %arg2[%get3A_2, %get3A_3, %get3A_4] : memref<2x400x128xf32, #tpu.memory_space<vmem>>, vector<2x400x128xf32>
    %get3A_6 = arith.constant 0 : index
    %get3A_7 = arith.constant 0 : index
    %get3A_8 = arith.constant 0 : index
    %get3A_9 = vector.load %arg3[%get3A_6, %get3A_7, %get3A_8] : memref<2x400x128xf32, #tpu.memory_space<vmem>>, vector<2x400x128xf32>
    %add3A = arith.addf %get3A_5, %get3A_9 : vector<2x400x128xf32>
    %broadcast_in_dim3A = vector.shape_cast %get3A_1 : vector<400x1xf32> to vector<1x400x1xf32>
    %mul3A = vector.broadcast %broadcast_in_dim3A : vector<1x400x1xf32> to vector<2x400x128xf32>
    %mul3A_10 = arith.mulf %add3A, %mul3A : vector<2x400x128xf32>
    %get3A_11 = arith.constant 0 : index
    %get3A_12 = arith.constant 0 : index
    %get3A_13 = arith.constant 0 : index
    %get3A_14 = vector.load %arg5[%get3A_11, %get3A_12, %get3A_13] : memref<2x1x128xf32, #tpu.memory_space<vmem>>, vector<2x1x128xf32>
    %add3A_15 = vector.broadcast %get3A_14 : vector<2x1x128xf32> to vector<2x400x128xf32>
    %add3A_16 = arith.addf %mul3A_10, %add3A_15 : vector<2x400x128xf32>
    %max3A = arith.constant 0.000000e+00 : f32
    %max3A_17 = vector.broadcast %max3A : f32 to vector<2x400x128xf32>
    %max3A_18 = arith.maximumf %add3A_16, %max3A_17 : vector<2x400x128xf32>
    %slice3A = vector.extract_strided_slice %max3A_18 {offsets = [0, 0, 0], sizes = [1, 400, 128], strides = [1, 1, 1]} : vector<2x400x128xf32> to vector<1x400x128xf32>
    %squeeze3A = vector.shape_cast %slice3A : vector<1x400x128xf32> to vector<400x128xf32>
    %get3A_19 = arith.constant 0 : index
    %get3A_20 = arith.constant 0 : index
    %get3A_21 = arith.constant 0 : index
    %get3A_22 = vector.load %arg6[%get3A_19, %get3A_20, %get3A_21] : memref<2x128x128xf32, #tpu.memory_space<vmem>>, vector<1x128x128xf32>
    %get3A_23 = vector.shape_cast %get3A_22 : vector<1x128x128xf32> to vector<128x128xf32>
    %dot_general3A = arith.constant dense<0.000000e+00> : vector<400x128xf32>
    %dot_general3A_24 = tpu.matmul %squeeze3A, %get3A_23, %dot_general3A {dimension_numbers = #tpu.dot_dimension_numbers<[1], [0], [0], [1], [0, 0, 1, 1], [], []>, transpose_lhs_hint = false} : vector<400x128xf32>, vector<128x128xf32>, vector<400x128xf32> -> vector<400x128xf32>
    %slice3A_25 = vector.extract_strided_slice %max3A_18 {offsets = [1, 0, 0], sizes = [1, 400, 128], strides = [1, 1, 1]} : vector<2x400x128xf32> to vector<1x400x128xf32>
    %squeeze3A_26 = vector.shape_cast %slice3A_25 : vector<1x400x128xf32> to vector<400x128xf32>
    %get3A_27 = arith.constant 1 : index
    %get3A_28 = arith.constant 0 : index
    %get3A_29 = arith.constant 0 : index
    %get3A_30 = vector.load %arg6[%get3A_27, %get3A_28, %get3A_29] : memref<2x128x128xf32, #tpu.memory_space<vmem>>, vector<1x128x128xf32>
    %get3A_31 = vector.shape_cast %get3A_30 : vector<1x128x128xf32> to vector<128x128xf32>
    %dot_general3A_32 = arith.constant dense<0.000000e+00> : vector<400x128xf32>
    %dot_general3A_33 = tpu.matmul %squeeze3A_26, %get3A_31, %dot_general3A_32 {dimension_numbers = #tpu.dot_dimension_numbers<[1], [0], [0], [1], [0, 0, 1, 1], [], []>, transpose_lhs_hint = false} : vector<400x128xf32>, vector<128x128xf32>, vector<400x128xf32> -> vector<400x128xf32>
    %add3A_34 = arith.addf %dot_general3A_24, %dot_general3A_33 : vector<400x128xf32>
    %mul3A_35 = vector.broadcast %get3A_1 : vector<400x1xf32> to vector<400x128xf32>
    %mul3A_36 = arith.mulf %mul3A_35, %add3A_34 : vector<400x128xf32>
    %swap3A = arith.constant 0 : index
    %swap3A_37 = arith.constant 0 : index
    %swap3A_38 = arith.constant 0 : index
    %swap3A_39 = vector.load %arg7[%swap3A, %swap3A_37, %swap3A_38] : memref<1x400x128xf32, #tpu.memory_space<vmem>>, vector<1x400x128xf32>
    %swap3A_40 = vector.shape_cast %swap3A_39 : vector<1x400x128xf32> to vector<400x128xf32>
    %swap3A_41 = vector.shape_cast %mul3A_36 : vector<400x128xf32> to vector<1x400x128xf32>
    tpu.vector_store %arg7[%swap3A, %swap3A_37, %swap3A_38], %swap3A_41 {strides = array<i32>} : memref<1x400x128xf32, #tpu.memory_space<vmem>>, vector<1x400x128xf32>,
    return
  }
  func.func @transform_0(%arg0: i32, %arg1: i32) -> (i32, i32, i32) {
    %c0_i32 = arith.constant 0 : i32
    %c0_i32_0 = arith.constant 0 : i32
    %c0_i32_1 = arith.constant 0 : i32
    return %c0_i32, %arg1, %c0_i32_0 : i32, i32, i32
  }
  func.func @transform_1(%arg0: i32, %arg1: i32) -> (i32, i32, i32) {
    %c0_i32 = arith.constant 0 : i32
    %c0_i32_0 = arith.constant 0 : i32
    %c0_i32_1 = arith.constant 0 : i32
    return %c0_i32, %arg1, %c0_i32_0 : i32, i32, i32
  }
  func.func @transform_2(%arg0: i32, %arg1: i32) -> (i32, i32) {
    %c0_i32 = arith.constant 0 : i32
    %c0_i32_0 = arith.constant 0 : i32
    return %arg1, %c0_i32 : i32, i32
  }
  func.func @transform_3(%arg0: i32, %arg1: i32) -> (i32, i32, i32) {
    %c0_i32 = arith.constant 0 : i32
    %c0_i32_0 = arith.constant 0 : i32
    %c0_i32_1 = arith.constant 0 : i32
    %c0_i32_2 = arith.constant 0 : i32
    return %c0_i32, %c0_i32_0, %c0_i32_1 : i32, i32, i32
  }
  func.func @transform_4(%arg0: i32, %arg1: i32) -> (i32, i32, i32) {
    %c0_i32 = arith.constant 0 : i32
    %c0_i32_0 = arith.constant 0 : i32
    %c0_i32_1 = arith.constant 0 : i32
    return %c0_i32, %c0_i32_0, %arg0 : i32, i32, i32
  }
  func.func @transform_5(%arg0: i32, %arg1: i32) -> (i32, i32, i32) {
    %c0_i32 = arith.constant 0 : i32
    %c0_i32_0 = arith.constant 0 : i32
    return %arg0, %arg1, %c0_i32 : i32, i32, i32
  }
}

module attributes {stable_mosaic.version = 14 : i64} {
  func.func @_pool_body(%arg0: i32, %arg1: memref<4x400x128xf32, #tpu.memory_space<vmem>>, %arg2: memref<4x400x128xf32, #tpu.memory_space<vmem>>, %arg3: memref<400x1xf32, #tpu.memory_space<vmem>>, %arg4: memref<4x1x128xf32, #tpu.memory_space<vmem>>, %arg5: memref<400x1xi32, #tpu.memory_space<vmem>>, %arg6: memref<64x4x128xf32, #tpu.memory_space<vmem>>, %arg7: memref<64x4x128xf32, #tpu.memory_space<vmem>>, %arg8: memref<64x1xf32, #tpu.memory_space<vmem>>) attributes {dimension_semantics = [#tpu.dimension_semantics<arbitrary>], iteration_bounds = array<i64: 25>, scalar_prefetch = 0 : i64, scratch_operands = 0 : i64, tpu.core_type = #tpu.core_type<tc>, window_params = [{transform_indices = @transform_0, window_bounds = array<i64: 4, 400, 128>}, {transform_indices = @transform_1, window_bounds = array<i64: 4, 400, 128>}, {transform_indices = @transform_2, window_bounds = array<i64: 400, 1>}, {pipeline_mode = #tpu.pipeline_mode<synchronous>, transform_indices = @transform_3, window_bounds = array<i64: 4, 1, 128>}, {transform_indices = @transform_4, window_bounds = array<i64: 400, 1>}, {pipeline_mode = #tpu.pipeline_mode<synchronous>, transform_indices = @transform_5, window_bounds = array<i64: 64, 4, 128>}, {pipeline_mode = #tpu.pipeline_mode<synchronous>, transform_indices = @transform_6, window_bounds = array<i64: 64, 4, 128>}, {pipeline_mode = #tpu.pipeline_mode<synchronous>, transform_indices = @transform_7, window_bounds = array<i64: 64, 1>}]} {
    %eq3A = arith.constant 0 : i32
    %eq3A_0 = arith.cmpi eq, %arg0, %eq3A : i32
    %convert_element_type3A = arith.extui %eq3A_0 : i1 to i32
    %cond3A = arith.constant 0 : i32
    %cond3A_1 = arith.cmpi ne, %convert_element_type3A, %cond3A : i32
    scf.if %cond3A_1 {
      %broadcast_in_dim3A_99 = arith.constant 0xFF800000 : f32
      %broadcast_in_dim3A_100 = vector.broadcast %broadcast_in_dim3A_99 : f32 to vector<64x4x128xf32>
      %swap3A_101 = arith.constant 0 : index
      %swap3A_102 = arith.constant 0 : index
      %swap3A_103 = arith.constant 0 : index
      %swap3A_104 = vector.load %arg6[%swap3A_101, %swap3A_102, %swap3A_103] : memref<64x4x128xf32, #tpu.memory_space<vmem>>, vector<64x4x128xf32>
      tpu.vector_store %arg6[%swap3A_101, %swap3A_102, %swap3A_103], %broadcast_in_dim3A_100 {strides = array<i32>} : memref<64x4x128xf32, #tpu.memory_space<vmem>>, vector<64x4x128xf32>,
      %broadcast_in_dim3A_105 = arith.constant 0.000000e+00 : f32
      %broadcast_in_dim3A_106 = vector.broadcast %broadcast_in_dim3A_105 : f32 to vector<64x4x128xf32>
      %swap3A_107 = arith.constant 0 : index
      %swap3A_108 = arith.constant 0 : index
      %swap3A_109 = arith.constant 0 : index
      %swap3A_110 = vector.load %arg7[%swap3A_107, %swap3A_108, %swap3A_109] : memref<64x4x128xf32, #tpu.memory_space<vmem>>, vector<64x4x128xf32>
      tpu.vector_store %arg7[%swap3A_107, %swap3A_108, %swap3A_109], %broadcast_in_dim3A_106 {strides = array<i32>} : memref<64x4x128xf32, #tpu.memory_space<vmem>>, vector<64x4x128xf32>,
      %broadcast_in_dim3A_111 = arith.constant 0.000000e+00 : f32
      %broadcast_in_dim3A_112 = vector.broadcast %broadcast_in_dim3A_111 : f32 to vector<64x1xf32>
      %swap3A_113 = arith.constant 0 : index
      %swap3A_114 = arith.constant 0 : index
      %swap3A_115 = vector.load %arg8[%swap3A_113, %swap3A_114] : memref<64x1xf32, #tpu.memory_space<vmem>>, vector<64x1xf32>
      tpu.vector_store %arg8[%swap3A_113, %swap3A_114], %broadcast_in_dim3A_112 {strides = array<i32>} : memref<64x1xf32, #tpu.memory_space<vmem>>, vector<64x1xf32>,
    } else {
    }
    %get3A = arith.constant 0 : index
    %get3A_2 = arith.constant 0 : index
    %get3A_3 = vector.load %arg3[%get3A, %get3A_2] : memref<400x1xf32, #tpu.memory_space<vmem>>, vector<400x1xf32>
    %get3A_4 = arith.constant 0 : index
    %get3A_5 = arith.constant 0 : index
    %get3A_6 = arith.constant 0 : index
    %get3A_7 = vector.load %arg1[%get3A_4, %get3A_5, %get3A_6] : memref<4x400x128xf32, #tpu.memory_space<vmem>>, vector<4x400x128xf32>
    %get3A_8 = arith.constant 0 : index
    %get3A_9 = arith.constant 0 : index
    %get3A_10 = arith.constant 0 : index
    %get3A_11 = vector.load %arg2[%get3A_8, %get3A_9, %get3A_10] : memref<4x400x128xf32, #tpu.memory_space<vmem>>, vector<4x400x128xf32>
    %add3A = arith.addf %get3A_7, %get3A_11 : vector<4x400x128xf32>
    %broadcast_in_dim3A = vector.shape_cast %get3A_3 : vector<400x1xf32> to vector<1x400x1xf32>
    %mul3A = vector.broadcast %broadcast_in_dim3A : vector<1x400x1xf32> to vector<4x400x128xf32>
    %mul3A_12 = arith.mulf %add3A, %mul3A : vector<4x400x128xf32>
    %get3A_13 = arith.constant 0 : index
    %get3A_14 = arith.constant 0 : index
    %get3A_15 = arith.constant 0 : index
    %get3A_16 = vector.load %arg4[%get3A_13, %get3A_14, %get3A_15] : memref<4x1x128xf32, #tpu.memory_space<vmem>>, vector<4x1x128xf32>
    %add3A_17 = vector.broadcast %get3A_16 : vector<4x1x128xf32> to vector<4x400x128xf32>
    %add3A_18 = arith.addf %mul3A_12, %add3A_17 : vector<4x400x128xf32>
    %get3A_19 = arith.constant 0 : index
    %get3A_20 = arith.constant 0 : index
    %get3A_21 = vector.load %arg5[%get3A_19, %get3A_20] : memref<400x1xi32, #tpu.memory_space<vmem>>, vector<400x1xi32>
    %iota3A = tpu.iota {dimensions = array<i32: 1>} : vector<400x64xi32>
    %eq3A_22 = vector.broadcast %get3A_21 : vector<400x1xi32> to vector<400x64xi32>
    %eq3A_23 = arith.cmpi eq, %eq3A_22, %iota3A : vector<400x64xi32>
    %convert_element_type3A_24 = arith.extui %eq3A_23 : vector<400x64xi1> to vector<400x64xi32>
    %convert_element_type3A_25 = arith.sitofp %convert_element_type3A_24 : vector<400x64xi32> to vector<400x64xf32>
    %get3A_26 = arith.constant 0 : index
    %get3A_27 = arith.constant 0 : index
    %get3A_28 = vector.load %arg8[%get3A_26, %get3A_27] : memref<64x1xf32, #tpu.memory_space<vmem>>, vector<64x1xf32>
    %reduce_sum3A = arith.constant dense<0.000000e+00> : vector<64xf32>
    %reduce_sum3A_29 = vector.multi_reduction <add>, %convert_element_type3A_25, %reduce_sum3A [0] : vector<400x64xf32> to vector<64xf32>
    %broadcast_in_dim3A_30 = vector.shape_cast %reduce_sum3A_29 : vector<64xf32> to vector<64x1xf32>
    %add3A_31 = arith.addf %get3A_28, %broadcast_in_dim3A_30 : vector<64x1xf32>
    %swap3A = arith.constant 0 : index
    %swap3A_32 = arith.constant 0 : index
    %swap3A_33 = vector.load %arg8[%swap3A, %swap3A_32] : memref<64x1xf32, #tpu.memory_space<vmem>>, vector<64x1xf32>
    tpu.vector_store %arg8[%swap3A, %swap3A_32], %add3A_31 {strides = array<i32>} : memref<64x1xf32, #tpu.memory_space<vmem>>, vector<64x1xf32>,
    %get3A_34 = arith.constant 0 : index
    %get3A_35 = arith.constant 0 : index
    %get3A_36 = arith.constant 0 : index
    %get3A_37 = vector.load %arg7[%get3A_34, %get3A_35, %get3A_36] : memref<64x4x128xf32, #tpu.memory_space<vmem>>, vector<64x1x128xf32>
    %get3A_38 = vector.shape_cast %get3A_37 : vector<64x1x128xf32> to vector<64x128xf32>
    %slice3A = vector.extract_strided_slice %add3A_18 {offsets = [0, 0, 0], sizes = [1, 400, 128], strides = [1, 1, 1]} : vector<4x400x128xf32> to vector<1x400x128xf32>
    %squeeze3A = vector.shape_cast %slice3A : vector<1x400x128xf32> to vector<400x128xf32>
    %dot_general3A = arith.constant dense<0.000000e+00> : vector<64x128xf32>
    %dot_general3A_39 = tpu.matmul %convert_element_type3A_25, %squeeze3A, %dot_general3A {dimension_numbers = #tpu.dot_dimension_numbers<[0], [0], [1], [1], [0, 1, 1, 1], [], []>, precision = #tpu.contract_precision<fp32>, transpose_lhs_hint = false} : vector<400x64xf32>, vector<400x128xf32>, vector<64x128xf32> -> vector<64x128xf32>
    %add3A_40 = arith.addf %get3A_38, %dot_general3A_39 : vector<64x128xf32>
    %swap3A_41 = arith.constant 0 : index
    %swap3A_42 = arith.constant 0 : index
    %swap3A_43 = arith.constant 0 : index
    %swap3A_44 = vector.load %arg7[%swap3A_41, %swap3A_42, %swap3A_43] : memref<64x4x128xf32, #tpu.memory_space<vmem>>, vector<64x1x128xf32>
    %swap3A_45 = vector.shape_cast %swap3A_44 : vector<64x1x128xf32> to vector<64x128xf32>
    %swap3A_46 = vector.shape_cast %add3A_40 : vector<64x128xf32> to vector<64x1x128xf32>
    tpu.vector_store %arg7[%swap3A_41, %swap3A_42, %swap3A_43], %swap3A_46 {strides = array<i32>} : memref<64x4x128xf32, #tpu.memory_space<vmem>>, vector<64x1x128xf32>,
    %get3A_47 = arith.constant 0 : index
    %get3A_48 = arith.constant 1 : index
    %get3A_49 = arith.constant 0 : index
    %get3A_50 = vector.load %arg7[%get3A_47, %get3A_48, %get3A_49] : memref<64x4x128xf32, #tpu.memory_space<vmem>>, vector<64x1x128xf32>
    %get3A_51 = vector.shape_cast %get3A_50 : vector<64x1x128xf32> to vector<64x128xf32>
    %slice3A_52 = vector.extract_strided_slice %add3A_18 {offsets = [1, 0, 0], sizes = [1, 400, 128], strides = [1, 1, 1]} : vector<4x400x128xf32> to vector<1x400x128xf32>
    %squeeze3A_53 = vector.shape_cast %slice3A_52 : vector<1x400x128xf32> to vector<400x128xf32>
    %dot_general3A_54 = arith.constant dense<0.000000e+00> : vector<64x128xf32>
    %dot_general3A_55 = tpu.matmul %convert_element_type3A_25, %squeeze3A_53, %dot_general3A_54 {dimension_numbers = #tpu.dot_dimension_numbers<[0], [0], [1], [1], [0, 1, 1, 1], [], []>, precision = #tpu.contract_precision<fp32>, transpose_lhs_hint = false} : vector<400x64xf32>, vector<400x128xf32>, vector<64x128xf32> -> vector<64x128xf32>
    %add3A_56 = arith.addf %get3A_51, %dot_general3A_55 : vector<64x128xf32>
    %swap3A_57 = arith.constant 0 : index
    %swap3A_58 = arith.constant 1 : index
    %swap3A_59 = arith.constant 0 : index
    %swap3A_60 = vector.load %arg7[%swap3A_57, %swap3A_58, %swap3A_59] : memref<64x4x128xf32, #tpu.memory_space<vmem>>, vector<64x1x128xf32>
    %swap3A_61 = vector.shape_cast %swap3A_60 : vector<64x1x128xf32> to vector<64x128xf32>
    %swap3A_62 = vector.shape_cast %add3A_56 : vector<64x128xf32> to vector<64x1x128xf32>
    tpu.vector_store %arg7[%swap3A_57, %swap3A_58, %swap3A_59], %swap3A_62 {strides = array<i32>} : memref<64x4x128xf32, #tpu.memory_space<vmem>>, vector<64x1x128xf32>,
    %get3A_63 = arith.constant 0 : index
    %get3A_64 = arith.constant 2 : index
    %get3A_65 = arith.constant 0 : index
    %get3A_66 = vector.load %arg7[%get3A_63, %get3A_64, %get3A_65] : memref<64x4x128xf32, #tpu.memory_space<vmem>>, vector<64x1x128xf32>
    %get3A_67 = vector.shape_cast %get3A_66 : vector<64x1x128xf32> to vector<64x128xf32>
    %slice3A_68 = vector.extract_strided_slice %add3A_18 {offsets = [2, 0, 0], sizes = [1, 400, 128], strides = [1, 1, 1]} : vector<4x400x128xf32> to vector<1x400x128xf32>
    %squeeze3A_69 = vector.shape_cast %slice3A_68 : vector<1x400x128xf32> to vector<400x128xf32>
    %dot_general3A_70 = arith.constant dense<0.000000e+00> : vector<64x128xf32>
    %dot_general3A_71 = tpu.matmul %convert_element_type3A_25, %squeeze3A_69, %dot_general3A_70 {dimension_numbers = #tpu.dot_dimension_numbers<[0], [0], [1], [1], [0, 1, 1, 1], [], []>, precision = #tpu.contract_precision<fp32>, transpose_lhs_hint = false} : vector<400x64xf32>, vector<400x128xf32>, vector<64x128xf32> -> vector<64x128xf32>
    %add3A_72 = arith.addf %get3A_67, %dot_general3A_71 : vector<64x128xf32>
    %swap3A_73 = arith.constant 0 : index
    %swap3A_74 = arith.constant 2 : index
    %swap3A_75 = arith.constant 0 : index
    %swap3A_76 = vector.load %arg7[%swap3A_73, %swap3A_74, %swap3A_75] : memref<64x4x128xf32, #tpu.memory_space<vmem>>, vector<64x1x128xf32>
    %swap3A_77 = vector.shape_cast %swap3A_76 : vector<64x1x128xf32> to vector<64x128xf32>
    %swap3A_78 = vector.shape_cast %add3A_72 : vector<64x128xf32> to vector<64x1x128xf32>
    tpu.vector_store %arg7[%swap3A_73, %swap3A_74, %swap3A_75], %swap3A_78 {strides = array<i32>} : memref<64x4x128xf32, #tpu.memory_space<vmem>>, vector<64x1x128xf32>,
    %get3A_79 = arith.constant 0 : index
    %get3A_80 = arith.constant 3 : index
    %get3A_81 = arith.constant 0 : index
    %get3A_82 = vector.load %arg7[%get3A_79, %get3A_80, %get3A_81] : memref<64x4x128xf32, #tpu.memory_space<vmem>>, vector<64x1x128xf32>
    %get3A_83 = vector.shape_cast %get3A_82 : vector<64x1x128xf32> to vector<64x128xf32>
    %slice3A_84 = vector.extract_strided_slice %add3A_18 {offsets = [3, 0, 0], sizes = [1, 400, 128], strides = [1, 1, 1]} : vector<4x400x128xf32> to vector<1x400x128xf32>
    %squeeze3A_85 = vector.shape_cast %slice3A_84 : vector<1x400x128xf32> to vector<400x128xf32>
    %dot_general3A_86 = arith.constant dense<0.000000e+00> : vector<64x128xf32>
    %dot_general3A_87 = tpu.matmul %convert_element_type3A_25, %squeeze3A_85, %dot_general3A_86 {dimension_numbers = #tpu.dot_dimension_numbers<[0], [0], [1], [1], [0, 1, 1, 1], [], []>, precision = #tpu.contract_precision<fp32>, transpose_lhs_hint = false} : vector<400x64xf32>, vector<400x128xf32>, vector<64x128xf32> -> vector<64x128xf32>
    %add3A_88 = arith.addf %get3A_83, %dot_general3A_87 : vector<64x128xf32>
    %swap3A_89 = arith.constant 0 : index
    %swap3A_90 = arith.constant 3 : index
    %swap3A_91 = arith.constant 0 : index
    %swap3A_92 = vector.load %arg7[%swap3A_89, %swap3A_90, %swap3A_91] : memref<64x4x128xf32, #tpu.memory_space<vmem>>, vector<64x1x128xf32>
    %swap3A_93 = vector.shape_cast %swap3A_92 : vector<64x1x128xf32> to vector<64x128xf32>
    %swap3A_94 = vector.shape_cast %add3A_88 : vector<64x128xf32> to vector<64x1x128xf32>
    tpu.vector_store %arg7[%swap3A_89, %swap3A_90, %swap3A_91], %swap3A_94 {strides = array<i32>} : memref<64x4x128xf32, #tpu.memory_space<vmem>>, vector<64x1x128xf32>,
    %scan3A = arith.constant 0 : i32
    %scan3A_95 = arith.constant 64 : i32
    %scan3A_96 = arith.addi %scan3A, %scan3A_95 : i32
    %scan3A_97 = arith.constant 1 : i32
    scf.for %scan3A_99 = %scan3A to %scan3A_96 step %scan3A_97  : i32 {
      %eq3A_100 = vector.broadcast %scan3A_99 : i32 to vector<400x1xi32>
      %eq3A_101 = arith.cmpi eq, %get3A_21, %eq3A_100 : vector<400x1xi32>
      %slice3A_102 = vector.extract_strided_slice %add3A_18 {offsets = [0, 0, 0], sizes = [1, 400, 128], strides = [1, 1, 1]} : vector<4x400x128xf32> to vector<1x400x128xf32>
      %squeeze3A_103 = vector.shape_cast %slice3A_102 : vector<1x400x128xf32> to vector<400x128xf32>
      %jit3A = arith.constant 0xFF800000 : f32
      %broadcast_in_dim3A_104 = vector.shape_cast %eq3A_101 : vector<400x1xi1> to vector<400x1xi1>
      %broadcast_in_dim3A_105 = vector.broadcast %broadcast_in_dim3A_104 : vector<400x1xi1> to vector<400x128xi1>
      %broadcast_in_dim3A_106 = vector.broadcast %jit3A : f32 to vector<400x128xf32>
      %select_n3A = arith.select %broadcast_in_dim3A_105, %squeeze3A_103, %broadcast_in_dim3A_106 : vector<400x128xi1>, vector<400x128xf32>
      %reduce_max3A = arith.constant dense<0xFF800000> : vector<128xf32>
      %reduce_max3A_107 = vector.multi_reduction <maximumf>, %select_n3A, %reduce_max3A [0] : vector<400x128xf32> to vector<128xf32>
      %broadcast_in_dim3A_108 = vector.shape_cast %reduce_max3A_107 : vector<128xf32> to vector<1x128xf32>
      %get3A_109 = arith.index_cast %scan3A_99 : i32 to index
      %get3A_110 = arith.constant 0 : index
      %get3A_111 = arith.constant 0 : index
      %get3A_112 = vector.load %arg6[%get3A_109, %get3A_110, %get3A_111] : memref<64x4x128xf32, #tpu.memory_space<vmem>>, vector<1x1x128xf32>
      %get3A_113 = vector.shape_cast %get3A_112 : vector<1x1x128xf32> to vector<1x128xf32>
      %max3A = arith.maximumf %get3A_113, %broadcast_in_dim3A_108 : vector<1x128xf32>
      %swap3A_114 = arith.index_cast %scan3A_99 : i32 to index
      %swap3A_115 = arith.constant 0 : index
      %swap3A_116 = arith.constant 0 : index
      %swap3A_117 = vector.load %arg6[%swap3A_114, %swap3A_115, %swap3A_116] : memref<64x4x128xf32, #tpu.memory_space<vmem>>, vector<1x1x128xf32>
      %swap3A_118 = vector.shape_cast %swap3A_117 : vector<1x1x128xf32> to vector<1x128xf32>
      %swap3A_119 = vector.shape_cast %max3A : vector<1x128xf32> to vector<1x1x128xf32>
      tpu.vector_store %arg6[%swap3A_114, %swap3A_115, %swap3A_116], %swap3A_119 {strides = array<i32>} : memref<64x4x128xf32, #tpu.memory_space<vmem>>, vector<1x1x128xf32>,
      %slice3A_120 = vector.extract_strided_slice %add3A_18 {offsets = [1, 0, 0], sizes = [1, 400, 128], strides = [1, 1, 1]} : vector<4x400x128xf32> to vector<1x400x128xf32>
      %squeeze3A_121 = vector.shape_cast %slice3A_120 : vector<1x400x128xf32> to vector<400x128xf32>
      %jit3A_122 = arith.constant 0xFF800000 : f32
      %broadcast_in_dim3A_123 = vector.shape_cast %eq3A_101 : vector<400x1xi1> to vector<400x1xi1>
      %broadcast_in_dim3A_124 = vector.broadcast %broadcast_in_dim3A_123 : vector<400x1xi1> to vector<400x128xi1>
      %broadcast_in_dim3A_125 = vector.broadcast %jit3A_122 : f32 to vector<400x128xf32>
      %select_n3A_126 = arith.select %broadcast_in_dim3A_124, %squeeze3A_121, %broadcast_in_dim3A_125 : vector<400x128xi1>, vector<400x128xf32>
      %reduce_max3A_127 = arith.constant dense<0xFF800000> : vector<128xf32>
      %reduce_max3A_128 = vector.multi_reduction <maximumf>, %select_n3A_126, %reduce_max3A_127 [0] : vector<400x128xf32> to vector<128xf32>
      %broadcast_in_dim3A_129 = vector.shape_cast %reduce_max3A_128 : vector<128xf32> to vector<1x128xf32>
      %get3A_130 = arith.index_cast %scan3A_99 : i32 to index
      %get3A_131 = arith.constant 1 : index
      %get3A_132 = arith.constant 0 : index
      %get3A_133 = vector.load %arg6[%get3A_130, %get3A_131, %get3A_132] : memref<64x4x128xf32, #tpu.memory_space<vmem>>, vector<1x1x128xf32>
      %get3A_134 = vector.shape_cast %get3A_133 : vector<1x1x128xf32> to vector<1x128xf32>
      %max3A_135 = arith.maximumf %get3A_134, %broadcast_in_dim3A_129 : vector<1x128xf32>
      %swap3A_136 = arith.index_cast %scan3A_99 : i32 to index
      %swap3A_137 = arith.constant 1 : index
      %swap3A_138 = arith.constant 0 : index
      %swap3A_139 = vector.load %arg6[%swap3A_136, %swap3A_137, %swap3A_138] : memref<64x4x128xf32, #tpu.memory_space<vmem>>, vector<1x1x128xf32>
      %swap3A_140 = vector.shape_cast %swap3A_139 : vector<1x1x128xf32> to vector<1x128xf32>
      %swap3A_141 = vector.shape_cast %max3A_135 : vector<1x128xf32> to vector<1x1x128xf32>
      tpu.vector_store %arg6[%swap3A_136, %swap3A_137, %swap3A_138], %swap3A_141 {strides = array<i32>} : memref<64x4x128xf32, #tpu.memory_space<vmem>>, vector<1x1x128xf32>,
      %slice3A_142 = vector.extract_strided_slice %add3A_18 {offsets = [2, 0, 0], sizes = [1, 400, 128], strides = [1, 1, 1]} : vector<4x400x128xf32> to vector<1x400x128xf32>
      %squeeze3A_143 = vector.shape_cast %slice3A_142 : vector<1x400x128xf32> to vector<400x128xf32>
      %jit3A_144 = arith.constant 0xFF800000 : f32
      %broadcast_in_dim3A_145 = vector.shape_cast %eq3A_101 : vector<400x1xi1> to vector<400x1xi1>
      %broadcast_in_dim3A_146 = vector.broadcast %broadcast_in_dim3A_145 : vector<400x1xi1> to vector<400x128xi1>
      %broadcast_in_dim3A_147 = vector.broadcast %jit3A_144 : f32 to vector<400x128xf32>
      %select_n3A_148 = arith.select %broadcast_in_dim3A_146, %squeeze3A_143, %broadcast_in_dim3A_147 : vector<400x128xi1>, vector<400x128xf32>
      %reduce_max3A_149 = arith.constant dense<0xFF800000> : vector<128xf32>
      %reduce_max3A_150 = vector.multi_reduction <maximumf>, %select_n3A_148, %reduce_max3A_149 [0] : vector<400x128xf32> to vector<128xf32>
      %broadcast_in_dim3A_151 = vector.shape_cast %reduce_max3A_150 : vector<128xf32> to vector<1x128xf32>
      %get3A_152 = arith.index_cast %scan3A_99 : i32 to index
      %get3A_153 = arith.constant 2 : index
      %get3A_154 = arith.constant 0 : index
      %get3A_155 = vector.load %arg6[%get3A_152, %get3A_153, %get3A_154] : memref<64x4x128xf32, #tpu.memory_space<vmem>>, vector<1x1x128xf32>
      %get3A_156 = vector.shape_cast %get3A_155 : vector<1x1x128xf32> to vector<1x128xf32>
      %max3A_157 = arith.maximumf %get3A_156, %broadcast_in_dim3A_151 : vector<1x128xf32>
      %swap3A_158 = arith.index_cast %scan3A_99 : i32 to index
      %swap3A_159 = arith.constant 2 : index
      %swap3A_160 = arith.constant 0 : index
      %swap3A_161 = vector.load %arg6[%swap3A_158, %swap3A_159, %swap3A_160] : memref<64x4x128xf32, #tpu.memory_space<vmem>>, vector<1x1x128xf32>
      %swap3A_162 = vector.shape_cast %swap3A_161 : vector<1x1x128xf32> to vector<1x128xf32>
      %swap3A_163 = vector.shape_cast %max3A_157 : vector<1x128xf32> to vector<1x1x128xf32>
      tpu.vector_store %arg6[%swap3A_158, %swap3A_159, %swap3A_160], %swap3A_163 {strides = array<i32>} : memref<64x4x128xf32, #tpu.memory_space<vmem>>, vector<1x1x128xf32>,
      %slice3A_164 = vector.extract_strided_slice %add3A_18 {offsets = [3, 0, 0], sizes = [1, 400, 128], strides = [1, 1, 1]} : vector<4x400x128xf32> to vector<1x400x128xf32>
      %squeeze3A_165 = vector.shape_cast %slice3A_164 : vector<1x400x128xf32> to vector<400x128xf32>
      %jit3A_166 = arith.constant 0xFF800000 : f32
      %broadcast_in_dim3A_167 = vector.shape_cast %eq3A_101 : vector<400x1xi1> to vector<400x1xi1>
      %broadcast_in_dim3A_168 = vector.broadcast %broadcast_in_dim3A_167 : vector<400x1xi1> to vector<400x128xi1>
      %broadcast_in_dim3A_169 = vector.broadcast %jit3A_166 : f32 to vector<400x128xf32>
      %select_n3A_170 = arith.select %broadcast_in_dim3A_168, %squeeze3A_165, %broadcast_in_dim3A_169 : vector<400x128xi1>, vector<400x128xf32>
      %reduce_max3A_171 = arith.constant dense<0xFF800000> : vector<128xf32>
      %reduce_max3A_172 = vector.multi_reduction <maximumf>, %select_n3A_170, %reduce_max3A_171 [0] : vector<400x128xf32> to vector<128xf32>
      %broadcast_in_dim3A_173 = vector.shape_cast %reduce_max3A_172 : vector<128xf32> to vector<1x128xf32>
      %get3A_174 = arith.index_cast %scan3A_99 : i32 to index
      %get3A_175 = arith.constant 3 : index
      %get3A_176 = arith.constant 0 : index
      %get3A_177 = vector.load %arg6[%get3A_174, %get3A_175, %get3A_176] : memref<64x4x128xf32, #tpu.memory_space<vmem>>, vector<1x1x128xf32>
      %get3A_178 = vector.shape_cast %get3A_177 : vector<1x1x128xf32> to vector<1x128xf32>
      %max3A_179 = arith.maximumf %get3A_178, %broadcast_in_dim3A_173 : vector<1x128xf32>
      %swap3A_180 = arith.index_cast %scan3A_99 : i32 to index
      %swap3A_181 = arith.constant 3 : index
      %swap3A_182 = arith.constant 0 : index
      %swap3A_183 = vector.load %arg6[%swap3A_180, %swap3A_181, %swap3A_182] : memref<64x4x128xf32, #tpu.memory_space<vmem>>, vector<1x1x128xf32>
      %swap3A_184 = vector.shape_cast %swap3A_183 : vector<1x1x128xf32> to vector<1x128xf32>
      %swap3A_185 = vector.shape_cast %max3A_179 : vector<1x128xf32> to vector<1x1x128xf32>
      tpu.vector_store %arg6[%swap3A_180, %swap3A_181, %swap3A_182], %swap3A_185 {strides = array<i32>} : memref<64x4x128xf32, #tpu.memory_space<vmem>>, vector<1x1x128xf32>,
    }
    %scan3A_98 = arith.constant 64 : i32
    return
  }
  func.func @transform_0(%arg0: i32) -> (i32, i32, i32) {
    %c0_i32 = arith.constant 0 : i32
    %c0_i32_0 = arith.constant 0 : i32
    %c0_i32_1 = arith.constant 0 : i32
    return %c0_i32, %arg0, %c0_i32_0 : i32, i32, i32
  }
  func.func @transform_1(%arg0: i32) -> (i32, i32, i32) {
    %c0_i32 = arith.constant 0 : i32
    %c0_i32_0 = arith.constant 0 : i32
    %c0_i32_1 = arith.constant 0 : i32
    return %c0_i32, %arg0, %c0_i32_0 : i32, i32, i32
  }
  func.func @transform_2(%arg0: i32) -> (i32, i32) {
    %c0_i32 = arith.constant 0 : i32
    %c0_i32_0 = arith.constant 0 : i32
    return %arg0, %c0_i32 : i32, i32
  }
  func.func @transform_3(%arg0: i32) -> (i32, i32, i32) {
    %c0_i32 = arith.constant 0 : i32
    %c0_i32_0 = arith.constant 0 : i32
    %c0_i32_1 = arith.constant 0 : i32
    %c0_i32_2 = arith.constant 0 : i32
    return %c0_i32, %c0_i32_0, %c0_i32_1 : i32, i32, i32
  }
  func.func @transform_4(%arg0: i32) -> (i32, i32) {
    %c0_i32 = arith.constant 0 : i32
    %c0_i32_0 = arith.constant 0 : i32
    return %arg0, %c0_i32 : i32, i32
  }
  func.func @transform_5(%arg0: i32) -> (i32, i32, i32) {
    %c0_i32 = arith.constant 0 : i32
    %c0_i32_0 = arith.constant 0 : i32
    %c0_i32_1 = arith.constant 0 : i32
    %c0_i32_2 = arith.constant 0 : i32
    return %c0_i32, %c0_i32_0, %c0_i32_1 : i32, i32, i32
  }
  func.func @transform_6(%arg0: i32) -> (i32, i32, i32) {
    %c0_i32 = arith.constant 0 : i32
    %c0_i32_0 = arith.constant 0 : i32
    %c0_i32_1 = arith.constant 0 : i32
    %c0_i32_2 = arith.constant 0 : i32
    return %c0_i32, %c0_i32_0, %c0_i32_1 : i32, i32, i32
  }
  func.func @transform_7(%arg0: i32) -> (i32, i32) {
    %c0_i32 = arith.constant 0 : i32
    %c0_i32_0 = arith.constant 0 : i32
    %c0_i32_1 = arith.constant 0 : i32
    return %c0_i32, %c0_i32_0 : i32, i32
  }
}

module attributes {stable_mosaic.version = 14 : i64} {
  func.func @_mlp_body(%arg0: memref<64x512xf32, #tpu.memory_space<vmem>>, %arg1: memref<64x512xf32, #tpu.memory_space<vmem>>, %arg2: memref<64x1xf32, #tpu.memory_space<vmem>>, %arg3: memref<512x512xf32, #tpu.memory_space<vmem>>, %arg4: memref<512x512xf32, #tpu.memory_space<vmem>>, %arg5: memref<1x512xf32, #tpu.memory_space<vmem>>, %arg6: memref<512x256xf32, #tpu.memory_space<vmem>>, %arg7: memref<1x256xf32, #tpu.memory_space<vmem>>, %arg8: memref<256x1xf32, #tpu.memory_space<vmem>>, %arg9: memref<1x1xf32, #tpu.memory_space<vmem>>, %arg10: memref<64x1xf32, #tpu.memory_space<vmem>>) attributes {dimension_semantics = [], scalar_prefetch = 0 : i64, scratch_operands = 0 : i64, tpu.core_type = #tpu.core_type<tc>} {
    %get3A = arith.constant 0 : index
    %get3A_0 = arith.constant 0 : index
    %get3A_1 = vector.load %arg1[%get3A, %get3A_0] : memref<64x512xf32, #tpu.memory_space<vmem>>, vector<64x512xf32>
    %get3A_2 = arith.constant 0 : index
    %get3A_3 = arith.constant 0 : index
    %get3A_4 = vector.load %arg2[%get3A_2, %get3A_3] : memref<64x1xf32, #tpu.memory_space<vmem>>, vector<64x1xf32>
    %max3A = arith.constant 1.000000e+00 : f32
    %max3A_5 = vector.broadcast %max3A : f32 to vector<64x1xf32>
    %max3A_6 = arith.maximumf %get3A_4, %max3A_5 : vector<64x1xf32>
    %div3A = vector.broadcast %max3A_6 : vector<64x1xf32> to vector<64x512xf32>
    %div3A_7 = arith.divf %get3A_1, %div3A : vector<64x512xf32>
    %get3A_8 = arith.constant 0 : index
    %get3A_9 = arith.constant 0 : index
    %get3A_10 = vector.load %arg0[%get3A_8, %get3A_9] : memref<64x512xf32, #tpu.memory_space<vmem>>, vector<64x512xf32>
    %get3A_11 = arith.constant 0 : index
    %get3A_12 = arith.constant 0 : index
    %get3A_13 = vector.load %arg3[%get3A_11, %get3A_12] : memref<512x512xf32, #tpu.memory_space<vmem>>, vector<512x512xf32>
    %dot_general3A = arith.constant dense<0.000000e+00> : vector<64x512xf32>
    %dot_general3A_14 = tpu.matmul %get3A_10, %get3A_13, %dot_general3A {dimension_numbers = #tpu.dot_dimension_numbers<[1], [0], [0], [1], [0, 0, 1, 1], [], []>, transpose_lhs_hint = false} : vector<64x512xf32>, vector<512x512xf32>, vector<64x512xf32> -> vector<64x512xf32>
    %get3A_15 = arith.constant 0 : index
    %get3A_16 = arith.constant 0 : index
    %get3A_17 = vector.load %arg4[%get3A_15, %get3A_16] : memref<512x512xf32, #tpu.memory_space<vmem>>, vector<512x512xf32>
    %dot_general3A_18 = arith.constant dense<0.000000e+00> : vector<64x512xf32>
    %dot_general3A_19 = tpu.matmul %div3A_7, %get3A_17, %dot_general3A_18 {dimension_numbers = #tpu.dot_dimension_numbers<[1], [0], [0], [1], [0, 0, 1, 1], [], []>, transpose_lhs_hint = false} : vector<64x512xf32>, vector<512x512xf32>, vector<64x512xf32> -> vector<64x512xf32>
    %add3A = arith.addf %dot_general3A_14, %dot_general3A_19 : vector<64x512xf32>
    %get3A_20 = arith.constant 0 : index
    %get3A_21 = arith.constant 0 : index
    %get3A_22 = vector.load %arg5[%get3A_20, %get3A_21] : memref<1x512xf32, #tpu.memory_space<vmem>>, vector<1x512xf32>
    %add3A_23 = vector.broadcast %get3A_22 : vector<1x512xf32> to vector<64x512xf32>
    %add3A_24 = arith.addf %add3A, %add3A_23 : vector<64x512xf32>
    %get3A_25 = arith.constant 0 : index
    %get3A_26 = arith.constant 0 : index
    %get3A_27 = vector.load %arg6[%get3A_25, %get3A_26] : memref<512x256xf32, #tpu.memory_space<vmem>>, vector<512x256xf32>
    %dot_general3A_28 = arith.constant dense<0.000000e+00> : vector<64x256xf32>
    %dot_general3A_29 = tpu.matmul %add3A_24, %get3A_27, %dot_general3A_28 {dimension_numbers = #tpu.dot_dimension_numbers<[1], [0], [0], [1], [0, 0, 1, 1], [], []>, transpose_lhs_hint = false} : vector<64x512xf32>, vector<512x256xf32>, vector<64x256xf32> -> vector<64x256xf32>
    %get3A_30 = arith.constant 0 : index
    %get3A_31 = arith.constant 0 : index
    %get3A_32 = vector.load %arg7[%get3A_30, %get3A_31] : memref<1x256xf32, #tpu.memory_space<vmem>>, vector<1x256xf32>
    %add3A_33 = vector.broadcast %get3A_32 : vector<1x256xf32> to vector<64x256xf32>
    %add3A_34 = arith.addf %dot_general3A_29, %add3A_33 : vector<64x256xf32>
    %get3A_35 = arith.constant 0 : index
    %get3A_36 = arith.constant 0 : index
    %get3A_37 = vector.load %arg8[%get3A_35, %get3A_36] : memref<256x1xf32, #tpu.memory_space<vmem>>, vector<256x1xf32>
    %dot_general3A_38 = arith.constant dense<0.000000e+00> : vector<64x1xf32>
    %dot_general3A_39 = tpu.matmul %add3A_34, %get3A_37, %dot_general3A_38 {dimension_numbers = #tpu.dot_dimension_numbers<[1], [0], [0], [1], [0, 0, 1, 1], [], []>, transpose_lhs_hint = false} : vector<64x256xf32>, vector<256x1xf32>, vector<64x1xf32> -> vector<64x1xf32>
    %get3A_40 = arith.constant 0 : index
    %get3A_41 = arith.constant 0 : index
    %get3A_42 = vector.load %arg9[%get3A_40, %get3A_41] : memref<1x1xf32, #tpu.memory_space<vmem>>, vector<1x1xf32>
    %add3A_43 = vector.broadcast %get3A_42 : vector<1x1xf32> to vector<64x1xf32>
    %add3A_44 = arith.addf %dot_general3A_39, %add3A_43 : vector<64x1xf32>
    %swap3A = arith.constant 0 : index
    %swap3A_45 = arith.constant 0 : index
    %swap3A_46 = vector.load %arg10[%swap3A, %swap3A_45] : memref<64x1xf32, #tpu.memory_space<vmem>>, vector<64x1xf32>
    tpu.vector_store %arg10[%swap3A, %swap3A_45], %add3A_44 {strides = array<i32>} : memref<64x1xf32, #tpu.memory_space<vmem>>, vector<64x1xf32>,
    return
  }
}

</mosaic_0001>

<sc_bundles>
// kernel: kernel.10.cloned.1.call-start
scs
__scs_entry_jumppad:
0x0: {  	(pc) =	sbr.rel $0x88, $3  }
0x1: {  	(tag) =	ssettag $0x0;
	lr =	simm.s32 $0x1  }
0x2: {  	[smem:$0x3F94] =	sst lr;
	_ =	strace $0xD0000000  }
0x3: {  	_ = 	snop  }
0x4: {  	_ = 	snop  }
0x5: {  	_ = 	snop  }
0x6: {  	_ = 	snop  }
0x7: {  	_ = 	snop  }
__scs_overlays_trampoline_lowered:
0x8: {  	[smem:$0x3FA3] =	sst s0  }
0x9: {  	[smem:$0x3FA4] =	sst s1  }
0xa: {  	[smem:$0x3FA5] =	sst s2  }
0xb: {  	[smem:$0x3FA6] =	sst s3  }
0xc: {  	[smem:$0x3FA7] =	sst s4  }
0xd: {  	[smem:$0x3FA8] =	sst s5  }
0xe: {  	[smem:$0x3FA9] =	sst s6  }
0xf: {  	[smem:$0x3FAA] =	sst s7  }
0x10: {  	[smem:$0x3FAB] =	sst s8  }
0x11: {  	[smem:$0x3FAC] =	sst s9;
	s0 =	simm.s32 @!p0 $0x0  }
0x12: {  	s1 =	sld [smem:$0x3F92];
	s0 =	simm.s32 @p0 $0x1  }
0x13: {  	[smem:$0x3FAD] =	sst s0;
	s0 =	simm.s32 @!p1 $0x0  }
0x14: {  	s2 =	sld [smem:$0x3F91];
	s0 =	simm.s32 @p1 $0x1  }
0x15: {  	[smem:$0x3FAE] =	sst s0;
	s0 =	simm.s32 @!p2 $0x0  }
0x16: {  	s3 =	sld [smem:$0x3FDB];
	s0 =	simm.s32 @p2 $0x1  }
0x17: {  	s4 =	simm.s32 $0x1BF5;
	[smem:$0x3FB0] =	sst s0  }
0x18: {  	s0 =	sld [smem:$0x3F93];
	_ =	swait.ge [sflag:s4], $0x0  }
0x19: {  	s7 =	sld [smem:$0x3F94]  }
0x1a: {  	s8 =	sadd.s32 $0xFFFFE003, lr  }
0x1b: {  	s9 =	sadd.s32 $0xFFFFFEF7, lr;
	s5 =	simm.s32 $0xFFFFFFFF;
	p2 =	slt.u32 s8, $0xFFFFF086  }
0x1c: {  	p1 =	slt.u32 s9, $0xF7A;
	s5 =	simm.s32 @!p2 $0x0  }
0x1d: {  	s5 =	simm.s32 @p1 $0x1;
	p0 =	seq.s32 s7, s2  }
0x1e: {  	s7 =	smul.u32 @!p0 $0xF7A, s2;
	p2 =	seq.s32 @!p0 s5, $0x0  }
0x1f: {  	s9 =	smul.u32 $0xF7A, s1;
	s8 =	simm.s32 @!p0 $0x1BF5;
	p2 =	por !p2, p0  }
0x20: {  	[sflag:s8] =	ssyncset.s32 @!p0 $0xFFFFF086;
	s6 =	sadd.s32 @!p0 s3, s7;
	s7 =	simm.s32 @!p0 $0x108  }
0x21: {  	s3 =	sadd.s32 s3, s9;
	s6 =	sadd.s32 @!p0 $0x88, s6;
	s7 =	simm.s32 @p2 $0x1082  }
0x22: {  	[simem:s7], [sflag:s8] =	dma.local @!p0 [hbm:s6], $0xF7A  }
0x23: {  	s9 =	sor.u32 $0xD0000000, s2;
	s6 =	simm.s32 $0x108;
	_ =	swait.ge @!p0 [sflag:s8], $0x0  }
0x24: {  	s3 =	sadd.s32 $0x88, s3;
	s6 =	simm.s32 @!p1 $0x1082;
	[sflag:s4] =	ssyncset.s32 $0xFFFFF086  }
0x25: {  	[simem:s6], [sflag:s4] =	dma.local [hbm:s3], $0xF7A  }
0x26: {  	[smem:$0x3F94] =	sst s1;
	(tag) =	ssettag s2;
	_ =	strace s9  }
0x27: {  	s1 =	sld [smem:$0x3FA4]  }
0x28: {  	s2 =	sld [smem:$0x3FA5]  }
0x29: {  	s4 =	sld [smem:$0x3FA7]  }
0x2a: {  	p0 =	seq.s32 s5, $0x0;
	s5 =	sld [smem:$0x3FA8]  }
0x2b: {  	s6 =	sld [smem:$0x3FA9]  }
0x2c: {  	s7 =	sld [smem:$0x3FAA]  }
0x2d: {  	s3 =	simm.s32 $0x108;
	s8 =	sld [smem:$0x3FAB]  }
0x2e: {  	s3 =	simm.s32 @!p0 $0x1082;
	s9 =	sld [smem:$0x3FAC]  }
0x2f: {  	lr =	sadd.s32 s0, s3;
	s0 =	sld [smem:$0x3FA3]  }
0x30: {  	s3 =	sld [smem:$0x3FA6]  }
0x31: {  	[smem:$0x3FAF] =	sst s10  }
0x32: {  	s10 =	sld [smem:$0x3FAD];
	_ =	sdelay $0x3  }
0x33: {  	p0 =	seq.s32 s10, $0x1;
	s10 =	sld [smem:$0x3FAF];
	_ =	sdelay $0x3  }
0x34: {  	[smem:$0x3FAF] =	sst s10  }
0x35: {  	s10 =	sld [smem:$0x3FAE];
	_ =	sdelay $0x3  }
0x36: {  	p1 =	seq.s32 s10, $0x1;
	s10 =	sld [smem:$0x3FAF];
	_ =	sdelay $0x3  }
0x37: {  	[smem:$0x3FAF] =	sst s10  }
0x38: {  	s10 =	sld [smem:$0x3FB0]  }
0x39: {  	_ = 	snop;
	(pc) =	sbr.ind lr, $3  }
0x3a: {  	_ = 	snop  }
0x3b: {  	_ = 	snop  }
0x3c: {  	p2 =	seq.s32 s10, $0x1;
	s10 =	sld [smem:$0x3FAF]  }
0x3d: {  	_ =	shalt  }
0x3e: {  	_ =	shalt  }
0x3f: {  	_ =	shalt  }
0x40: {  	_ =	shalt  }
0x41: {  	_ =	shalt  }
0x42: {  	_ =	shalt  }
0x43: {  	_ =	shalt  }
0x44: {  	_ =	shalt  }
0x45: {  	_ =	shalt  }
0x46: {  	_ =	shalt  }
0x47: {  	_ =	shalt  }
0x48: {  	_ =	shalt  }
0x49: {  	_ =	shalt  }
0x4a: {  	_ =	shalt  }
0x4b: {  	_ =	shalt  }
0x4c: {  	_ =	shalt  }
0x4d: {  	_ =	shalt  }
0x4e: {  	_ =	shalt  }
0x4f: {  	_ =	shalt  }
0x50: {  	_ =	shalt  }
0x51: {  	_ =	shalt  }
0x52: {  	_ =	shalt  }
0x53: {  	_ =	shalt  }
0x54: {  	_ =	shalt  }
0x55: {  	_ =	shalt  }
0x56: {  	_ =	shalt  }
0x57: {  	_ =	shalt  }
0x58: {  	_ =	shalt  }
0x59: {  	_ =	shalt  }
0x5a: {  	_ =	shalt  }
0x5b: {  	_ =	shalt  }
0x5c: {  	_ =	shalt  }
0x5d: {  	_ =	shalt  }
0x5e: {  	_ =	shalt  }
0x5f: {  	_ =	shalt  }
0x60: {  	_ =	shalt  }
0x61: {  	_ =	shalt  }
0x62: {  	_ =	shalt  }
0x63: {  	_ =	shalt  }
0x64: {  	_ =	shalt  }
0x65: {  	_ =	shalt  }
0x66: {  	_ =	shalt  }
0x67: {  	_ =	shalt  }
0x68: {  	_ =	shalt  }
0x69: {  	_ =	shalt  }
0x6a: {  	_ =	shalt  }
0x6b: {  	_ =	shalt  }
0x6c: {  	_ =	shalt  }
0x6d: {  	_ =	shalt  }
0x6e: {  	_ =	shalt  }
0x6f: {  	_ =	shalt  }
0x70: {  	_ =	shalt  }
0x71: {  	_ =	shalt  }
0x72: {  	_ =	shalt  }
0x73: {  	_ =	shalt  }
0x74: {  	_ =	shalt  }
0x75: {  	_ =	shalt  }
0x76: {  	_ =	shalt  }
0x77: {  	_ =	shalt  }
0x78: {  	_ =	shalt  }
0x79: {  	_ =	shalt  }
0x7a: {  	_ =	shalt  }
0x7b: {  	_ =	shalt  }
0x7c: {  	_ =	shalt  }
0x7d: {  	_ =	shalt  }
0x7e: {  	_ =	shalt  }
0x7f: {  	_ =	shalt  }
0x80: {  	_ =	shalt  }
0x81: {  	_ =	shalt  }
0x82: {  	_ =	shalt  }
0x83: {  	_ =	shalt  }
0x84: {  	_ =	shalt  }
0x85: {  	_ =	shalt  }
0x86: {  	_ =	shalt  }
0x87: {  	_ =	shalt  }
.Lfunc_end0:
.L_simem_size_0:
called_computation_lowered:
.L_overlay_start_0:
0x88: {  	s2 =	sld [smem:$0x3FD9]  }
0x89: {  	s3 =	sld [smem:$0x3FFE];
	_ =	sdelay $0x1  }
0x8a: {  	s1 =	srdreg.scid  }
0x8b: {  	s0 =	sand.u32 $0x1, s1  }
0x8c: {  	s16 =	sshll.u32 s0, $0xA;
	s2 =	sadd.s32 s3, s2  }
0x8d: {  	s2 =	sadd.s32 s2, s16  }
0x8e: {  	[smem:$0x3FBB] =	sst s2  }
0x8f: {  	_ = 	snop  }
0x90: {  	(tm) =	ssettm $0x1  }
0x91: {  	s17 =	sld [smem:$0x3FFB];
	_ =	sdelay $0x3  }
0x92: {  	_ =	strace s17  }
0x93: {  	s2 =	sld [smem:$0x3FFC];
	_ =	sdelay $0x3  }
0x94: {  	_ =	strace s2  }
0x95: {  	s2 =	sld [smem:$0x3FFD];
	_ =	sdelay $0x3  }
0x96: {  	_ =	strace s2  }
0x97: {  	_ =	strace $0x8FFFFFFF  }
0x98: {  	s18 =	sld [smem:$0x3FDB];
	_ =	sdelay $0x1  }
0x99: {  	s19 =	simm.s32 $_scs_section_size  }
0x9a: {  	s4 =	simm.s32 $_size__tile_overlayer_lowered;
	s5 =	simm.s32 $_tile_overlayer_lowered  }
0x9b: {  	s22 =	simm.s32 $0x1BFF;
	s21 =	sshll.u32 s5, $0x1;
	s2 =	sadd.s32 s19, s18  }
0x9c: {  	s6 =	simm.s32 $0x0;
	s20 =	sshll.u32 s4, $0x1;
	s4 =	sadd.s32 s21, s2  }
0x9d: {  	[timem:s6], [sflag:s22] =	dma.local [hbm:s4], s20  }
0x9e: {  	_ =	swait.ge [sflag:s22], s20  }
0x9f: {  	s3 =	ssub.s32 $0x0, s20;
	[sflag:s22] =	ssyncset.done $0x0  }
0xa0: {  	[sflag:s22] =	ssyncadd.s32 s3;
	_ =	sdelay $0x1  }
0xa1: {  	s23 =	simm.s32 $0x1B8B  }
0xa2: {  	_ =	swait.ge [sflag:s23], $0x1  }
0xa3: {  	[sflag:s23] =	ssyncset.done $0x0  }
0xa4: {  	s25 =	simm.s32 $0x1B8E;
	s24 =	sld [smem:$0x3FFE];
	[sflag:s23] =	ssyncadd.s32 $0xFFFFFFFF  }
0xa5: {  	s26 =	simm.s32 $execute0_lowered;
	[smem:$0x3FD2] =	sst s25  }
0xa6: {  	s4 =	sshll.u32 s26, $0x1;
	_ =	strace $0x80000046;
	[dreg:$0x1] =	wrdreg $0xFFFFFFFF  }
0xa7: {  	s28 =	simm.s32 $_size_execute0_lowered;
	s2 =	sadd.s32 s2, s4;
	[dreg:$0x0] =	wrdreg $0x0  }
0xa8: {  	s4 =	sshll.u32 s28, $0x1;
	[dreg:$0x2] =	wrdreg s2  }
0xa9: {  	[dreg:$0x3] =	wrdreg s4  }
0xaa: {  	[dreg:$0x4] =	wrdreg $0xC0  }
0xab: {  	_ =	task [dreg:s6], $0x5FFFF  }
0xac: {  	[dreg:$0x1] =	wrdreg $0xFFFFFFFF  }
0xad: {  	[dreg:$0x0] =	wrdreg $0x60  }
0xae: {  	[dreg:$0x2] =	wrdreg s24  }
0xaf: {  	[dreg:$0x3] =	wrdreg $0x80800  }
0xb0: {  	[dreg:$0x4] =	wrdreg $0x9  }
0xb1: {  	_ =	task.clear_ibuf [dreg:s6], $0x5FFFF;
	_ =	strace $0x90000046  }
0xb2: {  	s29 =	simm.s32 $0x9;
	_ =	strace $0x80000048  }
0xb3: {  	_ =	swait.ge [sflag:s29], $0x1  }
0xb4: {  	[sflag:s29] =	ssyncadd.s32 $0xFFFFFFFF  }
0xb5: {  	_ =	strace $0x90000048  }
0xb6: {  	_ =	sfence  }
0xb7: {  	s30 =	sld [smem:$0x0];
	_ =	sdelay $0x2  }
0xb8: {  	s31 =	sshll.u32 s1, $0xD;
	s1 =	sshrl.u32 s1, $0x2  }
0xb9: {  	s3 =	sand.u32 $0x4000, s31;
	s1 =	sadd.s32 s1, s30  }
0xba: {  	s0 =	sor.u32 s3, s0;
	s1 =	sshll.u32 s1, $0x11  }
0xbb: {  	s0 =	sor.u32 s1, s0  }
0xbc: {  	s0 =	sadd.s32 $0x8F2B, s0  }
0xbd: {  	[sflag:s0] =	ssyncadd.remote.s32 $0x1  }
0xbe: {  	_ =	sfence.sel $0xFFFF  }
0xbf: {  	[dreg:$0x0] =	wrdreg $0xFFFFFFFF;
	(pc) =	sbr.abs _section_cstart, $3  }
0xc0: {  	[dreg:$0x1] =	wrdreg $0xFFFFFFFF  }
0xc1: {  	_ =	task.clear_ibuf [dreg:s6], $0x2FFFF;
	_ =	strace $0x9FFFFFFF  }
0xc2: {  	(tm) =	ssettm $0x7FFFFFFF  }
0xc3: {  	_ =	shalt  }
tec
execute0_lowered:
.L_overlay_start_1:
0x0: {  	(tag) =	ssettag $0x1  }
0x1: {  	s4 =	rddreg [dreg:$0x0];
	s0 =	stileid.u32  }
0x2: {  	s1 =	srdreg.scid;
	s2 =	rddreg [dreg:$0x1];
	s3 =	simm.s32 $0x0  }
0x3: {  	s12 =	simm.s32 $0x1;
	s13 =	simm.s32 $0x4080;
	s5 =	smul.u32 $0xA00, s0  }
0x4: {  	s6 =	sand.u32 $0x1, s1;
	s1 =	rddreg [dreg:$0x2];
	s8 =	smul.u32 $0x50000, s0  }
0x5: {  	s19 =	simm.s32 $0x0;
	[smem:$0x7FF] =	sst s3;
	s16 =	smul.u32 $0x2800, s0  }
0x6: {  	s15 =	sadd.s32 $0x12C000, s2;
	p0 =	seq.s32 s0, $0xF;
	s7 =	smul.u32 $0x27100, s6  }
0x7: {  	_ =	strace $0x80000047;
	s30 =	ssub.s32 $0x2, s6;
	s11 =	smul.u32 $0x500, s6  }
0x8: {  	s15 =	sshrl.u32 @p0 s15, $0x3;
	s10 =	sadd.s32 s5, s4;
	s31 =	sshrl.u32 s30, $0x1  }
0x9: {  	s8 =	sshrl.u32 s8, $0x2;
	s7 =	sadd.s32 s7, s4;
	s5 =	ssub.s32 s30, s31  }
0xa: {  	s4 =	sadd.s32 s8, s2;
	s10 =	sadd.s32 s11, s10;
	s11 =	simm.s32 $0x80  }
0xb: {  	s17 =	sadd.s32 $0xCE00, s7;
	s5 =	smax.u32 s5, $0x1;
	s6 =	sadd.s32 $0x4000, s4  }
0xc: {  	s7 =	sadd.s32 $0x8000, s4;
	s8 =	sadd.s32 $0xC000, s4;
	s9 =	sadd.s32 $0x10000, s4  }
0xd: {  	s14 =	sadd.s32 @p0 $0x25800, s17;
	s16 =	sadd.s32 @!p0 s16, s17;
	s17 =	sshll.u32 @!p0 s0, $0x6  }
0xe: {  	v0 =	vimm.f32 $0.0e+00;
	v1 =	vimm.f32 $1.000000000e+00;
	s10 =	sadd.s32 $0x2E00, s10;
	s18 =	sshrl.u32 @!p0 s4, $0x3;
	s17 =	sor.u32 @!p0 $0x1C01, s17  }
.LBB2_1:
0xf: {  	s20 =	simm.s32 $0x40;
	s21 =	simm.s32 $0x0  }
.LBB2_2:
0x10: {  	p1 =	sne.s32 s20, $0xFFC0;
	[tilespmem:s21+$0x80] =	vst v0;
	s22 =	smov.u32 s20;
	s20 =	sadd.s32 $0x40, s20  }
.Ltmp0:
0x11: {  	[tilespmem:s21+$0x4080] =	vst v1;
	(pc) =	sbr.rel @p1 .LBB2_2-.Ltmp0, $2  }
0x12: {  	_ =	sdelay $0x2  }
0x13: {  	s21 =	sshra.s32 s22, $0x2  }
0x14: {  	[tilespmem:s21+$0x80] =	vst v0  }
0x15: {  	[tilespmem:s21+$0x4080] =	vst v1  }
0x16: {  	[spmem:s4] =	stream.linear.scatter [tilespmem:s11], [sflag:$0x1], $0x4000, $0x38;
	[tilespmem:$0x1C080] =	vst v63  }
0x17: {  	_ =	swait.ge [sflag:s12], $0x4000  }
0x18: {  	[sflag:s12] =	ssyncset.done $0x0  }
0x19: {  	[sflag:s12] =	ssyncadd.s32 $0xFFFFC000  }
0x1a: {  	[spmem:s6] =	stream.linear.scatter [tilespmem:s11], [sflag:$0x1], $0x4000, $0x38;
	[tilespmem:$0x1C080] =	vst v63  }
0x1b: {  	_ =	swait.ge [sflag:s12], $0x4000  }
0x1c: {  	[sflag:s12] =	ssyncset.done $0x0  }
0x1d: {  	[sflag:s12] =	ssyncadd.s32 $0xFFFFC000  }
0x1e: {  	[spmem:s7] =	stream.linear.scatter [tilespmem:s11], [sflag:$0x1], $0x4000, $0x38;
	[tilespmem:$0x1C080] =	vst v63  }
0x1f: {  	_ =	swait.ge [sflag:s12], $0x4000  }
0x20: {  	[sflag:s12] =	ssyncset.done $0x0  }
0x21: {  	[sflag:s12] =	ssyncadd.s32 $0xFFFFC000  }
0x22: {  	[spmem:s8] =	stream.linear.scatter [tilespmem:s11], [sflag:$0x1], $0x4000, $0x38;
	[tilespmem:$0x1C080] =	vst v63  }
0x23: {  	_ =	swait.ge [sflag:s12], $0x4000  }
0x24: {  	[sflag:s12] =	ssyncset.done $0x0  }
0x25: {  	[sflag:s12] =	ssyncadd.s32 $0xFFFFC000  }
0x26: {  	[spmem:s9] =	stream.linear.scatter [tilespmem:s11], [sflag:$0x1], $0x4000, $0x38;
	[tilespmem:$0x1C080] =	vst v63  }
0x27: {  	_ =	swait.ge [sflag:s12], $0x4000  }
0x28: {  	[sflag:s12] =	ssyncset.done $0x0  }
0x29: {  	[sflag:s12] =	ssyncadd.s32 $0xFFFFC000  }
0x2a: {  	s20 =	sadd.s32 $0x0, s10;
	[bflag:$0x0] =	sbarrier.arrive $0xFFFF  }
0x2b: {  	[tilespmem:s3], [sflag:$0x1] =	stream.linear.gather [hbm4b:s20+s3], $0x80, $0x38;
	[tilespmem:$0x1C080] =	vst v63  }
0x2c: {  	_ =	swait.ge [sflag:s12], $0x80  }
0x2d: {  	[sflag:s12] =	ssyncset.done $0x0  }
0x2e: {  	[sflag:s12] =	ssyncadd.s32 $0xFFFFFF80  }
0x2f: {  	[spmem:s2] =	stream.indirect.scatter.add.f32 [tilespmem:s13], [sflag:$0x1], $0x80, s3, s11, $0xb8;
	[tilespmem:$0x1C080] =	vst v63  }
0x30: {  	_ =	swait.ge [sflag:s12], $0x4000  }
0x31: {  	s21 =	simm.s32 $0x20;
	s20 =	simm.s32 $0x10;
	[sflag:s12] =	ssyncset.done $0x0  }
.LBB2_4:
0x32: {  	s22 =	sadd.s32 s20, s10  }
0x33: {  	[sflag:s12] =	ssyncadd.s32 $0xFFFFC000;
	s20 =	smov.u32 s21;
	s23 =	sadd.s32 $0x10, s21  }
0x34: {  	[tilespmem:s3], [sflag:$0x1] =	stream.linear.gather [hbm4b:s22+s3], $0x80, $0x38;
	[tilespmem:$0x1C080] =	vst v63  }
0x35: {  	p1 =	sne.s32 s21, $0x4F0;
	_ =	swait.ge [sflag:s12], $0x80  }
.Ltmp1:
0x36: {  	[sflag:s12] =	ssyncset.done $0x0;
	(pc) =	sbr.rel @p1 .LBB2_4-.Ltmp1, $4  }
0x37: {  	[sflag:s12] =	ssyncadd.s32 $0xFFFFFF80  }
0x38: {  	[spmem:s2] =	stream.indirect.scatter.add.f32 [tilespmem:s13], [sflag:$0x1], $0x80, s3, s11, $0xb8;
	[tilespmem:$0x1C080] =	vst v63  }
0x39: {  	_ =	swait.ge [sflag:s12], $0x4000  }
0x3a: {  	s21 =	smov.u32 s23;
	[sflag:s12] =	ssyncset.done $0x0  }
0x3b: {  	s20 =	sadd.s32 s20, s10;
	[sflag:s12] =	ssyncadd.s32 $0xFFFFC000  }
0x3c: {  	[tilespmem:s3], [sflag:$0x1] =	stream.linear.gather [hbm4b:s20+s3], $0x80, $0x38;
	[tilespmem:$0x1C080] =	vst v63  }
0x3d: {  	_ =	swait.ge [sflag:s12], $0x80  }
0x3e: {  	[sflag:s12] =	ssyncset.done $0x0  }
0x3f: {  	[sflag:s12] =	ssyncadd.s32 $0xFFFFFF80  }
0x40: {  	[spmem:s2] =	stream.indirect.scatter.add.f32 [tilespmem:s13], [sflag:$0x1], $0x80, s3, s11, $0xb8;
	[tilespmem:$0x1C080] =	vst v63  }
0x41: {  	_ =	swait.ge [sflag:s12], $0x4000  }
0x42: {  	[sflag:s12] =	ssyncset.done $0x0  }
0x43: {  	[sflag:s12] =	ssyncadd.s32 $0xFFFFC000  }
0x44: {  	s20 =	simm.s32 @p0 $0x1FC1;
	[bflag:$0x0] =	sbarrier.arrive $0xFFFF  }
0x45: {  	[hbm:s14], [sflag:s20] =	dma.local @p0 [spmem:s15], $0x1900  }
0x46: {  	s20 =	simm.s32 @p0 $0x1  }
0x47: {  	s19 =	sadd.s32 $0x1, s19;
	_ =	swait.ge @p0 [sflag:s20], $0x1900  }
0x48: {  	p1 =	sne.s32 s19, s5;
	[sflag:s20] =	ssyncset.done @p0 $0x0  }
.Ltmp2:
0x49: {  	[sflag:s20] =	ssyncadd.s32 @p0 $0xFFFFE700;
	s20 =	simm.s32 @!p0 $0x1;
	(pc) =	sbr.rel @p1 .LBB2_1-.Ltmp2, $4  }
0x4a: {  	[hbm:s16], [sflag:s17] =	dma.local @!p0 [spmem:s18], $0x2800  }
0x4b: {  	_ =	swait.ge @!p0 [sflag:s20], $0x2800  }
0x4c: {  	[sflag:s20] =	ssyncset.done @!p0 $0x0  }
0x4d: {  	[sflag:s20] =	ssyncadd.s32 @!p0 $0xFFFFD800  }
0x4e: {  	_ =	sfence.sel $0x180000  }
0x4f: {  	[bflag:$0x0] =	sbarrier.arrive $0xFFFF  }
0x50: {  	p0 =	sne.s32 s0, $0x0;
	_ =	strace $0x90000047  }
0x51: {  	s0 =	sadd.s32 @!p0 $0x100000, s1;
	[bflag:$0x2] =	sbarrier.arrive $0xFFFF  }
0x52: {  	[sflag:s0] =	ssyncadd.tile.s32 @!p0 $0x1;
	_ =	shalt  }
.Lfunc_end2:
_tile_overlayer_lowered:
.L_overlay_start_2:
0x53: {  	(tag) =	ssettag $0x2  }
0x54: {  	s0 =	rddreg [dreg:$0x0];
	s2 =	stileid.u32  }
0x55: {  	s1 =	rddreg [dreg:$0x1];
	p0 =	sne.s32 s2, $0x0  }
0x56: {  	s3 =	rddreg [dreg:$0x2];
	[bflag:$0x3] =	sbarrier.arrive $0xFFFF;
	s2 =	simm.s32 @!p0 $0x1C01  }
0x57: {  	[timem:s3], [sflag:s2] =	dma.local @!p0 [hbm:s0], s1  }
0x58: {  	s0 =	simm.s32 @!p0 $0x1  }
0x59: {  	_ =	swait.ge @!p0 [sflag:s0], s1  }
0x5a: {  	s1 =	ssub.s32 @!p0 $0x0, s1;
	[sflag:s0] =	ssyncset.done @!p0 $0x0  }
0x5b: {  	[sflag:s0] =	ssyncadd.s32 @!p0 s1  }
0x5c: {  	[bflag:$0x3] =	sbarrier.arrive $0xFFFF  }
0x5d: {  	_ =	shalt  }

// kernel: kernel.13.cloned.1.call-start
scs
__scs_entry_jumppad:
0x0: {  	(pc) =	sbr.rel $0x88, $3  }
0x1: {  	(tag) =	ssettag $0x0;
	lr =	simm.s32 $0x1  }
0x2: {  	[smem:$0x3F94] =	sst lr;
	_ =	strace $0xD0000000  }
0x3: {  	_ = 	snop  }
0x4: {  	_ = 	snop  }
0x5: {  	_ = 	snop  }
0x6: {  	_ = 	snop  }
0x7: {  	_ = 	snop  }
__scs_overlays_trampoline_lowered:
0x8: {  	[smem:$0x3FA3] =	sst s0  }
0x9: {  	[smem:$0x3FA4] =	sst s1  }
0xa: {  	[smem:$0x3FA5] =	sst s2  }
0xb: {  	[smem:$0x3FA6] =	sst s3  }
0xc: {  	[smem:$0x3FA7] =	sst s4  }
0xd: {  	[smem:$0x3FA8] =	sst s5  }
0xe: {  	[smem:$0x3FA9] =	sst s6  }
0xf: {  	[smem:$0x3FAA] =	sst s7  }
0x10: {  	[smem:$0x3FAB] =	sst s8  }
0x11: {  	[smem:$0x3FAC] =	sst s9;
	s0 =	simm.s32 @!p0 $0x0  }
0x12: {  	s1 =	sld [smem:$0x3F92];
	s0 =	simm.s32 @p0 $0x1  }
0x13: {  	[smem:$0x3FAD] =	sst s0;
	s0 =	simm.s32 @!p1 $0x0  }
0x14: {  	s2 =	sld [smem:$0x3F91];
	s0 =	simm.s32 @p1 $0x1  }
0x15: {  	[smem:$0x3FAE] =	sst s0;
	s0 =	simm.s32 @!p2 $0x0  }
0x16: {  	s3 =	sld [smem:$0x3FDB];
	s0 =	simm.s32 @p2 $0x1  }
0x17: {  	s4 =	simm.s32 $0x1BF5;
	[smem:$0x3FB0] =	sst s0  }
0x18: {  	s0 =	sld [smem:$0x3F93];
	_ =	swait.ge [sflag:s4], $0x0  }
0x19: {  	s7 =	sld [smem:$0x3F94]  }
0x1a: {  	s8 =	sadd.s32 $0xFFFFE003, lr  }
0x1b: {  	s9 =	sadd.s32 $0xFFFFFEF7, lr;
	s5 =	simm.s32 $0xFFFFFFFF;
	p2 =	slt.u32 s8, $0xFFFFF086  }
0x1c: {  	p1 =	slt.u32 s9, $0xF7A;
	s5 =	simm.s32 @!p2 $0x0  }
0x1d: {  	s5 =	simm.s32 @p1 $0x1;
	p0 =	seq.s32 s7, s2  }
0x1e: {  	s7 =	smul.u32 @!p0 $0xF7A, s2;
	p2 =	seq.s32 @!p0 s5, $0x0  }
0x1f: {  	s9 =	smul.u32 $0xF7A, s1;
	s8 =	simm.s32 @!p0 $0x1BF5;
	p2 =	por !p2, p0  }
0x20: {  	[sflag:s8] =	ssyncset.s32 @!p0 $0xFFFFF086;
	s6 =	sadd.s32 @!p0 s3, s7;
	s7 =	simm.s32 @!p0 $0x108  }
0x21: {  	s3 =	sadd.s32 s3, s9;
	s6 =	sadd.s32 @!p0 $0x88, s6;
	s7 =	simm.s32 @p2 $0x1082  }
0x22: {  	[simem:s7], [sflag:s8] =	dma.local @!p0 [hbm:s6], $0xF7A  }
0x23: {  	s9 =	sor.u32 $0xD0000000, s2;
	s6 =	simm.s32 $0x108;
	_ =	swait.ge @!p0 [sflag:s8], $0x0  }
0x24: {  	s3 =	sadd.s32 $0x88, s3;
	s6 =	simm.s32 @!p1 $0x1082;
	[sflag:s4] =	ssyncset.s32 $0xFFFFF086  }
0x25: {  	[simem:s6], [sflag:s4] =	dma.local [hbm:s3], $0xF7A  }
0x26: {  	[smem:$0x3F94] =	sst s1;
	(tag) =	ssettag s2;
	_ =	strace s9  }
0x27: {  	s1 =	sld [smem:$0x3FA4]  }
0x28: {  	s2 =	sld [smem:$0x3FA5]  }
0x29: {  	s4 =	sld [smem:$0x3FA7]  }
0x2a: {  	p0 =	seq.s32 s5, $0x0;
	s5 =	sld [smem:$0x3FA8]  }
0x2b: {  	s6 =	sld [smem:$0x3FA9]  }
0x2c: {  	s7 =	sld [smem:$0x3FAA]  }
0x2d: {  	s3 =	simm.s32 $0x108;
	s8 =	sld [smem:$0x3FAB]  }
0x2e: {  	s3 =	simm.s32 @!p0 $0x1082;
	s9 =	sld [smem:$0x3FAC]  }
0x2f: {  	lr =	sadd.s32 s0, s3;
	s0 =	sld [smem:$0x3FA3]  }
0x30: {  	s3 =	sld [smem:$0x3FA6]  }
0x31: {  	[smem:$0x3FAF] =	sst s10  }
0x32: {  	s10 =	sld [smem:$0x3FAD];
	_ =	sdelay $0x3  }
0x33: {  	p0 =	seq.s32 s10, $0x1;
	s10 =	sld [smem:$0x3FAF];
	_ =	sdelay $0x3  }
0x34: {  	[smem:$0x3FAF] =	sst s10  }
0x35: {  	s10 =	sld [smem:$0x3FAE];
	_ =	sdelay $0x3  }
0x36: {  	p1 =	seq.s32 s10, $0x1;
	s10 =	sld [smem:$0x3FAF];
	_ =	sdelay $0x3  }
0x37: {  	[smem:$0x3FAF] =	sst s10  }
0x38: {  	s10 =	sld [smem:$0x3FB0]  }
0x39: {  	_ = 	snop;
	(pc) =	sbr.ind lr, $3  }
0x3a: {  	_ = 	snop  }
0x3b: {  	_ = 	snop  }
0x3c: {  	p2 =	seq.s32 s10, $0x1;
	s10 =	sld [smem:$0x3FAF]  }
0x3d: {  	_ =	shalt  }
0x3e: {  	_ =	shalt  }
0x3f: {  	_ =	shalt  }
0x40: {  	_ =	shalt  }
0x41: {  	_ =	shalt  }
0x42: {  	_ =	shalt  }
0x43: {  	_ =	shalt  }
0x44: {  	_ =	shalt  }
0x45: {  	_ =	shalt  }
0x46: {  	_ =	shalt  }
0x47: {  	_ =	shalt  }
0x48: {  	_ =	shalt  }
0x49: {  	_ =	shalt  }
0x4a: {  	_ =	shalt  }
0x4b: {  	_ =	shalt  }
0x4c: {  	_ =	shalt  }
0x4d: {  	_ =	shalt  }
0x4e: {  	_ =	shalt  }
0x4f: {  	_ =	shalt  }
0x50: {  	_ =	shalt  }
0x51: {  	_ =	shalt  }
0x52: {  	_ =	shalt  }
0x53: {  	_ =	shalt  }
0x54: {  	_ =	shalt  }
0x55: {  	_ =	shalt  }
0x56: {  	_ =	shalt  }
0x57: {  	_ =	shalt  }
0x58: {  	_ =	shalt  }
0x59: {  	_ =	shalt  }
0x5a: {  	_ =	shalt  }
0x5b: {  	_ =	shalt  }
0x5c: {  	_ =	shalt  }
0x5d: {  	_ =	shalt  }
0x5e: {  	_ =	shalt  }
0x5f: {  	_ =	shalt  }
0x60: {  	_ =	shalt  }
0x61: {  	_ =	shalt  }
0x62: {  	_ =	shalt  }
0x63: {  	_ =	shalt  }
0x64: {  	_ =	shalt  }
0x65: {  	_ =	shalt  }
0x66: {  	_ =	shalt  }
0x67: {  	_ =	shalt  }
0x68: {  	_ =	shalt  }
0x69: {  	_ =	shalt  }
0x6a: {  	_ =	shalt  }
0x6b: {  	_ =	shalt  }
0x6c: {  	_ =	shalt  }
0x6d: {  	_ =	shalt  }
0x6e: {  	_ =	shalt  }
0x6f: {  	_ =	shalt  }
0x70: {  	_ =	shalt  }
0x71: {  	_ =	shalt  }
0x72: {  	_ =	shalt  }
0x73: {  	_ =	shalt  }
0x74: {  	_ =	shalt  }
0x75: {  	_ =	shalt  }
0x76: {  	_ =	shalt  }
0x77: {  	_ =	shalt  }
0x78: {  	_ =	shalt  }
0x79: {  	_ =	shalt  }
0x7a: {  	_ =	shalt  }
0x7b: {  	_ =	shalt  }
0x7c: {  	_ =	shalt  }
0x7d: {  	_ =	shalt  }
0x7e: {  	_ =	shalt  }
0x7f: {  	_ =	shalt  }
0x80: {  	_ =	shalt  }
0x81: {  	_ =	shalt  }
0x82: {  	_ =	shalt  }
0x83: {  	_ =	shalt  }
0x84: {  	_ =	shalt  }
0x85: {  	_ =	shalt  }
0x86: {  	_ =	shalt  }
0x87: {  	_ =	shalt  }
.Lfunc_end0:
.L_simem_size_0:
called_computation.1_lowered:
.L_overlay_start_0:
0x88: {  	s2 =	sld [smem:$0x3FD9]  }
0x89: {  	s3 =	sld [smem:$0x3FFE];
	_ =	sdelay $0x1  }
0x8a: {  	s1 =	srdreg.scid  }
0x8b: {  	s0 =	sand.u32 $0x1, s1  }
0x8c: {  	s16 =	sshll.u32 s0, $0xA;
	s2 =	sadd.s32 s3, s2  }
0x8d: {  	s2 =	sadd.s32 s2, s16  }
0x8e: {  	[smem:$0x3FBB] =	sst s2  }
0x8f: {  	_ = 	snop  }
0x90: {  	(tm) =	ssettm $0x1  }
0x91: {  	s17 =	sld [smem:$0x3FFB];
	_ =	sdelay $0x3  }
0x92: {  	_ =	strace s17  }
0x93: {  	s2 =	sld [smem:$0x3FFC];
	_ =	sdelay $0x3  }
0x94: {  	_ =	strace s2  }
0x95: {  	s2 =	sld [smem:$0x3FFD];
	_ =	sdelay $0x3  }
0x96: {  	_ =	strace s2  }
0x97: {  	_ =	strace $0x8FFFFFFF  }
0x98: {  	s18 =	sld [smem:$0x3FDB];
	_ =	sdelay $0x1  }
0x99: {  	s19 =	simm.s32 $_scs_section_size  }
0x9a: {  	s4 =	simm.s32 $_size__tile_overlayer_lowered;
	s5 =	simm.s32 $_tile_overlayer_lowered  }
0x9b: {  	s22 =	simm.s32 $0x1BFF;
	s21 =	sshll.u32 s5, $0x1;
	s2 =	sadd.s32 s19, s18  }
0x9c: {  	s6 =	simm.s32 $0x0;
	s20 =	sshll.u32 s4, $0x1;
	s4 =	sadd.s32 s21, s2  }
0x9d: {  	[timem:s6], [sflag:s22] =	dma.local [hbm:s4], s20  }
0x9e: {  	_ =	swait.ge [sflag:s22], s20  }
0x9f: {  	s3 =	ssub.s32 $0x0, s20;
	[sflag:s22] =	ssyncset.done $0x0  }
0xa0: {  	[sflag:s22] =	ssyncadd.s32 s3;
	_ =	sdelay $0x1  }
0xa1: {  	s23 =	simm.s32 $0x1B8B  }
0xa2: {  	_ =	swait.ge [sflag:s23], $0x1  }
0xa3: {  	[sflag:s23] =	ssyncset.done $0x0  }
0xa4: {  	s25 =	simm.s32 $0x1B8E;
	s24 =	sld [smem:$0x3FFE];
	[sflag:s23] =	ssyncadd.s32 $0xFFFFFFFF  }
0xa5: {  	s26 =	simm.s32 $execute0_lowered;
	[smem:$0x3FD2] =	sst s25  }
0xa6: {  	s4 =	sshll.u32 s26, $0x1;
	_ =	strace $0x80000049;
	[dreg:$0x1] =	wrdreg $0xFFFFFFFF  }
0xa7: {  	s28 =	simm.s32 $_size_execute0_lowered;
	s2 =	sadd.s32 s2, s4;
	[dreg:$0x0] =	wrdreg $0x0  }
0xa8: {  	s4 =	sshll.u32 s28, $0x1;
	[dreg:$0x2] =	wrdreg s2  }
0xa9: {  	[dreg:$0x3] =	wrdreg s4  }
0xaa: {  	[dreg:$0x4] =	wrdreg $0xC0  }
0xab: {  	_ =	task [dreg:s6], $0x5FFFF  }
0xac: {  	[dreg:$0x1] =	wrdreg $0xFFFFFFFF  }
0xad: {  	[dreg:$0x0] =	wrdreg $0x60  }
0xae: {  	[dreg:$0x2] =	wrdreg s24  }
0xaf: {  	[dreg:$0x3] =	wrdreg $0x88000  }
0xb0: {  	[dreg:$0x4] =	wrdreg $0x9  }
0xb1: {  	_ =	task.clear_ibuf [dreg:s6], $0x5FFFF;
	_ =	strace $0x90000049  }
0xb2: {  	s29 =	simm.s32 $0x9;
	_ =	strace $0x8000004B  }
0xb3: {  	_ =	swait.ge [sflag:s29], $0x1  }
0xb4: {  	[sflag:s29] =	ssyncadd.s32 $0xFFFFFFFF  }
0xb5: {  	_ =	strace $0x9000004B  }
0xb6: {  	_ =	sfence  }
0xb7: {  	s30 =	sld [smem:$0x0];
	_ =	sdelay $0x2  }
0xb8: {  	s31 =	sshll.u32 s1, $0xD;
	s1 =	sshrl.u32 s1, $0x2  }
0xb9: {  	s3 =	sand.u32 $0x4000, s31;
	s1 =	sadd.s32 s1, s30  }
0xba: {  	s0 =	sor.u32 s3, s0;
	s1 =	sshll.u32 s1, $0x11  }
0xbb: {  	s0 =	sor.u32 s1, s0  }
0xbc: {  	s0 =	sadd.s32 $0x8F2B, s0  }
0xbd: {  	[sflag:s0] =	ssyncadd.remote.s32 $0x1  }
0xbe: {  	_ =	sfence.sel $0xFFFF  }
0xbf: {  	[dreg:$0x0] =	wrdreg $0xFFFFFFFF;
	(pc) =	sbr.abs _section_cstart, $3  }
0xc0: {  	[dreg:$0x1] =	wrdreg $0xFFFFFFFF  }
0xc1: {  	_ =	task.clear_ibuf [dreg:s6], $0x2FFFF;
	_ =	strace $0x9FFFFFFF  }
0xc2: {  	(tm) =	ssettm $0x7FFFFFFF  }
0xc3: {  	_ =	shalt  }
tec
execute0_lowered:
.L_overlay_start_1:
0x0: {  	(tag) =	ssettag $0x1  }
0x1: {  	s0 =	rddreg [dreg:$0x0]  }
0x2: {  	s8 =	stileid.u32;
	s1 =	srdreg.scid  }
0x3: {  	s2 =	rddreg [dreg:$0x1];
	s3 =	simm.s32 $0x0;
	s13 =	simm.s32 $0x800  }
0x4: {  	s14 =	simm.s32 $0x3;
	s15 =	simm.s32 $0x80;
	s16 =	simm.s32 $0x100  }
0x5: {  	s17 =	simm.s32 $0x4800;
	s18 =	simm.s32 $0x1;
	s19 =	simm.s32 $0x200  }
0x6: {  	s20 =	simm.s32 $0x2;
	s28 =	simm.s32 $0x380;
	s29 =	simm.s32 $0x500  }
0x7: {  	s30 =	simm.s32 $0x480;
	s31 =	simm.s32 $0x600;
	s4 =	smul.u32 $0x1400, s8  }
0x8: {  	s1 =	sand.u32 $0x1, s1;
	[smem:$0x7FF] =	sst s3;
	s6 =	smul.u32 $0x50000, s8  }
0x9: {  	p0 =	seq.s32 s8, $0xF;
	s5 =	smul.u32 $0x27100, s1;
	s1 =	ssub.s32 $0x2, s1  }
0xa: {  	_ =	strace $0x8000004A;
	s7 =	sadd.s32 s4, s0;
	s21 =	sshrl.u32 s1, $0x1  }
0xb: {  	s22 =	sshrl.u32 s6, $0x2;
	s6 =	sadd.s32 $0x12C000, s2;
	s0 =	sadd.s32 s5, s0  }
0xc: {  	s1 =	ssub.s32 s1, s21;
	s4 =	sadd.s32 s22, s2;
	s12 =	sadd.s32 $0x5B000, s7  }
0xd: {  	s21 =	simm.s32 $0x180;
	s22 =	simm.s32 $0x300;
	s1 =	smax.u32 s1, $0x1  }
0xe: {  	s7 =	simm.s32 $0x680;
	s23 =	sadd.s32 $0x4000, s4;
	[dreg:$0x3] =	wrdreg s1  }
0xf: {  	s5 =	sadd.s32 $0x2E00, s0;
	s24 =	sadd.s32 $0x8000, s4;
	[dreg:$0x4] =	wrdreg s23  }
0x10: {  	s9 =	sadd.s32 $0x6F000, s0;
	s25 =	sadd.s32 $0xC000, s4;
	[dreg:$0x5] =	wrdreg s24  }
0x11: {  	s0 =	smul.u32 $0x2800, s8;
	s26 =	sadd.s32 $0x10000, s4;
	[dreg:$0x6] =	wrdreg s25  }
0x12: {  	s8 =	simm.s32 $0x780;
	[dreg:$0x7] =	wrdreg s26;
	s23 =	simm.s32 $0x280  }
0x13: {  	s1 =	sshrl.u32 @p0 s6, $0x3;
	s25 =	smov.u32 s9;
	s26 =	simm.s32 $0x400  }
0x14: {  	[dreg:$0x8] =	wrdreg s1;
	s0 =	sadd.s32 @!p0 s0, s9;
	s1 =	simm.s32 $0x580  }
0x15: {  	v0 =	vimm.f32 $0.0e+00;
	s9 =	simm.s32 $0x0;
	[dreg:$0x9] =	wrdreg s0;
	s0 =	simm.s32 $0x700  }
.LBB2_1:
0x16: {  	s6 =	sand.u32 $0xFE00, s3  }
0x17: {  	s11 =	sand.u32 $0x70, s3;
	s6 =	sshrl.u32 s6, $0x2  }
0x18: {  	s10 =	simm.s32 $0x40;
	s6 =	sor.u32 s11, s6;
	s11 =	simm.s32 $0x0  }
.LBB2_2:
0x19: {  	p1 =	sne.s32 s10, $0xFFC0  }
0x1a: {  	[tilespmem:s6+$0x800] =	vst v0;
	s11 =	sadd.s32 $0x10, s11;
	s6 =	smov.u32 s10;
	s10 =	sadd.s32 $0x40, s10  }
.Ltmp0:
0x1b: {  	(pc) =	sbr.rel @p1 .LBB2_2-.Ltmp0, $4  }
0x1c: {  	_ = 	snop  }
0x1d: {  	s6 =	sand.u32 $0xFE00, s6  }
0x1e: {  	s24 =	sand.u32 $0x70, s11;
	s6 =	sshrl.u32 s6, $0x2  }
0x1f: {  	s6 =	sor.u32 s24, s6  }
0x20: {  	[tilespmem:s6+$0x800] =	vst v0  }
0x21: {  	[spmem:s4] =	stream.linear.scatter [tilespmem:s13], [sflag:$0x3], $0x4000, $0x38;
	[tilespmem:$0x1C800] =	vst v63  }
0x22: {  	_ =	swait.ge [sflag:s14], $0x4000  }
0x23: {  	[sflag:s14] =	ssyncset.done $0x0  }
0x24: {  	s11 =	rddreg [dreg:$0x4];
	[sflag:s14] =	ssyncadd.s32 $0xFFFFC000  }
0x25: {  	[spmem:s11] =	stream.linear.scatter [tilespmem:s13], [sflag:$0x3], $0x4000, $0x38;
	[tilespmem:$0x1C800] =	vst v63  }
0x26: {  	_ =	swait.ge [sflag:s14], $0x4000  }
0x27: {  	[sflag:s14] =	ssyncset.done $0x0  }
0x28: {  	s24 =	rddreg [dreg:$0x5];
	[sflag:s14] =	ssyncadd.s32 $0xFFFFC000  }
0x29: {  	[spmem:s24] =	stream.linear.scatter [tilespmem:s13], [sflag:$0x3], $0x4000, $0x38;
	[tilespmem:$0x1C800] =	vst v63  }
0x2a: {  	_ =	swait.ge [sflag:s14], $0x4000  }
0x2b: {  	[sflag:s14] =	ssyncset.done $0x0  }
0x2c: {  	s10 =	rddreg [dreg:$0x6];
	[sflag:s14] =	ssyncadd.s32 $0xFFFFC000  }
0x2d: {  	[spmem:s10] =	stream.linear.scatter [tilespmem:s13], [sflag:$0x3], $0x4000, $0x38;
	[tilespmem:$0x1C800] =	vst v63  }
0x2e: {  	_ =	swait.ge [sflag:s14], $0x4000  }
0x2f: {  	[sflag:s14] =	ssyncset.done $0x0  }
0x30: {  	s11 =	rddreg [dreg:$0x7];
	[sflag:s14] =	ssyncadd.s32 $0xFFFFC000  }
0x31: {  	[spmem:s11] =	stream.linear.scatter [tilespmem:s13], [sflag:$0x3], $0x4000, $0x38;
	[tilespmem:$0x1C800] =	vst v63  }
0x32: {  	_ =	swait.ge [sflag:s14], $0x4000  }
0x33: {  	[sflag:s14] =	ssyncset.done $0x0  }
0x34: {  	[sflag:s14] =	ssyncadd.s32 $0xFFFFC000  }
0x35: {  	s24 =	sadd.s32 $0x0, s12;
	[bflag:$0x0] =	sbarrier.arrive $0xFFFF  }
0x36: {  	[tilespmem:s3], [sflag:$0x3] =	stream.linear.gather [hbm4b:s24+s3], $0x800, $0x38;
	[tilespmem:$0x1C800] =	vst v63  }
0x37: {  	_ =	swait.ge [sflag:s14], $0x800  }
0x38: {  	[sflag:s14] =	ssyncset.done $0x0  }
0x39: {  	[sflag:s14] =	ssyncadd.s32 $0xFFFFF800  }
0x3a: {  	[tilespmem:s13], [sflag:$0x1] =	stream.indirect.gather [hbm4b:s5+s15], $0x80, s3, s15, $0xb8;
	[tilespmem:$0x1C800] =	vst v63  }
0x3b: {  	_ = 	snop  }
0x3c: {  	[tilespmem:s17], [sflag:$0x2] =	stream.indirect.gather [hbm4b:s5+s15], $0x80, s16, s15, $0xb8;
	[tilespmem:$0x1C800] =	vst v63  }
0x3d: {  	_ =	swait.ge [sflag:s18], $0x4000  }
0x3e: {  	[sflag:s18] =	ssyncset.done $0x0  }
0x3f: {  	[sflag:s18] =	ssyncadd.s32 $0xFFFFC000  }
0x40: {  	[spmem:s2] =	stream.indirect.scatter.add.f32 [tilespmem:s13], [sflag:$0x3], $0x80, s15, s15, $0xb8;
	[tilespmem:$0x1C800] =	vst v63  }
0x41: {  	_ =	swait.ge [sflag:s14], $0x4000  }
0x42: {  	[sflag:s14] =	ssyncset.done $0x0  }
0x43: {  	[sflag:s14] =	ssyncadd.s32 $0xFFFFC000  }
0x44: {  	[tilespmem:s13], [sflag:$0x1] =	stream.indirect.gather [hbm4b:s5+s15], $0x80, s19, s15, $0xb8;
	[tilespmem:$0x1C800] =	vst v63  }
0x45: {  	_ =	swait.ge [sflag:s20], $0x4000  }
0x46: {  	[sflag:s20] =	ssyncset.done $0x0  }
0x47: {  	[sflag:s20] =	ssyncadd.s32 $0xFFFFC000  }
0x48: {  	[spmem:s2] =	stream.indirect.scatter.add.f32 [tilespmem:s17], [sflag:$0x3], $0x80, s21, s15, $0xb8;
	[tilespmem:$0x1C800] =	vst v63  }
0x49: {  	_ =	swait.ge [sflag:s14], $0x4000  }
0x4a: {  	[sflag:s14] =	ssyncset.done $0x0  }
0x4b: {  	[sflag:s14] =	ssyncadd.s32 $0xFFFFC000  }
0x4c: {  	[tilespmem:s17], [sflag:$0x2] =	stream.indirect.gather [hbm4b:s5+s15], $0x80, s22, s15, $0xb8;
	[tilespmem:$0x1C800] =	vst v63  }
0x4d: {  	_ =	swait.ge [sflag:s18], $0x4000  }
0x4e: {  	[sflag:s18] =	ssyncset.done $0x0  }
0x4f: {  	[sflag:s18] =	ssyncadd.s32 $0xFFFFC000  }
0x50: {  	[spmem:s2] =	stream.indirect.scatter.add.f32 [tilespmem:s13], [sflag:$0x3], $0x80, s23, s15, $0xb8;
	[tilespmem:$0x1C800] =	vst v63  }
0x51: {  	_ =	swait.ge [sflag:s14], $0x4000  }
0x52: {  	[sflag:s14] =	ssyncset.done $0x0  }
0x53: {  	[sflag:s14] =	ssyncadd.s32 $0xFFFFC000  }
0x54: {  	[tilespmem:s13], [sflag:$0x1] =	stream.indirect.gather [hbm4b:s5+s15], $0x80, s26, s15, $0xb8;
	[tilespmem:$0x1C800] =	vst v63  }
0x55: {  	_ =	swait.ge [sflag:s20], $0x4000  }
0x56: {  	[sflag:s20] =	ssyncset.done $0x0  }
0x57: {  	[sflag:s20] =	ssyncadd.s32 $0xFFFFC000  }
0x58: {  	[spmem:s2] =	stream.indirect.scatter.add.f32 [tilespmem:s17], [sflag:$0x3], $0x80, s28, s15, $0xb8;
	[tilespmem:$0x1C800] =	vst v63  }
0x59: {  	_ =	swait.ge [sflag:s14], $0x4000  }
0x5a: {  	[sflag:s14] =	ssyncset.done $0x0  }
0x5b: {  	[sflag:s14] =	ssyncadd.s32 $0xFFFFC000  }
0x5c: {  	[tilespmem:s17], [sflag:$0x2] =	stream.indirect.gather [hbm4b:s5+s15], $0x80, s29, s15, $0xb8;
	[tilespmem:$0x1C800] =	vst v63  }
0x5d: {  	_ =	swait.ge [sflag:s18], $0x4000  }
0x5e: {  	[sflag:s18] =	ssyncset.done $0x0  }
0x5f: {  	[sflag:s18] =	ssyncadd.s32 $0xFFFFC000  }
0x60: {  	[spmem:s2] =	stream.indirect.scatter.add.f32 [tilespmem:s13], [sflag:$0x3], $0x80, s30, s15, $0xb8;
	[tilespmem:$0x1C800] =	vst v63  }
0x61: {  	_ =	swait.ge [sflag:s14], $0x4000  }
0x62: {  	[sflag:s14] =	ssyncset.done $0x0  }
0x63: {  	[sflag:s14] =	ssyncadd.s32 $0xFFFFC000  }
0x64: {  	[tilespmem:s13], [sflag:$0x1] =	stream.indirect.gather [hbm4b:s5+s15], $0x80, s31, s15, $0xb8;
	[tilespmem:$0x1C800] =	vst v63  }
0x65: {  	_ =	swait.ge [sflag:s20], $0x4000  }
0x66: {  	[sflag:s20] =	ssyncset.done $0x0  }
0x67: {  	[sflag:s20] =	ssyncadd.s32 $0xFFFFC000  }
0x68: {  	[spmem:s2] =	stream.indirect.scatter.add.f32 [tilespmem:s17], [sflag:$0x3], $0x80, s1, s15, $0xb8;
	[tilespmem:$0x1C800] =	vst v63  }
0x69: {  	_ =	swait.ge [sflag:s14], $0x4000  }
0x6a: {  	[sflag:s14] =	ssyncset.done $0x0  }
0x6b: {  	[sflag:s14] =	ssyncadd.s32 $0xFFFFC000  }
0x6c: {  	[tilespmem:s17], [sflag:$0x2] =	stream.indirect.gather [hbm4b:s5+s15], $0x80, s0, s15, $0xb8;
	[tilespmem:$0x1C800] =	vst v63  }
0x6d: {  	_ =	swait.ge [sflag:s18], $0x4000  }
0x6e: {  	[sflag:s18] =	ssyncset.done $0x0  }
0x6f: {  	[sflag:s18] =	ssyncadd.s32 $0xFFFFC000  }
0x70: {  	[spmem:s2] =	stream.indirect.scatter.add.f32 [tilespmem:s13], [sflag:$0x3], $0x80, s7, s15, $0xb8;
	[tilespmem:$0x1C800] =	vst v63  }
0x71: {  	_ =	swait.ge [sflag:s14], $0x4000  }
0x72: {  	[sflag:s14] =	ssyncset.done $0x0  }
0x73: {  	[sflag:s14] =	ssyncadd.s32 $0xFFFFC000  }
0x74: {  	_ =	swait.ge [sflag:s20], $0x4000  }
0x75: {  	[sflag:s20] =	ssyncset.done $0x0  }
0x76: {  	[sflag:s20] =	ssyncadd.s32 $0xFFFFC000  }
0x77: {  	[spmem:s2] =	stream.indirect.scatter.add.f32 [tilespmem:s17], [sflag:$0x3], $0x80, s8, s15, $0xb8;
	[tilespmem:$0x1C800] =	vst v63  }
0x78: {  	_ =	swait.ge [sflag:s14], $0x4000  }
0x79: {  	s10 =	simm.s32 $0x100;
	s11 =	simm.s32 $0x200;
	[sflag:s14] =	ssyncset.done $0x0  }
.LBB2_4:
0x7a: {  	s24 =	sadd.s32 s10, s12  }
0x7b: {  	[sflag:s14] =	ssyncadd.s32 $0xFFFFC000;
	s10 =	smov.u32 s11;
	s6 =	sadd.s32 $0x100, s11  }
0x7c: {  	[tilespmem:s3], [sflag:$0x3] =	stream.linear.gather [hbm4b:s24+s3], $0x800, $0x38;
	[tilespmem:$0x1C800] =	vst v63  }
0x7d: {  	p1 =	sne.s32 s11, $0x1300;
	_ =	swait.ge [sflag:s14], $0x800  }
0x7e: {  	[sflag:s14] =	ssyncset.done $0x0  }
0x7f: {  	[sflag:s14] =	ssyncadd.s32 $0xFFFFF800  }
0x80: {  	[tilespmem:s13], [sflag:$0x1] =	stream.indirect.gather [hbm4b:s5+s15], $0x80, s3, s15, $0xb8;
	[tilespmem:$0x1C800] =	vst v63  }
0x81: {  	_ = 	snop  }
0x82: {  	[tilespmem:s17], [sflag:$0x2] =	stream.indirect.gather [hbm4b:s5+s15], $0x80, s16, s15, $0xb8;
	[tilespmem:$0x1C800] =	vst v63  }
0x83: {  	_ =	swait.ge [sflag:s18], $0x4000  }
0x84: {  	[sflag:s18] =	ssyncset.done $0x0  }
0x85: {  	[sflag:s18] =	ssyncadd.s32 $0xFFFFC000  }
0x86: {  	[spmem:s2] =	stream.indirect.scatter.add.f32 [tilespmem:s13], [sflag:$0x3], $0x80, s15, s15, $0xb8;
	[tilespmem:$0x1C800] =	vst v63  }
0x87: {  	_ =	swait.ge [sflag:s14], $0x4000  }
0x88: {  	[sflag:s14] =	ssyncset.done $0x0  }
0x89: {  	[sflag:s14] =	ssyncadd.s32 $0xFFFFC000  }
0x8a: {  	[tilespmem:s13], [sflag:$0x1] =	stream.indirect.gather [hbm4b:s5+s15], $0x80, s19, s15, $0xb8;
	[tilespmem:$0x1C800] =	vst v63  }
0x8b: {  	_ =	swait.ge [sflag:s20], $0x4000  }
0x8c: {  	[sflag:s20] =	ssyncset.done $0x0  }
0x8d: {  	[sflag:s20] =	ssyncadd.s32 $0xFFFFC000  }
0x8e: {  	[spmem:s2] =	stream.indirect.scatter.add.f32 [tilespmem:s17], [sflag:$0x3], $0x80, s21, s15, $0xb8;
	[tilespmem:$0x1C800] =	vst v63  }
0x8f: {  	_ =	swait.ge [sflag:s14], $0x4000  }
0x90: {  	[sflag:s14] =	ssyncset.done $0x0  }
0x91: {  	[sflag:s14] =	ssyncadd.s32 $0xFFFFC000  }
0x92: {  	[tilespmem:s17], [sflag:$0x2] =	stream.indirect.gather [hbm4b:s5+s15], $0x80, s22, s15, $0xb8;
	[tilespmem:$0x1C800] =	vst v63  }
0x93: {  	_ =	swait.ge [sflag:s18], $0x4000  }
0x94: {  	[sflag:s18] =	ssyncset.done $0x0  }
0x95: {  	[sflag:s18] =	ssyncadd.s32 $0xFFFFC000  }
0x96: {  	[spmem:s2] =	stream.indirect.scatter.add.f32 [tilespmem:s13], [sflag:$0x3], $0x80, s23, s15, $0xb8;
	[tilespmem:$0x1C800] =	vst v63  }
0x97: {  	_ =	swait.ge [sflag:s14], $0x4000  }
0x98: {  	[sflag:s14] =	ssyncset.done $0x0  }
0x99: {  	[sflag:s14] =	ssyncadd.s32 $0xFFFFC000  }
0x9a: {  	[tilespmem:s13], [sflag:$0x1] =	stream.indirect.gather [hbm4b:s5+s15], $0x80, s26, s15, $0xb8;
	[tilespmem:$0x1C800] =	vst v63  }
0x9b: {  	_ =	swait.ge [sflag:s20], $0x4000  }
0x9c: {  	[sflag:s20] =	ssyncset.done $0x0  }
0x9d: {  	[sflag:s20] =	ssyncadd.s32 $0xFFFFC000  }
0x9e: {  	[spmem:s2] =	stream.indirect.scatter.add.f32 [tilespmem:s17], [sflag:$0x3], $0x80, s28, s15, $0xb8;
	[tilespmem:$0x1C800] =	vst v63  }
0x9f: {  	_ =	swait.ge [sflag:s14], $0x4000  }
0xa0: {  	[sflag:s14] =	ssyncset.done $0x0  }
0xa1: {  	[sflag:s14] =	ssyncadd.s32 $0xFFFFC000  }
0xa2: {  	[tilespmem:s17], [sflag:$0x2] =	stream.indirect.gather [hbm4b:s5+s15], $0x80, s29, s15, $0xb8;
	[tilespmem:$0x1C800] =	vst v63  }
0xa3: {  	_ =	swait.ge [sflag:s18], $0x4000  }
0xa4: {  	[sflag:s18] =	ssyncset.done $0x0  }
0xa5: {  	[sflag:s18] =	ssyncadd.s32 $0xFFFFC000  }
0xa6: {  	[spmem:s2] =	stream.indirect.scatter.add.f32 [tilespmem:s13], [sflag:$0x3], $0x80, s30, s15, $0xb8;
	[tilespmem:$0x1C800] =	vst v63  }
0xa7: {  	_ =	swait.ge [sflag:s14], $0x4000  }
0xa8: {  	[sflag:s14] =	ssyncset.done $0x0  }
0xa9: {  	[sflag:s14] =	ssyncadd.s32 $0xFFFFC000  }
0xaa: {  	[tilespmem:s13], [sflag:$0x1] =	stream.indirect.gather [hbm4b:s5+s15], $0x80, s31, s15, $0xb8;
	[tilespmem:$0x1C800] =	vst v63  }
0xab: {  	_ =	swait.ge [sflag:s20], $0x4000  }
0xac: {  	[sflag:s20] =	ssyncset.done $0x0  }
0xad: {  	[sflag:s20] =	ssyncadd.s32 $0xFFFFC000  }
0xae: {  	[spmem:s2] =	stream.indirect.scatter.add.f32 [tilespmem:s17], [sflag:$0x3], $0x80, s1, s15, $0xb8;
	[tilespmem:$0x1C800] =	vst v63  }
0xaf: {  	_ =	swait.ge [sflag:s14], $0x4000  }
0xb0: {  	[sflag:s14] =	ssyncset.done $0x0  }
0xb1: {  	[sflag:s14] =	ssyncadd.s32 $0xFFFFC000  }
0xb2: {  	[tilespmem:s17], [sflag:$0x2] =	stream.indirect.gather [hbm4b:s5+s15], $0x80, s0, s15, $0xb8;
	[tilespmem:$0x1C800] =	vst v63  }
0xb3: {  	_ =	swait.ge [sflag:s18], $0x4000  }
0xb4: {  	[sflag:s18] =	ssyncset.done $0x0  }
0xb5: {  	[sflag:s18] =	ssyncadd.s32 $0xFFFFC000  }
0xb6: {  	[spmem:s2] =	stream.indirect.scatter.add.f32 [tilespmem:s13], [sflag:$0x3], $0x80, s7, s15, $0xb8;
	[tilespmem:$0x1C800] =	vst v63  }
0xb7: {  	_ =	swait.ge [sflag:s14], $0x4000  }
0xb8: {  	[sflag:s14] =	ssyncset.done $0x0  }
0xb9: {  	[sflag:s14] =	ssyncadd.s32 $0xFFFFC000  }
0xba: {  	_ =	swait.ge [sflag:s20], $0x4000  }
.Ltmp1:
0xbb: {  	[sflag:s20] =	ssyncset.done $0x0;
	(pc) =	sbr.rel @p1 .LBB2_4-.Ltmp1, $4  }
0xbc: {  	[sflag:s20] =	ssyncadd.s32 $0xFFFFC000  }
0xbd: {  	[spmem:s2] =	stream.indirect.scatter.add.f32 [tilespmem:s17], [sflag:$0x3], $0x80, s8, s15, $0xb8;
	[tilespmem:$0x1C800] =	vst v63  }
0xbe: {  	_ =	swait.ge [sflag:s14], $0x4000  }
0xbf: {  	s11 =	smov.u32 s6;
	[sflag:s14] =	ssyncset.done $0x0  }
0xc0: {  	s6 =	sadd.s32 s10, s12;
	[sflag:s14] =	ssyncadd.s32 $0xFFFFC000  }
0xc1: {  	[tilespmem:s3], [sflag:$0x3] =	stream.linear.gather [hbm4b:s6+s3], $0x800, $0x38;
	[tilespmem:$0x1C800] =	vst v63  }
0xc2: {  	_ =	swait.ge [sflag:s14], $0x800  }
0xc3: {  	[sflag:s14] =	ssyncset.done $0x0  }
0xc4: {  	[sflag:s14] =	ssyncadd.s32 $0xFFFFF800  }
0xc5: {  	[tilespmem:s13], [sflag:$0x1] =	stream.indirect.gather [hbm4b:s5+s15], $0x80, s3, s15, $0xb8;
	[tilespmem:$0x1C800] =	vst v63  }
0xc6: {  	_ = 	snop  }
0xc7: {  	[tilespmem:s17], [sflag:$0x2] =	stream.indirect.gather [hbm4b:s5+s15], $0x80, s16, s15, $0xb8;
	[tilespmem:$0x1C800] =	vst v63  }
0xc8: {  	_ =	swait.ge [sflag:s18], $0x4000  }
0xc9: {  	[sflag:s18] =	ssyncset.done $0x0  }
0xca: {  	[sflag:s18] =	ssyncadd.s32 $0xFFFFC000  }
0xcb: {  	[spmem:s2] =	stream.indirect.scatter.add.f32 [tilespmem:s13], [sflag:$0x3], $0x80, s15, s15, $0xb8;
	[tilespmem:$0x1C800] =	vst v63  }
0xcc: {  	_ =	swait.ge [sflag:s14], $0x4000  }
0xcd: {  	[sflag:s14] =	ssyncset.done $0x0  }
0xce: {  	[sflag:s14] =	ssyncadd.s32 $0xFFFFC000  }
0xcf: {  	[tilespmem:s13], [sflag:$0x1] =	stream.indirect.gather [hbm4b:s5+s15], $0x80, s19, s15, $0xb8;
	[tilespmem:$0x1C800] =	vst v63  }
0xd0: {  	_ =	swait.ge [sflag:s20], $0x4000  }
0xd1: {  	[sflag:s20] =	ssyncset.done $0x0  }
0xd2: {  	[sflag:s20] =	ssyncadd.s32 $0xFFFFC000  }
0xd3: {  	[spmem:s2] =	stream.indirect.scatter.add.f32 [tilespmem:s17], [sflag:$0x3], $0x80, s21, s15, $0xb8;
	[tilespmem:$0x1C800] =	vst v63  }
0xd4: {  	_ =	swait.ge [sflag:s14], $0x4000  }
0xd5: {  	[sflag:s14] =	ssyncset.done $0x0  }
0xd6: {  	[sflag:s14] =	ssyncadd.s32 $0xFFFFC000  }
0xd7: {  	[tilespmem:s17], [sflag:$0x2] =	stream.indirect.gather [hbm4b:s5+s15], $0x80, s22, s15, $0xb8;
	[tilespmem:$0x1C800] =	vst v63  }
0xd8: {  	_ =	swait.ge [sflag:s18], $0x4000  }
0xd9: {  	[sflag:s18] =	ssyncset.done $0x0  }
0xda: {  	[sflag:s18] =	ssyncadd.s32 $0xFFFFC000  }
0xdb: {  	[spmem:s2] =	stream.indirect.scatter.add.f32 [tilespmem:s13], [sflag:$0x3], $0x80, s23, s15, $0xb8;
	[tilespmem:$0x1C800] =	vst v63  }
0xdc: {  	_ =	swait.ge [sflag:s14], $0x4000  }
0xdd: {  	[sflag:s14] =	ssyncset.done $0x0  }
0xde: {  	[sflag:s14] =	ssyncadd.s32 $0xFFFFC000  }
0xdf: {  	[tilespmem:s13], [sflag:$0x1] =	stream.indirect.gather [hbm4b:s5+s15], $0x80, s26, s15, $0xb8;
	[tilespmem:$0x1C800] =	vst v63  }
0xe0: {  	_ =	swait.ge [sflag:s20], $0x4000  }
0xe1: {  	[sflag:s20] =	ssyncset.done $0x0  }
0xe2: {  	[sflag:s20] =	ssyncadd.s32 $0xFFFFC000  }
0xe3: {  	[spmem:s2] =	stream.indirect.scatter.add.f32 [tilespmem:s17], [sflag:$0x3], $0x80, s28, s15, $0xb8;
	[tilespmem:$0x1C800] =	vst v63  }
0xe4: {  	_ =	swait.ge [sflag:s14], $0x4000  }
0xe5: {  	[sflag:s14] =	ssyncset.done $0x0  }
0xe6: {  	[sflag:s14] =	ssyncadd.s32 $0xFFFFC000  }
0xe7: {  	[tilespmem:s17], [sflag:$0x2] =	stream.indirect.gather [hbm4b:s5+s15], $0x80, s29, s15, $0xb8;
	[tilespmem:$0x1C800] =	vst v63  }
0xe8: {  	_ =	swait.ge [sflag:s18], $0x4000  }
0xe9: {  	[sflag:s18] =	ssyncset.done $0x0  }
0xea: {  	[sflag:s18] =	ssyncadd.s32 $0xFFFFC000  }
0xeb: {  	[spmem:s2] =	stream.indirect.scatter.add.f32 [tilespmem:s13], [sflag:$0x3], $0x80, s30, s15, $0xb8;
	[tilespmem:$0x1C800] =	vst v63  }
0xec: {  	_ =	swait.ge [sflag:s14], $0x4000  }
0xed: {  	[sflag:s14] =	ssyncset.done $0x0  }
0xee: {  	[sflag:s14] =	ssyncadd.s32 $0xFFFFC000  }
0xef: {  	[tilespmem:s13], [sflag:$0x1] =	stream.indirect.gather [hbm4b:s5+s15], $0x80, s31, s15, $0xb8;
	[tilespmem:$0x1C800] =	vst v63  }
0xf0: {  	_ =	swait.ge [sflag:s20], $0x4000  }
0xf1: {  	[sflag:s20] =	ssyncset.done $0x0  }
0xf2: {  	[sflag:s20] =	ssyncadd.s32 $0xFFFFC000  }
0xf3: {  	[spmem:s2] =	stream.indirect.scatter.add.f32 [tilespmem:s17], [sflag:$0x3], $0x80, s1, s15, $0xb8;
	[tilespmem:$0x1C800] =	vst v63  }
0xf4: {  	_ =	swait.ge [sflag:s14], $0x4000  }
0xf5: {  	[sflag:s14] =	ssyncset.done $0x0  }
0xf6: {  	[sflag:s14] =	ssyncadd.s32 $0xFFFFC000  }
0xf7: {  	[tilespmem:s17], [sflag:$0x2] =	stream.indirect.gather [hbm4b:s5+s15], $0x80, s0, s15, $0xb8;
	[tilespmem:$0x1C800] =	vst v63  }
0xf8: {  	_ =	swait.ge [sflag:s18], $0x4000  }
0xf9: {  	[sflag:s18] =	ssyncset.done $0x0  }
0xfa: {  	[sflag:s18] =	ssyncadd.s32 $0xFFFFC000  }
0xfb: {  	[spmem:s2] =	stream.indirect.scatter.add.f32 [tilespmem:s13], [sflag:$0x3], $0x80, s7, s15, $0xb8;
	[tilespmem:$0x1C800] =	vst v63  }
0xfc: {  	_ =	swait.ge [sflag:s14], $0x4000  }
0xfd: {  	[sflag:s14] =	ssyncset.done $0x0  }
0xfe: {  	[sflag:s14] =	ssyncadd.s32 $0xFFFFC000  }
0xff: {  	_ =	swait.ge [sflag:s20], $0x4000  }
0x100: {  	[sflag:s20] =	ssyncset.done $0x0  }
0x101: {  	[sflag:s20] =	ssyncadd.s32 $0xFFFFC000  }
0x102: {  	[spmem:s2] =	stream.indirect.scatter.add.f32 [tilespmem:s17], [sflag:$0x3], $0x80, s8, s15, $0xb8;
	[tilespmem:$0x1C800] =	vst v63  }
0x103: {  	_ =	swait.ge [sflag:s14], $0x4000  }
0x104: {  	[sflag:s14] =	ssyncset.done $0x0  }
0x105: {  	[sflag:s14] =	ssyncadd.s32 $0xFFFFC000  }
0x106: {  	[bflag:$0x0] =	sbarrier.arrive $0xFFFF  }
0x107: {  	s10 =	simm.s32 @p0 $0x1FC3;
	s6 =	sadd.s32 @p0 $0x25800, s25;
	s11 =	rddreg [dreg:$0x8]  }
0x108: {  	[hbm:s6], [sflag:s10] =	dma.local @p0 [spmem:s11], $0x1900  }
0x109: {  	s6 =	simm.s32 @p0 $0x3  }
0x10a: {  	s10 =	stileid.u32;
	_ =	swait.ge @p0 [sflag:s6], $0x1900  }
0x10b: {  	s10 =	sshll.u32 @!p0 s10, $0x6;
	[sflag:s6] =	ssyncset.done @p0 $0x0;
	s11 =	rddreg [dreg:$0x9]  }
0x10c: {  	[sflag:s6] =	ssyncadd.s32 @p0 $0xFFFFE700;
	s6 =	sor.u32 @!p0 $0x1C03, s10;
	s10 =	sshrl.u32 @!p0 s4, $0x3  }
0x10d: {  	[hbm:s11], [sflag:s6] =	dma.local @!p0 [spmem:s10], $0x2800  }
0x10e: {  	s6 =	simm.s32 @!p0 $0x3  }
0x10f: {  	_ =	swait.ge @!p0 [sflag:s6], $0x2800  }
0x110: {  	s9 =	sadd.s32 $0x1, s9;
	s24 =	rddreg [dreg:$0x3]  }
0x111: {  	p1 =	sne.s32 s9, s24  }
.Ltmp2:
0x112: {  	_ = 	snop;
	(pc) =	sbr.rel @p1 .LBB2_1-.Ltmp2, $3  }
0x113: {  	_ =	sdelay $0x1  }
0x114: {  	[sflag:s6] =	ssyncset.done @!p0 $0x0  }
0x115: {  	[sflag:s6] =	ssyncadd.s32 @!p0 $0xFFFFD800  }
0x116: {  	_ =	sfence.sel $0x180000  }
0x117: {  	[bflag:$0x0] =	sbarrier.arrive $0xFFFF  }
0x118: {  	_ =	strace $0x9000004A  }
0x119: {  	s0 =	stileid.u32;
	[bflag:$0x2] =	sbarrier.arrive $0xFFFF  }
0x11a: {  	p0 =	sne.s32 s0, $0x0;
	s0 =	rddreg [dreg:$0x2]  }
0x11b: {  	s0 =	sadd.s32 @!p0 $0x100000, s0  }
0x11c: {  	[sflag:s0] =	ssyncadd.tile.s32 @!p0 $0x1;
	_ =	shalt  }
.Lfunc_end2:
_tile_overlayer_lowered:
.L_overlay_start_2:
0x11d: {  	(tag) =	ssettag $0x2  }
0x11e: {  	s0 =	rddreg [dreg:$0x0];
	s2 =	stileid.u32  }
0x11f: {  	s1 =	rddreg [dreg:$0x1];
	p0 =	sne.s32 s2, $0x0  }
0x120: {  	s3 =	rddreg [dreg:$0x2];
	[bflag:$0x3] =	sbarrier.arrive $0xFFFF;
	s2 =	simm.s32 @!p0 $0x1C03  }
0x121: {  	[timem:s3], [sflag:s2] =	dma.local @!p0 [hbm:s0], s1  }
0x122: {  	s0 =	simm.s32 @!p0 $0x3  }
0x123: {  	_ =	swait.ge @!p0 [sflag:s0], s1  }
0x124: {  	s1 =	ssub.s32 @!p0 $0x0, s1;
	[sflag:s0] =	ssyncset.done @!p0 $0x0  }
0x125: {  	[sflag:s0] =	ssyncadd.s32 @!p0 s1  }
0x126: {  	[bflag:$0x3] =	sbarrier.arrive $0xFFFF  }
0x127: {  	_ =	shalt  }

// kernel: kernel.16.cloned.1.call-start
scs
__scs_entry_jumppad:
0x0: {  	(pc) =	sbr.rel $0x88, $3  }
0x1: {  	(tag) =	ssettag $0x0;
	lr =	simm.s32 $0x1  }
0x2: {  	[smem:$0x3F94] =	sst lr;
	_ =	strace $0xD0000000  }
0x3: {  	_ = 	snop  }
0x4: {  	_ = 	snop  }
0x5: {  	_ = 	snop  }
0x6: {  	_ = 	snop  }
0x7: {  	_ = 	snop  }
__scs_overlays_trampoline_lowered:
0x8: {  	[smem:$0x3FA3] =	sst s0  }
0x9: {  	[smem:$0x3FA4] =	sst s1  }
0xa: {  	[smem:$0x3FA5] =	sst s2  }
0xb: {  	[smem:$0x3FA6] =	sst s3  }
0xc: {  	[smem:$0x3FA7] =	sst s4  }
0xd: {  	[smem:$0x3FA8] =	sst s5  }
0xe: {  	[smem:$0x3FA9] =	sst s6  }
0xf: {  	[smem:$0x3FAA] =	sst s7  }
0x10: {  	[smem:$0x3FAB] =	sst s8  }
0x11: {  	[smem:$0x3FAC] =	sst s9;
	s0 =	simm.s32 @!p0 $0x0  }
0x12: {  	s1 =	sld [smem:$0x3F92];
	s0 =	simm.s32 @p0 $0x1  }
0x13: {  	[smem:$0x3FAD] =	sst s0;
	s0 =	simm.s32 @!p1 $0x0  }
0x14: {  	s2 =	sld [smem:$0x3F91];
	s0 =	simm.s32 @p1 $0x1  }
0x15: {  	[smem:$0x3FAE] =	sst s0;
	s0 =	simm.s32 @!p2 $0x0  }
0x16: {  	s3 =	sld [smem:$0x3FDB];
	s0 =	simm.s32 @p2 $0x1  }
0x17: {  	s4 =	simm.s32 $0x1BF5;
	[smem:$0x3FB0] =	sst s0  }
0x18: {  	s0 =	sld [smem:$0x3F93];
	_ =	swait.ge [sflag:s4], $0x0  }
0x19: {  	s7 =	sld [smem:$0x3F94]  }
0x1a: {  	s8 =	sadd.s32 $0xFFFFE003, lr  }
0x1b: {  	s9 =	sadd.s32 $0xFFFFFEF7, lr;
	s5 =	simm.s32 $0xFFFFFFFF;
	p2 =	slt.u32 s8, $0xFFFFF086  }
0x1c: {  	p1 =	slt.u32 s9, $0xF7A;
	s5 =	simm.s32 @!p2 $0x0  }
0x1d: {  	s5 =	simm.s32 @p1 $0x1;
	p0 =	seq.s32 s7, s2  }
0x1e: {  	s7 =	smul.u32 @!p0 $0xF7A, s2;
	p2 =	seq.s32 @!p0 s5, $0x0  }
0x1f: {  	s9 =	smul.u32 $0xF7A, s1;
	s8 =	simm.s32 @!p0 $0x1BF5;
	p2 =	por !p2, p0  }
0x20: {  	[sflag:s8] =	ssyncset.s32 @!p0 $0xFFFFF086;
	s6 =	sadd.s32 @!p0 s3, s7;
	s7 =	simm.s32 @!p0 $0x108  }
0x21: {  	s3 =	sadd.s32 s3, s9;
	s6 =	sadd.s32 @!p0 $0x88, s6;
	s7 =	simm.s32 @p2 $0x1082  }
0x22: {  	[simem:s7], [sflag:s8] =	dma.local @!p0 [hbm:s6], $0xF7A  }
0x23: {  	s9 =	sor.u32 $0xD0000000, s2;
	s6 =	simm.s32 $0x108;
	_ =	swait.ge @!p0 [sflag:s8], $0x0  }
0x24: {  	s3 =	sadd.s32 $0x88, s3;
	s6 =	simm.s32 @!p1 $0x1082;
	[sflag:s4] =	ssyncset.s32 $0xFFFFF086  }
0x25: {  	[simem:s6], [sflag:s4] =	dma.local [hbm:s3], $0xF7A  }
0x26: {  	[smem:$0x3F94] =	sst s1;
	(tag) =	ssettag s2;
	_ =	strace s9  }
0x27: {  	s1 =	sld [smem:$0x3FA4]  }
0x28: {  	s2 =	sld [smem:$0x3FA5]  }
0x29: {  	s4 =	sld [smem:$0x3FA7]  }
0x2a: {  	p0 =	seq.s32 s5, $0x0;
	s5 =	sld [smem:$0x3FA8]  }
0x2b: {  	s6 =	sld [smem:$0x3FA9]  }
0x2c: {  	s7 =	sld [smem:$0x3FAA]  }
0x2d: {  	s3 =	simm.s32 $0x108;
	s8 =	sld [smem:$0x3FAB]  }
0x2e: {  	s3 =	simm.s32 @!p0 $0x1082;
	s9 =	sld [smem:$0x3FAC]  }
0x2f: {  	lr =	sadd.s32 s0, s3;
	s0 =	sld [smem:$0x3FA3]  }
0x30: {  	s3 =	sld [smem:$0x3FA6]  }
0x31: {  	[smem:$0x3FAF] =	sst s10  }
0x32: {  	s10 =	sld [smem:$0x3FAD];
	_ =	sdelay $0x3  }
0x33: {  	p0 =	seq.s32 s10, $0x1;
	s10 =	sld [smem:$0x3FAF];
	_ =	sdelay $0x3  }
0x34: {  	[smem:$0x3FAF] =	sst s10  }
0x35: {  	s10 =	sld [smem:$0x3FAE];
	_ =	sdelay $0x3  }
0x36: {  	p1 =	seq.s32 s10, $0x1;
	s10 =	sld [smem:$0x3FAF];
	_ =	sdelay $0x3  }
0x37: {  	[smem:$0x3FAF] =	sst s10  }
0x38: {  	s10 =	sld [smem:$0x3FB0]  }
0x39: {  	_ = 	snop;
	(pc) =	sbr.ind lr, $3  }
0x3a: {  	_ = 	snop  }
0x3b: {  	_ = 	snop  }
0x3c: {  	p2 =	seq.s32 s10, $0x1;
	s10 =	sld [smem:$0x3FAF]  }
0x3d: {  	_ =	shalt  }
0x3e: {  	_ =	shalt  }
0x3f: {  	_ =	shalt  }
0x40: {  	_ =	shalt  }
0x41: {  	_ =	shalt  }
0x42: {  	_ =	shalt  }
0x43: {  	_ =	shalt  }
0x44: {  	_ =	shalt  }
0x45: {  	_ =	shalt  }
0x46: {  	_ =	shalt  }
0x47: {  	_ =	shalt  }
0x48: {  	_ =	shalt  }
0x49: {  	_ =	shalt  }
0x4a: {  	_ =	shalt  }
0x4b: {  	_ =	shalt  }
0x4c: {  	_ =	shalt  }
0x4d: {  	_ =	shalt  }
0x4e: {  	_ =	shalt  }
0x4f: {  	_ =	shalt  }
0x50: {  	_ =	shalt  }
0x51: {  	_ =	shalt  }
0x52: {  	_ =	shalt  }
0x53: {  	_ =	shalt  }
0x54: {  	_ =	shalt  }
0x55: {  	_ =	shalt  }
0x56: {  	_ =	shalt  }
0x57: {  	_ =	shalt  }
0x58: {  	_ =	shalt  }
0x59: {  	_ =	shalt  }
0x5a: {  	_ =	shalt  }
0x5b: {  	_ =	shalt  }
0x5c: {  	_ =	shalt  }
0x5d: {  	_ =	shalt  }
0x5e: {  	_ =	shalt  }
0x5f: {  	_ =	shalt  }
0x60: {  	_ =	shalt  }
0x61: {  	_ =	shalt  }
0x62: {  	_ =	shalt  }
0x63: {  	_ =	shalt  }
0x64: {  	_ =	shalt  }
0x65: {  	_ =	shalt  }
0x66: {  	_ =	shalt  }
0x67: {  	_ =	shalt  }
0x68: {  	_ =	shalt  }
0x69: {  	_ =	shalt  }
0x6a: {  	_ =	shalt  }
0x6b: {  	_ =	shalt  }
0x6c: {  	_ =	shalt  }
0x6d: {  	_ =	shalt  }
0x6e: {  	_ =	shalt  }
0x6f: {  	_ =	shalt  }
0x70: {  	_ =	shalt  }
0x71: {  	_ =	shalt  }
0x72: {  	_ =	shalt  }
0x73: {  	_ =	shalt  }
0x74: {  	_ =	shalt  }
0x75: {  	_ =	shalt  }
0x76: {  	_ =	shalt  }
0x77: {  	_ =	shalt  }
0x78: {  	_ =	shalt  }
0x79: {  	_ =	shalt  }
0x7a: {  	_ =	shalt  }
0x7b: {  	_ =	shalt  }
0x7c: {  	_ =	shalt  }
0x7d: {  	_ =	shalt  }
0x7e: {  	_ =	shalt  }
0x7f: {  	_ =	shalt  }
0x80: {  	_ =	shalt  }
0x81: {  	_ =	shalt  }
0x82: {  	_ =	shalt  }
0x83: {  	_ =	shalt  }
0x84: {  	_ =	shalt  }
0x85: {  	_ =	shalt  }
0x86: {  	_ =	shalt  }
0x87: {  	_ =	shalt  }
.Lfunc_end0:
.L_simem_size_0:
called_computation.2_lowered:
.L_overlay_start_0:
0x88: {  	s2 =	sld [smem:$0x3FD9]  }
0x89: {  	s3 =	sld [smem:$0x3FFE];
	_ =	sdelay $0x1  }
0x8a: {  	s1 =	srdreg.scid  }
0x8b: {  	s0 =	sand.u32 $0x1, s1  }
0x8c: {  	s16 =	sshll.u32 s0, $0xA;
	s2 =	sadd.s32 s3, s2  }
0x8d: {  	s2 =	sadd.s32 s2, s16  }
0x8e: {  	[smem:$0x3FBB] =	sst s2  }
0x8f: {  	_ = 	snop  }
0x90: {  	(tm) =	ssettm $0x1  }
0x91: {  	s17 =	sld [smem:$0x3FFB];
	_ =	sdelay $0x3  }
0x92: {  	_ =	strace s17  }
0x93: {  	s2 =	sld [smem:$0x3FFC];
	_ =	sdelay $0x3  }
0x94: {  	_ =	strace s2  }
0x95: {  	s2 =	sld [smem:$0x3FFD];
	_ =	sdelay $0x3  }
0x96: {  	_ =	strace s2  }
0x97: {  	_ =	strace $0x8FFFFFFF  }
0x98: {  	s18 =	sld [smem:$0x3FDB];
	_ =	sdelay $0x1  }
0x99: {  	s19 =	simm.s32 $_scs_section_size  }
0x9a: {  	s4 =	simm.s32 $_size__tile_overlayer_lowered;
	s5 =	simm.s32 $_tile_overlayer_lowered  }
0x9b: {  	s22 =	simm.s32 $0x1BFF;
	s21 =	sshll.u32 s5, $0x1;
	s2 =	sadd.s32 s19, s18  }
0x9c: {  	s6 =	simm.s32 $0x0;
	s20 =	sshll.u32 s4, $0x1;
	s4 =	sadd.s32 s21, s2  }
0x9d: {  	[timem:s6], [sflag:s22] =	dma.local [hbm:s4], s20  }
0x9e: {  	_ =	swait.ge [sflag:s22], s20  }
0x9f: {  	s3 =	ssub.s32 $0x0, s20;
	[sflag:s22] =	ssyncset.done $0x0  }
0xa0: {  	[sflag:s22] =	ssyncadd.s32 s3;
	_ =	sdelay $0x1  }
0xa1: {  	s23 =	simm.s32 $0x1B8B  }
0xa2: {  	_ =	swait.ge [sflag:s23], $0x1  }
0xa3: {  	[sflag:s23] =	ssyncset.done $0x0  }
0xa4: {  	s25 =	simm.s32 $0x1B8E;
	s24 =	sld [smem:$0x3FFE];
	[sflag:s23] =	ssyncadd.s32 $0xFFFFFFFF  }
0xa5: {  	s26 =	simm.s32 $execute0_lowered;
	[smem:$0x3FD2] =	sst s25  }
0xa6: {  	s4 =	sshll.u32 s26, $0x1;
	_ =	strace $0x8000004C;
	[dreg:$0x1] =	wrdreg $0xFFFFFFFF  }
0xa7: {  	s28 =	simm.s32 $_size_execute0_lowered;
	s2 =	sadd.s32 s2, s4;
	[dreg:$0x0] =	wrdreg $0x0  }
0xa8: {  	s4 =	sshll.u32 s28, $0x1;
	[dreg:$0x2] =	wrdreg s2  }
0xa9: {  	[dreg:$0x3] =	wrdreg s4  }
0xaa: {  	[dreg:$0x4] =	wrdreg $0xC0  }
0xab: {  	_ =	task [dreg:s6], $0x5FFFF  }
0xac: {  	[dreg:$0x1] =	wrdreg $0xFFFFFFFF  }
0xad: {  	[dreg:$0x0] =	wrdreg $0x60  }
0xae: {  	[dreg:$0x2] =	wrdreg s24  }
0xaf: {  	[dreg:$0x3] =	wrdreg $0x88000  }
0xb0: {  	[dreg:$0x4] =	wrdreg $0x9  }
0xb1: {  	_ =	task.clear_ibuf [dreg:s6], $0x5FFFF;
	_ =	strace $0x9000004C  }
0xb2: {  	s29 =	simm.s32 $0x9;
	_ =	strace $0x8000004E  }
0xb3: {  	_ =	swait.ge [sflag:s29], $0x1  }
0xb4: {  	[sflag:s29] =	ssyncadd.s32 $0xFFFFFFFF  }
0xb5: {  	_ =	strace $0x9000004E  }
0xb6: {  	_ =	sfence  }
0xb7: {  	s30 =	sld [smem:$0x0];
	_ =	sdelay $0x2  }
0xb8: {  	s31 =	sshll.u32 s1, $0xD;
	s1 =	sshrl.u32 s1, $0x2  }
0xb9: {  	s3 =	sand.u32 $0x4000, s31;
	s1 =	sadd.s32 s1, s30  }
0xba: {  	s0 =	sor.u32 s3, s0;
	s1 =	sshll.u32 s1, $0x11  }
0xbb: {  	s0 =	sor.u32 s1, s0  }
0xbc: {  	s0 =	sadd.s32 $0x8F2B, s0  }
0xbd: {  	[sflag:s0] =	ssyncadd.remote.s32 $0x1  }
0xbe: {  	_ =	sfence.sel $0xFFFF  }
0xbf: {  	[dreg:$0x0] =	wrdreg $0xFFFFFFFF;
	(pc) =	sbr.abs _section_cstart, $3  }
0xc0: {  	[dreg:$0x1] =	wrdreg $0xFFFFFFFF  }
0xc1: {  	_ =	task.clear_ibuf [dreg:s6], $0x2FFFF;
	_ =	strace $0x9FFFFFFF  }
0xc2: {  	(tm) =	ssettm $0x7FFFFFFF  }
0xc3: {  	_ =	shalt  }
tec
execute0_lowered:
.L_overlay_start_1:
0x0: {  	(tag) =	ssettag $0x1  }
0x1: {  	s0 =	rddreg [dreg:$0x0]  }
0x2: {  	s2 =	rddreg [dreg:$0x1];
	s3 =	simm.s32 $0x0;
	s10 =	stileid.u32  }
0x3: {  	s4 =	srdreg.scid;
	s17 =	simm.s32 $0x800;
	s18 =	simm.s32 $0x3  }
0x4: {  	s19 =	simm.s32 $0x80;
	s28 =	simm.s32 $0x280;
	s29 =	simm.s32 $0x400  }
0x5: {  	s30 =	simm.s32 $0x380;
	s31 =	simm.s32 $0x500;
	s1 =	smul.u32 $0x1400, s10  }
0x6: {  	s11 =	simm.s32 $0x700;
	[smem:$0x7FF] =	sst s3;
	s6 =	smul.u32 $0x50000, s10  }
0x7: {  	s4 =	sand.u32 $0x1, s4;
	s7 =	sadd.s32 $0x6F000, s0;
	s15 =	smul.u32 $0x2800, s10  }
0x8: {  	s21 =	sadd.s32 $0x12C000, s2;
	p0 =	seq.s32 s10, $0xF;
	s10 =	simm.s32 $0x0  }
0x9: {  	_ =	strace $0x8000004D;
	s5 =	ssub.s32 $0x2, s4;
	s4 =	smul.u32 $0x4E200, s4  }
0xa: {  	[dreg:$0x6] =	wrdreg s21;
	s1 =	sadd.s32 s1, s0;
	s8 =	sshrl.u32 s5, $0x1  }
0xb: {  	s0 =	sadd.s32 $0x10B400, s0;
	s20 =	sshrl.u32 s6, $0x2;
	[dreg:$0x5] =	wrdreg s15  }
0xc: {  	s8 =	ssub.s32 s5, s8;
	s6 =	sadd.s32 s20, s2;
	s9 =	sadd.s32 s0, s4  }
0xd: {  	s5 =	sadd.s32 s7, s4;
	s4 =	sadd.s32 $0x27100, s4;
	[dreg:$0x4] =	wrdreg s9  }
0xe: {  	s21 =	simm.s32 $0x4800;
	s0 =	sadd.s32 s0, s4;
	[dreg:$0x3] =	wrdreg s6  }
0xf: {  	s16 =	sadd.s32 $0x5B000, s1;
	s22 =	smax.u32 s8, $0x1;
	[dreg:$0x7] =	wrdreg s0  }
0x10: {  	s20 =	simm.s32 $0x100;
	s23 =	sadd.s32 $0x4000, s6;
	[dreg:$0x8] =	wrdreg s22  }
0x11: {  	s1 =	simm.s32 $0x600;
	s24 =	sadd.s32 $0x8000, s6;
	[dreg:$0x9] =	wrdreg s23  }
0x12: {  	s9 =	sadd.s32 s7, s4;
	s25 =	sadd.s32 $0xC000, s6;
	[dreg:$0xa] =	wrdreg s24  }
0x13: {  	s26 =	sadd.s32 $0x10000, s6;
	s8 =	simm.s32 $0x580;
	[dreg:$0xb] =	wrdreg s25  }
0x14: {  	s6 =	simm.s32 $0x680;
	s7 =	simm.s32 $0x780;
	[dreg:$0xc] =	wrdreg s26  }
0x15: {  	s22 =	simm.s32 $0x1;
	s23 =	simm.s32 $0x200;
	s24 =	simm.s32 $0x2  }
0x16: {  	v0 =	vimm.f32 $0.0e+00;
	s25 =	simm.s32 $0x180;
	s26 =	simm.s32 $0x300;
	s0 =	simm.s32 $0x480  }
.LBB2_1:
0x17: {  	s4 =	sand.u32 $0xFE00, s3  }
0x18: {  	s12 =	sand.u32 $0x70, s3;
	s13 =	sshrl.u32 s4, $0x2  }
0x19: {  	s4 =	simm.s32 $0x40;
	s13 =	sor.u32 s12, s13;
	s12 =	simm.s32 $0x0  }
.LBB2_2:
0x1a: {  	p1 =	sne.s32 s4, $0xFFC0  }
0x1b: {  	[tilespmem:s13+$0x800] =	vst v0;
	s12 =	sadd.s32 $0x10, s12;
	s13 =	smov.u32 s4;
	s4 =	sadd.s32 $0x40, s4  }
.Ltmp0:
0x1c: {  	(pc) =	sbr.rel @p1 .LBB2_2-.Ltmp0, $4  }
0x1d: {  	_ = 	snop  }
0x1e: {  	s13 =	sand.u32 $0xFE00, s13  }
0x1f: {  	s14 =	sand.u32 $0x70, s12;
	s13 =	sshrl.u32 s13, $0x2  }
0x20: {  	s13 =	sor.u32 s14, s13  }
0x21: {  	[tilespmem:s13+$0x800] =	vst v0;
	s4 =	rddreg [dreg:$0x3]  }
0x22: {  	[spmem:s4] =	stream.linear.scatter [tilespmem:s17], [sflag:$0x3], $0x4000, $0x38;
	[tilespmem:$0x1C800] =	vst v63  }
0x23: {  	_ =	swait.ge [sflag:s18], $0x4000  }
0x24: {  	[sflag:s18] =	ssyncset.done $0x0  }
0x25: {  	s13 =	rddreg [dreg:$0x9];
	[sflag:s18] =	ssyncadd.s32 $0xFFFFC000  }
0x26: {  	[spmem:s13] =	stream.linear.scatter [tilespmem:s17], [sflag:$0x3], $0x4000, $0x38;
	[tilespmem:$0x1C800] =	vst v63  }
0x27: {  	_ =	swait.ge [sflag:s18], $0x4000  }
0x28: {  	[sflag:s18] =	ssyncset.done $0x0  }
0x29: {  	s14 =	rddreg [dreg:$0xa];
	[sflag:s18] =	ssyncadd.s32 $0xFFFFC000  }
0x2a: {  	[spmem:s14] =	stream.linear.scatter [tilespmem:s17], [sflag:$0x3], $0x4000, $0x38;
	[tilespmem:$0x1C800] =	vst v63  }
0x2b: {  	_ =	swait.ge [sflag:s18], $0x4000  }
0x2c: {  	[sflag:s18] =	ssyncset.done $0x0  }
0x2d: {  	s12 =	rddreg [dreg:$0xb];
	[sflag:s18] =	ssyncadd.s32 $0xFFFFC000  }
0x2e: {  	[spmem:s12] =	stream.linear.scatter [tilespmem:s17], [sflag:$0x3], $0x4000, $0x38;
	[tilespmem:$0x1C800] =	vst v63  }
0x2f: {  	_ =	swait.ge [sflag:s18], $0x4000  }
0x30: {  	[sflag:s18] =	ssyncset.done $0x0  }
0x31: {  	s13 =	rddreg [dreg:$0xc];
	[sflag:s18] =	ssyncadd.s32 $0xFFFFC000  }
0x32: {  	[spmem:s13] =	stream.linear.scatter [tilespmem:s17], [sflag:$0x3], $0x4000, $0x38;
	[tilespmem:$0x1C800] =	vst v63  }
0x33: {  	_ =	swait.ge [sflag:s18], $0x4000  }
0x34: {  	[sflag:s18] =	ssyncset.done $0x0  }
0x35: {  	[sflag:s18] =	ssyncadd.s32 $0xFFFFC000  }
0x36: {  	s14 =	sadd.s32 $0x0, s16;
	[bflag:$0x0] =	sbarrier.arrive $0xFFFF  }
0x37: {  	[tilespmem:s3], [sflag:$0x3] =	stream.linear.gather [hbm4b:s14+s3], $0x800, $0x38;
	[tilespmem:$0x1C800] =	vst v63  }
0x38: {  	_ =	swait.ge [sflag:s18], $0x800  }
0x39: {  	[sflag:s18] =	ssyncset.done $0x0  }
0x3a: {  	[sflag:s18] =	ssyncadd.s32 $0xFFFFF800  }
0x3b: {  	[tilespmem:s17], [sflag:$0x1] =	stream.indirect.gather [hbm4b:s5+s19], $0x80, s3, s19, $0xb8;
	[tilespmem:$0x1C800] =	vst v63  }
0x3c: {  	_ = 	snop  }
0x3d: {  	[tilespmem:s21], [sflag:$0x2] =	stream.indirect.gather [hbm4b:s5+s19], $0x80, s20, s19, $0xb8;
	[tilespmem:$0x1C800] =	vst v63  }
0x3e: {  	_ =	swait.ge [sflag:s22], $0x4000  }
0x3f: {  	[sflag:s22] =	ssyncset.done $0x0  }
0x40: {  	[sflag:s22] =	ssyncadd.s32 $0xFFFFC000  }
0x41: {  	[spmem:s2] =	stream.indirect.scatter.add.f32 [tilespmem:s17], [sflag:$0x3], $0x80, s19, s19, $0xb8;
	[tilespmem:$0x1C800] =	vst v63  }
0x42: {  	_ =	swait.ge [sflag:s18], $0x4000  }
0x43: {  	[sflag:s18] =	ssyncset.done $0x0  }
0x44: {  	[sflag:s18] =	ssyncadd.s32 $0xFFFFC000  }
0x45: {  	[tilespmem:s17], [sflag:$0x1] =	stream.indirect.gather [hbm4b:s5+s19], $0x80, s23, s19, $0xb8;
	[tilespmem:$0x1C800] =	vst v63  }
0x46: {  	_ =	swait.ge [sflag:s24], $0x4000  }
0x47: {  	[sflag:s24] =	ssyncset.done $0x0  }
0x48: {  	[sflag:s24] =	ssyncadd.s32 $0xFFFFC000  }
0x49: {  	[spmem:s2] =	stream.indirect.scatter.add.f32 [tilespmem:s21], [sflag:$0x3], $0x80, s25, s19, $0xb8;
	[tilespmem:$0x1C800] =	vst v63  }
0x4a: {  	_ =	swait.ge [sflag:s18], $0x4000  }
0x4b: {  	[sflag:s18] =	ssyncset.done $0x0  }
0x4c: {  	[sflag:s18] =	ssyncadd.s32 $0xFFFFC000  }
0x4d: {  	[tilespmem:s21], [sflag:$0x2] =	stream.indirect.gather [hbm4b:s5+s19], $0x80, s26, s19, $0xb8;
	[tilespmem:$0x1C800] =	vst v63  }
0x4e: {  	_ =	swait.ge [sflag:s22], $0x4000  }
0x4f: {  	[sflag:s22] =	ssyncset.done $0x0  }
0x50: {  	[sflag:s22] =	ssyncadd.s32 $0xFFFFC000  }
0x51: {  	[spmem:s2] =	stream.indirect.scatter.add.f32 [tilespmem:s17], [sflag:$0x3], $0x80, s28, s19, $0xb8;
	[tilespmem:$0x1C800] =	vst v63  }
0x52: {  	_ =	swait.ge [sflag:s18], $0x4000  }
0x53: {  	[sflag:s18] =	ssyncset.done $0x0  }
0x54: {  	[sflag:s18] =	ssyncadd.s32 $0xFFFFC000  }
0x55: {  	[tilespmem:s17], [sflag:$0x1] =	stream.indirect.gather [hbm4b:s5+s19], $0x80, s29, s19, $0xb8;
	[tilespmem:$0x1C800] =	vst v63  }
0x56: {  	_ =	swait.ge [sflag:s24], $0x4000  }
0x57: {  	[sflag:s24] =	ssyncset.done $0x0  }
0x58: {  	[sflag:s24] =	ssyncadd.s32 $0xFFFFC000  }
0x59: {  	[spmem:s2] =	stream.indirect.scatter.add.f32 [tilespmem:s21], [sflag:$0x3], $0x80, s30, s19, $0xb8;
	[tilespmem:$0x1C800] =	vst v63  }
0x5a: {  	_ =	swait.ge [sflag:s18], $0x4000  }
0x5b: {  	[sflag:s18] =	ssyncset.done $0x0  }
0x5c: {  	[sflag:s18] =	ssyncadd.s32 $0xFFFFC000  }
0x5d: {  	[tilespmem:s21], [sflag:$0x2] =	stream.indirect.gather [hbm4b:s5+s19], $0x80, s31, s19, $0xb8;
	[tilespmem:$0x1C800] =	vst v63  }
0x5e: {  	_ =	swait.ge [sflag:s22], $0x4000  }
0x5f: {  	[sflag:s22] =	ssyncset.done $0x0  }
0x60: {  	[sflag:s22] =	ssyncadd.s32 $0xFFFFC000  }
0x61: {  	[spmem:s2] =	stream.indirect.scatter.add.f32 [tilespmem:s17], [sflag:$0x3], $0x80, s0, s19, $0xb8;
	[tilespmem:$0x1C800] =	vst v63  }
0x62: {  	_ =	swait.ge [sflag:s18], $0x4000  }
0x63: {  	[sflag:s18] =	ssyncset.done $0x0  }
0x64: {  	[sflag:s18] =	ssyncadd.s32 $0xFFFFC000  }
0x65: {  	[tilespmem:s17], [sflag:$0x1] =	stream.indirect.gather [hbm4b:s5+s19], $0x80, s1, s19, $0xb8;
	[tilespmem:$0x1C800] =	vst v63  }
0x66: {  	_ =	swait.ge [sflag:s24], $0x4000  }
0x67: {  	[sflag:s24] =	ssyncset.done $0x0  }
0x68: {  	[sflag:s24] =	ssyncadd.s32 $0xFFFFC000  }
0x69: {  	[spmem:s2] =	stream.indirect.scatter.add.f32 [tilespmem:s21], [sflag:$0x3], $0x80, s8, s19, $0xb8;
	[tilespmem:$0x1C800] =	vst v63  }
0x6a: {  	_ =	swait.ge [sflag:s18], $0x4000  }
0x6b: {  	[sflag:s18] =	ssyncset.done $0x0  }
0x6c: {  	[sflag:s18] =	ssyncadd.s32 $0xFFFFC000  }
0x6d: {  	[tilespmem:s21], [sflag:$0x2] =	stream.indirect.gather [hbm4b:s5+s19], $0x80, s11, s19, $0xb8;
	[tilespmem:$0x1C800] =	vst v63  }
0x6e: {  	_ =	swait.ge [sflag:s22], $0x4000  }
0x6f: {  	[sflag:s22] =	ssyncset.done $0x0  }
0x70: {  	[sflag:s22] =	ssyncadd.s32 $0xFFFFC000  }
0x71: {  	[spmem:s2] =	stream.indirect.scatter.add.f32 [tilespmem:s17], [sflag:$0x3], $0x80, s6, s19, $0xb8;
	[tilespmem:$0x1C800] =	vst v63  }
0x72: {  	_ =	swait.ge [sflag:s18], $0x4000  }
0x73: {  	[sflag:s18] =	ssyncset.done $0x0  }
0x74: {  	[sflag:s18] =	ssyncadd.s32 $0xFFFFC000  }
0x75: {  	_ =	swait.ge [sflag:s24], $0x4000  }
0x76: {  	[sflag:s24] =	ssyncset.done $0x0  }
0x77: {  	[sflag:s24] =	ssyncadd.s32 $0xFFFFC000  }
0x78: {  	[spmem:s2] =	stream.indirect.scatter.add.f32 [tilespmem:s21], [sflag:$0x3], $0x80, s7, s19, $0xb8;
	[tilespmem:$0x1C800] =	vst v63  }
0x79: {  	_ =	swait.ge [sflag:s18], $0x4000  }
0x7a: {  	s4 =	simm.s32 $0x200;
	s12 =	simm.s32 $0x100;
	[sflag:s18] =	ssyncset.done $0x0  }
.LBB2_4:
0x7b: {  	s14 =	sadd.s32 s12, s16  }
0x7c: {  	[sflag:s18] =	ssyncadd.s32 $0xFFFFC000;
	s12 =	smov.u32 s4;
	s13 =	sadd.s32 $0x100, s4  }
0x7d: {  	[tilespmem:s3], [sflag:$0x3] =	stream.linear.gather [hbm4b:s14+s3], $0x800, $0x38;
	[tilespmem:$0x1C800] =	vst v63  }
0x7e: {  	p1 =	sne.s32 s4, $0x1300;
	_ =	swait.ge [sflag:s18], $0x800  }
0x7f: {  	[sflag:s18] =	ssyncset.done $0x0  }
0x80: {  	[sflag:s18] =	ssyncadd.s32 $0xFFFFF800  }
0x81: {  	[tilespmem:s17], [sflag:$0x1] =	stream.indirect.gather [hbm4b:s5+s19], $0x80, s3, s19, $0xb8;
	[tilespmem:$0x1C800] =	vst v63  }
0x82: {  	_ = 	snop  }
0x83: {  	[tilespmem:s21], [sflag:$0x2] =	stream.indirect.gather [hbm4b:s5+s19], $0x80, s20, s19, $0xb8;
	[tilespmem:$0x1C800] =	vst v63  }
0x84: {  	_ =	swait.ge [sflag:s22], $0x4000  }
0x85: {  	[sflag:s22] =	ssyncset.done $0x0  }
0x86: {  	[sflag:s22] =	ssyncadd.s32 $0xFFFFC000  }
0x87: {  	[spmem:s2] =	stream.indirect.scatter.add.f32 [tilespmem:s17], [sflag:$0x3], $0x80, s19, s19, $0xb8;
	[tilespmem:$0x1C800] =	vst v63  }
0x88: {  	_ =	swait.ge [sflag:s18], $0x4000  }
0x89: {  	[sflag:s18] =	ssyncset.done $0x0  }
0x8a: {  	[sflag:s18] =	ssyncadd.s32 $0xFFFFC000  }
0x8b: {  	[tilespmem:s17], [sflag:$0x1] =	stream.indirect.gather [hbm4b:s5+s19], $0x80, s23, s19, $0xb8;
	[tilespmem:$0x1C800] =	vst v63  }
0x8c: {  	_ =	swait.ge [sflag:s24], $0x4000  }
0x8d: {  	[sflag:s24] =	ssyncset.done $0x0  }
0x8e: {  	[sflag:s24] =	ssyncadd.s32 $0xFFFFC000  }
0x8f: {  	[spmem:s2] =	stream.indirect.scatter.add.f32 [tilespmem:s21], [sflag:$0x3], $0x80, s25, s19, $0xb8;
	[tilespmem:$0x1C800] =	vst v63  }
0x90: {  	_ =	swait.ge [sflag:s18], $0x4000  }
0x91: {  	[sflag:s18] =	ssyncset.done $0x0  }
0x92: {  	[sflag:s18] =	ssyncadd.s32 $0xFFFFC000  }
0x93: {  	[tilespmem:s21], [sflag:$0x2] =	stream.indirect.gather [hbm4b:s5+s19], $0x80, s26, s19, $0xb8;
	[tilespmem:$0x1C800] =	vst v63  }
0x94: {  	_ =	swait.ge [sflag:s22], $0x4000  }
0x95: {  	[sflag:s22] =	ssyncset.done $0x0  }
0x96: {  	[sflag:s22] =	ssyncadd.s32 $0xFFFFC000  }
0x97: {  	[spmem:s2] =	stream.indirect.scatter.add.f32 [tilespmem:s17], [sflag:$0x3], $0x80, s28, s19, $0xb8;
	[tilespmem:$0x1C800] =	vst v63  }
0x98: {  	_ =	swait.ge [sflag:s18], $0x4000  }
0x99: {  	[sflag:s18] =	ssyncset.done $0x0  }
0x9a: {  	[sflag:s18] =	ssyncadd.s32 $0xFFFFC000  }
0x9b: {  	[tilespmem:s17], [sflag:$0x1] =	stream.indirect.gather [hbm4b:s5+s19], $0x80, s29, s19, $0xb8;
	[tilespmem:$0x1C800] =	vst v63  }
0x9c: {  	_ =	swait.ge [sflag:s24], $0x4000  }
0x9d: {  	[sflag:s24] =	ssyncset.done $0x0  }
0x9e: {  	[sflag:s24] =	ssyncadd.s32 $0xFFFFC000  }
0x9f: {  	[spmem:s2] =	stream.indirect.scatter.add.f32 [tilespmem:s21], [sflag:$0x3], $0x80, s30, s19, $0xb8;
	[tilespmem:$0x1C800] =	vst v63  }
0xa0: {  	_ =	swait.ge [sflag:s18], $0x4000  }
0xa1: {  	[sflag:s18] =	ssyncset.done $0x0  }
0xa2: {  	[sflag:s18] =	ssyncadd.s32 $0xFFFFC000  }
0xa3: {  	[tilespmem:s21], [sflag:$0x2] =	stream.indirect.gather [hbm4b:s5+s19], $0x80, s31, s19, $0xb8;
	[tilespmem:$0x1C800] =	vst v63  }
0xa4: {  	_ =	swait.ge [sflag:s22], $0x4000  }
0xa5: {  	[sflag:s22] =	ssyncset.done $0x0  }
0xa6: {  	[sflag:s22] =	ssyncadd.s32 $0xFFFFC000  }
0xa7: {  	[spmem:s2] =	stream.indirect.scatter.add.f32 [tilespmem:s17], [sflag:$0x3], $0x80, s0, s19, $0xb8;
	[tilespmem:$0x1C800] =	vst v63  }
0xa8: {  	_ =	swait.ge [sflag:s18], $0x4000  }
0xa9: {  	[sflag:s18] =	ssyncset.done $0x0  }
0xaa: {  	[sflag:s18] =	ssyncadd.s32 $0xFFFFC000  }
0xab: {  	[tilespmem:s17], [sflag:$0x1] =	stream.indirect.gather [hbm4b:s5+s19], $0x80, s1, s19, $0xb8;
	[tilespmem:$0x1C800] =	vst v63  }
0xac: {  	_ =	swait.ge [sflag:s24], $0x4000  }
0xad: {  	[sflag:s24] =	ssyncset.done $0x0  }
0xae: {  	[sflag:s24] =	ssyncadd.s32 $0xFFFFC000  }
0xaf: {  	[spmem:s2] =	stream.indirect.scatter.add.f32 [tilespmem:s21], [sflag:$0x3], $0x80, s8, s19, $0xb8;
	[tilespmem:$0x1C800] =	vst v63  }
0xb0: {  	_ =	swait.ge [sflag:s18], $0x4000  }
0xb1: {  	[sflag:s18] =	ssyncset.done $0x0  }
0xb2: {  	[sflag:s18] =	ssyncadd.s32 $0xFFFFC000  }
0xb3: {  	[tilespmem:s21], [sflag:$0x2] =	stream.indirect.gather [hbm4b:s5+s19], $0x80, s11, s19, $0xb8;
	[tilespmem:$0x1C800] =	vst v63  }
0xb4: {  	_ =	swait.ge [sflag:s22], $0x4000  }
0xb5: {  	[sflag:s22] =	ssyncset.done $0x0  }
0xb6: {  	[sflag:s22] =	ssyncadd.s32 $0xFFFFC000  }
0xb7: {  	[spmem:s2] =	stream.indirect.scatter.add.f32 [tilespmem:s17], [sflag:$0x3], $0x80, s6, s19, $0xb8;
	[tilespmem:$0x1C800] =	vst v63  }
0xb8: {  	_ =	swait.ge [sflag:s18], $0x4000  }
0xb9: {  	[sflag:s18] =	ssyncset.done $0x0  }
0xba: {  	[sflag:s18] =	ssyncadd.s32 $0xFFFFC000  }
0xbb: {  	_ =	swait.ge [sflag:s24], $0x4000  }
.Ltmp1:
0xbc: {  	[sflag:s24] =	ssyncset.done $0x0;
	(pc) =	sbr.rel @p1 .LBB2_4-.Ltmp1, $4  }
0xbd: {  	[sflag:s24] =	ssyncadd.s32 $0xFFFFC000  }
0xbe: {  	[spmem:s2] =	stream.indirect.scatter.add.f32 [tilespmem:s21], [sflag:$0x3], $0x80, s7, s19, $0xb8;
	[tilespmem:$0x1C800] =	vst v63  }
0xbf: {  	_ =	swait.ge [sflag:s18], $0x4000  }
0xc0: {  	s4 =	smov.u32 s13;
	[sflag:s18] =	ssyncset.done $0x0  }
0xc1: {  	s4 =	sadd.s32 s12, s16;
	[sflag:s18] =	ssyncadd.s32 $0xFFFFC000  }
0xc2: {  	[tilespmem:s3], [sflag:$0x3] =	stream.linear.gather [hbm4b:s4+s3], $0x800, $0x38;
	[tilespmem:$0x1C800] =	vst v63  }
0xc3: {  	_ =	swait.ge [sflag:s18], $0x800  }
0xc4: {  	[sflag:s18] =	ssyncset.done $0x0  }
0xc5: {  	[sflag:s18] =	ssyncadd.s32 $0xFFFFF800  }
0xc6: {  	[tilespmem:s17], [sflag:$0x1] =	stream.indirect.gather [hbm4b:s5+s19], $0x80, s3, s19, $0xb8;
	[tilespmem:$0x1C800] =	vst v63  }
0xc7: {  	_ = 	snop  }
0xc8: {  	[tilespmem:s21], [sflag:$0x2] =	stream.indirect.gather [hbm4b:s5+s19], $0x80, s20, s19, $0xb8;
	[tilespmem:$0x1C800] =	vst v63  }
0xc9: {  	_ =	swait.ge [sflag:s22], $0x4000  }
0xca: {  	[sflag:s22] =	ssyncset.done $0x0  }
0xcb: {  	[sflag:s22] =	ssyncadd.s32 $0xFFFFC000  }
0xcc: {  	[spmem:s2] =	stream.indirect.scatter.add.f32 [tilespmem:s17], [sflag:$0x3], $0x80, s19, s19, $0xb8;
	[tilespmem:$0x1C800] =	vst v63  }
0xcd: {  	_ =	swait.ge [sflag:s18], $0x4000  }
0xce: {  	[sflag:s18] =	ssyncset.done $0x0  }
0xcf: {  	[sflag:s18] =	ssyncadd.s32 $0xFFFFC000  }
0xd0: {  	[tilespmem:s17], [sflag:$0x1] =	stream.indirect.gather [hbm4b:s5+s19], $0x80, s23, s19, $0xb8;
	[tilespmem:$0x1C800] =	vst v63  }
0xd1: {  	_ =	swait.ge [sflag:s24], $0x4000  }
0xd2: {  	[sflag:s24] =	ssyncset.done $0x0  }
0xd3: {  	[sflag:s24] =	ssyncadd.s32 $0xFFFFC000  }
0xd4: {  	[spmem:s2] =	stream.indirect.scatter.add.f32 [tilespmem:s21], [sflag:$0x3], $0x80, s25, s19, $0xb8;
	[tilespmem:$0x1C800] =	vst v63  }
0xd5: {  	_ =	swait.ge [sflag:s18], $0x4000  }
0xd6: {  	[sflag:s18] =	ssyncset.done $0x0  }
0xd7: {  	[sflag:s18] =	ssyncadd.s32 $0xFFFFC000  }
0xd8: {  	[tilespmem:s21], [sflag:$0x2] =	stream.indirect.gather [hbm4b:s5+s19], $0x80, s26, s19, $0xb8;
	[tilespmem:$0x1C800] =	vst v63  }
0xd9: {  	_ =	swait.ge [sflag:s22], $0x4000  }
0xda: {  	[sflag:s22] =	ssyncset.done $0x0  }
0xdb: {  	[sflag:s22] =	ssyncadd.s32 $0xFFFFC000  }
0xdc: {  	[spmem:s2] =	stream.indirect.scatter.add.f32 [tilespmem:s17], [sflag:$0x3], $0x80, s28, s19, $0xb8;
	[tilespmem:$0x1C800] =	vst v63  }
0xdd: {  	_ =	swait.ge [sflag:s18], $0x4000  }
0xde: {  	[sflag:s18] =	ssyncset.done $0x0  }
0xdf: {  	[sflag:s18] =	ssyncadd.s32 $0xFFFFC000  }
0xe0: {  	[tilespmem:s17], [sflag:$0x1] =	stream.indirect.gather [hbm4b:s5+s19], $0x80, s29, s19, $0xb8;
	[tilespmem:$0x1C800] =	vst v63  }
0xe1: {  	_ =	swait.ge [sflag:s24], $0x4000  }
0xe2: {  	[sflag:s24] =	ssyncset.done $0x0  }
0xe3: {  	[sflag:s24] =	ssyncadd.s32 $0xFFFFC000  }
0xe4: {  	[spmem:s2] =	stream.indirect.scatter.add.f32 [tilespmem:s21], [sflag:$0x3], $0x80, s30, s19, $0xb8;
	[tilespmem:$0x1C800] =	vst v63  }
0xe5: {  	_ =	swait.ge [sflag:s18], $0x4000  }
0xe6: {  	[sflag:s18] =	ssyncset.done $0x0  }
0xe7: {  	[sflag:s18] =	ssyncadd.s32 $0xFFFFC000  }
0xe8: {  	[tilespmem:s21], [sflag:$0x2] =	stream.indirect.gather [hbm4b:s5+s19], $0x80, s31, s19, $0xb8;
	[tilespmem:$0x1C800] =	vst v63  }
0xe9: {  	_ =	swait.ge [sflag:s22], $0x4000  }
0xea: {  	[sflag:s22] =	ssyncset.done $0x0  }
0xeb: {  	[sflag:s22] =	ssyncadd.s32 $0xFFFFC000  }
0xec: {  	[spmem:s2] =	stream.indirect.scatter.add.f32 [tilespmem:s17], [sflag:$0x3], $0x80, s0, s19, $0xb8;
	[tilespmem:$0x1C800] =	vst v63  }
0xed: {  	_ =	swait.ge [sflag:s18], $0x4000  }
0xee: {  	[sflag:s18] =	ssyncset.done $0x0  }
0xef: {  	[sflag:s18] =	ssyncadd.s32 $0xFFFFC000  }
0xf0: {  	[tilespmem:s17], [sflag:$0x1] =	stream.indirect.gather [hbm4b:s5+s19], $0x80, s1, s19, $0xb8;
	[tilespmem:$0x1C800] =	vst v63  }
0xf1: {  	_ =	swait.ge [sflag:s24], $0x4000  }
0xf2: {  	[sflag:s24] =	ssyncset.done $0x0  }
0xf3: {  	[sflag:s24] =	ssyncadd.s32 $0xFFFFC000  }
0xf4: {  	[spmem:s2] =	stream.indirect.scatter.add.f32 [tilespmem:s21], [sflag:$0x3], $0x80, s8, s19, $0xb8;
	[tilespmem:$0x1C800] =	vst v63  }
0xf5: {  	_ =	swait.ge [sflag:s18], $0x4000  }
0xf6: {  	[sflag:s18] =	ssyncset.done $0x0  }
0xf7: {  	[sflag:s18] =	ssyncadd.s32 $0xFFFFC000  }
0xf8: {  	[tilespmem:s21], [sflag:$0x2] =	stream.indirect.gather [hbm4b:s5+s19], $0x80, s11, s19, $0xb8;
	[tilespmem:$0x1C800] =	vst v63  }
0xf9: {  	_ =	swait.ge [sflag:s22], $0x4000  }
0xfa: {  	[sflag:s22] =	ssyncset.done $0x0  }
0xfb: {  	[sflag:s22] =	ssyncadd.s32 $0xFFFFC000  }
0xfc: {  	[spmem:s2] =	stream.indirect.scatter.add.f32 [tilespmem:s17], [sflag:$0x3], $0x80, s6, s19, $0xb8;
	[tilespmem:$0x1C800] =	vst v63  }
0xfd: {  	_ =	swait.ge [sflag:s18], $0x4000  }
0xfe: {  	[sflag:s18] =	ssyncset.done $0x0  }
0xff: {  	[sflag:s18] =	ssyncadd.s32 $0xFFFFC000  }
0x100: {  	_ =	swait.ge [sflag:s24], $0x4000  }
0x101: {  	[sflag:s24] =	ssyncset.done $0x0  }
0x102: {  	[sflag:s24] =	ssyncadd.s32 $0xFFFFC000  }
0x103: {  	[spmem:s2] =	stream.indirect.scatter.add.f32 [tilespmem:s21], [sflag:$0x3], $0x80, s7, s19, $0xb8;
	[tilespmem:$0x1C800] =	vst v63  }
0x104: {  	_ =	swait.ge [sflag:s18], $0x4000  }
0x105: {  	[sflag:s18] =	ssyncset.done $0x0  }
0x106: {  	[sflag:s18] =	ssyncadd.s32 $0xFFFFC000  }
0x107: {  	[bflag:$0x0] =	sbarrier.arrive $0xFFFF  }
0x108: {  	s12 =	rddreg [dreg:$0x6]  }
0x109: {  	s13 =	rddreg [dreg:$0x4];
	s14 =	sshrl.u32 @p0 s12, $0x3  }
0x10a: {  	s4 =	sadd.s32 @p0 $0x25800, s13;
	s12 =	simm.s32 @p0 $0x1FC3;
	[dreg:$0xd] =	wrdreg s14  }
0x10b: {  	[hbm:s4], [sflag:s12] =	dma.local @p0 [spmem:s14], $0x1900  }
0x10c: {  	s4 =	simm.s32 @p0 $0x3  }
0x10d: {  	_ =	swait.ge @p0 [sflag:s4], $0x1900  }
0x10e: {  	[sflag:s4] =	ssyncset.done @p0 $0x0  }
0x10f: {  	[sflag:s4] =	ssyncadd.s32 @p0 $0xFFFFE700;
	s4 =	stileid.u32  }
0x110: {  	s4 =	sshll.u32 @!p0 s4, $0x6  }
0x111: {  	s12 =	sadd.s32 @!p0 s15, s13;
	s13 =	sor.u32 @!p0 $0x1C03, s4;
	s4 =	rddreg [dreg:$0x3]  }
0x112: {  	s14 =	sshrl.u32 @!p0 s4, $0x3;
	[dreg:$0xe] =	wrdreg s13  }
0x113: {  	[hbm:s12], [sflag:s13] =	dma.local @!p0 [spmem:s14], $0x2800  }
0x114: {  	s12 =	simm.s32 @!p0 $0x3  }
0x115: {  	_ =	swait.ge @!p0 [sflag:s12], $0x2800  }
0x116: {  	s15 =	simm.s32 @!p0 $0x0;
	s4 =	simm.s32 @!p0 $0x0;
	[sflag:s12] =	ssyncset.done @!p0 $0x0  }
0x117: {  	s15 =	simm.s32 @p0 $0x0;
	s4 =	simm.s32 @p0 $0x0;
	[sflag:s12] =	ssyncadd.s32 @!p0 $0xFFFFD800  }
.LBB2_6:
0x118: {  	p1 =	seq.s32 s4, $0xFFC0  }
.Ltmp2:
0x119: {  	_ = 	snop;
	(pc) =	sbr.rel @!p1 .LBB2_6-.Ltmp2, $4  }
0x11a: {  	s12 =	sand.u32 $0xFE00, s4  }
0x11b: {  	s13 =	sand.u32 $0x70, s15;
	s12 =	sshrl.u32 s12, $0x2  }
0x11c: {  	s12 =	sor.u32 s13, s12  }
0x11d: {  	s15 =	sadd.s32 $0x10, s15;
	s4 =	sadd.s32 $0x40, s4;
	[tilespmem:s12+$0x800] =	vst v0  }
0x11e: {  	s4 =	rddreg [dreg:$0x3]  }
0x11f: {  	[spmem:s4] =	stream.linear.scatter [tilespmem:s17], [sflag:$0x3], $0x4000, $0x38;
	[tilespmem:$0x1C800] =	vst v63  }
0x120: {  	_ =	swait.ge [sflag:s18], $0x4000  }
0x121: {  	[sflag:s18] =	ssyncset.done $0x0  }
0x122: {  	s13 =	rddreg [dreg:$0x9];
	[sflag:s18] =	ssyncadd.s32 $0xFFFFC000  }
0x123: {  	[spmem:s13] =	stream.linear.scatter [tilespmem:s17], [sflag:$0x3], $0x4000, $0x38;
	[tilespmem:$0x1C800] =	vst v63  }
0x124: {  	_ =	swait.ge [sflag:s18], $0x4000  }
0x125: {  	[sflag:s18] =	ssyncset.done $0x0  }
0x126: {  	s15 =	rddreg [dreg:$0xa];
	[sflag:s18] =	ssyncadd.s32 $0xFFFFC000  }
0x127: {  	[spmem:s15] =	stream.linear.scatter [tilespmem:s17], [sflag:$0x3], $0x4000, $0x38;
	[tilespmem:$0x1C800] =	vst v63  }
0x128: {  	_ =	swait.ge [sflag:s18], $0x4000  }
0x129: {  	[sflag:s18] =	ssyncset.done $0x0  }
0x12a: {  	s12 =	rddreg [dreg:$0xb];
	[sflag:s18] =	ssyncadd.s32 $0xFFFFC000  }
0x12b: {  	[spmem:s12] =	stream.linear.scatter [tilespmem:s17], [sflag:$0x3], $0x4000, $0x38;
	[tilespmem:$0x1C800] =	vst v63  }
0x12c: {  	_ =	swait.ge [sflag:s18], $0x4000  }
0x12d: {  	[sflag:s18] =	ssyncset.done $0x0  }
0x12e: {  	s13 =	rddreg [dreg:$0xc];
	[sflag:s18] =	ssyncadd.s32 $0xFFFFC000  }
0x12f: {  	[spmem:s13] =	stream.linear.scatter [tilespmem:s17], [sflag:$0x3], $0x4000, $0x38;
	[tilespmem:$0x1C800] =	vst v63  }
0x130: {  	_ =	swait.ge [sflag:s18], $0x4000  }
0x131: {  	[sflag:s18] =	ssyncset.done $0x0  }
0x132: {  	[sflag:s18] =	ssyncadd.s32 $0xFFFFC000  }
0x133: {  	s15 =	sadd.s32 $0x0, s16;
	[bflag:$0x0] =	sbarrier.arrive $0xFFFF  }
0x134: {  	[tilespmem:s3], [sflag:$0x3] =	stream.linear.gather [hbm4b:s15+s3], $0x800, $0x38;
	[tilespmem:$0x1C800] =	vst v63  }
0x135: {  	_ =	swait.ge [sflag:s18], $0x800  }
0x136: {  	[sflag:s18] =	ssyncset.done $0x0  }
0x137: {  	[sflag:s18] =	ssyncadd.s32 $0xFFFFF800  }
0x138: {  	[tilespmem:s17], [sflag:$0x1] =	stream.indirect.gather [hbm4b:s9+s19], $0x80, s3, s19, $0xb8;
	[tilespmem:$0x1C800] =	vst v63  }
0x139: {  	_ = 	snop  }
0x13a: {  	[tilespmem:s21], [sflag:$0x2] =	stream.indirect.gather [hbm4b:s9+s19], $0x80, s20, s19, $0xb8;
	[tilespmem:$0x1C800] =	vst v63  }
0x13b: {  	_ =	swait.ge [sflag:s22], $0x4000  }
0x13c: {  	[sflag:s22] =	ssyncset.done $0x0  }
0x13d: {  	[sflag:s22] =	ssyncadd.s32 $0xFFFFC000  }
0x13e: {  	[spmem:s2] =	stream.indirect.scatter.add.f32 [tilespmem:s17], [sflag:$0x3], $0x80, s19, s19, $0xb8;
	[tilespmem:$0x1C800] =	vst v63  }
0x13f: {  	_ =	swait.ge [sflag:s18], $0x4000  }
0x140: {  	[sflag:s18] =	ssyncset.done $0x0  }
0x141: {  	[sflag:s18] =	ssyncadd.s32 $0xFFFFC000  }
0x142: {  	[tilespmem:s17], [sflag:$0x1] =	stream.indirect.gather [hbm4b:s9+s19], $0x80, s23, s19, $0xb8;
	[tilespmem:$0x1C800] =	vst v63  }
0x143: {  	_ =	swait.ge [sflag:s24], $0x4000  }
0x144: {  	[sflag:s24] =	ssyncset.done $0x0  }
0x145: {  	[sflag:s24] =	ssyncadd.s32 $0xFFFFC000  }
0x146: {  	[spmem:s2] =	stream.indirect.scatter.add.f32 [tilespmem:s21], [sflag:$0x3], $0x80, s25, s19, $0xb8;
	[tilespmem:$0x1C800] =	vst v63  }
0x147: {  	_ =	swait.ge [sflag:s18], $0x4000  }
0x148: {  	[sflag:s18] =	ssyncset.done $0x0  }
0x149: {  	[sflag:s18] =	ssyncadd.s32 $0xFFFFC000  }
0x14a: {  	[tilespmem:s21], [sflag:$0x2] =	stream.indirect.gather [hbm4b:s9+s19], $0x80, s26, s19, $0xb8;
	[tilespmem:$0x1C800] =	vst v63  }
0x14b: {  	_ =	swait.ge [sflag:s22], $0x4000  }
0x14c: {  	[sflag:s22] =	ssyncset.done $0x0  }
0x14d: {  	[sflag:s22] =	ssyncadd.s32 $0xFFFFC000  }
0x14e: {  	[spmem:s2] =	stream.indirect.scatter.add.f32 [tilespmem:s17], [sflag:$0x3], $0x80, s28, s19, $0xb8;
	[tilespmem:$0x1C800] =	vst v63  }
0x14f: {  	_ =	swait.ge [sflag:s18], $0x4000  }
0x150: {  	[sflag:s18] =	ssyncset.done $0x0  }
0x151: {  	[sflag:s18] =	ssyncadd.s32 $0xFFFFC000  }
0x152: {  	[tilespmem:s17], [sflag:$0x1] =	stream.indirect.gather [hbm4b:s9+s19], $0x80, s29, s19, $0xb8;
	[tilespmem:$0x1C800] =	vst v63  }
0x153: {  	_ =	swait.ge [sflag:s24], $0x4000  }
0x154: {  	[sflag:s24] =	ssyncset.done $0x0  }
0x155: {  	[sflag:s24] =	ssyncadd.s32 $0xFFFFC000  }
0x156: {  	[spmem:s2] =	stream.indirect.scatter.add.f32 [tilespmem:s21], [sflag:$0x3], $0x80, s30, s19, $0xb8;
	[tilespmem:$0x1C800] =	vst v63  }
0x157: {  	_ =	swait.ge [sflag:s18], $0x4000  }
0x158: {  	[sflag:s18] =	ssyncset.done $0x0  }
0x159: {  	[sflag:s18] =	ssyncadd.s32 $0xFFFFC000  }
0x15a: {  	[tilespmem:s21], [sflag:$0x2] =	stream.indirect.gather [hbm4b:s9+s19], $0x80, s31, s19, $0xb8;
	[tilespmem:$0x1C800] =	vst v63  }
0x15b: {  	_ =	swait.ge [sflag:s22], $0x4000  }
0x15c: {  	[sflag:s22] =	ssyncset.done $0x0  }
0x15d: {  	[sflag:s22] =	ssyncadd.s32 $0xFFFFC000  }
0x15e: {  	[spmem:s2] =	stream.indirect.scatter.add.f32 [tilespmem:s17], [sflag:$0x3], $0x80, s0, s19, $0xb8;
	[tilespmem:$0x1C800] =	vst v63  }
0x15f: {  	_ =	swait.ge [sflag:s18], $0x4000  }
0x160: {  	[sflag:s18] =	ssyncset.done $0x0  }
0x161: {  	[sflag:s18] =	ssyncadd.s32 $0xFFFFC000  }
0x162: {  	[tilespmem:s17], [sflag:$0x1] =	stream.indirect.gather [hbm4b:s9+s19], $0x80, s1, s19, $0xb8;
	[tilespmem:$0x1C800] =	vst v63  }
0x163: {  	_ =	swait.ge [sflag:s24], $0x4000  }
0x164: {  	[sflag:s24] =	ssyncset.done $0x0  }
0x165: {  	[sflag:s24] =	ssyncadd.s32 $0xFFFFC000  }
0x166: {  	[spmem:s2] =	stream.indirect.scatter.add.f32 [tilespmem:s21], [sflag:$0x3], $0x80, s8, s19, $0xb8;
	[tilespmem:$0x1C800] =	vst v63  }
0x167: {  	_ =	swait.ge [sflag:s18], $0x4000  }
0x168: {  	[sflag:s18] =	ssyncset.done $0x0  }
0x169: {  	[sflag:s18] =	ssyncadd.s32 $0xFFFFC000  }
0x16a: {  	[tilespmem:s21], [sflag:$0x2] =	stream.indirect.gather [hbm4b:s9+s19], $0x80, s11, s19, $0xb8;
	[tilespmem:$0x1C800] =	vst v63  }
0x16b: {  	_ =	swait.ge [sflag:s22], $0x4000  }
0x16c: {  	[sflag:s22] =	ssyncset.done $0x0  }
0x16d: {  	[sflag:s22] =	ssyncadd.s32 $0xFFFFC000  }
0x16e: {  	[spmem:s2] =	stream.indirect.scatter.add.f32 [tilespmem:s17], [sflag:$0x3], $0x80, s6, s19, $0xb8;
	[tilespmem:$0x1C800] =	vst v63  }
0x16f: {  	_ =	swait.ge [sflag:s18], $0x4000  }
0x170: {  	[sflag:s18] =	ssyncset.done $0x0  }
0x171: {  	[sflag:s18] =	ssyncadd.s32 $0xFFFFC000  }
0x172: {  	_ =	swait.ge [sflag:s24], $0x4000  }
0x173: {  	[sflag:s24] =	ssyncset.done $0x0  }
0x174: {  	[sflag:s24] =	ssyncadd.s32 $0xFFFFC000  }
0x175: {  	[spmem:s2] =	stream.indirect.scatter.add.f32 [tilespmem:s21], [sflag:$0x3], $0x80, s7, s19, $0xb8;
	[tilespmem:$0x1C800] =	vst v63  }
0x176: {  	_ =	swait.ge [sflag:s18], $0x4000  }
0x177: {  	s4 =	simm.s32 $0x200;
	s15 =	simm.s32 $0x100;
	[sflag:s18] =	ssyncset.done $0x0  }
.LBB2_8:
0x178: {  	s13 =	sadd.s32 s15, s16  }
0x179: {  	[sflag:s18] =	ssyncadd.s32 $0xFFFFC000;
	s15 =	smov.u32 s4;
	s12 =	sadd.s32 $0x100, s4  }
0x17a: {  	[tilespmem:s3], [sflag:$0x3] =	stream.linear.gather [hbm4b:s13+s3], $0x800, $0x38;
	[tilespmem:$0x1C800] =	vst v63  }
0x17b: {  	p1 =	sne.s32 s4, $0x1300;
	_ =	swait.ge [sflag:s18], $0x800  }
0x17c: {  	[sflag:s18] =	ssyncset.done $0x0  }
0x17d: {  	[sflag:s18] =	ssyncadd.s32 $0xFFFFF800  }
0x17e: {  	[tilespmem:s17], [sflag:$0x1] =	stream.indirect.gather [hbm4b:s9+s19], $0x80, s3, s19, $0xb8;
	[tilespmem:$0x1C800] =	vst v63  }
0x17f: {  	_ = 	snop  }
0x180: {  	[tilespmem:s21], [sflag:$0x2] =	stream.indirect.gather [hbm4b:s9+s19], $0x80, s20, s19, $0xb8;
	[tilespmem:$0x1C800] =	vst v63  }
0x181: {  	_ =	swait.ge [sflag:s22], $0x4000  }
0x182: {  	[sflag:s22] =	ssyncset.done $0x0  }
0x183: {  	[sflag:s22] =	ssyncadd.s32 $0xFFFFC000  }
0x184: {  	[spmem:s2] =	stream.indirect.scatter.add.f32 [tilespmem:s17], [sflag:$0x3], $0x80, s19, s19, $0xb8;
	[tilespmem:$0x1C800] =	vst v63  }
0x185: {  	_ =	swait.ge [sflag:s18], $0x4000  }
0x186: {  	[sflag:s18] =	ssyncset.done $0x0  }
0x187: {  	[sflag:s18] =	ssyncadd.s32 $0xFFFFC000  }
0x188: {  	[tilespmem:s17], [sflag:$0x1] =	stream.indirect.gather [hbm4b:s9+s19], $0x80, s23, s19, $0xb8;
	[tilespmem:$0x1C800] =	vst v63  }
0x189: {  	_ =	swait.ge [sflag:s24], $0x4000  }
0x18a: {  	[sflag:s24] =	ssyncset.done $0x0  }
0x18b: {  	[sflag:s24] =	ssyncadd.s32 $0xFFFFC000  }
0x18c: {  	[spmem:s2] =	stream.indirect.scatter.add.f32 [tilespmem:s21], [sflag:$0x3], $0x80, s25, s19, $0xb8;
	[tilespmem:$0x1C800] =	vst v63  }
0x18d: {  	_ =	swait.ge [sflag:s18], $0x4000  }
0x18e: {  	[sflag:s18] =	ssyncset.done $0x0  }
0x18f: {  	[sflag:s18] =	ssyncadd.s32 $0xFFFFC000  }
0x190: {  	[tilespmem:s21], [sflag:$0x2] =	stream.indirect.gather [hbm4b:s9+s19], $0x80, s26, s19, $0xb8;
	[tilespmem:$0x1C800] =	vst v63  }
0x191: {  	_ =	swait.ge [sflag:s22], $0x4000  }
0x192: {  	[sflag:s22] =	ssyncset.done $0x0  }
0x193: {  	[sflag:s22] =	ssyncadd.s32 $0xFFFFC000  }
0x194: {  	[spmem:s2] =	stream.indirect.scatter.add.f32 [tilespmem:s17], [sflag:$0x3], $0x80, s28, s19, $0xb8;
	[tilespmem:$0x1C800] =	vst v63  }
0x195: {  	_ =	swait.ge [sflag:s18], $0x4000  }
0x196: {  	[sflag:s18] =	ssyncset.done $0x0  }
0x197: {  	[sflag:s18] =	ssyncadd.s32 $0xFFFFC000  }
0x198: {  	[tilespmem:s17], [sflag:$0x1] =	stream.indirect.gather [hbm4b:s9+s19], $0x80, s29, s19, $0xb8;
	[tilespmem:$0x1C800] =	vst v63  }
0x199: {  	_ =	swait.ge [sflag:s24], $0x4000  }
0x19a: {  	[sflag:s24] =	ssyncset.done $0x0  }
0x19b: {  	[sflag:s24] =	ssyncadd.s32 $0xFFFFC000  }
0x19c: {  	[spmem:s2] =	stream.indirect.scatter.add.f32 [tilespmem:s21], [sflag:$0x3], $0x80, s30, s19, $0xb8;
	[tilespmem:$0x1C800] =	vst v63  }
0x19d: {  	_ =	swait.ge [sflag:s18], $0x4000  }
0x19e: {  	[sflag:s18] =	ssyncset.done $0x0  }
0x19f: {  	[sflag:s18] =	ssyncadd.s32 $0xFFFFC000  }
0x1a0: {  	[tilespmem:s21], [sflag:$0x2] =	stream.indirect.gather [hbm4b:s9+s19], $0x80, s31, s19, $0xb8;
	[tilespmem:$0x1C800] =	vst v63  }
0x1a1: {  	_ =	swait.ge [sflag:s22], $0x4000  }
0x1a2: {  	[sflag:s22] =	ssyncset.done $0x0  }
0x1a3: {  	[sflag:s22] =	ssyncadd.s32 $0xFFFFC000  }
0x1a4: {  	[spmem:s2] =	stream.indirect.scatter.add.f32 [tilespmem:s17], [sflag:$0x3], $0x80, s0, s19, $0xb8;
	[tilespmem:$0x1C800] =	vst v63  }
0x1a5: {  	_ =	swait.ge [sflag:s18], $0x4000  }
0x1a6: {  	[sflag:s18] =	ssyncset.done $0x0  }
0x1a7: {  	[sflag:s18] =	ssyncadd.s32 $0xFFFFC000  }
0x1a8: {  	[tilespmem:s17], [sflag:$0x1] =	stream.indirect.gather [hbm4b:s9+s19], $0x80, s1, s19, $0xb8;
	[tilespmem:$0x1C800] =	vst v63  }
0x1a9: {  	_ =	swait.ge [sflag:s24], $0x4000  }
0x1aa: {  	[sflag:s24] =	ssyncset.done $0x0  }
0x1ab: {  	[sflag:s24] =	ssyncadd.s32 $0xFFFFC000  }
0x1ac: {  	[spmem:s2] =	stream.indirect.scatter.add.f32 [tilespmem:s21], [sflag:$0x3], $0x80, s8, s19, $0xb8;
	[tilespmem:$0x1C800] =	vst v63  }
0x1ad: {  	_ =	swait.ge [sflag:s18], $0x4000  }
0x1ae: {  	[sflag:s18] =	ssyncset.done $0x0  }
0x1af: {  	[sflag:s18] =	ssyncadd.s32 $0xFFFFC000  }
0x1b0: {  	[tilespmem:s21], [sflag:$0x2] =	stream.indirect.gather [hbm4b:s9+s19], $0x80, s11, s19, $0xb8;
	[tilespmem:$0x1C800] =	vst v63  }
0x1b1: {  	_ =	swait.ge [sflag:s22], $0x4000  }
0x1b2: {  	[sflag:s22] =	ssyncset.done $0x0  }
0x1b3: {  	[sflag:s22] =	ssyncadd.s32 $0xFFFFC000  }
0x1b4: {  	[spmem:s2] =	stream.indirect.scatter.add.f32 [tilespmem:s17], [sflag:$0x3], $0x80, s6, s19, $0xb8;
	[tilespmem:$0x1C800] =	vst v63  }
0x1b5: {  	_ =	swait.ge [sflag:s18], $0x4000  }
0x1b6: {  	[sflag:s18] =	ssyncset.done $0x0  }
0x1b7: {  	[sflag:s18] =	ssyncadd.s32 $0xFFFFC000  }
0x1b8: {  	_ =	swait.ge [sflag:s24], $0x4000  }
.Ltmp3:
0x1b9: {  	[sflag:s24] =	ssyncset.done $0x0;
	(pc) =	sbr.rel @p1 .LBB2_8-.Ltmp3, $4  }
0x1ba: {  	[sflag:s24] =	ssyncadd.s32 $0xFFFFC000  }
0x1bb: {  	[spmem:s2] =	stream.indirect.scatter.add.f32 [tilespmem:s21], [sflag:$0x3], $0x80, s7, s19, $0xb8;
	[tilespmem:$0x1C800] =	vst v63  }
0x1bc: {  	_ =	swait.ge [sflag:s18], $0x4000  }
0x1bd: {  	s4 =	smov.u32 s12;
	[sflag:s18] =	ssyncset.done $0x0  }
0x1be: {  	s4 =	sadd.s32 s15, s16;
	[sflag:s18] =	ssyncadd.s32 $0xFFFFC000  }
0x1bf: {  	[tilespmem:s3], [sflag:$0x3] =	stream.linear.gather [hbm4b:s4+s3], $0x800, $0x38;
	[tilespmem:$0x1C800] =	vst v63  }
0x1c0: {  	_ =	swait.ge [sflag:s18], $0x800  }
0x1c1: {  	[sflag:s18] =	ssyncset.done $0x0  }
0x1c2: {  	[sflag:s18] =	ssyncadd.s32 $0xFFFFF800  }
0x1c3: {  	[tilespmem:s17], [sflag:$0x1] =	stream.indirect.gather [hbm4b:s9+s19], $0x80, s3, s19, $0xb8;
	[tilespmem:$0x1C800] =	vst v63  }
0x1c4: {  	_ = 	snop  }
0x1c5: {  	[tilespmem:s21], [sflag:$0x2] =	stream.indirect.gather [hbm4b:s9+s19], $0x80, s20, s19, $0xb8;
	[tilespmem:$0x1C800] =	vst v63  }
0x1c6: {  	_ =	swait.ge [sflag:s22], $0x4000  }
0x1c7: {  	[sflag:s22] =	ssyncset.done $0x0  }
0x1c8: {  	[sflag:s22] =	ssyncadd.s32 $0xFFFFC000  }
0x1c9: {  	[spmem:s2] =	stream.indirect.scatter.add.f32 [tilespmem:s17], [sflag:$0x3], $0x80, s19, s19, $0xb8;
	[tilespmem:$0x1C800] =	vst v63  }
0x1ca: {  	_ =	swait.ge [sflag:s18], $0x4000  }
0x1cb: {  	[sflag:s18] =	ssyncset.done $0x0  }
0x1cc: {  	[sflag:s18] =	ssyncadd.s32 $0xFFFFC000  }
0x1cd: {  	[tilespmem:s17], [sflag:$0x1] =	stream.indirect.gather [hbm4b:s9+s19], $0x80, s23, s19, $0xb8;
	[tilespmem:$0x1C800] =	vst v63  }
0x1ce: {  	_ =	swait.ge [sflag:s24], $0x4000  }
0x1cf: {  	[sflag:s24] =	ssyncset.done $0x0  }
0x1d0: {  	[sflag:s24] =	ssyncadd.s32 $0xFFFFC000  }
0x1d1: {  	[spmem:s2] =	stream.indirect.scatter.add.f32 [tilespmem:s21], [sflag:$0x3], $0x80, s25, s19, $0xb8;
	[tilespmem:$0x1C800] =	vst v63  }
0x1d2: {  	_ =	swait.ge [sflag:s18], $0x4000  }
0x1d3: {  	[sflag:s18] =	ssyncset.done $0x0  }
0x1d4: {  	[sflag:s18] =	ssyncadd.s32 $0xFFFFC000  }
0x1d5: {  	[tilespmem:s21], [sflag:$0x2] =	stream.indirect.gather [hbm4b:s9+s19], $0x80, s26, s19, $0xb8;
	[tilespmem:$0x1C800] =	vst v63  }
0x1d6: {  	_ =	swait.ge [sflag:s22], $0x4000  }
0x1d7: {  	[sflag:s22] =	ssyncset.done $0x0  }
0x1d8: {  	[sflag:s22] =	ssyncadd.s32 $0xFFFFC000  }
0x1d9: {  	[spmem:s2] =	stream.indirect.scatter.add.f32 [tilespmem:s17], [sflag:$0x3], $0x80, s28, s19, $0xb8;
	[tilespmem:$0x1C800] =	vst v63  }
0x1da: {  	_ =	swait.ge [sflag:s18], $0x4000  }
0x1db: {  	[sflag:s18] =	ssyncset.done $0x0  }
0x1dc: {  	[sflag:s18] =	ssyncadd.s32 $0xFFFFC000  }
0x1dd: {  	[tilespmem:s17], [sflag:$0x1] =	stream.indirect.gather [hbm4b:s9+s19], $0x80, s29, s19, $0xb8;
	[tilespmem:$0x1C800] =	vst v63  }
0x1de: {  	_ =	swait.ge [sflag:s24], $0x4000  }
0x1df: {  	[sflag:s24] =	ssyncset.done $0x0  }
0x1e0: {  	[sflag:s24] =	ssyncadd.s32 $0xFFFFC000  }
0x1e1: {  	[spmem:s2] =	stream.indirect.scatter.add.f32 [tilespmem:s21], [sflag:$0x3], $0x80, s30, s19, $0xb8;
	[tilespmem:$0x1C800] =	vst v63  }
0x1e2: {  	_ =	swait.ge [sflag:s18], $0x4000  }
0x1e3: {  	[sflag:s18] =	ssyncset.done $0x0  }
0x1e4: {  	[sflag:s18] =	ssyncadd.s32 $0xFFFFC000  }
0x1e5: {  	[tilespmem:s21], [sflag:$0x2] =	stream.indirect.gather [hbm4b:s9+s19], $0x80, s31, s19, $0xb8;
	[tilespmem:$0x1C800] =	vst v63  }
0x1e6: {  	_ =	swait.ge [sflag:s22], $0x4000  }
0x1e7: {  	[sflag:s22] =	ssyncset.done $0x0  }
0x1e8: {  	[sflag:s22] =	ssyncadd.s32 $0xFFFFC000  }
0x1e9: {  	[spmem:s2] =	stream.indirect.scatter.add.f32 [tilespmem:s17], [sflag:$0x3], $0x80, s0, s19, $0xb8;
	[tilespmem:$0x1C800] =	vst v63  }
0x1ea: {  	_ =	swait.ge [sflag:s18], $0x4000  }
0x1eb: {  	[sflag:s18] =	ssyncset.done $0x0  }
0x1ec: {  	[sflag:s18] =	ssyncadd.s32 $0xFFFFC000  }
0x1ed: {  	[tilespmem:s17], [sflag:$0x1] =	stream.indirect.gather [hbm4b:s9+s19], $0x80, s1, s19, $0xb8;
	[tilespmem:$0x1C800] =	vst v63  }
0x1ee: {  	_ =	swait.ge [sflag:s24], $0x4000  }
0x1ef: {  	[sflag:s24] =	ssyncset.done $0x0  }
0x1f0: {  	[sflag:s24] =	ssyncadd.s32 $0xFFFFC000  }
0x1f1: {  	[spmem:s2] =	stream.indirect.scatter.add.f32 [tilespmem:s21], [sflag:$0x3], $0x80, s8, s19, $0xb8;
	[tilespmem:$0x1C800] =	vst v63  }
0x1f2: {  	_ =	swait.ge [sflag:s18], $0x4000  }
0x1f3: {  	[sflag:s18] =	ssyncset.done $0x0  }
0x1f4: {  	[sflag:s18] =	ssyncadd.s32 $0xFFFFC000  }
0x1f5: {  	[tilespmem:s21], [sflag:$0x2] =	stream.indirect.gather [hbm4b:s9+s19], $0x80, s11, s19, $0xb8;
	[tilespmem:$0x1C800] =	vst v63  }
0x1f6: {  	_ =	swait.ge [sflag:s22], $0x4000  }
0x1f7: {  	[sflag:s22] =	ssyncset.done $0x0  }
0x1f8: {  	[sflag:s22] =	ssyncadd.s32 $0xFFFFC000  }
0x1f9: {  	[spmem:s2] =	stream.indirect.scatter.add.f32 [tilespmem:s17], [sflag:$0x3], $0x80, s6, s19, $0xb8;
	[tilespmem:$0x1C800] =	vst v63  }
0x1fa: {  	_ =	swait.ge [sflag:s18], $0x4000  }
0x1fb: {  	[sflag:s18] =	ssyncset.done $0x0  }
0x1fc: {  	[sflag:s18] =	ssyncadd.s32 $0xFFFFC000  }
0x1fd: {  	_ =	swait.ge [sflag:s24], $0x4000  }
0x1fe: {  	[sflag:s24] =	ssyncset.done $0x0  }
0x1ff: {  	[sflag:s24] =	ssyncadd.s32 $0xFFFFC000  }
0x200: {  	[spmem:s2] =	stream.indirect.scatter.add.f32 [tilespmem:s21], [sflag:$0x3], $0x80, s7, s19, $0xb8;
	[tilespmem:$0x1C800] =	vst v63  }
0x201: {  	_ =	swait.ge [sflag:s18], $0x4000  }
0x202: {  	[sflag:s18] =	ssyncset.done $0x0  }
0x203: {  	[sflag:s18] =	ssyncadd.s32 $0xFFFFC000  }
0x204: {  	[bflag:$0x0] =	sbarrier.arrive $0xFFFF  }
0x205: {  	s13 =	rddreg [dreg:$0x7]  }
0x206: {  	s12 =	simm.s32 @p0 $0x1FC3;
	s15 =	rddreg [dreg:$0xd];
	s4 =	sadd.s32 @p0 $0x25800, s13  }
0x207: {  	[hbm:s4], [sflag:s12] =	dma.local @p0 [spmem:s15], $0x1900  }
0x208: {  	s4 =	simm.s32 @p0 $0x3  }
0x209: {  	_ =	swait.ge @p0 [sflag:s4], $0x1900  }
0x20a: {  	[sflag:s4] =	ssyncset.done @p0 $0x0;
	s15 =	rddreg [dreg:$0x5]  }
0x20b: {  	s12 =	rddreg [dreg:$0xe];
	[sflag:s4] =	ssyncadd.s32 @p0 $0xFFFFE700;
	s4 =	sadd.s32 @!p0 s15, s13  }
0x20c: {  	[hbm:s4], [sflag:s12] =	dma.local @!p0 [spmem:s14], $0x2800  }
0x20d: {  	s4 =	simm.s32 @!p0 $0x3  }
0x20e: {  	_ =	swait.ge @!p0 [sflag:s4], $0x2800  }
0x20f: {  	s10 =	sadd.s32 $0x1, s10;
	s14 =	rddreg [dreg:$0x8]  }
0x210: {  	p1 =	sne.s32 s10, s14  }
.Ltmp4:
0x211: {  	_ = 	snop;
	(pc) =	sbr.rel @p1 .LBB2_1-.Ltmp4, $3  }
0x212: {  	_ =	sdelay $0x1  }
0x213: {  	[sflag:s4] =	ssyncset.done @!p0 $0x0  }
0x214: {  	[sflag:s4] =	ssyncadd.s32 @!p0 $0xFFFFD800  }
0x215: {  	_ =	sfence.sel $0x180000  }
0x216: {  	[bflag:$0x0] =	sbarrier.arrive $0xFFFF  }
0x217: {  	_ =	strace $0x9000004D  }
0x218: {  	s0 =	stileid.u32;
	[bflag:$0x2] =	sbarrier.arrive $0xFFFF  }
0x219: {  	p0 =	sne.s32 s0, $0x0;
	s0 =	rddreg [dreg:$0x2]  }
0x21a: {  	s0 =	sadd.s32 @!p0 $0x100000, s0  }
0x21b: {  	[sflag:s0] =	ssyncadd.tile.s32 @!p0 $0x1;
	_ =	shalt  }
.Lfunc_end2:
_tile_overlayer_lowered:
.L_overlay_start_2:
0x21c: {  	(tag) =	ssettag $0x2  }
0x21d: {  	s0 =	rddreg [dreg:$0x0];
	s2 =	stileid.u32  }
0x21e: {  	s1 =	rddreg [dreg:$0x1];
	p0 =	sne.s32 s2, $0x0  }
0x21f: {  	s3 =	rddreg [dreg:$0x2];
	[bflag:$0x3] =	sbarrier.arrive $0xFFFF;
	s2 =	simm.s32 @!p0 $0x1C03  }
0x220: {  	[timem:s3], [sflag:s2] =	dma.local @!p0 [hbm:s0], s1  }
0x221: {  	s0 =	simm.s32 @!p0 $0x3  }
0x222: {  	_ =	swait.ge @!p0 [sflag:s0], s1  }
0x223: {  	s1 =	ssub.s32 @!p0 $0x0, s1;
	[sflag:s0] =	ssyncset.done @!p0 $0x0  }
0x224: {  	[sflag:s0] =	ssyncadd.s32 @!p0 s1  }
0x225: {  	[bflag:$0x3] =	sbarrier.arrive $0xFFFF  }
0x226: {  	_ =	shalt  }

</sc_bundles>
